<compile_context>
chip_gen: v7x
topology: tpu7x:2x2x1
jax: 0.10.2.dev20260603
libtpu: 0.0.44.dev20260713+nightly
codegen_flags: <defaults>
</compile_context>

<pallas_src>
import functools

import numpy as np

import jax
import jax.numpy as jnp
from jax.experimental import pallas as pl
from jax.experimental.pallas import tpu as pltpu
from jax.experimental.pallas import tpu_sc as plsc

T = 2048
D = 1024
E = 8
K = 2
I = 512
TR = 512
SP = T * K + E * TR
NT = SP // TR
NW = 32
CHUNK = T // NW
CB = 32
G = 16



def _routing_kernel(x_ref, wg_ref, u_ref, qt_ref, qred_ref, w8_ref, l16_ref,
                    mlt_ref, pos1_ref, pos2_ref, w1_ref, w2_ref, eot_ref):
    x = x_ref[...]
    logits = jnp.dot(x, wg_ref[...], preferred_element_type=jnp.float32)
    probs = jax.nn.softmax(logits, axis=-1)
    ei = jax.lax.broadcasted_iota(jnp.int32, (T, E), 1)
    v1 = jnp.max(probs, axis=1, keepdims=True)
    i1 = jnp.min(jnp.where(probs == v1, ei, E), axis=1, keepdims=True)
    pr2 = jnp.where(ei == i1, -jnp.inf, probs)
    v2 = jnp.max(pr2, axis=1, keepdims=True)
    i2 = jnp.min(jnp.where(pr2 == v2, ei, E), axis=1, keepdims=True)
    den = v1 + v2
    w1_ref[...] = jnp.broadcast_to(v1 / den, (T, 16))
    w2_ref[...] = jnp.broadcast_to(v2 / den, (T, 16))

    lane = jax.lax.broadcasted_iota(jnp.int32, (G, E * 128), 1)
    ef = (lane % E).astype(jnp.float32)

    def prefix(idx):
        idr = idx.reshape(G, 128).astype(jnp.float32)
        idrep = jnp.dot(idr, qt_ref[...], preferred_element_type=jnp.float32)
        a = (idrep == ef).astype(jnp.float32)
        c = jnp.dot(a.astype(jnp.bfloat16), u_ref[...],
                    preferred_element_type=jnp.float32)
        rt = c[:, (128 - 1) * E:]
        off = jnp.dot(l16_ref[...], rt, preferred_element_type=jnp.float32)
        tot = off[G - 1:G, :] + rt[G - 1:G, :]
        return a, c, off, tot

    a1, c1, off1, tot1 = prefix(i1)
    a2, c2, off2, tot2 = prefix(i2)
    counts = tot1 + tot2
    cp = jnp.ceil(counts / TR) * TR
    base = jnp.dot(cp, mlt_ref[...], preferred_element_type=jnp.float32)

    cum = base + cp
    tt = (jax.lax.broadcasted_iota(jnp.int32, (32, E), 0) * TR).astype(
        jnp.float32)
    cmp = (tt >= jnp.broadcast_to(cum, (32, E))).astype(jnp.int32)
    eotc = jnp.sum(cmp, axis=1, keepdims=True)
    eot_ref[...] = jnp.broadcast_to(eotc, (32, 128))

    hi = jax.lax.Precision.HIGHEST
    b1 = jnp.dot(base, w8_ref[...], preferred_element_type=jnp.float32,
                 precision=hi)
    b2 = jnp.dot(base + tot1, w8_ref[...], preferred_element_type=jnp.float32,
                 precision=hi)
    o1 = jnp.dot(off1, w8_ref[...], preferred_element_type=jnp.float32,
                 precision=hi)
    o2 = jnp.dot(off2, w8_ref[...], preferred_element_type=jnp.float32,
                 precision=hi)
    x1 = a1 * (c1 - 1.0 + o1 + jnp.broadcast_to(b1, (G, E * 128)))
    x2 = a2 * (c2 - 1.0 + o2 + jnp.broadcast_to(b2, (G, E * 128)))
    p1 = jnp.dot(x1, qred_ref[...], preferred_element_type=jnp.float32,
                 precision=hi)
    p2 = jnp.dot(x2, qred_ref[...], preferred_element_type=jnp.float32,
                 precision=hi)
    pos1_ref[...] = p1.astype(jnp.int32)
    pos2_ref[...] = p2.astype(jnp.int32)


def _sort_consts():
    l = np.arange(128)
    e = np.arange(E)
    c_l, c_e = np.divmod(np.arange(E * 128), E)
    qt = (l[:, None] == c_l[None, :]).astype(np.float32)
    u = ((c_e[:, None] == c_e[None, :])
         & (c_l[:, None] <= c_l[None, :])).astype(np.float32)
    qred = (c_l[:, None] == l[None, :]).astype(np.float32)
    w8 = (e[:, None] == c_e[None, :]).astype(np.float32)
    l16 = (np.arange(G)[None, :] < np.arange(G)[:, None]).astype(np.float32)
    mlt = (e[:, None] < e[None, :]).astype(np.float32)
    return (jnp.asarray(u, jnp.bfloat16), jnp.asarray(qt),
            jnp.asarray(qred), jnp.asarray(w8), jnp.asarray(l16),
            jnp.asarray(mlt))


def _routing(x, w_gate):
    u, qt, qred, w8, l16, mlt = _sort_consts()
    full = lambda s: pl.BlockSpec(s, lambda: (0,) * len(s))
    outs = pl.pallas_call(
        _routing_kernel,
        in_specs=[full((T, D)), full((D, E)), full((E * 128, E * 128)),
                  full((128, E * 128)), full((E * 128, 128)),
                  full((E, E * 128)), full((G, G)), full((E, E))],
        out_specs=[full((G, 128)), full((G, 128)), full((T, 16)),
                   full((T, 16)), full((32, 128))],
        out_shape=[
            jax.ShapeDtypeStruct((G, 128), jnp.int32),
            jax.ShapeDtypeStruct((G, 128), jnp.int32),
            jax.ShapeDtypeStruct((T, 16), jnp.float32),
            jax.ShapeDtypeStruct((T, 16), jnp.float32),
            jax.ShapeDtypeStruct((32, 128), jnp.int32),
        ],
    )(x, w_gate, u, qt, qred, w8, l16, mlt)
    return outs



@functools.cache
def _make_dispatch():
    mesh = plsc.VectorSubcoreMesh(core_axis_name="c", subcore_axis_name="s")

    @functools.partial(
        pl.kernel, mesh=mesh,
        out_type=jax.ShapeDtypeStruct((SP, D), jnp.float32),
        scratch_types=[
            pltpu.VMEM((CHUNK,), jnp.int32),
            pltpu.VMEM((CHUNK,), jnp.int32),
            pltpu.VMEM((CHUNK, D), jnp.float32),
            pltpu.SemaphoreType.DMA,
        ],
    )
    def _dispatch(x_hbm, p1_hbm, p2_hbm, xg_hbm, i1_v, i2_v, rows_v, sem):
        wid = jax.lax.axis_index("s") * 2 + jax.lax.axis_index("c")
        base = wid * CHUNK
        c1 = pltpu.async_copy(p1_hbm.at[pl.ds(base, CHUNK)], i1_v, sem)
        c2 = pltpu.async_copy(p2_hbm.at[pl.ds(base, CHUNK)], i2_v, sem)
        c3 = pltpu.async_copy(x_hbm.at[pl.ds(base, CHUNK)], rows_v, sem)
        c1.wait()
        c2.wait()
        c3.wait()
        s1 = pltpu.async_copy(rows_v, xg_hbm.at[i1_v], sem)
        s2 = pltpu.async_copy(rows_v, xg_hbm.at[i2_v], sem)
        s1.wait()
        s2.wait()

    return _dispatch



def _gmm_kernel(eot_ref, xg_ref, wgu_ref, wd_ref, yg_ref):
    e = eot_ref[pl.program_id(0)]

    @pl.when(e < E)
    def _():
        xb = xg_ref[...].astype(jnp.bfloat16)
        gu = jnp.dot(xb, wgu_ref[0], preferred_element_type=jnp.float32)
        g = gu[:, :I]
        u = gu[:, I:]
        h = (g * jax.lax.logistic(g)) * u
        yg_ref[...] = jnp.dot(h.astype(jnp.bfloat16), wd_ref[0],
                              preferred_element_type=jnp.float32)


def _gmm(eot, xg, wgu, wd):
    wexp = lambda i, eot_ref: (jnp.minimum(eot_ref[i], E - 1), 0, 0)
    grid_spec = pltpu.PrefetchScalarGridSpec(
        num_scalar_prefetch=1,
        grid=(NT,),
        in_specs=[
            pl.BlockSpec((TR, D), lambda i, eot_ref: (i, 0)),
            pl.BlockSpec((1, D, 2 * I), wexp),
            pl.BlockSpec((1, I, D), wexp),
        ],
        out_specs=pl.BlockSpec((TR, D), lambda i, eot_ref: (i, 0)),
    )
    return pl.pallas_call(
        _gmm_kernel,
        grid_spec=grid_spec,
        out_shape=jax.ShapeDtypeStruct((SP, D), jnp.float32),
        compiler_params=pltpu.CompilerParams(
            dimension_semantics=("arbitrary",),
        ),
    )(eot, xg, wgu, wd)



def _shared_kernel(x_ref, sgu_ref, sd_ref, o_ref):
    xb = x_ref[...].astype(jnp.bfloat16)
    gu = jnp.dot(xb, sgu_ref[...], preferred_element_type=jnp.float32)
    g = gu[:, :I]
    u = gu[:, I:]
    h = (g * jax.lax.logistic(g)) * u
    o_ref[...] = jnp.dot(h.astype(jnp.bfloat16), sd_ref[...],
                         preferred_element_type=jnp.float32)


def _shared(x, sgu, sd):
    return pl.pallas_call(
        _shared_kernel,
        grid=(2,),
        in_specs=[
            pl.BlockSpec((T // 2, D), lambda m: (m, 0)),
            pl.BlockSpec((D, 2 * I), lambda m: (0, 0)),
            pl.BlockSpec((I, D), lambda m: (0, 0)),
        ],
        out_specs=pl.BlockSpec((T // 2, D), lambda m: (m, 0)),
        out_shape=jax.ShapeDtypeStruct((T, D), jnp.float32),
    )(x, sgu, sd)



@functools.cache
def _make_combine():
    mesh = plsc.VectorSubcoreMesh(core_axis_name="c", subcore_axis_name="s")

    @functools.partial(
        pl.kernel, mesh=mesh,
        out_type=jax.ShapeDtypeStruct((T, D), jnp.float32),
        scratch_types=[
            pltpu.VMEM((CB,), jnp.int32),
            pltpu.VMEM((CB,), jnp.int32),
            pltpu.VMEM((CB, D), jnp.float32),
            pltpu.VMEM((CB, D), jnp.float32),
            pltpu.VMEM((CB, D), jnp.float32),
            pltpu.VMEM((CB, 16), jnp.float32),
            pltpu.VMEM((CB, 16), jnp.float32),
            pltpu.SemaphoreType.DMA,
        ],
    )
    def _combine(yg_hbm, sh_hbm, p1_hbm, p2_hbm, w1_hbm, w2_hbm, out_hbm,
                 i1_v, i2_v, y1_v, y2_v, acc_v, w1_v, w2_v, sem):
        wid = jax.lax.axis_index("s") * 2 + jax.lax.axis_index("c")
        for b in range(CHUNK // CB):
            base = wid * CHUNK + b * CB
            c1 = pltpu.async_copy(p1_hbm.at[pl.ds(base, CB)], i1_v, sem)
            c2 = pltpu.async_copy(p2_hbm.at[pl.ds(base, CB)], i2_v, sem)
            c3 = pltpu.async_copy(sh_hbm.at[pl.ds(base, CB)], acc_v, sem)
            c4 = pltpu.async_copy(w1_hbm.at[pl.ds(base, CB)], w1_v, sem)
            c5 = pltpu.async_copy(w2_hbm.at[pl.ds(base, CB)], w2_v, sem)
            c1.wait()
            c2.wait()
            g1 = pltpu.async_copy(yg_hbm.at[i1_v], y1_v, sem)
            g2 = pltpu.async_copy(yg_hbm.at[i2_v], y2_v, sem)
            c3.wait()
            c4.wait()
            c5.wait()
            g1.wait()
            g2.wait()

            def body(t, carry):
                w1t = w1_v[t, :]
                w2t = w2_v[t, :]
                for j in range(D // 16):
                    sl = pl.ds(j * 16, 16)
                    acc_v[t, sl] = (acc_v[t, sl] + w1t * y1_v[t, sl]
                                    + w2t * y2_v[t, sl])
                return carry

            jax.lax.fori_loop(0, CB, body, 0)
            pltpu.sync_copy(acc_v, out_hbm.at[pl.ds(base, CB)])

    return _combine



def kernel(hidden_states, w_gate, w_gate_up, w_down, shared_gate_up,
           shared_down):
    x = hidden_states
    wgu = w_gate_up.astype(jnp.bfloat16)
    wd = w_down.astype(jnp.bfloat16)
    sgu = shared_gate_up.astype(jnp.bfloat16)
    sd = shared_down.astype(jnp.bfloat16)

    pos1_2d, pos2_2d, w1rep, w2rep, eot2d = _routing(x, w_gate)
    pos1 = pos1_2d.reshape(T)
    pos2 = pos2_2d.reshape(T)
    eot = eot2d[:NT, 0]

    xg = _make_dispatch()(x, pos1, pos2)
    sh = _shared(x, sgu, sd)
    yg = _gmm(eot, xg, wgu, wd)
    out = _make_combine()(yg, sh, pos1, pos2, w1rep, w2rep)
    return out

# --- scband reference (transcript-rebuilt; emitter-appended) ---
"""Pipeline reference for scband-glmmo-e-v2-5231270167124 (READ-ONLY COPY).

The authoritative reference and input builder live on the scoring server;
editing this copy changes nothing except your own understanding.
"""

import jax, jax.numpy as jnp
import numpy as np

T = 2048   # num tokens (batch=1, seq=2048)
D = 1024   # hidden_size
E = 8      # num_experts
K = 2      # top_k
I = 512    # expert_intermediate_size
NS = 1     # num_shared_experts


def setup_inputs(seed: int = 0) -> dict:
    key = jax.random.key(seed)
    ks = jax.random.split(key, 6)
    s = 0.02
    hidden_states = jax.random.normal(ks[0], (T, D), dtype=jnp.float32)
    w_gate = jax.random.normal(ks[1], (D, E), dtype=jnp.float32) * s
    w_gate_up = jax.random.normal(ks[2], (E, D, 2 * I), dtype=jnp.float32) * s
    w_down = jax.random.normal(ks[3], (E, I, D), dtype=jnp.float32) * s
    shared_gate_up = jax.random.normal(ks[4], (D, 2 * I * NS), dtype=jnp.float32) * s
    shared_down = jax.random.normal(ks[5], (I * NS, D), dtype=jnp.float32) * s
    return {
        'hidden_states': hidden_states,
        'w_gate': w_gate,
        'w_gate_up': w_gate_up,
        'w_down': w_down,
        'shared_gate_up': shared_gate_up,
        'shared_down': shared_down,
    }


def _silu_and_mul(gu):
    g, u = jnp.split(gu, 2, axis=-1)
    return jax.nn.silu(g) * u


def reference(hidden_states, w_gate, w_gate_up, w_down, shared_gate_up, shared_down):
    x = hidden_states  # [T, D]
    num_tokens = x.shape[0]

    # shared experts (GLMMLP_V2: SwiGLU MLP, reduce_results=False)
    shared_output = _silu_and_mul(x @ shared_gate_up) @ shared_down  # [T, D]

    # gate (ReplicatedLinear, no bias)
    router_logits = x @ w_gate  # [T, E]

    # FusedMoE routing with renormalize (norm_expert_prob=True)
    probs = jax.nn.softmax(router_logits, axis=-1)
    topk_vals, topk_idx = jax.lax.top_k(probs, K)  # [T, K]
    topk_w = topk_vals / jnp.sum(topk_vals, axis=-1, keepdims=True)

    # combine weights as dense [T, E] (zero for unselected experts)
    cw = jnp.zeros((num_tokens, E), dtype=x.dtype).at[
        jnp.arange(num_tokens)[:, None], topk_idx
    ].add(topk_w)

    # expert computation (SwiGLU per expert), combined with routing weights
    h = jnp.einsum('td,edf->etf', x, w_gate_up)  # [E, T, 2I]
    h = _silu_and_mul(h)                          # [E, T, I]
    h = jnp.einsum('etf,efd->etd', h, w_down)     # [E, T, D]
    moe_out = jnp.einsum('te,etd->td', cw, h)     # [T, D]

    final = moe_out + shared_output
    return final.reshape(num_tokens, D)

if __name__ == "__main__":
    import jax
    _d = setup_inputs()
    print(jax.jit(kernel)(*tuple(_d.values())))

</pallas_src>

<mosaic_0001>
#map = affine_map<(d0, d1) -> (0, 0)>
#map1 = affine_map<(d0, d1) -> (0)>
module attributes {stable_mosaic.version = 14 : i64} {
  func.func @_combine(%arg0: i32, %arg1: i32, %arg2: memref<8192x1024xf32, #tpu.memory_space<hbm>>, %arg3: memref<2048x1024xf32, #tpu.memory_space<hbm>>, %arg4: memref<2048xi32, #tpu.memory_space<hbm>>, %arg5: memref<2048xi32, #tpu.memory_space<hbm>>, %arg6: memref<2048x16xf32, #tpu.memory_space<hbm>>, %arg7: memref<2048x16xf32, #tpu.memory_space<hbm>>, %arg8: memref<2048x1024xf32, #tpu.memory_space<hbm>>, %arg9: memref<32xi32, #tpu.memory_space<vmem>>, %arg10: memref<32xi32, #tpu.memory_space<vmem>>, %arg11: memref<32x1024xf32, #tpu.memory_space<vmem>>, %arg12: memref<32x1024xf32, #tpu.memory_space<vmem>>, %arg13: memref<32x1024xf32, #tpu.memory_space<vmem>>, %arg14: memref<32x16xf32, #tpu.memory_space<vmem>>, %arg15: memref<32x16xf32, #tpu.memory_space<vmem>>, %arg16: memref<!tpu.dma_semaphore, #tpu.memory_space<semaphore_mem>>) attributes {dimension_semantics = [#tpu.dimension_semantics<core_parallel>, #tpu.dimension_semantics<subcore_parallel>], iteration_bounds = array<i64: 2, 16>, scalar_prefetch = 0 : i64, scratch_operands = 8 : i64, tpu.core_type = #tpu.core_type<sc_vector_subcore>, window_params = [{transform_indices = #map}, {transform_indices = #map}, {transform_indices = #map1}, {transform_indices = #map1}, {transform_indices = #map}, {transform_indices = #map}, {transform_indices = #map}]} {
    %mul3A = arith.constant 2 : i32
    %mul3A_0 = arith.muli %arg1, %mul3A : i32
    %add3A = arith.addi %mul3A_0, %arg0 : i32
    %mul3A_1 = arith.constant 64 : i32
    %mul3A_2 = arith.muli %add3A, %mul3A_1 : i32
    %add3A_3 = arith.constant 0 : i32
    %add3A_4 = arith.addi %mul3A_2, %add3A_3 : i32
    %dma_start3A = tpu.memref_slice %arg4[%add3A_4] : memref<2048xi32, #tpu.memory_space<hbm>> -> memref<32xi32, #tpu.memory_space<hbm>>
    %dma_start3A_5 = tpu.memref_slice %arg4[%add3A_4] : memref<2048xi32, #tpu.memory_space<hbm>> -> memref<32xi32, #tpu.memory_space<hbm>>
    tpu.enqueue_dma source(%dma_start3A_5 : memref<32xi32, #tpu.memory_space<hbm>>) target(%arg9 : memref<32xi32, #tpu.memory_space<vmem>>) target_semaphore(%arg16 : memref<!tpu.dma_semaphore, #tpu.memory_space<semaphore_mem>>)
    %dma_start3A_6 = tpu.memref_slice %arg5[%add3A_4] : memref<2048xi32, #tpu.memory_space<hbm>> -> memref<32xi32, #tpu.memory_space<hbm>>
    %dma_start3A_7 = tpu.memref_slice %arg5[%add3A_4] : memref<2048xi32, #tpu.memory_space<hbm>> -> memref<32xi32, #tpu.memory_space<hbm>>
    tpu.enqueue_dma source(%dma_start3A_7 : memref<32xi32, #tpu.memory_space<hbm>>) target(%arg10 : memref<32xi32, #tpu.memory_space<vmem>>) target_semaphore(%arg16 : memref<!tpu.dma_semaphore, #tpu.memory_space<semaphore_mem>>)
    %dma_start3A_8 = arith.constant 0 : i32
    %dma_start3A_9 = tpu.memref_slice %arg3[%add3A_4, %dma_start3A_8] : memref<2048x1024xf32, #tpu.memory_space<hbm>> -> memref<32x1024xf32, #tpu.memory_space<hbm>>
    %dma_start3A_10 = arith.constant 0 : i32
    %dma_start3A_11 = tpu.memref_slice %arg3[%add3A_4, %dma_start3A_10] : memref<2048x1024xf32, #tpu.memory_space<hbm>> -> memref<32x1024xf32, #tpu.memory_space<hbm>>
    tpu.enqueue_dma source(%dma_start3A_11 : memref<32x1024xf32, #tpu.memory_space<hbm>>) target(%arg13 : memref<32x1024xf32, #tpu.memory_space<vmem>>) target_semaphore(%arg16 : memref<!tpu.dma_semaphore, #tpu.memory_space<semaphore_mem>>)
    %dma_start3A_12 = arith.constant 0 : i32
    %dma_start3A_13 = tpu.memref_slice %arg6[%add3A_4, %dma_start3A_12] : memref<2048x16xf32, #tpu.memory_space<hbm>> -> memref<32x16xf32, #tpu.memory_space<hbm>>
    %dma_start3A_14 = arith.constant 0 : i32
    %dma_start3A_15 = tpu.memref_slice %arg6[%add3A_4, %dma_start3A_14] : memref<2048x16xf32, #tpu.memory_space<hbm>> -> memref<32x16xf32, #tpu.memory_space<hbm>>
    tpu.enqueue_dma source(%dma_start3A_15 : memref<32x16xf32, #tpu.memory_space<hbm>>) target(%arg14 : memref<32x16xf32, #tpu.memory_space<vmem>>) target_semaphore(%arg16 : memref<!tpu.dma_semaphore, #tpu.memory_space<semaphore_mem>>)
    %dma_start3A_16 = arith.constant 0 : i32
    %dma_start3A_17 = tpu.memref_slice %arg7[%add3A_4, %dma_start3A_16] : memref<2048x16xf32, #tpu.memory_space<hbm>> -> memref<32x16xf32, #tpu.memory_space<hbm>>
    %dma_start3A_18 = arith.constant 0 : i32
    %dma_start3A_19 = tpu.memref_slice %arg7[%add3A_4, %dma_start3A_18] : memref<2048x16xf32, #tpu.memory_space<hbm>> -> memref<32x16xf32, #tpu.memory_space<hbm>>
    tpu.enqueue_dma source(%dma_start3A_19 : memref<32x16xf32, #tpu.memory_space<hbm>>) target(%arg15 : memref<32x16xf32, #tpu.memory_space<vmem>>) target_semaphore(%arg16 : memref<!tpu.dma_semaphore, #tpu.memory_space<semaphore_mem>>)
    %dma_wait3A = tpu.memref_slice %arg4[%add3A_4] : memref<2048xi32, #tpu.memory_space<hbm>> -> memref<32xi32, #tpu.memory_space<hbm>>
    %dma_wait3A_20 = tpu.memref_slice %arg4[%add3A_4] : memref<2048xi32, #tpu.memory_space<hbm>> -> memref<32xi32, #tpu.memory_space<hbm>>
    tpu.wait_dma2 semaphore(%arg16 : memref<!tpu.dma_semaphore, #tpu.memory_space<semaphore_mem>>) src(%dma_wait3A_20 : memref<32xi32, #tpu.memory_space<hbm>>) dst(%arg9 : memref<32xi32, #tpu.memory_space<vmem>>)
    %dma_wait3A_21 = tpu.memref_slice %arg5[%add3A_4] : memref<2048xi32, #tpu.memory_space<hbm>> -> memref<32xi32, #tpu.memory_space<hbm>>
    %dma_wait3A_22 = tpu.memref_slice %arg5[%add3A_4] : memref<2048xi32, #tpu.memory_space<hbm>> -> memref<32xi32, #tpu.memory_space<hbm>>
    tpu.wait_dma2 semaphore(%arg16 : memref<!tpu.dma_semaphore, #tpu.memory_space<semaphore_mem>>) src(%dma_wait3A_22 : memref<32xi32, #tpu.memory_space<hbm>>) dst(%arg10 : memref<32xi32, #tpu.memory_space<vmem>>)
    %dma_start3A_23 = arith.constant 0 : i32
    %dma_start3A_24 = arith.constant 0 : i32
    %dma_start3A_25 = tpu.memref_slice %arg2[%dma_start3A_23, %dma_start3A_24] : memref<8192x1024xf32, #tpu.memory_space<hbm>> -> memref<8192x1024xf32, #tpu.memory_space<hbm>>
    tpu.enqueue_indirect_dma source(%dma_start3A_25 : memref<8192x1024xf32, #tpu.memory_space<hbm>>) target(%arg11 : memref<32x1024xf32, #tpu.memory_space<vmem>>) offsets(%arg9 : memref<32xi32, #tpu.memory_space<vmem>>) semaphore(%arg16 : memref<!tpu.dma_semaphore, #tpu.memory_space<semaphore_mem>>)
    %dma_start3A_26 = arith.constant 0 : i32
    %dma_start3A_27 = arith.constant 0 : i32
    %dma_start3A_28 = tpu.memref_slice %arg2[%dma_start3A_26, %dma_start3A_27] : memref<8192x1024xf32, #tpu.memory_space<hbm>> -> memref<8192x1024xf32, #tpu.memory_space<hbm>>
    tpu.enqueue_indirect_dma source(%dma_start3A_28 : memref<8192x1024xf32, #tpu.memory_space<hbm>>) target(%arg12 : memref<32x1024xf32, #tpu.memory_space<vmem>>) offsets(%arg10 : memref<32xi32, #tpu.memory_space<vmem>>) semaphore(%arg16 : memref<!tpu.dma_semaphore, #tpu.memory_space<semaphore_mem>>)
    %dma_wait3A_29 = arith.constant 0 : i32
    %dma_wait3A_30 = tpu.memref_slice %arg3[%add3A_4, %dma_wait3A_29] : memref<2048x1024xf32, #tpu.memory_space<hbm>> -> memref<32x1024xf32, #tpu.memory_space<hbm>>
    %dma_wait3A_31 = arith.constant 0 : i32
    %dma_wait3A_32 = tpu.memref_slice %arg3[%add3A_4, %dma_wait3A_31] : memref<2048x1024xf32, #tpu.memory_space<hbm>> -> memref<32x1024xf32, #tpu.memory_space<hbm>>
    tpu.wait_dma2 semaphore(%arg16 : memref<!tpu.dma_semaphore, #tpu.memory_space<semaphore_mem>>) src(%dma_wait3A_32 : memref<32x1024xf32, #tpu.memory_space<hbm>>) dst(%arg13 : memref<32x1024xf32, #tpu.memory_space<vmem>>)
    %dma_wait3A_33 = arith.constant 0 : i32
    %dma_wait3A_34 = tpu.memref_slice %arg6[%add3A_4, %dma_wait3A_33] : memref<2048x16xf32, #tpu.memory_space<hbm>> -> memref<32x16xf32, #tpu.memory_space<hbm>>
    %dma_wait3A_35 = arith.constant 0 : i32
    %dma_wait3A_36 = tpu.memref_slice %arg6[%add3A_4, %dma_wait3A_35] : memref<2048x16xf32, #tpu.memory_space<hbm>> -> memref<32x16xf32, #tpu.memory_space<hbm>>
    tpu.wait_dma2 semaphore(%arg16 : memref<!tpu.dma_semaphore, #tpu.memory_space<semaphore_mem>>) src(%dma_wait3A_36 : memref<32x16xf32, #tpu.memory_space<hbm>>) dst(%arg14 : memref<32x16xf32, #tpu.memory_space<vmem>>)
    %dma_wait3A_37 = arith.constant 0 : i32
    %dma_wait3A_38 = tpu.memref_slice %arg7[%add3A_4, %dma_wait3A_37] : memref<2048x16xf32, #tpu.memory_space<hbm>> -> memref<32x16xf32, #tpu.memory_space<hbm>>
    %dma_wait3A_39 = arith.constant 0 : i32
    %dma_wait3A_40 = tpu.memref_slice %arg7[%add3A_4, %dma_wait3A_39] : memref<2048x16xf32, #tpu.memory_space<hbm>> -> memref<32x16xf32, #tpu.memory_space<hbm>>
    tpu.wait_dma2 semaphore(%arg16 : memref<!tpu.dma_semaphore, #tpu.memory_space<semaphore_mem>>) src(%dma_wait3A_40 : memref<32x16xf32, #tpu.memory_space<hbm>>) dst(%arg15 : memref<32x16xf32, #tpu.memory_space<vmem>>)
    %dma_wait3A_41 = arith.constant 0 : i32
    %dma_wait3A_42 = arith.constant 0 : i32
    %dma_wait3A_43 = tpu.memref_slice %arg2[%dma_wait3A_41, %dma_wait3A_42] : memref<8192x1024xf32, #tpu.memory_space<hbm>> -> memref<8192x1024xf32, #tpu.memory_space<hbm>>
    tpu.wait_indirect_dma semaphore(%arg16 : memref<!tpu.dma_semaphore, #tpu.memory_space<semaphore_mem>>) src(%dma_wait3A_43 : memref<8192x1024xf32, #tpu.memory_space<hbm>>) dst(%arg11 : memref<32x1024xf32, #tpu.memory_space<vmem>>)
    %dma_wait3A_44 = arith.constant 0 : i32
    %dma_wait3A_45 = arith.constant 0 : i32
    %dma_wait3A_46 = tpu.memref_slice %arg2[%dma_wait3A_44, %dma_wait3A_45] : memref<8192x1024xf32, #tpu.memory_space<hbm>> -> memref<8192x1024xf32, #tpu.memory_space<hbm>>
    tpu.wait_indirect_dma semaphore(%arg16 : memref<!tpu.dma_semaphore, #tpu.memory_space<semaphore_mem>>) src(%dma_wait3A_46 : memref<8192x1024xf32, #tpu.memory_space<hbm>>) dst(%arg12 : memref<32x1024xf32, #tpu.memory_space<vmem>>)
    %scan3A = arith.constant 0 : i32
    %scan3A_47 = arith.constant 0 : i32
    %scan3A_48 = arith.constant 32 : i32
    %scan3A_49 = arith.addi %scan3A_47, %scan3A_48 : i32
    %scan3A_50 = arith.constant 1 : i32
    scf.for %scan3A_106 = %scan3A_47 to %scan3A_49 step %scan3A_50  : i32 {
      %get3A = arith.index_cast %scan3A_106 : i32 to index
      %get3A_107 = arith.constant 0 : index
      %get3A_108 = tpu.vector_load %arg14[%get3A, %get3A_107] {strides = array<i32>} : memref<32x16xf32, #tpu.memory_space<vmem>>, vector<1x16xf32>,
      %get3A_109 = vector.shape_cast %get3A_108 : vector<1x16xf32> to vector<16xf32>
      %get3A_110 = arith.index_cast %scan3A_106 : i32 to index
      %get3A_111 = arith.constant 0 : index
      %get3A_112 = tpu.vector_load %arg15[%get3A_110, %get3A_111] {strides = array<i32>} : memref<32x16xf32, #tpu.memory_space<vmem>>, vector<1x16xf32>,
      %get3A_113 = vector.shape_cast %get3A_112 : vector<1x16xf32> to vector<16xf32>
      %get3A_114 = arith.index_cast %scan3A_106 : i32 to index
      %get3A_115 = arith.constant 0 : index
      %get3A_116 = tpu.vector_load %arg13[%get3A_114, %get3A_115] {strides = array<i32>} : memref<32x1024xf32, #tpu.memory_space<vmem>>, vector<1x16xf32>,
      %get3A_117 = vector.shape_cast %get3A_116 : vector<1x16xf32> to vector<16xf32>
      %get3A_118 = arith.index_cast %scan3A_106 : i32 to index
      %get3A_119 = arith.constant 0 : index
      %get3A_120 = tpu.vector_load %arg11[%get3A_118, %get3A_119] {strides = array<i32>} : memref<32x1024xf32, #tpu.memory_space<vmem>>, vector<1x16xf32>,
      %get3A_121 = vector.shape_cast %get3A_120 : vector<1x16xf32> to vector<16xf32>
      %mul3A_122 = arith.mulf %get3A_109, %get3A_121 : vector<16xf32>
      %add3A_123 = arith.addf %get3A_117, %mul3A_122 : vector<16xf32>
      %get3A_124 = arith.index_cast %scan3A_106 : i32 to index
      %get3A_125 = arith.constant 0 : index
      %get3A_126 = tpu.vector_load %arg12[%get3A_124, %get3A_125] {strides = array<i32>} : memref<32x1024xf32, #tpu.memory_space<vmem>>, vector<1x16xf32>,
      %get3A_127 = vector.shape_cast %get3A_126 : vector<1x16xf32> to vector<16xf32>
      %mul3A_128 = arith.mulf %get3A_113, %get3A_127 : vector<16xf32>
      %add3A_129 = arith.addf %add3A_123, %mul3A_128 : vector<16xf32>
      %swap3A = arith.index_cast %scan3A_106 : i32 to index
      %swap3A_130 = arith.constant 0 : index
      %swap3A_131 = tpu.vector_load %arg13[%swap3A, %swap3A_130] {strides = array<i32>} : memref<32x1024xf32, #tpu.memory_space<vmem>>, vector<1x16xf32>,
      %swap3A_132 = vector.shape_cast %swap3A_131 : vector<1x16xf32> to vector<16xf32>
      %swap3A_133 = vector.shape_cast %add3A_129 : vector<16xf32> to vector<1x16xf32>
      tpu.vector_store %arg13[%swap3A, %swap3A_130], %swap3A_133 {strides = array<i32>} : memref<32x1024xf32, #tpu.memory_space<vmem>>, vector<1x16xf32>,
      %get3A_134 = arith.index_cast %scan3A_106 : i32 to index
      %get3A_135 = arith.constant 16 : index
      %get3A_136 = tpu.vector_load %arg13[%get3A_134, %get3A_135] {strides = array<i32>} : memref<32x1024xf32, #tpu.memory_space<vmem>>, vector<1x16xf32>,
      %get3A_137 = vector.shape_cast %get3A_136 : vector<1x16xf32> to vector<16xf32>
      %get3A_138 = arith.index_cast %scan3A_106 : i32 to index
      %get3A_139 = arith.constant 16 : index
      %get3A_140 = tpu.vector_load %arg11[%get3A_138, %get3A_139] {strides = array<i32>} : memref<32x1024xf32, #tpu.memory_space<vmem>>, vector<1x16xf32>,
      %get3A_141 = vector.shape_cast %get3A_140 : vector<1x16xf32> to vector<16xf32>
      %mul3A_142 = arith.mulf %get3A_109, %get3A_141 : vector<16xf32>
      %add3A_143 = arith.addf %get3A_137, %mul3A_142 : vector<16xf32>
      %get3A_144 = arith.index_cast %scan3A_106 : i32 to index
      %get3A_145 = arith.constant 16 : index
      %get3A_146 = tpu.vector_load %arg12[%get3A_144, %get3A_145] {strides = array<i32>} : memref<32x1024xf32, #tpu.memory_space<vmem>>, vector<1x16xf32>,
      %get3A_147 = vector.shape_cast %get3A_146 : vector<1x16xf32> to vector<16xf32>
      %mul3A_148 = arith.mulf %get3A_113, %get3A_147 : vector<16xf32>
      %add3A_149 = arith.addf %add3A_143, %mul3A_148 : vector<16xf32>
      %swap3A_150 = arith.index_cast %scan3A_106 : i32 to index
      %swap3A_151 = arith.constant 16 : index
      %swap3A_152 = tpu.vector_load %arg13[%swap3A_150, %swap3A_151] {strides = array<i32>} : memref<32x1024xf32, #tpu.memory_space<vmem>>, vector<1x16xf32>,
      %swap3A_153 = vector.shape_cast %swap3A_152 : vector<1x16xf32> to vector<16xf32>
      %swap3A_154 = vector.shape_cast %add3A_149 : vector<16xf32> to vector<1x16xf32>
      tpu.vector_store %arg13[%swap3A_150, %swap3A_151], %swap3A_154 {strides = array<i32>} : memref<32x1024xf32, #tpu.memory_space<vmem>>, vector<1x16xf32>,
      %get3A_155 = arith.index_cast %scan3A_106 : i32 to index
      %get3A_156 = arith.constant 32 : index
      %get3A_157 = tpu.vector_load %arg13[%get3A_155, %get3A_156] {strides = array<i32>} : memref<32x1024xf32, #tpu.memory_space<vmem>>, vector<1x16xf32>,
      %get3A_158 = vector.shape_cast %get3A_157 : vector<1x16xf32> to vector<16xf32>
      %get3A_159 = arith.index_cast %scan3A_106 : i32 to index
      %get3A_160 = arith.constant 32 : index
      %get3A_161 = tpu.vector_load %arg11[%get3A_159, %get3A_160] {strides = array<i32>} : memref<32x1024xf32, #tpu.memory_space<vmem>>, vector<1x16xf32>,
      %get3A_162 = vector.shape_cast %get3A_161 : vector<1x16xf32> to vector<16xf32>
      %mul3A_163 = arith.mulf %get3A_109, %get3A_162 : vector<16xf32>
      %add3A_164 = arith.addf %get3A_158, %mul3A_163 : vector<16xf32>
      %get3A_165 = arith.index_cast %scan3A_106 : i32 to index
      %get3A_166 = arith.constant 32 : index
      %get3A_167 = tpu.vector_load %arg12[%get3A_165, %get3A_166] {strides = array<i32>} : memref<32x1024xf32, #tpu.memory_space<vmem>>, vector<1x16xf32>,
      %get3A_168 = vector.shape_cast %get3A_167 : vector<1x16xf32> to vector<16xf32>
      %mul3A_169 = arith.mulf %get3A_113, %get3A_168 : vector<16xf32>
      %add3A_170 = arith.addf %add3A_164, %mul3A_169 : vector<16xf32>
      %swap3A_171 = arith.index_cast %scan3A_106 : i32 to index
      %swap3A_172 = arith.constant 32 : index
      %swap3A_173 = tpu.vector_load %arg13[%swap3A_171, %swap3A_172] {strides = array<i32>} : memref<32x1024xf32, #tpu.memory_space<vmem>>, vector<1x16xf32>,
      %swap3A_174 = vector.shape_cast %swap3A_173 : vector<1x16xf32> to vector<16xf32>
      %swap3A_175 = vector.shape_cast %add3A_170 : vector<16xf32> to vector<1x16xf32>
      tpu.vector_store %arg13[%swap3A_171, %swap3A_172], %swap3A_175 {strides = array<i32>} : memref<32x1024xf32, #tpu.memory_space<vmem>>, vector<1x16xf32>,
      %get3A_176 = arith.index_cast %scan3A_106 : i32 to index
      %get3A_177 = arith.constant 48 : index
      %get3A_178 = tpu.vector_load %arg13[%get3A_176, %get3A_177] {strides = array<i32>} : memref<32x1024xf32, #tpu.memory_space<vmem>>, vector<1x16xf32>,
      %get3A_179 = vector.shape_cast %get3A_178 : vector<1x16xf32> to vector<16xf32>
      %get3A_180 = arith.index_cast %scan3A_106 : i32 to index
      %get3A_181 = arith.constant 48 : index
      %get3A_182 = tpu.vector_load %arg11[%get3A_180, %get3A_181] {strides = array<i32>} : memref<32x1024xf32, #tpu.memory_space<vmem>>, vector<1x16xf32>,
      %get3A_183 = vector.shape_cast %get3A_182 : vector<1x16xf32> to vector<16xf32>
      %mul3A_184 = arith.mulf %get3A_109, %get3A_183 : vector<16xf32>
      %add3A_185 = arith.addf %get3A_179, %mul3A_184 : vector<16xf32>
      %get3A_186 = arith.index_cast %scan3A_106 : i32 to index
      %get3A_187 = arith.constant 48 : index
      %get3A_188 = tpu.vector_load %arg12[%get3A_186, %get3A_187] {strides = array<i32>} : memref<32x1024xf32, #tpu.memory_space<vmem>>, vector<1x16xf32>,
      %get3A_189 = vector.shape_cast %get3A_188 : vector<1x16xf32> to vector<16xf32>
      %mul3A_190 = arith.mulf %get3A_113, %get3A_189 : vector<16xf32>
      %add3A_191 = arith.addf %add3A_185, %mul3A_190 : vector<16xf32>
      %swap3A_192 = arith.index_cast %scan3A_106 : i32 to index
      %swap3A_193 = arith.constant 48 : index
      %swap3A_194 = tpu.vector_load %arg13[%swap3A_192, %swap3A_193] {strides = array<i32>} : memref<32x1024xf32, #tpu.memory_space<vmem>>, vector<1x16xf32>,
      %swap3A_195 = vector.shape_cast %swap3A_194 : vector<1x16xf32> to vector<16xf32>
      %swap3A_196 = vector.shape_cast %add3A_191 : vector<16xf32> to vector<1x16xf32>
      tpu.vector_store %arg13[%swap3A_192, %swap3A_193], %swap3A_196 {strides = array<i32>} : memref<32x1024xf32, #tpu.memory_space<vmem>>, vector<1x16xf32>,
      %get3A_197 = arith.index_cast %scan3A_106 : i32 to index
      %get3A_198 = arith.constant 64 : index
      %get3A_199 = tpu.vector_load %arg13[%get3A_197, %get3A_198] {strides = array<i32>} : memref<32x1024xf32, #tpu.memory_space<vmem>>, vector<1x16xf32>,
      %get3A_200 = vector.shape_cast %get3A_199 : vector<1x16xf32> to vector<16xf32>
      %get3A_201 = arith.index_cast %scan3A_106 : i32 to index
      %get3A_202 = arith.constant 64 : index
      %get3A_203 = tpu.vector_load %arg11[%get3A_201, %get3A_202] {strides = array<i32>} : memref<32x1024xf32, #tpu.memory_space<vmem>>, vector<1x16xf32>,
      %get3A_204 = vector.shape_cast %get3A_203 : vector<1x16xf32> to vector<16xf32>
      %mul3A_205 = arith.mulf %get3A_109, %get3A_204 : vector<16xf32>
      %add3A_206 = arith.addf %get3A_200, %mul3A_205 : vector<16xf32>
      %get3A_207 = arith.index_cast %scan3A_106 : i32 to index
      %get3A_208 = arith.constant 64 : index
      %get3A_209 = tpu.vector_load %arg12[%get3A_207, %get3A_208] {strides = array<i32>} : memref<32x1024xf32, #tpu.memory_space<vmem>>, vector<1x16xf32>,
      %get3A_210 = vector.shape_cast %get3A_209 : vector<1x16xf32> to vector<16xf32>
      %mul3A_211 = arith.mulf %get3A_113, %get3A_210 : vector<16xf32>
      %add3A_212 = arith.addf %add3A_206, %mul3A_211 : vector<16xf32>
      %swap3A_213 = arith.index_cast %scan3A_106 : i32 to index
      %swap3A_214 = arith.constant 64 : index
      %swap3A_215 = tpu.vector_load %arg13[%swap3A_213, %swap3A_214] {strides = array<i32>} : memref<32x1024xf32, #tpu.memory_space<vmem>>, vector<1x16xf32>,
      %swap3A_216 = vector.shape_cast %swap3A_215 : vector<1x16xf32> to vector<16xf32>
      %swap3A_217 = vector.shape_cast %add3A_212 : vector<16xf32> to vector<1x16xf32>
      tpu.vector_store %arg13[%swap3A_213, %swap3A_214], %swap3A_217 {strides = array<i32>} : memref<32x1024xf32, #tpu.memory_space<vmem>>, vector<1x16xf32>,
      %get3A_218 = arith.index_cast %scan3A_106 : i32 to index
      %get3A_219 = arith.constant 80 : index
      %get3A_220 = tpu.vector_load %arg13[%get3A_218, %get3A_219] {strides = array<i32>} : memref<32x1024xf32, #tpu.memory_space<vmem>>, vector<1x16xf32>,
      %get3A_221 = vector.shape_cast %get3A_220 : vector<1x16xf32> to vector<16xf32>
      %get3A_222 = arith.index_cast %scan3A_106 : i32 to index
      %get3A_223 = arith.constant 80 : index
      %get3A_224 = tpu.vector_load %arg11[%get3A_222, %get3A_223] {strides = array<i32>} : memref<32x1024xf32, #tpu.memory_space<vmem>>, vector<1x16xf32>,
      %get3A_225 = vector.shape_cast %get3A_224 : vector<1x16xf32> to vector<16xf32>
      %mul3A_226 = arith.mulf %get3A_109, %get3A_225 : vector<16xf32>
      %add3A_227 = arith.addf %get3A_221, %mul3A_226 : vector<16xf32>
      %get3A_228 = arith.index_cast %scan3A_106 : i32 to index
      %get3A_229 = arith.constant 80 : index
      %get3A_230 = tpu.vector_load %arg12[%get3A_228, %get3A_229] {strides = array<i32>} : memref<32x1024xf32, #tpu.memory_space<vmem>>, vector<1x16xf32>,
      %get3A_231 = vector.shape_cast %get3A_230 : vector<1x16xf32> to vector<16xf32>
      %mul3A_232 = arith.mulf %get3A_113, %get3A_231 : vector<16xf32>
      %add3A_233 = arith.addf %add3A_227, %mul3A_232 : vector<16xf32>
      %swap3A_234 = arith.index_cast %scan3A_106 : i32 to index
      %swap3A_235 = arith.constant 80 : index
      %swap3A_236 = tpu.vector_load %arg13[%swap3A_234, %swap3A_235] {strides = array<i32>} : memref<32x1024xf32, #tpu.memory_space<vmem>>, vector<1x16xf32>,
      %swap3A_237 = vector.shape_cast %swap3A_236 : vector<1x16xf32> to vector<16xf32>
      %swap3A_238 = vector.shape_cast %add3A_233 : vector<16xf32> to vector<1x16xf32>
      tpu.vector_store %arg13[%swap3A_234, %swap3A_235], %swap3A_238 {strides = array<i32>} : memref<32x1024xf32, #tpu.memory_space<vmem>>, vector<1x16xf32>,
      %get3A_239 = arith.index_cast %scan3A_106 : i32 to index
      %get3A_240 = arith.constant 96 : index
      %get3A_241 = tpu.vector_load %arg13[%get3A_239, %get3A_240] {strides = array<i32>} : memref<32x1024xf32, #tpu.memory_space<vmem>>, vector<1x16xf32>,
      %get3A_242 = vector.shape_cast %get3A_241 : vector<1x16xf32> to vector<16xf32>
      %get3A_243 = arith.index_cast %scan3A_106 : i32 to index
      %get3A_244 = arith.constant 96 : index
      %get3A_245 = tpu.vector_load %arg11[%get3A_243, %get3A_244] {strides = array<i32>} : memref<32x1024xf32, #tpu.memory_space<vmem>>, vector<1x16xf32>,
      %get3A_246 = vector.shape_cast %get3A_245 : vector<1x16xf32> to vector<16xf32>
      %mul3A_247 = arith.mulf %get3A_109, %get3A_246 : vector<16xf32>
      %add3A_248 = arith.addf %get3A_242, %mul3A_247 : vector<16xf32>
      %get3A_249 = arith.index_cast %scan3A_106 : i32 to index
      %get3A_250 = arith.constant 96 : index
      %get3A_251 = tpu.vector_load %arg12[%get3A_249, %get3A_250] {strides = array<i32>} : memref<32x1024xf32, #tpu.memory_space<vmem>>, vector<1x16xf32>,
      %get3A_252 = vector.shape_cast %get3A_251 : vector<1x16xf32> to vector<16xf32>
      %mul3A_253 = arith.mulf %get3A_113, %get3A_252 : vector<16xf32>
      %add3A_254 = arith.addf %add3A_248, %mul3A_253 : vector<16xf32>
      %swap3A_255 = arith.index_cast %scan3A_106 : i32 to index
      %swap3A_256 = arith.constant 96 : index
      %swap3A_257 = tpu.vector_load %arg13[%swap3A_255, %swap3A_256] {strides = array<i32>} : memref<32x1024xf32, #tpu.memory_space<vmem>>, vector<1x16xf32>,
      %swap3A_258 = vector.shape_cast %swap3A_257 : vector<1x16xf32> to vector<16xf32>
      %swap3A_259 = vector.shape_cast %add3A_254 : vector<16xf32> to vector<1x16xf32>
      tpu.vector_store %arg13[%swap3A_255, %swap3A_256], %swap3A_259 {strides = array<i32>} : memref<32x1024xf32, #tpu.memory_space<vmem>>, vector<1x16xf32>,
      %get3A_260 = arith.index_cast %scan3A_106 : i32 to index
      %get3A_261 = arith.constant 112 : index
      %get3A_262 = tpu.vector_load %arg13[%get3A_260, %get3A_261] {strides = array<i32>} : memref<32x1024xf32, #tpu.memory_space<vmem>>, vector<1x16xf32>,
      %get3A_263 = vector.shape_cast %get3A_262 : vector<1x16xf32> to vector<16xf32>
      %get3A_264 = arith.index_cast %scan3A_106 : i32 to index
      %get3A_265 = arith.constant 112 : index
      %get3A_266 = tpu.vector_load %arg11[%get3A_264, %get3A_265] {strides = array<i32>} : memref<32x1024xf32, #tpu.memory_space<vmem>>, vector<1x16xf32>,
      %get3A_267 = vector.shape_cast %get3A_266 : vector<1x16xf32> to vector<16xf32>
      %mul3A_268 = arith.mulf %get3A_109, %get3A_267 : vector<16xf32>
      %add3A_269 = arith.addf %get3A_263, %mul3A_268 : vector<16xf32>
      %get3A_270 = arith.index_cast %scan3A_106 : i32 to index
      %get3A_271 = arith.constant 112 : index
      %get3A_272 = tpu.vector_load %arg12[%get3A_270, %get3A_271] {strides = array<i32>} : memref<32x1024xf32, #tpu.memory_space<vmem>>, vector<1x16xf32>,
      %get3A_273 = vector.shape_cast %get3A_272 : vector<1x16xf32> to vector<16xf32>
      %mul3A_274 = arith.mulf %get3A_113, %get3A_273 : vector<16xf32>
      %add3A_275 = arith.addf %add3A_269, %mul3A_274 : vector<16xf32>
      %swap3A_276 = arith.index_cast %scan3A_106 : i32 to index
      %swap3A_277 = arith.constant 112 : index
      %swap3A_278 = tpu.vector_load %arg13[%swap3A_276, %swap3A_277] {strides = array<i32>} : memref<32x1024xf32, #tpu.memory_space<vmem>>, vector<1x16xf32>,
      %swap3A_279 = vector.shape_cast %swap3A_278 : vector<1x16xf32> to vector<16xf32>
      %swap3A_280 = vector.shape_cast %add3A_275 : vector<16xf32> to vector<1x16xf32>
      tpu.vector_store %arg13[%swap3A_276, %swap3A_277], %swap3A_280 {strides = array<i32>} : memref<32x1024xf32, #tpu.memory_space<vmem>>, vector<1x16xf32>,
      %get3A_281 = arith.index_cast %scan3A_106 : i32 to index
      %get3A_282 = arith.constant 128 : index
      %get3A_283 = tpu.vector_load %arg13[%get3A_281, %get3A_282] {strides = array<i32>} : memref<32x1024xf32, #tpu.memory_space<vmem>>, vector<1x16xf32>,
      %get3A_284 = vector.shape_cast %get3A_283 : vector<1x16xf32> to vector<16xf32>
      %get3A_285 = arith.index_cast %scan3A_106 : i32 to index
      %get3A_286 = arith.constant 128 : index
      %get3A_287 = tpu.vector_load %arg11[%get3A_285, %get3A_286] {strides = array<i32>} : memref<32x1024xf32, #tpu.memory_space<vmem>>, vector<1x16xf32>,
      %get3A_288 = vector.shape_cast %get3A_287 : vector<1x16xf32> to vector<16xf32>
      %mul3A_289 = arith.mulf %get3A_109, %get3A_288 : vector<16xf32>
      %add3A_290 = arith.addf %get3A_284, %mul3A_289 : vector<16xf32>
      %get3A_291 = arith.index_cast %scan3A_106 : i32 to index
      %get3A_292 = arith.constant 128 : index
      %get3A_293 = tpu.vector_load %arg12[%get3A_291, %get3A_292] {strides = array<i32>} : memref<32x1024xf32, #tpu.memory_space<vmem>>, vector<1x16xf32>,
      %get3A_294 = vector.shape_cast %get3A_293 : vector<1x16xf32> to vector<16xf32>
      %mul3A_295 = arith.mulf %get3A_113, %get3A_294 : vector<16xf32>
      %add3A_296 = arith.addf %add3A_290, %mul3A_295 : vector<16xf32>
      %swap3A_297 = arith.index_cast %scan3A_106 : i32 to index
      %swap3A_298 = arith.constant 128 : index
      %swap3A_299 = tpu.vector_load %arg13[%swap3A_297, %swap3A_298] {strides = array<i32>} : memref<32x1024xf32, #tpu.memory_space<vmem>>, vector<1x16xf32>,
      %swap3A_300 = vector.shape_cast %swap3A_299 : vector<1x16xf32> to vector<16xf32>
      %swap3A_301 = vector.shape_cast %add3A_296 : vector<16xf32> to vector<1x16xf32>
      tpu.vector_store %arg13[%swap3A_297, %swap3A_298], %swap3A_301 {strides = array<i32>} : memref<32x1024xf32, #tpu.memory_space<vmem>>, vector<1x16xf32>,
      %get3A_302 = arith.index_cast %scan3A_106 : i32 to index
      %get3A_303 = arith.constant 144 : index
      %get3A_304 = tpu.vector_load %arg13[%get3A_302, %get3A_303] {strides = array<i32>} : memref<32x1024xf32, #tpu.memory_space<vmem>>, vector<1x16xf32>,
      %get3A_305 = vector.shape_cast %get3A_304 : vector<1x16xf32> to vector<16xf32>
      %get3A_306 = arith.index_cast %scan3A_106 : i32 to index
      %get3A_307 = arith.constant 144 : index
      %get3A_308 = tpu.vector_load %arg11[%get3A_306, %get3A_307] {strides = array<i32>} : memref<32x1024xf32, #tpu.memory_space<vmem>>, vector<1x16xf32>,
      %get3A_309 = vector.shape_cast %get3A_308 : vector<1x16xf32> to vector<16xf32>
      %mul3A_310 = arith.mulf %get3A_109, %get3A_309 : vector<16xf32>
      %add3A_311 = arith.addf %get3A_305, %mul3A_310 : vector<16xf32>
      %get3A_312 = arith.index_cast %scan3A_106 : i32 to index
      %get3A_313 = arith.constant 144 : index
      %get3A_314 = tpu.vector_load %arg12[%get3A_312, %get3A_313] {strides = array<i32>} : memref<32x1024xf32, #tpu.memory_space<vmem>>, vector<1x16xf32>,
      %get3A_315 = vector.shape_cast %get3A_314 : vector<1x16xf32> to vector<16xf32>
      %mul3A_316 = arith.mulf %get3A_113, %get3A_315 : vector<16xf32>
      %add3A_317 = arith.addf %add3A_311, %mul3A_316 : vector<16xf32>
      %swap3A_318 = arith.index_cast %scan3A_106 : i32 to index
      %swap3A_319 = arith.constant 144 : index
      %swap3A_320 = tpu.vector_load %arg13[%swap3A_318, %swap3A_319] {strides = array<i32>} : memref<32x1024xf32, #tpu.memory_space<vmem>>, vector<1x16xf32>,
      %swap3A_321 = vector.shape_cast %swap3A_320 : vector<1x16xf32> to vector<16xf32>
      %swap3A_322 = vector.shape_cast %add3A_317 : vector<16xf32> to vector<1x16xf32>
      tpu.vector_store %arg13[%swap3A_318, %swap3A_319], %swap3A_322 {strides = array<i32>} : memref<32x1024xf32, #tpu.memory_space<vmem>>, vector<1x16xf32>,
      %get3A_323 = arith.index_cast %scan3A_106 : i32 to index
      %get3A_324 = arith.constant 160 : index
      %get3A_325 = tpu.vector_load %arg13[%get3A_323, %get3A_324] {strides = array<i32>} : memref<32x1024xf32, #tpu.memory_space<vmem>>, vector<1x16xf32>,
      %get3A_326 = vector.shape_cast %get3A_325 : vector<1x16xf32> to vector<16xf32>
      %get3A_327 = arith.index_cast %scan3A_106 : i32 to index
      %get3A_328 = arith.constant 160 : index
      %get3A_329 = tpu.vector_load %arg11[%get3A_327, %get3A_328] {strides = array<i32>} : memref<32x1024xf32, #tpu.memory_space<vmem>>, vector<1x16xf32>,
      %get3A_330 = vector.shape_cast %get3A_329 : vector<1x16xf32> to vector<16xf32>
      %mul3A_331 = arith.mulf %get3A_109, %get3A_330 : vector<16xf32>
      %add3A_332 = arith.addf %get3A_326, %mul3A_331 : vector<16xf32>
      %get3A_333 = arith.index_cast %scan3A_106 : i32 to index
      %get3A_334 = arith.constant 160 : index
      %get3A_335 = tpu.vector_load %arg12[%get3A_333, %get3A_334] {strides = array<i32>} : memref<32x1024xf32, #tpu.memory_space<vmem>>, vector<1x16xf32>,
      %get3A_336 = vector.shape_cast %get3A_335 : vector<1x16xf32> to vector<16xf32>
      %mul3A_337 = arith.mulf %get3A_113, %get3A_336 : vector<16xf32>
      %add3A_338 = arith.addf %add3A_332, %mul3A_337 : vector<16xf32>
      %swap3A_339 = arith.index_cast %scan3A_106 : i32 to index
      %swap3A_340 = arith.constant 160 : index
      %swap3A_341 = tpu.vector_load %arg13[%swap3A_339, %swap3A_340] {strides = array<i32>} : memref<32x1024xf32, #tpu.memory_space<vmem>>, vector<1x16xf32>,
      %swap3A_342 = vector.shape_cast %swap3A_341 : vector<1x16xf32> to vector<16xf32>
      %swap3A_343 = vector.shape_cast %add3A_338 : vector<16xf32> to vector<1x16xf32>
      tpu.vector_store %arg13[%swap3A_339, %swap3A_340], %swap3A_343 {strides = array<i32>} : memref<32x1024xf32, #tpu.memory_space<vmem>>, vector<1x16xf32>,
      %get3A_344 = arith.index_cast %scan3A_106 : i32 to index
      %get3A_345 = arith.constant 176 : index
      %get3A_346 = tpu.vector_load %arg13[%get3A_344, %get3A_345] {strides = array<i32>} : memref<32x1024xf32, #tpu.memory_space<vmem>>, vector<1x16xf32>,
      %get3A_347 = vector.shape_cast %get3A_346 : vector<1x16xf32> to vector<16xf32>
      %get3A_348 = arith.index_cast %scan3A_106 : i32 to index
      %get3A_349 = arith.constant 176 : index
      %get3A_350 = tpu.vector_load %arg11[%get3A_348, %get3A_349] {strides = array<i32>} : memref<32x1024xf32, #tpu.memory_space<vmem>>, vector<1x16xf32>,
      %get3A_351 = vector.shape_cast %get3A_350 : vector<1x16xf32> to vector<16xf32>
      %mul3A_352 = arith.mulf %get3A_109, %get3A_351 : vector<16xf32>
      %add3A_353 = arith.addf %get3A_347, %mul3A_352 : vector<16xf32>
      %get3A_354 = arith.index_cast %scan3A_106 : i32 to index
      %get3A_355 = arith.constant 176 : index
      %get3A_356 = tpu.vector_load %arg12[%get3A_354, %get3A_355] {strides = array<i32>} : memref<32x1024xf32, #tpu.memory_space<vmem>>, vector<1x16xf32>,
      %get3A_357 = vector.shape_cast %get3A_356 : vector<1x16xf32> to vector<16xf32>
      %mul3A_358 = arith.mulf %get3A_113, %get3A_357 : vector<16xf32>
      %add3A_359 = arith.addf %add3A_353, %mul3A_358 : vector<16xf32>
      %swap3A_360 = arith.index_cast %scan3A_106 : i32 to index
      %swap3A_361 = arith.constant 176 : index
      %swap3A_362 = tpu.vector_load %arg13[%swap3A_360, %swap3A_361] {strides = array<i32>} : memref<32x1024xf32, #tpu.memory_space<vmem>>, vector<1x16xf32>,
      %swap3A_363 = vector.shape_cast %swap3A_362 : vector<1x16xf32> to vector<16xf32>
      %swap3A_364 = vector.shape_cast %add3A_359 : vector<16xf32> to vector<1x16xf32>
      tpu.vector_store %arg13[%swap3A_360, %swap3A_361], %swap3A_364 {strides = array<i32>} : memref<32x1024xf32, #tpu.memory_space<vmem>>, vector<1x16xf32>,
      %get3A_365 = arith.index_cast %scan3A_106 : i32 to index
      %get3A_366 = arith.constant 192 : index
      %get3A_367 = tpu.vector_load %arg13[%get3A_365, %get3A_366] {strides = array<i32>} : memref<32x1024xf32, #tpu.memory_space<vmem>>, vector<1x16xf32>,
      %get3A_368 = vector.shape_cast %get3A_367 : vector<1x16xf32> to vector<16xf32>
      %get3A_369 = arith.index_cast %scan3A_106 : i32 to index
      %get3A_370 = arith.constant 192 : index
      %get3A_371 = tpu.vector_load %arg11[%get3A_369, %get3A_370] {strides = array<i32>} : memref<32x1024xf32, #tpu.memory_space<vmem>>, vector<1x16xf32>,
      %get3A_372 = vector.shape_cast %get3A_371 : vector<1x16xf32> to vector<16xf32>
      %mul3A_373 = arith.mulf %get3A_109, %get3A_372 : vector<16xf32>
      %add3A_374 = arith.addf %get3A_368, %mul3A_373 : vector<16xf32>
      %get3A_375 = arith.index_cast %scan3A_106 : i32 to index
      %get3A_376 = arith.constant 192 : index
      %get3A_377 = tpu.vector_load %arg12[%get3A_375, %get3A_376] {strides = array<i32>} : memref<32x1024xf32, #tpu.memory_space<vmem>>, vector<1x16xf32>,
      %get3A_378 = vector.shape_cast %get3A_377 : vector<1x16xf32> to vector<16xf32>
      %mul3A_379 = arith.mulf %get3A_113, %get3A_378 : vector<16xf32>
      %add3A_380 = arith.addf %add3A_374, %mul3A_379 : vector<16xf32>
      %swap3A_381 = arith.index_cast %scan3A_106 : i32 to index
      %swap3A_382 = arith.constant 192 : index
      %swap3A_383 = tpu.vector_load %arg13[%swap3A_381, %swap3A_382] {strides = array<i32>} : memref<32x1024xf32, #tpu.memory_space<vmem>>, vector<1x16xf32>,
      %swap3A_384 = vector.shape_cast %swap3A_383 : vector<1x16xf32> to vector<16xf32>
      %swap3A_385 = vector.shape_cast %add3A_380 : vector<16xf32> to vector<1x16xf32>
      tpu.vector_store %arg13[%swap3A_381, %swap3A_382], %swap3A_385 {strides = array<i32>} : memref<32x1024xf32, #tpu.memory_space<vmem>>, vector<1x16xf32>,
      %get3A_386 = arith.index_cast %scan3A_106 : i32 to index
      %get3A_387 = arith.constant 208 : index
      %get3A_388 = tpu.vector_load %arg13[%get3A_386, %get3A_387] {strides = array<i32>} : memref<32x1024xf32, #tpu.memory_space<vmem>>, vector<1x16xf32>,
      %get3A_389 = vector.shape_cast %get3A_388 : vector<1x16xf32> to vector<16xf32>
      %get3A_390 = arith.index_cast %scan3A_106 : i32 to index
      %get3A_391 = arith.constant 208 : index
      %get3A_392 = tpu.vector_load %arg11[%get3A_390, %get3A_391] {strides = array<i32>} : memref<32x1024xf32, #tpu.memory_space<vmem>>, vector<1x16xf32>,
      %get3A_393 = vector.shape_cast %get3A_392 : vector<1x16xf32> to vector<16xf32>
      %mul3A_394 = arith.mulf %get3A_109, %get3A_393 : vector<16xf32>
      %add3A_395 = arith.addf %get3A_389, %mul3A_394 : vector<16xf32>
      %get3A_396 = arith.index_cast %scan3A_106 : i32 to index
      %get3A_397 = arith.constant 208 : index
      %get3A_398 = tpu.vector_load %arg12[%get3A_396, %get3A_397] {strides = array<i32>} : memref<32x1024xf32, #tpu.memory_space<vmem>>, vector<1x16xf32>,
      %get3A_399 = vector.shape_cast %get3A_398 : vector<1x16xf32> to vector<16xf32>
      %mul3A_400 = arith.mulf %get3A_113, %get3A_399 : vector<16xf32>
      %add3A_401 = arith.addf %add3A_395, %mul3A_400 : vector<16xf32>
      %swap3A_402 = arith.index_cast %scan3A_106 : i32 to index
      %swap3A_403 = arith.constant 208 : index
      %swap3A_404 = tpu.vector_load %arg13[%swap3A_402, %swap3A_403] {strides = array<i32>} : memref<32x1024xf32, #tpu.memory_space<vmem>>, vector<1x16xf32>,
      %swap3A_405 = vector.shape_cast %swap3A_404 : vector<1x16xf32> to vector<16xf32>
      %swap3A_406 = vector.shape_cast %add3A_401 : vector<16xf32> to vector<1x16xf32>
      tpu.vector_store %arg13[%swap3A_402, %swap3A_403], %swap3A_406 {strides = array<i32>} : memref<32x1024xf32, #tpu.memory_space<vmem>>, vector<1x16xf32>,
      %get3A_407 = arith.index_cast %scan3A_106 : i32 to index
      %get3A_408 = arith.constant 224 : index
      %get3A_409 = tpu.vector_load %arg13[%get3A_407, %get3A_408] {strides = array<i32>} : memref<32x1024xf32, #tpu.memory_space<vmem>>, vector<1x16xf32>,
      %get3A_410 = vector.shape_cast %get3A_409 : vector<1x16xf32> to vector<16xf32>
      %get3A_411 = arith.index_cast %scan3A_106 : i32 to index
      %get3A_412 = arith.constant 224 : index
      %get3A_413 = tpu.vector_load %arg11[%get3A_411, %get3A_412] {strides = array<i32>} : memref<32x1024xf32, #tpu.memory_space<vmem>>, vector<1x16xf32>,
      %get3A_414 = vector.shape_cast %get3A_413 : vector<1x16xf32> to vector<16xf32>
      %mul3A_415 = arith.mulf %get3A_109, %get3A_414 : vector<16xf32>
      %add3A_416 = arith.addf %get3A_410, %mul3A_415 : vector<16xf32>
      %get3A_417 = arith.index_cast %scan3A_106 : i32 to index
      %get3A_418 = arith.constant 224 : index
      %get3A_419 = tpu.vector_load %arg12[%get3A_417, %get3A_418] {strides = array<i32>} : memref<32x1024xf32, #tpu.memory_space<vmem>>, vector<1x16xf32>,
      %get3A_420 = vector.shape_cast %get3A_419 : vector<1x16xf32> to vector<16xf32>
      %mul3A_421 = arith.mulf %get3A_113, %get3A_420 : vector<16xf32>
      %add3A_422 = arith.addf %add3A_416, %mul3A_421 : vector<16xf32>
      %swap3A_423 = arith.index_cast %scan3A_106 : i32 to index
      %swap3A_424 = arith.constant 224 : index
      %swap3A_425 = tpu.vector_load %arg13[%swap3A_423, %swap3A_424] {strides = array<i32>} : memref<32x1024xf32, #tpu.memory_space<vmem>>, vector<1x16xf32>,
      %swap3A_426 = vector.shape_cast %swap3A_425 : vector<1x16xf32> to vector<16xf32>
      %swap3A_427 = vector.shape_cast %add3A_422 : vector<16xf32> to vector<1x16xf32>
      tpu.vector_store %arg13[%swap3A_423, %swap3A_424], %swap3A_427 {strides = array<i32>} : memref<32x1024xf32, #tpu.memory_space<vmem>>, vector<1x16xf32>,
      %get3A_428 = arith.index_cast %scan3A_106 : i32 to index
      %get3A_429 = arith.constant 240 : index
      %get3A_430 = tpu.vector_load %arg13[%get3A_428, %get3A_429] {strides = array<i32>} : memref<32x1024xf32, #tpu.memory_space<vmem>>, vector<1x16xf32>,
      %get3A_431 = vector.shape_cast %get3A_430 : vector<1x16xf32> to vector<16xf32>
      %get3A_432 = arith.index_cast %scan3A_106 : i32 to index
      %get3A_433 = arith.constant 240 : index
      %get3A_434 = tpu.vector_load %arg11[%get3A_432, %get3A_433] {strides = array<i32>} : memref<32x1024xf32, #tpu.memory_space<vmem>>, vector<1x16xf32>,
      %get3A_435 = vector.shape_cast %get3A_434 : vector<1x16xf32> to vector<16xf32>
      %mul3A_436 = arith.mulf %get3A_109, %get3A_435 : vector<16xf32>
      %add3A_437 = arith.addf %get3A_431, %mul3A_436 : vector<16xf32>
      %get3A_438 = arith.index_cast %scan3A_106 : i32 to index
      %get3A_439 = arith.constant 240 : index
      %get3A_440 = tpu.vector_load %arg12[%get3A_438, %get3A_439] {strides = array<i32>} : memref<32x1024xf32, #tpu.memory_space<vmem>>, vector<1x16xf32>,
      %get3A_441 = vector.shape_cast %get3A_440 : vector<1x16xf32> to vector<16xf32>
      %mul3A_442 = arith.mulf %get3A_113, %get3A_441 : vector<16xf32>
      %add3A_443 = arith.addf %add3A_437, %mul3A_442 : vector<16xf32>
      %swap3A_444 = arith.index_cast %scan3A_106 : i32 to index
      %swap3A_445 = arith.constant 240 : index
      %swap3A_446 = tpu.vector_load %arg13[%swap3A_444, %swap3A_445] {strides = array<i32>} : memref<32x1024xf32, #tpu.memory_space<vmem>>, vector<1x16xf32>,
      %swap3A_447 = vector.shape_cast %swap3A_446 : vector<1x16xf32> to vector<16xf32>
      %swap3A_448 = vector.shape_cast %add3A_443 : vector<16xf32> to vector<1x16xf32>
      tpu.vector_store %arg13[%swap3A_444, %swap3A_445], %swap3A_448 {strides = array<i32>} : memref<32x1024xf32, #tpu.memory_space<vmem>>, vector<1x16xf32>,
      %get3A_449 = arith.index_cast %scan3A_106 : i32 to index
      %get3A_450 = arith.constant 256 : index
      %get3A_451 = tpu.vector_load %arg13[%get3A_449, %get3A_450] {strides = array<i32>} : memref<32x1024xf32, #tpu.memory_space<vmem>>, vector<1x16xf32>,
      %get3A_452 = vector.shape_cast %get3A_451 : vector<1x16xf32> to vector<16xf32>
      %get3A_453 = arith.index_cast %scan3A_106 : i32 to index
      %get3A_454 = arith.constant 256 : index
      %get3A_455 = tpu.vector_load %arg11[%get3A_453, %get3A_454] {strides = array<i32>} : memref<32x1024xf32, #tpu.memory_space<vmem>>, vector<1x16xf32>,
      %get3A_456 = vector.shape_cast %get3A_455 : vector<1x16xf32> to vector<16xf32>
      %mul3A_457 = arith.mulf %get3A_109, %get3A_456 : vector<16xf32>
      %add3A_458 = arith.addf %get3A_452, %mul3A_457 : vector<16xf32>
      %get3A_459 = arith.index_cast %scan3A_106 : i32 to index
      %get3A_460 = arith.constant 256 : index
      %get3A_461 = tpu.vector_load %arg12[%get3A_459, %get3A_460] {strides = array<i32>} : memref<32x1024xf32, #tpu.memory_space<vmem>>, vector<1x16xf32>,
      %get3A_462 = vector.shape_cast %get3A_461 : vector<1x16xf32> to vector<16xf32>
      %mul3A_463 = arith.mulf %get3A_113, %get3A_462 : vector<16xf32>
      %add3A_464 = arith.addf %add3A_458, %mul3A_463 : vector<16xf32>
      %swap3A_465 = arith.index_cast %scan3A_106 : i32 to index
      %swap3A_466 = arith.constant 256 : index
      %swap3A_467 = tpu.vector_load %arg13[%swap3A_465, %swap3A_466] {strides = array<i32>} : memref<32x1024xf32, #tpu.memory_space<vmem>>, vector<1x16xf32>,
      %swap3A_468 = vector.shape_cast %swap3A_467 : vector<1x16xf32> to vector<16xf32>
      %swap3A_469 = vector.shape_cast %add3A_464 : vector<16xf32> to vector<1x16xf32>
      tpu.vector_store %arg13[%swap3A_465, %swap3A_466], %swap3A_469 {strides = array<i32>} : memref<32x1024xf32, #tpu.memory_space<vmem>>, vector<1x16xf32>,
      %get3A_470 = arith.index_cast %scan3A_106 : i32 to index
      %get3A_471 = arith.constant 272 : index
      %get3A_472 = tpu.vector_load %arg13[%get3A_470, %get3A_471] {strides = array<i32>} : memref<32x1024xf32, #tpu.memory_space<vmem>>, vector<1x16xf32>,
      %get3A_473 = vector.shape_cast %get3A_472 : vector<1x16xf32> to vector<16xf32>
      %get3A_474 = arith.index_cast %scan3A_106 : i32 to index
      %get3A_475 = arith.constant 272 : index
      %get3A_476 = tpu.vector_load %arg11[%get3A_474, %get3A_475] {strides = array<i32>} : memref<32x1024xf32, #tpu.memory_space<vmem>>, vector<1x16xf32>,
      %get3A_477 = vector.shape_cast %get3A_476 : vector<1x16xf32> to vector<16xf32>
      %mul3A_478 = arith.mulf %get3A_109, %get3A_477 : vector<16xf32>
      %add3A_479 = arith.addf %get3A_473, %mul3A_478 : vector<16xf32>
      %get3A_480 = arith.index_cast %scan3A_106 : i32 to index
      %get3A_481 = arith.constant 272 : index
      %get3A_482 = tpu.vector_load %arg12[%get3A_480, %get3A_481] {strides = array<i32>} : memref<32x1024xf32, #tpu.memory_space<vmem>>, vector<1x16xf32>,
      %get3A_483 = vector.shape_cast %get3A_482 : vector<1x16xf32> to vector<16xf32>
      %mul3A_484 = arith.mulf %get3A_113, %get3A_483 : vector<16xf32>
      %add3A_485 = arith.addf %add3A_479, %mul3A_484 : vector<16xf32>
      %swap3A_486 = arith.index_cast %scan3A_106 : i32 to index
      %swap3A_487 = arith.constant 272 : index
      %swap3A_488 = tpu.vector_load %arg13[%swap3A_486, %swap3A_487] {strides = array<i32>} : memref<32x1024xf32, #tpu.memory_space<vmem>>, vector<1x16xf32>,
      %swap3A_489 = vector.shape_cast %swap3A_488 : vector<1x16xf32> to vector<16xf32>
      %swap3A_490 = vector.shape_cast %add3A_485 : vector<16xf32> to vector<1x16xf32>
      tpu.vector_store %arg13[%swap3A_486, %swap3A_487], %swap3A_490 {strides = array<i32>} : memref<32x1024xf32, #tpu.memory_space<vmem>>, vector<1x16xf32>,
      %get3A_491 = arith.index_cast %scan3A_106 : i32 to index
      %get3A_492 = arith.constant 288 : index
      %get3A_493 = tpu.vector_load %arg13[%get3A_491, %get3A_492] {strides = array<i32>} : memref<32x1024xf32, #tpu.memory_space<vmem>>, vector<1x16xf32>,
      %get3A_494 = vector.shape_cast %get3A_493 : vector<1x16xf32> to vector<16xf32>
      %get3A_495 = arith.index_cast %scan3A_106 : i32 to index
      %get3A_496 = arith.constant 288 : index
      %get3A_497 = tpu.vector_load %arg11[%get3A_495, %get3A_496] {strides = array<i32>} : memref<32x1024xf32, #tpu.memory_space<vmem>>, vector<1x16xf32>,
      %get3A_498 = vector.shape_cast %get3A_497 : vector<1x16xf32> to vector<16xf32>
      %mul3A_499 = arith.mulf %get3A_109, %get3A_498 : vector<16xf32>
      %add3A_500 = arith.addf %get3A_494, %mul3A_499 : vector<16xf32>
      %get3A_501 = arith.index_cast %scan3A_106 : i32 to index
      %get3A_502 = arith.constant 288 : index
      %get3A_503 = tpu.vector_load %arg12[%get3A_501, %get3A_502] {strides = array<i32>} : memref<32x1024xf32, #tpu.memory_space<vmem>>, vector<1x16xf32>,
      %get3A_504 = vector.shape_cast %get3A_503 : vector<1x16xf32> to vector<16xf32>
      %mul3A_505 = arith.mulf %get3A_113, %get3A_504 : vector<16xf32>
      %add3A_506 = arith.addf %add3A_500, %mul3A_505 : vector<16xf32>
      %swap3A_507 = arith.index_cast %scan3A_106 : i32 to index
      %swap3A_508 = arith.constant 288 : index
      %swap3A_509 = tpu.vector_load %arg13[%swap3A_507, %swap3A_508] {strides = array<i32>} : memref<32x1024xf32, #tpu.memory_space<vmem>>, vector<1x16xf32>,
      %swap3A_510 = vector.shape_cast %swap3A_509 : vector<1x16xf32> to vector<16xf32>
      %swap3A_511 = vector.shape_cast %add3A_506 : vector<16xf32> to vector<1x16xf32>
      tpu.vector_store %arg13[%swap3A_507, %swap3A_508], %swap3A_511 {strides = array<i32>} : memref<32x1024xf32, #tpu.memory_space<vmem>>, vector<1x16xf32>,
      %get3A_512 = arith.index_cast %scan3A_106 : i32 to index
      %get3A_513 = arith.constant 304 : index
      %get3A_514 = tpu.vector_load %arg13[%get3A_512, %get3A_513] {strides = array<i32>} : memref<32x1024xf32, #tpu.memory_space<vmem>>, vector<1x16xf32>,
      %get3A_515 = vector.shape_cast %get3A_514 : vector<1x16xf32> to vector<16xf32>
      %get3A_516 = arith.index_cast %scan3A_106 : i32 to index
      %get3A_517 = arith.constant 304 : index
      %get3A_518 = tpu.vector_load %arg11[%get3A_516, %get3A_517] {strides = array<i32>} : memref<32x1024xf32, #tpu.memory_space<vmem>>, vector<1x16xf32>,
      %get3A_519 = vector.shape_cast %get3A_518 : vector<1x16xf32> to vector<16xf32>
      %mul3A_520 = arith.mulf %get3A_109, %get3A_519 : vector<16xf32>
      %add3A_521 = arith.addf %get3A_515, %mul3A_520 : vector<16xf32>
      %get3A_522 = arith.index_cast %scan3A_106 : i32 to index
      %get3A_523 = arith.constant 304 : index
      %get3A_524 = tpu.vector_load %arg12[%get3A_522, %get3A_523] {strides = array<i32>} : memref<32x1024xf32, #tpu.memory_space<vmem>>, vector<1x16xf32>,
      %get3A_525 = vector.shape_cast %get3A_524 : vector<1x16xf32> to vector<16xf32>
      %mul3A_526 = arith.mulf %get3A_113, %get3A_525 : vector<16xf32>
      %add3A_527 = arith.addf %add3A_521, %mul3A_526 : vector<16xf32>
      %swap3A_528 = arith.index_cast %scan3A_106 : i32 to index
      %swap3A_529 = arith.constant 304 : index
      %swap3A_530 = tpu.vector_load %arg13[%swap3A_528, %swap3A_529] {strides = array<i32>} : memref<32x1024xf32, #tpu.memory_space<vmem>>, vector<1x16xf32>,
      %swap3A_531 = vector.shape_cast %swap3A_530 : vector<1x16xf32> to vector<16xf32>
      %swap3A_532 = vector.shape_cast %add3A_527 : vector<16xf32> to vector<1x16xf32>
      tpu.vector_store %arg13[%swap3A_528, %swap3A_529], %swap3A_532 {strides = array<i32>} : memref<32x1024xf32, #tpu.memory_space<vmem>>, vector<1x16xf32>,
      %get3A_533 = arith.index_cast %scan3A_106 : i32 to index
      %get3A_534 = arith.constant 320 : index
      %get3A_535 = tpu.vector_load %arg13[%get3A_533, %get3A_534] {strides = array<i32>} : memref<32x1024xf32, #tpu.memory_space<vmem>>, vector<1x16xf32>,
      %get3A_536 = vector.shape_cast %get3A_535 : vector<1x16xf32> to vector<16xf32>
      %get3A_537 = arith.index_cast %scan3A_106 : i32 to index
      %get3A_538 = arith.constant 320 : index
      %get3A_539 = tpu.vector_load %arg11[%get3A_537, %get3A_538] {strides = array<i32>} : memref<32x1024xf32, #tpu.memory_space<vmem>>, vector<1x16xf32>,
      %get3A_540 = vector.shape_cast %get3A_539 : vector<1x16xf32> to vector<16xf32>
      %mul3A_541 = arith.mulf %get3A_109, %get3A_540 : vector<16xf32>
      %add3A_542 = arith.addf %get3A_536, %mul3A_541 : vector<16xf32>
      %get3A_543 = arith.index_cast %scan3A_106 : i32 to index
      %get3A_544 = arith.constant 320 : index
      %get3A_545 = tpu.vector_load %arg12[%get3A_543, %get3A_544] {strides = array<i32>} : memref<32x1024xf32, #tpu.memory_space<vmem>>, vector<1x16xf32>,
      %get3A_546 = vector.shape_cast %get3A_545 : vector<1x16xf32> to vector<16xf32>
      %mul3A_547 = arith.mulf %get3A_113, %get3A_546 : vector<16xf32>
      %add3A_548 = arith.addf %add3A_542, %mul3A_547 : vector<16xf32>
      %swap3A_549 = arith.index_cast %scan3A_106 : i32 to index
      %swap3A_550 = arith.constant 320 : index
      %swap3A_551 = tpu.vector_load %arg13[%swap3A_549, %swap3A_550] {strides = array<i32>} : memref<32x1024xf32, #tpu.memory_space<vmem>>, vector<1x16xf32>,
      %swap3A_552 = vector.shape_cast %swap3A_551 : vector<1x16xf32> to vector<16xf32>
      %swap3A_553 = vector.shape_cast %add3A_548 : vector<16xf32> to vector<1x16xf32>
      tpu.vector_store %arg13[%swap3A_549, %swap3A_550], %swap3A_553 {strides = array<i32>} : memref<32x1024xf32, #tpu.memory_space<vmem>>, vector<1x16xf32>,
      %get3A_554 = arith.index_cast %scan3A_106 : i32 to index
      %get3A_555 = arith.constant 336 : index
      %get3A_556 = tpu.vector_load %arg13[%get3A_554, %get3A_555] {strides = array<i32>} : memref<32x1024xf32, #tpu.memory_space<vmem>>, vector<1x16xf32>,
      %get3A_557 = vector.shape_cast %get3A_556 : vector<1x16xf32> to vector<16xf32>
      %get3A_558 = arith.index_cast %scan3A_106 : i32 to index
      %get3A_559 = arith.constant 336 : index
      %get3A_560 = tpu.vector_load %arg11[%get3A_558, %get3A_559] {strides = array<i32>} : memref<32x1024xf32, #tpu.memory_space<vmem>>, vector<1x16xf32>,
      %get3A_561 = vector.shape_cast %get3A_560 : vector<1x16xf32> to vector<16xf32>
      %mul3A_562 = arith.mulf %get3A_109, %get3A_561 : vector<16xf32>
      %add3A_563 = arith.addf %get3A_557, %mul3A_562 : vector<16xf32>
      %get3A_564 = arith.index_cast %scan3A_106 : i32 to index
      %get3A_565 = arith.constant 336 : index
      %get3A_566 = tpu.vector_load %arg12[%get3A_564, %get3A_565] {strides = array<i32>} : memref<32x1024xf32, #tpu.memory_space<vmem>>, vector<1x16xf32>,
      %get3A_567 = vector.shape_cast %get3A_566 : vector<1x16xf32> to vector<16xf32>
      %mul3A_568 = arith.mulf %get3A_113, %get3A_567 : vector<16xf32>
      %add3A_569 = arith.addf %add3A_563, %mul3A_568 : vector<16xf32>
      %swap3A_570 = arith.index_cast %scan3A_106 : i32 to index
      %swap3A_571 = arith.constant 336 : index
      %swap3A_572 = tpu.vector_load %arg13[%swap3A_570, %swap3A_571] {strides = array<i32>} : memref<32x1024xf32, #tpu.memory_space<vmem>>, vector<1x16xf32>,
      %swap3A_573 = vector.shape_cast %swap3A_572 : vector<1x16xf32> to vector<16xf32>
      %swap3A_574 = vector.shape_cast %add3A_569 : vector<16xf32> to vector<1x16xf32>
      tpu.vector_store %arg13[%swap3A_570, %swap3A_571], %swap3A_574 {strides = array<i32>} : memref<32x1024xf32, #tpu.memory_space<vmem>>, vector<1x16xf32>,
      %get3A_575 = arith.index_cast %scan3A_106 : i32 to index
      %get3A_576 = arith.constant 352 : index
      %get3A_577 = tpu.vector_load %arg13[%get3A_575, %get3A_576] {strides = array<i32>} : memref<32x1024xf32, #tpu.memory_space<vmem>>, vector<1x16xf32>,
      %get3A_578 = vector.shape_cast %get3A_577 : vector<1x16xf32> to vector<16xf32>
      %get3A_579 = arith.index_cast %scan3A_106 : i32 to index
      %get3A_580 = arith.constant 352 : index
      %get3A_581 = tpu.vector_load %arg11[%get3A_579, %get3A_580] {strides = array<i32>} : memref<32x1024xf32, #tpu.memory_space<vmem>>, vector<1x16xf32>,
      %get3A_582 = vector.shape_cast %get3A_581 : vector<1x16xf32> to vector<16xf32>
      %mul3A_583 = arith.mulf %get3A_109, %get3A_582 : vector<16xf32>
      %add3A_584 = arith.addf %get3A_578, %mul3A_583 : vector<16xf32>
      %get3A_585 = arith.index_cast %scan3A_106 : i32 to index
      %get3A_586 = arith.constant 352 : index
      %get3A_587 = tpu.vector_load %arg12[%get3A_585, %get3A_586] {strides = array<i32>} : memref<32x1024xf32, #tpu.memory_space<vmem>>, vector<1x16xf32>,
      %get3A_588 = vector.shape_cast %get3A_587 : vector<1x16xf32> to vector<16xf32>
      %mul3A_589 = arith.mulf %get3A_113, %get3A_588 : vector<16xf32>
      %add3A_590 = arith.addf %add3A_584, %mul3A_589 : vector<16xf32>
      %swap3A_591 = arith.index_cast %scan3A_106 : i32 to index
      %swap3A_592 = arith.constant 352 : index
      %swap3A_593 = tpu.vector_load %arg13[%swap3A_591, %swap3A_592] {strides = array<i32>} : memref<32x1024xf32, #tpu.memory_space<vmem>>, vector<1x16xf32>,
      %swap3A_594 = vector.shape_cast %swap3A_593 : vector<1x16xf32> to vector<16xf32>
      %swap3A_595 = vector.shape_cast %add3A_590 : vector<16xf32> to vector<1x16xf32>
      tpu.vector_store %arg13[%swap3A_591, %swap3A_592], %swap3A_595 {strides = array<i32>} : memref<32x1024xf32, #tpu.memory_space<vmem>>, vector<1x16xf32>,
      %get3A_596 = arith.index_cast %scan3A_106 : i32 to index
      %get3A_597 = arith.constant 368 : index
      %get3A_598 = tpu.vector_load %arg13[%get3A_596, %get3A_597] {strides = array<i32>} : memref<32x1024xf32, #tpu.memory_space<vmem>>, vector<1x16xf32>,
      %get3A_599 = vector.shape_cast %get3A_598 : vector<1x16xf32> to vector<16xf32>
      %get3A_600 = arith.index_cast %scan3A_106 : i32 to index
      %get3A_601 = arith.constant 368 : index
      %get3A_602 = tpu.vector_load %arg11[%get3A_600, %get3A_601] {strides = array<i32>} : memref<32x1024xf32, #tpu.memory_space<vmem>>, vector<1x16xf32>,
      %get3A_603 = vector.shape_cast %get3A_602 : vector<1x16xf32> to vector<16xf32>
      %mul3A_604 = arith.mulf %get3A_109, %get3A_603 : vector<16xf32>
      %add3A_605 = arith.addf %get3A_599, %mul3A_604 : vector<16xf32>
      %get3A_606 = arith.index_cast %scan3A_106 : i32 to index
      %get3A_607 = arith.constant 368 : index
      %get3A_608 = tpu.vector_load %arg12[%get3A_606, %get3A_607] {strides = array<i32>} : memref<32x1024xf32, #tpu.memory_space<vmem>>, vector<1x16xf32>,
      %get3A_609 = vector.shape_cast %get3A_608 : vector<1x16xf32> to vector<16xf32>
      %mul3A_610 = arith.mulf %get3A_113, %get3A_609 : vector<16xf32>
      %add3A_611 = arith.addf %add3A_605, %mul3A_610 : vector<16xf32>
      %swap3A_612 = arith.index_cast %scan3A_106 : i32 to index
      %swap3A_613 = arith.constant 368 : index
      %swap3A_614 = tpu.vector_load %arg13[%swap3A_612, %swap3A_613] {strides = array<i32>} : memref<32x1024xf32, #tpu.memory_space<vmem>>, vector<1x16xf32>,
      %swap3A_615 = vector.shape_cast %swap3A_614 : vector<1x16xf32> to vector<16xf32>
      %swap3A_616 = vector.shape_cast %add3A_611 : vector<16xf32> to vector<1x16xf32>
      tpu.vector_store %arg13[%swap3A_612, %swap3A_613], %swap3A_616 {strides = array<i32>} : memref<32x1024xf32, #tpu.memory_space<vmem>>, vector<1x16xf32>,
      %get3A_617 = arith.index_cast %scan3A_106 : i32 to index
      %get3A_618 = arith.constant 384 : index
      %get3A_619 = tpu.vector_load %arg13[%get3A_617, %get3A_618] {strides = array<i32>} : memref<32x1024xf32, #tpu.memory_space<vmem>>, vector<1x16xf32>,
      %get3A_620 = vector.shape_cast %get3A_619 : vector<1x16xf32> to vector<16xf32>
      %get3A_621 = arith.index_cast %scan3A_106 : i32 to index
      %get3A_622 = arith.constant 384 : index
      %get3A_623 = tpu.vector_load %arg11[%get3A_621, %get3A_622] {strides = array<i32>} : memref<32x1024xf32, #tpu.memory_space<vmem>>, vector<1x16xf32>,
      %get3A_624 = vector.shape_cast %get3A_623 : vector<1x16xf32> to vector<16xf32>
      %mul3A_625 = arith.mulf %get3A_109, %get3A_624 : vector<16xf32>
      %add3A_626 = arith.addf %get3A_620, %mul3A_625 : vector<16xf32>
      %get3A_627 = arith.index_cast %scan3A_106 : i32 to index
      %get3A_628 = arith.constant 384 : index
      %get3A_629 = tpu.vector_load %arg12[%get3A_627, %get3A_628] {strides = array<i32>} : memref<32x1024xf32, #tpu.memory_space<vmem>>, vector<1x16xf32>,
      %get3A_630 = vector.shape_cast %get3A_629 : vector<1x16xf32> to vector<16xf32>
      %mul3A_631 = arith.mulf %get3A_113, %get3A_630 : vector<16xf32>
      %add3A_632 = arith.addf %add3A_626, %mul3A_631 : vector<16xf32>
      %swap3A_633 = arith.index_cast %scan3A_106 : i32 to index
      %swap3A_634 = arith.constant 384 : index
      %swap3A_635 = tpu.vector_load %arg13[%swap3A_633, %swap3A_634] {strides = array<i32>} : memref<32x1024xf32, #tpu.memory_space<vmem>>, vector<1x16xf32>,
      %swap3A_636 = vector.shape_cast %swap3A_635 : vector<1x16xf32> to vector<16xf32>
      %swap3A_637 = vector.shape_cast %add3A_632 : vector<16xf32> to vector<1x16xf32>
      tpu.vector_store %arg13[%swap3A_633, %swap3A_634], %swap3A_637 {strides = array<i32>} : memref<32x1024xf32, #tpu.memory_space<vmem>>, vector<1x16xf32>,
      %get3A_638 = arith.index_cast %scan3A_106 : i32 to index
      %get3A_639 = arith.constant 400 : index
      %get3A_640 = tpu.vector_load %arg13[%get3A_638, %get3A_639] {strides = array<i32>} : memref<32x1024xf32, #tpu.memory_space<vmem>>, vector<1x16xf32>,
      %get3A_641 = vector.shape_cast %get3A_640 : vector<1x16xf32> to vector<16xf32>
      %get3A_642 = arith.index_cast %scan3A_106 : i32 to index
      %get3A_643 = arith.constant 400 : index
      %get3A_644 = tpu.vector_load %arg11[%get3A_642, %get3A_643] {strides = array<i32>} : memref<32x1024xf32, #tpu.memory_space<vmem>>, vector<1x16xf32>,
      %get3A_645 = vector.shape_cast %get3A_644 : vector<1x16xf32> to vector<16xf32>
      %mul3A_646 = arith.mulf %get3A_109, %get3A_645 : vector<16xf32>
      %add3A_647 = arith.addf %get3A_641, %mul3A_646 : vector<16xf32>
      %get3A_648 = arith.index_cast %scan3A_106 : i32 to index
      %get3A_649 = arith.constant 400 : index
      %get3A_650 = tpu.vector_load %arg12[%get3A_648, %get3A_649] {strides = array<i32>} : memref<32x1024xf32, #tpu.memory_space<vmem>>, vector<1x16xf32>,
      %get3A_651 = vector.shape_cast %get3A_650 : vector<1x16xf32> to vector<16xf32>
      %mul3A_652 = arith.mulf %get3A_113, %get3A_651 : vector<16xf32>
      %add3A_653 = arith.addf %add3A_647, %mul3A_652 : vector<16xf32>
      %swap3A_654 = arith.index_cast %scan3A_106 : i32 to index
      %swap3A_655 = arith.constant 400 : index
      %swap3A_656 = tpu.vector_load %arg13[%swap3A_654, %swap3A_655] {strides = array<i32>} : memref<32x1024xf32, #tpu.memory_space<vmem>>, vector<1x16xf32>,
      %swap3A_657 = vector.shape_cast %swap3A_656 : vector<1x16xf32> to vector<16xf32>
      %swap3A_658 = vector.shape_cast %add3A_653 : vector<16xf32> to vector<1x16xf32>
      tpu.vector_store %arg13[%swap3A_654, %swap3A_655], %swap3A_658 {strides = array<i32>} : memref<32x1024xf32, #tpu.memory_space<vmem>>, vector<1x16xf32>,
      %get3A_659 = arith.index_cast %scan3A_106 : i32 to index
      %get3A_660 = arith.constant 416 : index
      %get3A_661 = tpu.vector_load %arg13[%get3A_659, %get3A_660] {strides = array<i32>} : memref<32x1024xf32, #tpu.memory_space<vmem>>, vector<1x16xf32>,
      %get3A_662 = vector.shape_cast %get3A_661 : vector<1x16xf32> to vector<16xf32>
      %get3A_663 = arith.index_cast %scan3A_106 : i32 to index
      %get3A_664 = arith.constant 416 : index
      %get3A_665 = tpu.vector_load %arg11[%get3A_663, %get3A_664] {strides = array<i32>} : memref<32x1024xf32, #tpu.memory_space<vmem>>, vector<1x16xf32>,
      %get3A_666 = vector.shape_cast %get3A_665 : vector<1x16xf32> to vector<16xf32>
      %mul3A_667 = arith.mulf %get3A_109, %get3A_666 : vector<16xf32>
      %add3A_668 = arith.addf %get3A_662, %mul3A_667 : vector<16xf32>
      %get3A_669 = arith.index_cast %scan3A_106 : i32 to index
      %get3A_670 = arith.constant 416 : index
      %get3A_671 = tpu.vector_load %arg12[%get3A_669, %get3A_670] {strides = array<i32>} : memref<32x1024xf32, #tpu.memory_space<vmem>>, vector<1x16xf32>,
      %get3A_672 = vector.shape_cast %get3A_671 : vector<1x16xf32> to vector<16xf32>
      %mul3A_673 = arith.mulf %get3A_113, %get3A_672 : vector<16xf32>
      %add3A_674 = arith.addf %add3A_668, %mul3A_673 : vector<16xf32>
      %swap3A_675 = arith.index_cast %scan3A_106 : i32 to index
      %swap3A_676 = arith.constant 416 : index
      %swap3A_677 = tpu.vector_load %arg13[%swap3A_675, %swap3A_676] {strides = array<i32>} : memref<32x1024xf32, #tpu.memory_space<vmem>>, vector<1x16xf32>,
      %swap3A_678 = vector.shape_cast %swap3A_677 : vector<1x16xf32> to vector<16xf32>
      %swap3A_679 = vector.shape_cast %add3A_674 : vector<16xf32> to vector<1x16xf32>
      tpu.vector_store %arg13[%swap3A_675, %swap3A_676], %swap3A_679 {strides = array<i32>} : memref<32x1024xf32, #tpu.memory_space<vmem>>, vector<1x16xf32>,
      %get3A_680 = arith.index_cast %scan3A_106 : i32 to index
      %get3A_681 = arith.constant 432 : index
      %get3A_682 = tpu.vector_load %arg13[%get3A_680, %get3A_681] {strides = array<i32>} : memref<32x1024xf32, #tpu.memory_space<vmem>>, vector<1x16xf32>,
      %get3A_683 = vector.shape_cast %get3A_682 : vector<1x16xf32> to vector<16xf32>
      %get3A_684 = arith.index_cast %scan3A_106 : i32 to index
      %get3A_685 = arith.constant 432 : index
      %get3A_686 = tpu.vector_load %arg11[%get3A_684, %get3A_685] {strides = array<i32>} : memref<32x1024xf32, #tpu.memory_space<vmem>>, vector<1x16xf32>,
      %get3A_687 = vector.shape_cast %get3A_686 : vector<1x16xf32> to vector<16xf32>
      %mul3A_688 = arith.mulf %get3A_109, %get3A_687 : vector<16xf32>
      %add3A_689 = arith.addf %get3A_683, %mul3A_688 : vector<16xf32>
      %get3A_690 = arith.index_cast %scan3A_106 : i32 to index
      %get3A_691 = arith.constant 432 : index
      %get3A_692 = tpu.vector_load %arg12[%get3A_690, %get3A_691] {strides = array<i32>} : memref<32x1024xf32, #tpu.memory_space<vmem>>, vector<1x16xf32>,
      %get3A_693 = vector.shape_cast %get3A_692 : vector<1x16xf32> to vector<16xf32>
      %mul3A_694 = arith.mulf %get3A_113, %get3A_693 : vector<16xf32>
      %add3A_695 = arith.addf %add3A_689, %mul3A_694 : vector<16xf32>
      %swap3A_696 = arith.index_cast %scan3A_106 : i32 to index
      %swap3A_697 = arith.constant 432 : index
      %swap3A_698 = tpu.vector_load %arg13[%swap3A_696, %swap3A_697] {strides = array<i32>} : memref<32x1024xf32, #tpu.memory_space<vmem>>, vector<1x16xf32>,
      %swap3A_699 = vector.shape_cast %swap3A_698 : vector<1x16xf32> to vector<16xf32>
      %swap3A_700 = vector.shape_cast %add3A_695 : vector<16xf32> to vector<1x16xf32>
      tpu.vector_store %arg13[%swap3A_696, %swap3A_697], %swap3A_700 {strides = array<i32>} : memref<32x1024xf32, #tpu.memory_space<vmem>>, vector<1x16xf32>,
      %get3A_701 = arith.index_cast %scan3A_106 : i32 to index
      %get3A_702 = arith.constant 448 : index
      %get3A_703 = tpu.vector_load %arg13[%get3A_701, %get3A_702] {strides = array<i32>} : memref<32x1024xf32, #tpu.memory_space<vmem>>, vector<1x16xf32>,
      %get3A_704 = vector.shape_cast %get3A_703 : vector<1x16xf32> to vector<16xf32>
      %get3A_705 = arith.index_cast %scan3A_106 : i32 to index
      %get3A_706 = arith.constant 448 : index
      %get3A_707 = tpu.vector_load %arg11[%get3A_705, %get3A_706] {strides = array<i32>} : memref<32x1024xf32, #tpu.memory_space<vmem>>, vector<1x16xf32>,
      %get3A_708 = vector.shape_cast %get3A_707 : vector<1x16xf32> to vector<16xf32>
      %mul3A_709 = arith.mulf %get3A_109, %get3A_708 : vector<16xf32>
      %add3A_710 = arith.addf %get3A_704, %mul3A_709 : vector<16xf32>
      %get3A_711 = arith.index_cast %scan3A_106 : i32 to index
      %get3A_712 = arith.constant 448 : index
      %get3A_713 = tpu.vector_load %arg12[%get3A_711, %get3A_712] {strides = array<i32>} : memref<32x1024xf32, #tpu.memory_space<vmem>>, vector<1x16xf32>,
      %get3A_714 = vector.shape_cast %get3A_713 : vector<1x16xf32> to vector<16xf32>
      %mul3A_715 = arith.mulf %get3A_113, %get3A_714 : vector<16xf32>
      %add3A_716 = arith.addf %add3A_710, %mul3A_715 : vector<16xf32>
      %swap3A_717 = arith.index_cast %scan3A_106 : i32 to index
      %swap3A_718 = arith.constant 448 : index
      %swap3A_719 = tpu.vector_load %arg13[%swap3A_717, %swap3A_718] {strides = array<i32>} : memref<32x1024xf32, #tpu.memory_space<vmem>>, vector<1x16xf32>,
      %swap3A_720 = vector.shape_cast %swap3A_719 : vector<1x16xf32> to vector<16xf32>
      %swap3A_721 = vector.shape_cast %add3A_716 : vector<16xf32> to vector<1x16xf32>
      tpu.vector_store %arg13[%swap3A_717, %swap3A_718], %swap3A_721 {strides = array<i32>} : memref<32x1024xf32, #tpu.memory_space<vmem>>, vector<1x16xf32>,
      %get3A_722 = arith.index_cast %scan3A_106 : i32 to index
      %get3A_723 = arith.constant 464 : index
      %get3A_724 = tpu.vector_load %arg13[%get3A_722, %get3A_723] {strides = array<i32>} : memref<32x1024xf32, #tpu.memory_space<vmem>>, vector<1x16xf32>,
      %get3A_725 = vector.shape_cast %get3A_724 : vector<1x16xf32> to vector<16xf32>
      %get3A_726 = arith.index_cast %scan3A_106 : i32 to index
      %get3A_727 = arith.constant 464 : index
      %get3A_728 = tpu.vector_load %arg11[%get3A_726, %get3A_727] {strides = array<i32>} : memref<32x1024xf32, #tpu.memory_space<vmem>>, vector<1x16xf32>,
      %get3A_729 = vector.shape_cast %get3A_728 : vector<1x16xf32> to vector<16xf32>
      %mul3A_730 = arith.mulf %get3A_109, %get3A_729 : vector<16xf32>
      %add3A_731 = arith.addf %get3A_725, %mul3A_730 : vector<16xf32>
      %get3A_732 = arith.index_cast %scan3A_106 : i32 to index
      %get3A_733 = arith.constant 464 : index
      %get3A_734 = tpu.vector_load %arg12[%get3A_732, %get3A_733] {strides = array<i32>} : memref<32x1024xf32, #tpu.memory_space<vmem>>, vector<1x16xf32>,
      %get3A_735 = vector.shape_cast %get3A_734 : vector<1x16xf32> to vector<16xf32>
      %mul3A_736 = arith.mulf %get3A_113, %get3A_735 : vector<16xf32>
      %add3A_737 = arith.addf %add3A_731, %mul3A_736 : vector<16xf32>
      %swap3A_738 = arith.index_cast %scan3A_106 : i32 to index
      %swap3A_739 = arith.constant 464 : index
      %swap3A_740 = tpu.vector_load %arg13[%swap3A_738, %swap3A_739] {strides = array<i32>} : memref<32x1024xf32, #tpu.memory_space<vmem>>, vector<1x16xf32>,
      %swap3A_741 = vector.shape_cast %swap3A_740 : vector<1x16xf32> to vector<16xf32>
      %swap3A_742 = vector.shape_cast %add3A_737 : vector<16xf32> to vector<1x16xf32>
      tpu.vector_store %arg13[%swap3A_738, %swap3A_739], %swap3A_742 {strides = array<i32>} : memref<32x1024xf32, #tpu.memory_space<vmem>>, vector<1x16xf32>,
      %get3A_743 = arith.index_cast %scan3A_106 : i32 to index
      %get3A_744 = arith.constant 480 : index
      %get3A_745 = tpu.vector_load %arg13[%get3A_743, %get3A_744] {strides = array<i32>} : memref<32x1024xf32, #tpu.memory_space<vmem>>, vector<1x16xf32>,
      %get3A_746 = vector.shape_cast %get3A_745 : vector<1x16xf32> to vector<16xf32>
      %get3A_747 = arith.index_cast %scan3A_106 : i32 to index
      %get3A_748 = arith.constant 480 : index
      %get3A_749 = tpu.vector_load %arg11[%get3A_747, %get3A_748] {strides = array<i32>} : memref<32x1024xf32, #tpu.memory_space<vmem>>, vector<1x16xf32>,
      %get3A_750 = vector.shape_cast %get3A_749 : vector<1x16xf32> to vector<16xf32>
      %mul3A_751 = arith.mulf %get3A_109, %get3A_750 : vector<16xf32>
      %add3A_752 = arith.addf %get3A_746, %mul3A_751 : vector<16xf32>
      %get3A_753 = arith.index_cast %scan3A_106 : i32 to index
      %get3A_754 = arith.constant 480 : index
      %get3A_755 = tpu.vector_load %arg12[%get3A_753, %get3A_754] {strides = array<i32>} : memref<32x1024xf32, #tpu.memory_space<vmem>>, vector<1x16xf32>,
      %get3A_756 = vector.shape_cast %get3A_755 : vector<1x16xf32> to vector<16xf32>
      %mul3A_757 = arith.mulf %get3A_113, %get3A_756 : vector<16xf32>
      %add3A_758 = arith.addf %add3A_752, %mul3A_757 : vector<16xf32>
      %swap3A_759 = arith.index_cast %scan3A_106 : i32 to index
      %swap3A_760 = arith.constant 480 : index
      %swap3A_761 = tpu.vector_load %arg13[%swap3A_759, %swap3A_760] {strides = array<i32>} : memref<32x1024xf32, #tpu.memory_space<vmem>>, vector<1x16xf32>,
      %swap3A_762 = vector.shape_cast %swap3A_761 : vector<1x16xf32> to vector<16xf32>
      %swap3A_763 = vector.shape_cast %add3A_758 : vector<16xf32> to vector<1x16xf32>
      tpu.vector_store %arg13[%swap3A_759, %swap3A_760], %swap3A_763 {strides = array<i32>} : memref<32x1024xf32, #tpu.memory_space<vmem>>, vector<1x16xf32>,
      %get3A_764 = arith.index_cast %scan3A_106 : i32 to index
      %get3A_765 = arith.constant 496 : index
      %get3A_766 = tpu.vector_load %arg13[%get3A_764, %get3A_765] {strides = array<i32>} : memref<32x1024xf32, #tpu.memory_space<vmem>>, vector<1x16xf32>,
      %get3A_767 = vector.shape_cast %get3A_766 : vector<1x16xf32> to vector<16xf32>
      %get3A_768 = arith.index_cast %scan3A_106 : i32 to index
      %get3A_769 = arith.constant 496 : index
      %get3A_770 = tpu.vector_load %arg11[%get3A_768, %get3A_769] {strides = array<i32>} : memref<32x1024xf32, #tpu.memory_space<vmem>>, vector<1x16xf32>,
      %get3A_771 = vector.shape_cast %get3A_770 : vector<1x16xf32> to vector<16xf32>
      %mul3A_772 = arith.mulf %get3A_109, %get3A_771 : vector<16xf32>
      %add3A_773 = arith.addf %get3A_767, %mul3A_772 : vector<16xf32>
      %get3A_774 = arith.index_cast %scan3A_106 : i32 to index
      %get3A_775 = arith.constant 496 : index
      %get3A_776 = tpu.vector_load %arg12[%get3A_774, %get3A_775] {strides = array<i32>} : memref<32x1024xf32, #tpu.memory_space<vmem>>, vector<1x16xf32>,
      %get3A_777 = vector.shape_cast %get3A_776 : vector<1x16xf32> to vector<16xf32>
      %mul3A_778 = arith.mulf %get3A_113, %get3A_777 : vector<16xf32>
      %add3A_779 = arith.addf %add3A_773, %mul3A_778 : vector<16xf32>
      %swap3A_780 = arith.index_cast %scan3A_106 : i32 to index
      %swap3A_781 = arith.constant 496 : index
      %swap3A_782 = tpu.vector_load %arg13[%swap3A_780, %swap3A_781] {strides = array<i32>} : memref<32x1024xf32, #tpu.memory_space<vmem>>, vector<1x16xf32>,
      %swap3A_783 = vector.shape_cast %swap3A_782 : vector<1x16xf32> to vector<16xf32>
      %swap3A_784 = vector.shape_cast %add3A_779 : vector<16xf32> to vector<1x16xf32>
      tpu.vector_store %arg13[%swap3A_780, %swap3A_781], %swap3A_784 {strides = array<i32>} : memref<32x1024xf32, #tpu.memory_space<vmem>>, vector<1x16xf32>,
      %get3A_785 = arith.index_cast %scan3A_106 : i32 to index
      %get3A_786 = arith.constant 512 : index
      %get3A_787 = tpu.vector_load %arg13[%get3A_785, %get3A_786] {strides = array<i32>} : memref<32x1024xf32, #tpu.memory_space<vmem>>, vector<1x16xf32>,
      %get3A_788 = vector.shape_cast %get3A_787 : vector<1x16xf32> to vector<16xf32>
      %get3A_789 = arith.index_cast %scan3A_106 : i32 to index
      %get3A_790 = arith.constant 512 : index
      %get3A_791 = tpu.vector_load %arg11[%get3A_789, %get3A_790] {strides = array<i32>} : memref<32x1024xf32, #tpu.memory_space<vmem>>, vector<1x16xf32>,
      %get3A_792 = vector.shape_cast %get3A_791 : vector<1x16xf32> to vector<16xf32>
      %mul3A_793 = arith.mulf %get3A_109, %get3A_792 : vector<16xf32>
      %add3A_794 = arith.addf %get3A_788, %mul3A_793 : vector<16xf32>
      %get3A_795 = arith.index_cast %scan3A_106 : i32 to index
      %get3A_796 = arith.constant 512 : index
      %get3A_797 = tpu.vector_load %arg12[%get3A_795, %get3A_796] {strides = array<i32>} : memref<32x1024xf32, #tpu.memory_space<vmem>>, vector<1x16xf32>,
      %get3A_798 = vector.shape_cast %get3A_797 : vector<1x16xf32> to vector<16xf32>
      %mul3A_799 = arith.mulf %get3A_113, %get3A_798 : vector<16xf32>
      %add3A_800 = arith.addf %add3A_794, %mul3A_799 : vector<16xf32>
      %swap3A_801 = arith.index_cast %scan3A_106 : i32 to index
      %swap3A_802 = arith.constant 512 : index
      %swap3A_803 = tpu.vector_load %arg13[%swap3A_801, %swap3A_802] {strides = array<i32>} : memref<32x1024xf32, #tpu.memory_space<vmem>>, vector<1x16xf32>,
      %swap3A_804 = vector.shape_cast %swap3A_803 : vector<1x16xf32> to vector<16xf32>
      %swap3A_805 = vector.shape_cast %add3A_800 : vector<16xf32> to vector<1x16xf32>
      tpu.vector_store %arg13[%swap3A_801, %swap3A_802], %swap3A_805 {strides = array<i32>} : memref<32x1024xf32, #tpu.memory_space<vmem>>, vector<1x16xf32>,
      %get3A_806 = arith.index_cast %scan3A_106 : i32 to index
      %get3A_807 = arith.constant 528 : index
      %get3A_808 = tpu.vector_load %arg13[%get3A_806, %get3A_807] {strides = array<i32>} : memref<32x1024xf32, #tpu.memory_space<vmem>>, vector<1x16xf32>,
      %get3A_809 = vector.shape_cast %get3A_808 : vector<1x16xf32> to vector<16xf32>
      %get3A_810 = arith.index_cast %scan3A_106 : i32 to index
      %get3A_811 = arith.constant 528 : index
      %get3A_812 = tpu.vector_load %arg11[%get3A_810, %get3A_811] {strides = array<i32>} : memref<32x1024xf32, #tpu.memory_space<vmem>>, vector<1x16xf32>,
      %get3A_813 = vector.shape_cast %get3A_812 : vector<1x16xf32> to vector<16xf32>
      %mul3A_814 = arith.mulf %get3A_109, %get3A_813 : vector<16xf32>
      %add3A_815 = arith.addf %get3A_809, %mul3A_814 : vector<16xf32>
      %get3A_816 = arith.index_cast %scan3A_106 : i32 to index
      %get3A_817 = arith.constant 528 : index
      %get3A_818 = tpu.vector_load %arg12[%get3A_816, %get3A_817] {strides = array<i32>} : memref<32x1024xf32, #tpu.memory_space<vmem>>, vector<1x16xf32>,
      %get3A_819 = vector.shape_cast %get3A_818 : vector<1x16xf32> to vector<16xf32>
      %mul3A_820 = arith.mulf %get3A_113, %get3A_819 : vector<16xf32>
      %add3A_821 = arith.addf %add3A_815, %mul3A_820 : vector<16xf32>
      %swap3A_822 = arith.index_cast %scan3A_106 : i32 to index
      %swap3A_823 = arith.constant 528 : index
      %swap3A_824 = tpu.vector_load %arg13[%swap3A_822, %swap3A_823] {strides = array<i32>} : memref<32x1024xf32, #tpu.memory_space<vmem>>, vector<1x16xf32>,
      %swap3A_825 = vector.shape_cast %swap3A_824 : vector<1x16xf32> to vector<16xf32>
      %swap3A_826 = vector.shape_cast %add3A_821 : vector<16xf32> to vector<1x16xf32>
      tpu.vector_store %arg13[%swap3A_822, %swap3A_823], %swap3A_826 {strides = array<i32>} : memref<32x1024xf32, #tpu.memory_space<vmem>>, vector<1x16xf32>,
      %get3A_827 = arith.index_cast %scan3A_106 : i32 to index
      %get3A_828 = arith.constant 544 : index
      %get3A_829 = tpu.vector_load %arg13[%get3A_827, %get3A_828] {strides = array<i32>} : memref<32x1024xf32, #tpu.memory_space<vmem>>, vector<1x16xf32>,
      %get3A_830 = vector.shape_cast %get3A_829 : vector<1x16xf32> to vector<16xf32>
      %get3A_831 = arith.index_cast %scan3A_106 : i32 to index
      %get3A_832 = arith.constant 544 : index
      %get3A_833 = tpu.vector_load %arg11[%get3A_831, %get3A_832] {strides = array<i32>} : memref<32x1024xf32, #tpu.memory_space<vmem>>, vector<1x16xf32>,
      %get3A_834 = vector.shape_cast %get3A_833 : vector<1x16xf32> to vector<16xf32>
      %mul3A_835 = arith.mulf %get3A_109, %get3A_834 : vector<16xf32>
      %add3A_836 = arith.addf %get3A_830, %mul3A_835 : vector<16xf32>
      %get3A_837 = arith.index_cast %scan3A_106 : i32 to index
      %get3A_838 = arith.constant 544 : index
      %get3A_839 = tpu.vector_load %arg12[%get3A_837, %get3A_838] {strides = array<i32>} : memref<32x1024xf32, #tpu.memory_space<vmem>>, vector<1x16xf32>,
      %get3A_840 = vector.shape_cast %get3A_839 : vector<1x16xf32> to vector<16xf32>
      %mul3A_841 = arith.mulf %get3A_113, %get3A_840 : vector<16xf32>
      %add3A_842 = arith.addf %add3A_836, %mul3A_841 : vector<16xf32>
      %swap3A_843 = arith.index_cast %scan3A_106 : i32 to index
      %swap3A_844 = arith.constant 544 : index
      %swap3A_845 = tpu.vector_load %arg13[%swap3A_843, %swap3A_844] {strides = array<i32>} : memref<32x1024xf32, #tpu.memory_space<vmem>>, vector<1x16xf32>,
      %swap3A_846 = vector.shape_cast %swap3A_845 : vector<1x16xf32> to vector<16xf32>
      %swap3A_847 = vector.shape_cast %add3A_842 : vector<16xf32> to vector<1x16xf32>
      tpu.vector_store %arg13[%swap3A_843, %swap3A_844], %swap3A_847 {strides = array<i32>} : memref<32x1024xf32, #tpu.memory_space<vmem>>, vector<1x16xf32>,
      %get3A_848 = arith.index_cast %scan3A_106 : i32 to index
      %get3A_849 = arith.constant 560 : index
      %get3A_850 = tpu.vector_load %arg13[%get3A_848, %get3A_849] {strides = array<i32>} : memref<32x1024xf32, #tpu.memory_space<vmem>>, vector<1x16xf32>,
      %get3A_851 = vector.shape_cast %get3A_850 : vector<1x16xf32> to vector<16xf32>
      %get3A_852 = arith.index_cast %scan3A_106 : i32 to index
      %get3A_853 = arith.constant 560 : index
      %get3A_854 = tpu.vector_load %arg11[%get3A_852, %get3A_853] {strides = array<i32>} : memref<32x1024xf32, #tpu.memory_space<vmem>>, vector<1x16xf32>,
      %get3A_855 = vector.shape_cast %get3A_854 : vector<1x16xf32> to vector<16xf32>
      %mul3A_856 = arith.mulf %get3A_109, %get3A_855 : vector<16xf32>
      %add3A_857 = arith.addf %get3A_851, %mul3A_856 : vector<16xf32>
      %get3A_858 = arith.index_cast %scan3A_106 : i32 to index
      %get3A_859 = arith.constant 560 : index
      %get3A_860 = tpu.vector_load %arg12[%get3A_858, %get3A_859] {strides = array<i32>} : memref<32x1024xf32, #tpu.memory_space<vmem>>, vector<1x16xf32>,
      %get3A_861 = vector.shape_cast %get3A_860 : vector<1x16xf32> to vector<16xf32>
      %mul3A_862 = arith.mulf %get3A_113, %get3A_861 : vector<16xf32>
      %add3A_863 = arith.addf %add3A_857, %mul3A_862 : vector<16xf32>
      %swap3A_864 = arith.index_cast %scan3A_106 : i32 to index
      %swap3A_865 = arith.constant 560 : index
      %swap3A_866 = tpu.vector_load %arg13[%swap3A_864, %swap3A_865] {strides = array<i32>} : memref<32x1024xf32, #tpu.memory_space<vmem>>, vector<1x16xf32>,
      %swap3A_867 = vector.shape_cast %swap3A_866 : vector<1x16xf32> to vector<16xf32>
      %swap3A_868 = vector.shape_cast %add3A_863 : vector<16xf32> to vector<1x16xf32>
      tpu.vector_store %arg13[%swap3A_864, %swap3A_865], %swap3A_868 {strides = array<i32>} : memref<32x1024xf32, #tpu.memory_space<vmem>>, vector<1x16xf32>,
      %get3A_869 = arith.index_cast %scan3A_106 : i32 to index
      %get3A_870 = arith.constant 576 : index
      %get3A_871 = tpu.vector_load %arg13[%get3A_869, %get3A_870] {strides = array<i32>} : memref<32x1024xf32, #tpu.memory_space<vmem>>, vector<1x16xf32>,
      %get3A_872 = vector.shape_cast %get3A_871 : vector<1x16xf32> to vector<16xf32>
      %get3A_873 = arith.index_cast %scan3A_106 : i32 to index
      %get3A_874 = arith.constant 576 : index
      %get3A_875 = tpu.vector_load %arg11[%get3A_873, %get3A_874] {strides = array<i32>} : memref<32x1024xf32, #tpu.memory_space<vmem>>, vector<1x16xf32>,
      %get3A_876 = vector.shape_cast %get3A_875 : vector<1x16xf32> to vector<16xf32>
      %mul3A_877 = arith.mulf %get3A_109, %get3A_876 : vector<16xf32>
      %add3A_878 = arith.addf %get3A_872, %mul3A_877 : vector<16xf32>
      %get3A_879 = arith.index_cast %scan3A_106 : i32 to index
      %get3A_880 = arith.constant 576 : index
      %get3A_881 = tpu.vector_load %arg12[%get3A_879, %get3A_880] {strides = array<i32>} : memref<32x1024xf32, #tpu.memory_space<vmem>>, vector<1x16xf32>,
      %get3A_882 = vector.shape_cast %get3A_881 : vector<1x16xf32> to vector<16xf32>
      %mul3A_883 = arith.mulf %get3A_113, %get3A_882 : vector<16xf32>
      %add3A_884 = arith.addf %add3A_878, %mul3A_883 : vector<16xf32>
      %swap3A_885 = arith.index_cast %scan3A_106 : i32 to index
      %swap3A_886 = arith.constant 576 : index
      %swap3A_887 = tpu.vector_load %arg13[%swap3A_885, %swap3A_886] {strides = array<i32>} : memref<32x1024xf32, #tpu.memory_space<vmem>>, vector<1x16xf32>,
      %swap3A_888 = vector.shape_cast %swap3A_887 : vector<1x16xf32> to vector<16xf32>
      %swap3A_889 = vector.shape_cast %add3A_884 : vector<16xf32> to vector<1x16xf32>
      tpu.vector_store %arg13[%swap3A_885, %swap3A_886], %swap3A_889 {strides = array<i32>} : memref<32x1024xf32, #tpu.memory_space<vmem>>, vector<1x16xf32>,
      %get3A_890 = arith.index_cast %scan3A_106 : i32 to index
      %get3A_891 = arith.constant 592 : index
      %get3A_892 = tpu.vector_load %arg13[%get3A_890, %get3A_891] {strides = array<i32>} : memref<32x1024xf32, #tpu.memory_space<vmem>>, vector<1x16xf32>,
      %get3A_893 = vector.shape_cast %get3A_892 : vector<1x16xf32> to vector<16xf32>
      %get3A_894 = arith.index_cast %scan3A_106 : i32 to index
      %get3A_895 = arith.constant 592 : index
      %get3A_896 = tpu.vector_load %arg11[%get3A_894, %get3A_895] {strides = array<i32>} : memref<32x1024xf32, #tpu.memory_space<vmem>>, vector<1x16xf32>,
      %get3A_897 = vector.shape_cast %get3A_896 : vector<1x16xf32> to vector<16xf32>
      %mul3A_898 = arith.mulf %get3A_109, %get3A_897 : vector<16xf32>
      %add3A_899 = arith.addf %get3A_893, %mul3A_898 : vector<16xf32>
      %get3A_900 = arith.index_cast %scan3A_106 : i32 to index
      %get3A_901 = arith.constant 592 : index
      %get3A_902 = tpu.vector_load %arg12[%get3A_900, %get3A_901] {strides = array<i32>} : memref<32x1024xf32, #tpu.memory_space<vmem>>, vector<1x16xf32>,
      %get3A_903 = vector.shape_cast %get3A_902 : vector<1x16xf32> to vector<16xf32>
      %mul3A_904 = arith.mulf %get3A_113, %get3A_903 : vector<16xf32>
      %add3A_905 = arith.addf %add3A_899, %mul3A_904 : vector<16xf32>
      %swap3A_906 = arith.index_cast %scan3A_106 : i32 to index
      %swap3A_907 = arith.constant 592 : index
      %swap3A_908 = tpu.vector_load %arg13[%swap3A_906, %swap3A_907] {strides = array<i32>} : memref<32x1024xf32, #tpu.memory_space<vmem>>, vector<1x16xf32>,
      %swap3A_909 = vector.shape_cast %swap3A_908 : vector<1x16xf32> to vector<16xf32>
      %swap3A_910 = vector.shape_cast %add3A_905 : vector<16xf32> to vector<1x16xf32>
      tpu.vector_store %arg13[%swap3A_906, %swap3A_907], %swap3A_910 {strides = array<i32>} : memref<32x1024xf32, #tpu.memory_space<vmem>>, vector<1x16xf32>,
      %get3A_911 = arith.index_cast %scan3A_106 : i32 to index
      %get3A_912 = arith.constant 608 : index
      %get3A_913 = tpu.vector_load %arg13[%get3A_911, %get3A_912] {strides = array<i32>} : memref<32x1024xf32, #tpu.memory_space<vmem>>, vector<1x16xf32>,
      %get3A_914 = vector.shape_cast %get3A_913 : vector<1x16xf32> to vector<16xf32>
      %get3A_915 = arith.index_cast %scan3A_106 : i32 to index
      %get3A_916 = arith.constant 608 : index
      %get3A_917 = tpu.vector_load %arg11[%get3A_915, %get3A_916] {strides = array<i32>} : memref<32x1024xf32, #tpu.memory_space<vmem>>, vector<1x16xf32>,
      %get3A_918 = vector.shape_cast %get3A_917 : vector<1x16xf32> to vector<16xf32>
      %mul3A_919 = arith.mulf %get3A_109, %get3A_918 : vector<16xf32>
      %add3A_920 = arith.addf %get3A_914, %mul3A_919 : vector<16xf32>
      %get3A_921 = arith.index_cast %scan3A_106 : i32 to index
      %get3A_922 = arith.constant 608 : index
      %get3A_923 = tpu.vector_load %arg12[%get3A_921, %get3A_922] {strides = array<i32>} : memref<32x1024xf32, #tpu.memory_space<vmem>>, vector<1x16xf32>,
      %get3A_924 = vector.shape_cast %get3A_923 : vector<1x16xf32> to vector<16xf32>
      %mul3A_925 = arith.mulf %get3A_113, %get3A_924 : vector<16xf32>
      %add3A_926 = arith.addf %add3A_920, %mul3A_925 : vector<16xf32>
      %swap3A_927 = arith.index_cast %scan3A_106 : i32 to index
      %swap3A_928 = arith.constant 608 : index
      %swap3A_929 = tpu.vector_load %arg13[%swap3A_927, %swap3A_928] {strides = array<i32>} : memref<32x1024xf32, #tpu.memory_space<vmem>>, vector<1x16xf32>,
      %swap3A_930 = vector.shape_cast %swap3A_929 : vector<1x16xf32> to vector<16xf32>
      %swap3A_931 = vector.shape_cast %add3A_926 : vector<16xf32> to vector<1x16xf32>
      tpu.vector_store %arg13[%swap3A_927, %swap3A_928], %swap3A_931 {strides = array<i32>} : memref<32x1024xf32, #tpu.memory_space<vmem>>, vector<1x16xf32>,
      %get3A_932 = arith.index_cast %scan3A_106 : i32 to index
      %get3A_933 = arith.constant 624 : index
      %get3A_934 = tpu.vector_load %arg13[%get3A_932, %get3A_933] {strides = array<i32>} : memref<32x1024xf32, #tpu.memory_space<vmem>>, vector<1x16xf32>,
      %get3A_935 = vector.shape_cast %get3A_934 : vector<1x16xf32> to vector<16xf32>
      %get3A_936 = arith.index_cast %scan3A_106 : i32 to index
      %get3A_937 = arith.constant 624 : index
      %get3A_938 = tpu.vector_load %arg11[%get3A_936, %get3A_937] {strides = array<i32>} : memref<32x1024xf32, #tpu.memory_space<vmem>>, vector<1x16xf32>,
      %get3A_939 = vector.shape_cast %get3A_938 : vector<1x16xf32> to vector<16xf32>
      %mul3A_940 = arith.mulf %get3A_109, %get3A_939 : vector<16xf32>
      %add3A_941 = arith.addf %get3A_935, %mul3A_940 : vector<16xf32>
      %get3A_942 = arith.index_cast %scan3A_106 : i32 to index
      %get3A_943 = arith.constant 624 : index
      %get3A_944 = tpu.vector_load %arg12[%get3A_942, %get3A_943] {strides = array<i32>} : memref<32x1024xf32, #tpu.memory_space<vmem>>, vector<1x16xf32>,
      %get3A_945 = vector.shape_cast %get3A_944 : vector<1x16xf32> to vector<16xf32>
      %mul3A_946 = arith.mulf %get3A_113, %get3A_945 : vector<16xf32>
      %add3A_947 = arith.addf %add3A_941, %mul3A_946 : vector<16xf32>
      %swap3A_948 = arith.index_cast %scan3A_106 : i32 to index
      %swap3A_949 = arith.constant 624 : index
      %swap3A_950 = tpu.vector_load %arg13[%swap3A_948, %swap3A_949] {strides = array<i32>} : memref<32x1024xf32, #tpu.memory_space<vmem>>, vector<1x16xf32>,
      %swap3A_951 = vector.shape_cast %swap3A_950 : vector<1x16xf32> to vector<16xf32>
      %swap3A_952 = vector.shape_cast %add3A_947 : vector<16xf32> to vector<1x16xf32>
      tpu.vector_store %arg13[%swap3A_948, %swap3A_949], %swap3A_952 {strides = array<i32>} : memref<32x1024xf32, #tpu.memory_space<vmem>>, vector<1x16xf32>,
      %get3A_953 = arith.index_cast %scan3A_106 : i32 to index
      %get3A_954 = arith.constant 640 : index
      %get3A_955 = tpu.vector_load %arg13[%get3A_953, %get3A_954] {strides = array<i32>} : memref<32x1024xf32, #tpu.memory_space<vmem>>, vector<1x16xf32>,
      %get3A_956 = vector.shape_cast %get3A_955 : vector<1x16xf32> to vector<16xf32>
      %get3A_957 = arith.index_cast %scan3A_106 : i32 to index
      %get3A_958 = arith.constant 640 : index
      %get3A_959 = tpu.vector_load %arg11[%get3A_957, %get3A_958] {strides = array<i32>} : memref<32x1024xf32, #tpu.memory_space<vmem>>, vector<1x16xf32>,
      %get3A_960 = vector.shape_cast %get3A_959 : vector<1x16xf32> to vector<16xf32>
      %mul3A_961 = arith.mulf %get3A_109, %get3A_960 : vector<16xf32>
      %add3A_962 = arith.addf %get3A_956, %mul3A_961 : vector<16xf32>
      %get3A_963 = arith.index_cast %scan3A_106 : i32 to index
      %get3A_964 = arith.constant 640 : index
      %get3A_965 = tpu.vector_load %arg12[%get3A_963, %get3A_964] {strides = array<i32>} : memref<32x1024xf32, #tpu.memory_space<vmem>>, vector<1x16xf32>,
      %get3A_966 = vector.shape_cast %get3A_965 : vector<1x16xf32> to vector<16xf32>
      %mul3A_967 = arith.mulf %get3A_113, %get3A_966 : vector<16xf32>
      %add3A_968 = arith.addf %add3A_962, %mul3A_967 : vector<16xf32>
      %swap3A_969 = arith.index_cast %scan3A_106 : i32 to index
      %swap3A_970 = arith.constant 640 : index
      %swap3A_971 = tpu.vector_load %arg13[%swap3A_969, %swap3A_970] {strides = array<i32>} : memref<32x1024xf32, #tpu.memory_space<vmem>>, vector<1x16xf32>,
      %swap3A_972 = vector.shape_cast %swap3A_971 : vector<1x16xf32> to vector<16xf32>
      %swap3A_973 = vector.shape_cast %add3A_968 : vector<16xf32> to vector<1x16xf32>
      tpu.vector_store %arg13[%swap3A_969, %swap3A_970], %swap3A_973 {strides = array<i32>} : memref<32x1024xf32, #tpu.memory_space<vmem>>, vector<1x16xf32>,
      %get3A_974 = arith.index_cast %scan3A_106 : i32 to index
      %get3A_975 = arith.constant 656 : index
      %get3A_976 = tpu.vector_load %arg13[%get3A_974, %get3A_975] {strides = array<i32>} : memref<32x1024xf32, #tpu.memory_space<vmem>>, vector<1x16xf32>,
      %get3A_977 = vector.shape_cast %get3A_976 : vector<1x16xf32> to vector<16xf32>
      %get3A_978 = arith.index_cast %scan3A_106 : i32 to index
      %get3A_979 = arith.constant 656 : index
      %get3A_980 = tpu.vector_load %arg11[%get3A_978, %get3A_979] {strides = array<i32>} : memref<32x1024xf32, #tpu.memory_space<vmem>>, vector<1x16xf32>,
      %get3A_981 = vector.shape_cast %get3A_980 : vector<1x16xf32> to vector<16xf32>
      %mul3A_982 = arith.mulf %get3A_109, %get3A_981 : vector<16xf32>
      %add3A_983 = arith.addf %get3A_977, %mul3A_982 : vector<16xf32>
      %get3A_984 = arith.index_cast %scan3A_106 : i32 to index
      %get3A_985 = arith.constant 656 : index
      %get3A_986 = tpu.vector_load %arg12[%get3A_984, %get3A_985] {strides = array<i32>} : memref<32x1024xf32, #tpu.memory_space<vmem>>, vector<1x16xf32>,
      %get3A_987 = vector.shape_cast %get3A_986 : vector<1x16xf32> to vector<16xf32>
      %mul3A_988 = arith.mulf %get3A_113, %get3A_987 : vector<16xf32>
      %add3A_989 = arith.addf %add3A_983, %mul3A_988 : vector<16xf32>
      %swap3A_990 = arith.index_cast %scan3A_106 : i32 to index
      %swap3A_991 = arith.constant 656 : index
      %swap3A_992 = tpu.vector_load %arg13[%swap3A_990, %swap3A_991] {strides = array<i32>} : memref<32x1024xf32, #tpu.memory_space<vmem>>, vector<1x16xf32>,
      %swap3A_993 = vector.shape_cast %swap3A_992 : vector<1x16xf32> to vector<16xf32>
      %swap3A_994 = vector.shape_cast %add3A_989 : vector<16xf32> to vector<1x16xf32>
      tpu.vector_store %arg13[%swap3A_990, %swap3A_991], %swap3A_994 {strides = array<i32>} : memref<32x1024xf32, #tpu.memory_space<vmem>>, vector<1x16xf32>,
      %get3A_995 = arith.index_cast %scan3A_106 : i32 to index
      %get3A_996 = arith.constant 672 : index
      %get3A_997 = tpu.vector_load %arg13[%get3A_995, %get3A_996] {strides = array<i32>} : memref<32x1024xf32, #tpu.memory_space<vmem>>, vector<1x16xf32>,
      %get3A_998 = vector.shape_cast %get3A_997 : vector<1x16xf32> to vector<16xf32>
      %get3A_999 = arith.index_cast %scan3A_106 : i32 to index
      %get3A_1000 = arith.constant 672 : index
      %get3A_1001 = tpu.vector_load %arg11[%get3A_999, %get3A_1000] {strides = array<i32>} : memref<32x1024xf32, #tpu.memory_space<vmem>>, vector<1x16xf32>,
      %get3A_1002 = vector.shape_cast %get3A_1001 : vector<1x16xf32> to vector<16xf32>
      %mul3A_1003 = arith.mulf %get3A_109, %get3A_1002 : vector<16xf32>
      %add3A_1004 = arith.addf %get3A_998, %mul3A_1003 : vector<16xf32>
      %get3A_1005 = arith.index_cast %scan3A_106 : i32 to index
      %get3A_1006 = arith.constant 672 : index
      %get3A_1007 = tpu.vector_load %arg12[%get3A_1005, %get3A_1006] {strides = array<i32>} : memref<32x1024xf32, #tpu.memory_space<vmem>>, vector<1x16xf32>,
      %get3A_1008 = vector.shape_cast %get3A_1007 : vector<1x16xf32> to vector<16xf32>
      %mul3A_1009 = arith.mulf %get3A_113, %get3A_1008 : vector<16xf32>
      %add3A_1010 = arith.addf %add3A_1004, %mul3A_1009 : vector<16xf32>
      %swap3A_1011 = arith.index_cast %scan3A_106 : i32 to index
      %swap3A_1012 = arith.constant 672 : index
      %swap3A_1013 = tpu.vector_load %arg13[%swap3A_1011, %swap3A_1012] {strides = array<i32>} : memref<32x1024xf32, #tpu.memory_space<vmem>>, vector<1x16xf32>,
      %swap3A_1014 = vector.shape_cast %swap3A_1013 : vector<1x16xf32> to vector<16xf32>
      %swap3A_1015 = vector.shape_cast %add3A_1010 : vector<16xf32> to vector<1x16xf32>
      tpu.vector_store %arg13[%swap3A_1011, %swap3A_1012], %swap3A_1015 {strides = array<i32>} : memref<32x1024xf32, #tpu.memory_space<vmem>>, vector<1x16xf32>,
      %get3A_1016 = arith.index_cast %scan3A_106 : i32 to index
      %get3A_1017 = arith.constant 688 : index
      %get3A_1018 = tpu.vector_load %arg13[%get3A_1016, %get3A_1017] {strides = array<i32>} : memref<32x1024xf32, #tpu.memory_space<vmem>>, vector<1x16xf32>,
      %get3A_1019 = vector.shape_cast %get3A_1018 : vector<1x16xf32> to vector<16xf32>
      %get3A_1020 = arith.index_cast %scan3A_106 : i32 to index
      %get3A_1021 = arith.constant 688 : index
      %get3A_1022 = tpu.vector_load %arg11[%get3A_1020, %get3A_1021] {strides = array<i32>} : memref<32x1024xf32, #tpu.memory_space<vmem>>, vector<1x16xf32>,
      %get3A_1023 = vector.shape_cast %get3A_1022 : vector<1x16xf32> to vector<16xf32>
      %mul3A_1024 = arith.mulf %get3A_109, %get3A_1023 : vector<16xf32>
      %add3A_1025 = arith.addf %get3A_1019, %mul3A_1024 : vector<16xf32>
      %get3A_1026 = arith.index_cast %scan3A_106 : i32 to index
      %get3A_1027 = arith.constant 688 : index
      %get3A_1028 = tpu.vector_load %arg12[%get3A_1026, %get3A_1027] {strides = array<i32>} : memref<32x1024xf32, #tpu.memory_space<vmem>>, vector<1x16xf32>,
      %get3A_1029 = vector.shape_cast %get3A_1028 : vector<1x16xf32> to vector<16xf32>
      %mul3A_1030 = arith.mulf %get3A_113, %get3A_1029 : vector<16xf32>
      %add3A_1031 = arith.addf %add3A_1025, %mul3A_1030 : vector<16xf32>
      %swap3A_1032 = arith.index_cast %scan3A_106 : i32 to index
      %swap3A_1033 = arith.constant 688 : index
      %swap3A_1034 = tpu.vector_load %arg13[%swap3A_1032, %swap3A_1033] {strides = array<i32>} : memref<32x1024xf32, #tpu.memory_space<vmem>>, vector<1x16xf32>,
      %swap3A_1035 = vector.shape_cast %swap3A_1034 : vector<1x16xf32> to vector<16xf32>
      %swap3A_1036 = vector.shape_cast %add3A_1031 : vector<16xf32> to vector<1x16xf32>
      tpu.vector_store %arg13[%swap3A_1032, %swap3A_1033], %swap3A_1036 {strides = array<i32>} : memref<32x1024xf32, #tpu.memory_space<vmem>>, vector<1x16xf32>,
      %get3A_1037 = arith.index_cast %scan3A_106 : i32 to index
      %get3A_1038 = arith.constant 704 : index
      %get3A_1039 = tpu.vector_load %arg13[%get3A_1037, %get3A_1038] {strides = array<i32>} : memref<32x1024xf32, #tpu.memory_space<vmem>>, vector<1x16xf32>,
      %get3A_1040 = vector.shape_cast %get3A_1039 : vector<1x16xf32> to vector<16xf32>
      %get3A_1041 = arith.index_cast %scan3A_106 : i32 to index
      %get3A_1042 = arith.constant 704 : index
      %get3A_1043 = tpu.vector_load %arg11[%get3A_1041, %get3A_1042] {strides = array<i32>} : memref<32x1024xf32, #tpu.memory_space<vmem>>, vector<1x16xf32>,
      %get3A_1044 = vector.shape_cast %get3A_1043 : vector<1x16xf32> to vector<16xf32>
      %mul3A_1045 = arith.mulf %get3A_109, %get3A_1044 : vector<16xf32>
      %add3A_1046 = arith.addf %get3A_1040, %mul3A_1045 : vector<16xf32>
      %get3A_1047 = arith.index_cast %scan3A_106 : i32 to index
      %get3A_1048 = arith.constant 704 : index
      %get3A_1049 = tpu.vector_load %arg12[%get3A_1047, %get3A_1048] {strides = array<i32>} : memref<32x1024xf32, #tpu.memory_space<vmem>>, vector<1x16xf32>,
      %get3A_1050 = vector.shape_cast %get3A_1049 : vector<1x16xf32> to vector<16xf32>
      %mul3A_1051 = arith.mulf %get3A_113, %get3A_1050 : vector<16xf32>
      %add3A_1052 = arith.addf %add3A_1046, %mul3A_1051 : vector<16xf32>
      %swap3A_1053 = arith.index_cast %scan3A_106 : i32 to index
      %swap3A_1054 = arith.constant 704 : index
      %swap3A_1055 = tpu.vector_load %arg13[%swap3A_1053, %swap3A_1054] {strides = array<i32>} : memref<32x1024xf32, #tpu.memory_space<vmem>>, vector<1x16xf32>,
      %swap3A_1056 = vector.shape_cast %swap3A_1055 : vector<1x16xf32> to vector<16xf32>
      %swap3A_1057 = vector.shape_cast %add3A_1052 : vector<16xf32> to vector<1x16xf32>
      tpu.vector_store %arg13[%swap3A_1053, %swap3A_1054], %swap3A_1057 {strides = array<i32>} : memref<32x1024xf32, #tpu.memory_space<vmem>>, vector<1x16xf32>,
      %get3A_1058 = arith.index_cast %scan3A_106 : i32 to index
      %get3A_1059 = arith.constant 720 : index
      %get3A_1060 = tpu.vector_load %arg13[%get3A_1058, %get3A_1059] {strides = array<i32>} : memref<32x1024xf32, #tpu.memory_space<vmem>>, vector<1x16xf32>,
      %get3A_1061 = vector.shape_cast %get3A_1060 : vector<1x16xf32> to vector<16xf32>
      %get3A_1062 = arith.index_cast %scan3A_106 : i32 to index
      %get3A_1063 = arith.constant 720 : index
      %get3A_1064 = tpu.vector_load %arg11[%get3A_1062, %get3A_1063] {strides = array<i32>} : memref<32x1024xf32, #tpu.memory_space<vmem>>, vector<1x16xf32>,
      %get3A_1065 = vector.shape_cast %get3A_1064 : vector<1x16xf32> to vector<16xf32>
      %mul3A_1066 = arith.mulf %get3A_109, %get3A_1065 : vector<16xf32>
      %add3A_1067 = arith.addf %get3A_1061, %mul3A_1066 : vector<16xf32>
      %get3A_1068 = arith.index_cast %scan3A_106 : i32 to index
      %get3A_1069 = arith.constant 720 : index
      %get3A_1070 = tpu.vector_load %arg12[%get3A_1068, %get3A_1069] {strides = array<i32>} : memref<32x1024xf32, #tpu.memory_space<vmem>>, vector<1x16xf32>,
      %get3A_1071 = vector.shape_cast %get3A_1070 : vector<1x16xf32> to vector<16xf32>
      %mul3A_1072 = arith.mulf %get3A_113, %get3A_1071 : vector<16xf32>
      %add3A_1073 = arith.addf %add3A_1067, %mul3A_1072 : vector<16xf32>
      %swap3A_1074 = arith.index_cast %scan3A_106 : i32 to index
      %swap3A_1075 = arith.constant 720 : index
      %swap3A_1076 = tpu.vector_load %arg13[%swap3A_1074, %swap3A_1075] {strides = array<i32>} : memref<32x1024xf32, #tpu.memory_space<vmem>>, vector<1x16xf32>,
      %swap3A_1077 = vector.shape_cast %swap3A_1076 : vector<1x16xf32> to vector<16xf32>
      %swap3A_1078 = vector.shape_cast %add3A_1073 : vector<16xf32> to vector<1x16xf32>
      tpu.vector_store %arg13[%swap3A_1074, %swap3A_1075], %swap3A_1078 {strides = array<i32>} : memref<32x1024xf32, #tpu.memory_space<vmem>>, vector<1x16xf32>,
      %get3A_1079 = arith.index_cast %scan3A_106 : i32 to index
      %get3A_1080 = arith.constant 736 : index
      %get3A_1081 = tpu.vector_load %arg13[%get3A_1079, %get3A_1080] {strides = array<i32>} : memref<32x1024xf32, #tpu.memory_space<vmem>>, vector<1x16xf32>,
      %get3A_1082 = vector.shape_cast %get3A_1081 : vector<1x16xf32> to vector<16xf32>
      %get3A_1083 = arith.index_cast %scan3A_106 : i32 to index
      %get3A_1084 = arith.constant 736 : index
      %get3A_1085 = tpu.vector_load %arg11[%get3A_1083, %get3A_1084] {strides = array<i32>} : memref<32x1024xf32, #tpu.memory_space<vmem>>, vector<1x16xf32>,
      %get3A_1086 = vector.shape_cast %get3A_1085 : vector<1x16xf32> to vector<16xf32>
      %mul3A_1087 = arith.mulf %get3A_109, %get3A_1086 : vector<16xf32>
      %add3A_1088 = arith.addf %get3A_1082, %mul3A_1087 : vector<16xf32>
      %get3A_1089 = arith.index_cast %scan3A_106 : i32 to index
      %get3A_1090 = arith.constant 736 : index
      %get3A_1091 = tpu.vector_load %arg12[%get3A_1089, %get3A_1090] {strides = array<i32>} : memref<32x1024xf32, #tpu.memory_space<vmem>>, vector<1x16xf32>,
      %get3A_1092 = vector.shape_cast %get3A_1091 : vector<1x16xf32> to vector<16xf32>
      %mul3A_1093 = arith.mulf %get3A_113, %get3A_1092 : vector<16xf32>
      %add3A_1094 = arith.addf %add3A_1088, %mul3A_1093 : vector<16xf32>
      %swap3A_1095 = arith.index_cast %scan3A_106 : i32 to index
      %swap3A_1096 = arith.constant 736 : index
      %swap3A_1097 = tpu.vector_load %arg13[%swap3A_1095, %swap3A_1096] {strides = array<i32>} : memref<32x1024xf32, #tpu.memory_space<vmem>>, vector<1x16xf32>,
      %swap3A_1098 = vector.shape_cast %swap3A_1097 : vector<1x16xf32> to vector<16xf32>
      %swap3A_1099 = vector.shape_cast %add3A_1094 : vector<16xf32> to vector<1x16xf32>
      tpu.vector_store %arg13[%swap3A_1095, %swap3A_1096], %swap3A_1099 {strides = array<i32>} : memref<32x1024xf32, #tpu.memory_space<vmem>>, vector<1x16xf32>,
      %get3A_1100 = arith.index_cast %scan3A_106 : i32 to index
      %get3A_1101 = arith.constant 752 : index
      %get3A_1102 = tpu.vector_load %arg13[%get3A_1100, %get3A_1101] {strides = array<i32>} : memref<32x1024xf32, #tpu.memory_space<vmem>>, vector<1x16xf32>,
      %get3A_1103 = vector.shape_cast %get3A_1102 : vector<1x16xf32> to vector<16xf32>
      %get3A_1104 = arith.index_cast %scan3A_106 : i32 to index
      %get3A_1105 = arith.constant 752 : index
      %get3A_1106 = tpu.vector_load %arg11[%get3A_1104, %get3A_1105] {strides = array<i32>} : memref<32x1024xf32, #tpu.memory_space<vmem>>, vector<1x16xf32>,
      %get3A_1107 = vector.shape_cast %get3A_1106 : vector<1x16xf32> to vector<16xf32>
      %mul3A_1108 = arith.mulf %get3A_109, %get3A_1107 : vector<16xf32>
      %add3A_1109 = arith.addf %get3A_1103, %mul3A_1108 : vector<16xf32>
      %get3A_1110 = arith.index_cast %scan3A_106 : i32 to index
      %get3A_1111 = arith.constant 752 : index
      %get3A_1112 = tpu.vector_load %arg12[%get3A_1110, %get3A_1111] {strides = array<i32>} : memref<32x1024xf32, #tpu.memory_space<vmem>>, vector<1x16xf32>,
      %get3A_1113 = vector.shape_cast %get3A_1112 : vector<1x16xf32> to vector<16xf32>
      %mul3A_1114 = arith.mulf %get3A_113, %get3A_1113 : vector<16xf32>
      %add3A_1115 = arith.addf %add3A_1109, %mul3A_1114 : vector<16xf32>
      %swap3A_1116 = arith.index_cast %scan3A_106 : i32 to index
      %swap3A_1117 = arith.constant 752 : index
      %swap3A_1118 = tpu.vector_load %arg13[%swap3A_1116, %swap3A_1117] {strides = array<i32>} : memref<32x1024xf32, #tpu.memory_space<vmem>>, vector<1x16xf32>,
      %swap3A_1119 = vector.shape_cast %swap3A_1118 : vector<1x16xf32> to vector<16xf32>
      %swap3A_1120 = vector.shape_cast %add3A_1115 : vector<16xf32> to vector<1x16xf32>
      tpu.vector_store %arg13[%swap3A_1116, %swap3A_1117], %swap3A_1120 {strides = array<i32>} : memref<32x1024xf32, #tpu.memory_space<vmem>>, vector<1x16xf32>,
      %get3A_1121 = arith.index_cast %scan3A_106 : i32 to index
      %get3A_1122 = arith.constant 768 : index
      %get3A_1123 = tpu.vector_load %arg13[%get3A_1121, %get3A_1122] {strides = array<i32>} : memref<32x1024xf32, #tpu.memory_space<vmem>>, vector<1x16xf32>,
      %get3A_1124 = vector.shape_cast %get3A_1123 : vector<1x16xf32> to vector<16xf32>
      %get3A_1125 = arith.index_cast %scan3A_106 : i32 to index
      %get3A_1126 = arith.constant 768 : index
      %get3A_1127 = tpu.vector_load %arg11[%get3A_1125, %get3A_1126] {strides = array<i32>} : memref<32x1024xf32, #tpu.memory_space<vmem>>, vector<1x16xf32>,
      %get3A_1128 = vector.shape_cast %get3A_1127 : vector<1x16xf32> to vector<16xf32>
      %mul3A_1129 = arith.mulf %get3A_109, %get3A_1128 : vector<16xf32>
      %add3A_1130 = arith.addf %get3A_1124, %mul3A_1129 : vector<16xf32>
      %get3A_1131 = arith.index_cast %scan3A_106 : i32 to index
      %get3A_1132 = arith.constant 768 : index
      %get3A_1133 = tpu.vector_load %arg12[%get3A_1131, %get3A_1132] {strides = array<i32>} : memref<32x1024xf32, #tpu.memory_space<vmem>>, vector<1x16xf32>,
      %get3A_1134 = vector.shape_cast %get3A_1133 : vector<1x16xf32> to vector<16xf32>
      %mul3A_1135 = arith.mulf %get3A_113, %get3A_1134 : vector<16xf32>
      %add3A_1136 = arith.addf %add3A_1130, %mul3A_1135 : vector<16xf32>
      %swap3A_1137 = arith.index_cast %scan3A_106 : i32 to index
      %swap3A_1138 = arith.constant 768 : index
      %swap3A_1139 = tpu.vector_load %arg13[%swap3A_1137, %swap3A_1138] {strides = array<i32>} : memref<32x1024xf32, #tpu.memory_space<vmem>>, vector<1x16xf32>,
      %swap3A_1140 = vector.shape_cast %swap3A_1139 : vector<1x16xf32> to vector<16xf32>
      %swap3A_1141 = vector.shape_cast %add3A_1136 : vector<16xf32> to vector<1x16xf32>
      tpu.vector_store %arg13[%swap3A_1137, %swap3A_1138], %swap3A_1141 {strides = array<i32>} : memref<32x1024xf32, #tpu.memory_space<vmem>>, vector<1x16xf32>,
      %get3A_1142 = arith.index_cast %scan3A_106 : i32 to index
      %get3A_1143 = arith.constant 784 : index
      %get3A_1144 = tpu.vector_load %arg13[%get3A_1142, %get3A_1143] {strides = array<i32>} : memref<32x1024xf32, #tpu.memory_space<vmem>>, vector<1x16xf32>,
      %get3A_1145 = vector.shape_cast %get3A_1144 : vector<1x16xf32> to vector<16xf32>
      %get3A_1146 = arith.index_cast %scan3A_106 : i32 to index
      %get3A_1147 = arith.constant 784 : index
      %get3A_1148 = tpu.vector_load %arg11[%get3A_1146, %get3A_1147] {strides = array<i32>} : memref<32x1024xf32, #tpu.memory_space<vmem>>, vector<1x16xf32>,
      %get3A_1149 = vector.shape_cast %get3A_1148 : vector<1x16xf32> to vector<16xf32>
      %mul3A_1150 = arith.mulf %get3A_109, %get3A_1149 : vector<16xf32>
      %add3A_1151 = arith.addf %get3A_1145, %mul3A_1150 : vector<16xf32>
      %get3A_1152 = arith.index_cast %scan3A_106 : i32 to index
      %get3A_1153 = arith.constant 784 : index
      %get3A_1154 = tpu.vector_load %arg12[%get3A_1152, %get3A_1153] {strides = array<i32>} : memref<32x1024xf32, #tpu.memory_space<vmem>>, vector<1x16xf32>,
      %get3A_1155 = vector.shape_cast %get3A_1154 : vector<1x16xf32> to vector<16xf32>
      %mul3A_1156 = arith.mulf %get3A_113, %get3A_1155 : vector<16xf32>
      %add3A_1157 = arith.addf %add3A_1151, %mul3A_1156 : vector<16xf32>
      %swap3A_1158 = arith.index_cast %scan3A_106 : i32 to index
      %swap3A_1159 = arith.constant 784 : index
      %swap3A_1160 = tpu.vector_load %arg13[%swap3A_1158, %swap3A_1159] {strides = array<i32>} : memref<32x1024xf32, #tpu.memory_space<vmem>>, vector<1x16xf32>,
      %swap3A_1161 = vector.shape_cast %swap3A_1160 : vector<1x16xf32> to vector<16xf32>
      %swap3A_1162 = vector.shape_cast %add3A_1157 : vector<16xf32> to vector<1x16xf32>
      tpu.vector_store %arg13[%swap3A_1158, %swap3A_1159], %swap3A_1162 {strides = array<i32>} : memref<32x1024xf32, #tpu.memory_space<vmem>>, vector<1x16xf32>,
      %get3A_1163 = arith.index_cast %scan3A_106 : i32 to index
      %get3A_1164 = arith.constant 800 : index
      %get3A_1165 = tpu.vector_load %arg13[%get3A_1163, %get3A_1164] {strides = array<i32>} : memref<32x1024xf32, #tpu.memory_space<vmem>>, vector<1x16xf32>,
      %get3A_1166 = vector.shape_cast %get3A_1165 : vector<1x16xf32> to vector<16xf32>
      %get3A_1167 = arith.index_cast %scan3A_106 : i32 to index
      %get3A_1168 = arith.constant 800 : index
      %get3A_1169 = tpu.vector_load %arg11[%get3A_1167, %get3A_1168] {strides = array<i32>} : memref<32x1024xf32, #tpu.memory_space<vmem>>, vector<1x16xf32>,
      %get3A_1170 = vector.shape_cast %get3A_1169 : vector<1x16xf32> to vector<16xf32>
      %mul3A_1171 = arith.mulf %get3A_109, %get3A_1170 : vector<16xf32>
      %add3A_1172 = arith.addf %get3A_1166, %mul3A_1171 : vector<16xf32>
      %get3A_1173 = arith.index_cast %scan3A_106 : i32 to index
      %get3A_1174 = arith.constant 800 : index
      %get3A_1175 = tpu.vector_load %arg12[%get3A_1173, %get3A_1174] {strides = array<i32>} : memref<32x1024xf32, #tpu.memory_space<vmem>>, vector<1x16xf32>,
      %get3A_1176 = vector.shape_cast %get3A_1175 : vector<1x16xf32> to vector<16xf32>
      %mul3A_1177 = arith.mulf %get3A_113, %get3A_1176 : vector<16xf32>
      %add3A_1178 = arith.addf %add3A_1172, %mul3A_1177 : vector<16xf32>
      %swap3A_1179 = arith.index_cast %scan3A_106 : i32 to index
      %swap3A_1180 = arith.constant 800 : index
      %swap3A_1181 = tpu.vector_load %arg13[%swap3A_1179, %swap3A_1180] {strides = array<i32>} : memref<32x1024xf32, #tpu.memory_space<vmem>>, vector<1x16xf32>,
      %swap3A_1182 = vector.shape_cast %swap3A_1181 : vector<1x16xf32> to vector<16xf32>
      %swap3A_1183 = vector.shape_cast %add3A_1178 : vector<16xf32> to vector<1x16xf32>
      tpu.vector_store %arg13[%swap3A_1179, %swap3A_1180], %swap3A_1183 {strides = array<i32>} : memref<32x1024xf32, #tpu.memory_space<vmem>>, vector<1x16xf32>,
      %get3A_1184 = arith.index_cast %scan3A_106 : i32 to index
      %get3A_1185 = arith.constant 816 : index
      %get3A_1186 = tpu.vector_load %arg13[%get3A_1184, %get3A_1185] {strides = array<i32>} : memref<32x1024xf32, #tpu.memory_space<vmem>>, vector<1x16xf32>,
      %get3A_1187 = vector.shape_cast %get3A_1186 : vector<1x16xf32> to vector<16xf32>
      %get3A_1188 = arith.index_cast %scan3A_106 : i32 to index
      %get3A_1189 = arith.constant 816 : index
      %get3A_1190 = tpu.vector_load %arg11[%get3A_1188, %get3A_1189] {strides = array<i32>} : memref<32x1024xf32, #tpu.memory_space<vmem>>, vector<1x16xf32>,
      %get3A_1191 = vector.shape_cast %get3A_1190 : vector<1x16xf32> to vector<16xf32>
      %mul3A_1192 = arith.mulf %get3A_109, %get3A_1191 : vector<16xf32>
      %add3A_1193 = arith.addf %get3A_1187, %mul3A_1192 : vector<16xf32>
      %get3A_1194 = arith.index_cast %scan3A_106 : i32 to index
      %get3A_1195 = arith.constant 816 : index
      %get3A_1196 = tpu.vector_load %arg12[%get3A_1194, %get3A_1195] {strides = array<i32>} : memref<32x1024xf32, #tpu.memory_space<vmem>>, vector<1x16xf32>,
      %get3A_1197 = vector.shape_cast %get3A_1196 : vector<1x16xf32> to vector<16xf32>
      %mul3A_1198 = arith.mulf %get3A_113, %get3A_1197 : vector<16xf32>
      %add3A_1199 = arith.addf %add3A_1193, %mul3A_1198 : vector<16xf32>
      %swap3A_1200 = arith.index_cast %scan3A_106 : i32 to index
      %swap3A_1201 = arith.constant 816 : index
      %swap3A_1202 = tpu.vector_load %arg13[%swap3A_1200, %swap3A_1201] {strides = array<i32>} : memref<32x1024xf32, #tpu.memory_space<vmem>>, vector<1x16xf32>,
      %swap3A_1203 = vector.shape_cast %swap3A_1202 : vector<1x16xf32> to vector<16xf32>
      %swap3A_1204 = vector.shape_cast %add3A_1199 : vector<16xf32> to vector<1x16xf32>
      tpu.vector_store %arg13[%swap3A_1200, %swap3A_1201], %swap3A_1204 {strides = array<i32>} : memref<32x1024xf32, #tpu.memory_space<vmem>>, vector<1x16xf32>,
      %get3A_1205 = arith.index_cast %scan3A_106 : i32 to index
      %get3A_1206 = arith.constant 832 : index
      %get3A_1207 = tpu.vector_load %arg13[%get3A_1205, %get3A_1206] {strides = array<i32>} : memref<32x1024xf32, #tpu.memory_space<vmem>>, vector<1x16xf32>,
      %get3A_1208 = vector.shape_cast %get3A_1207 : vector<1x16xf32> to vector<16xf32>
      %get3A_1209 = arith.index_cast %scan3A_106 : i32 to index
      %get3A_1210 = arith.constant 832 : index
      %get3A_1211 = tpu.vector_load %arg11[%get3A_1209, %get3A_1210] {strides = array<i32>} : memref<32x1024xf32, #tpu.memory_space<vmem>>, vector<1x16xf32>,
      %get3A_1212 = vector.shape_cast %get3A_1211 : vector<1x16xf32> to vector<16xf32>
      %mul3A_1213 = arith.mulf %get3A_109, %get3A_1212 : vector<16xf32>
      %add3A_1214 = arith.addf %get3A_1208, %mul3A_1213 : vector<16xf32>
      %get3A_1215 = arith.index_cast %scan3A_106 : i32 to index
      %get3A_1216 = arith.constant 832 : index
      %get3A_1217 = tpu.vector_load %arg12[%get3A_1215, %get3A_1216] {strides = array<i32>} : memref<32x1024xf32, #tpu.memory_space<vmem>>, vector<1x16xf32>,
      %get3A_1218 = vector.shape_cast %get3A_1217 : vector<1x16xf32> to vector<16xf32>
      %mul3A_1219 = arith.mulf %get3A_113, %get3A_1218 : vector<16xf32>
      %add3A_1220 = arith.addf %add3A_1214, %mul3A_1219 : vector<16xf32>
      %swap3A_1221 = arith.index_cast %scan3A_106 : i32 to index
      %swap3A_1222 = arith.constant 832 : index
      %swap3A_1223 = tpu.vector_load %arg13[%swap3A_1221, %swap3A_1222] {strides = array<i32>} : memref<32x1024xf32, #tpu.memory_space<vmem>>, vector<1x16xf32>,
      %swap3A_1224 = vector.shape_cast %swap3A_1223 : vector<1x16xf32> to vector<16xf32>
      %swap3A_1225 = vector.shape_cast %add3A_1220 : vector<16xf32> to vector<1x16xf32>
      tpu.vector_store %arg13[%swap3A_1221, %swap3A_1222], %swap3A_1225 {strides = array<i32>} : memref<32x1024xf32, #tpu.memory_space<vmem>>, vector<1x16xf32>,
      %get3A_1226 = arith.index_cast %scan3A_106 : i32 to index
      %get3A_1227 = arith.constant 848 : index
      %get3A_1228 = tpu.vector_load %arg13[%get3A_1226, %get3A_1227] {strides = array<i32>} : memref<32x1024xf32, #tpu.memory_space<vmem>>, vector<1x16xf32>,
      %get3A_1229 = vector.shape_cast %get3A_1228 : vector<1x16xf32> to vector<16xf32>
      %get3A_1230 = arith.index_cast %scan3A_106 : i32 to index
      %get3A_1231 = arith.constant 848 : index
      %get3A_1232 = tpu.vector_load %arg11[%get3A_1230, %get3A_1231] {strides = array<i32>} : memref<32x1024xf32, #tpu.memory_space<vmem>>, vector<1x16xf32>,
      %get3A_1233 = vector.shape_cast %get3A_1232 : vector<1x16xf32> to vector<16xf32>
      %mul3A_1234 = arith.mulf %get3A_109, %get3A_1233 : vector<16xf32>
      %add3A_1235 = arith.addf %get3A_1229, %mul3A_1234 : vector<16xf32>
      %get3A_1236 = arith.index_cast %scan3A_106 : i32 to index
      %get3A_1237 = arith.constant 848 : index
      %get3A_1238 = tpu.vector_load %arg12[%get3A_1236, %get3A_1237] {strides = array<i32>} : memref<32x1024xf32, #tpu.memory_space<vmem>>, vector<1x16xf32>,
      %get3A_1239 = vector.shape_cast %get3A_1238 : vector<1x16xf32> to vector<16xf32>
      %mul3A_1240 = arith.mulf %get3A_113, %get3A_1239 : vector<16xf32>
      %add3A_1241 = arith.addf %add3A_1235, %mul3A_1240 : vector<16xf32>
      %swap3A_1242 = arith.index_cast %scan3A_106 : i32 to index
      %swap3A_1243 = arith.constant 848 : index
      %swap3A_1244 = tpu.vector_load %arg13[%swap3A_1242, %swap3A_1243] {strides = array<i32>} : memref<32x1024xf32, #tpu.memory_space<vmem>>, vector<1x16xf32>,
      %swap3A_1245 = vector.shape_cast %swap3A_1244 : vector<1x16xf32> to vector<16xf32>
      %swap3A_1246 = vector.shape_cast %add3A_1241 : vector<16xf32> to vector<1x16xf32>
      tpu.vector_store %arg13[%swap3A_1242, %swap3A_1243], %swap3A_1246 {strides = array<i32>} : memref<32x1024xf32, #tpu.memory_space<vmem>>, vector<1x16xf32>,
      %get3A_1247 = arith.index_cast %scan3A_106 : i32 to index
      %get3A_1248 = arith.constant 864 : index
      %get3A_1249 = tpu.vector_load %arg13[%get3A_1247, %get3A_1248] {strides = array<i32>} : memref<32x1024xf32, #tpu.memory_space<vmem>>, vector<1x16xf32>,
      %get3A_1250 = vector.shape_cast %get3A_1249 : vector<1x16xf32> to vector<16xf32>
      %get3A_1251 = arith.index_cast %scan3A_106 : i32 to index
      %get3A_1252 = arith.constant 864 : index
      %get3A_1253 = tpu.vector_load %arg11[%get3A_1251, %get3A_1252] {strides = array<i32>} : memref<32x1024xf32, #tpu.memory_space<vmem>>, vector<1x16xf32>,
      %get3A_1254 = vector.shape_cast %get3A_1253 : vector<1x16xf32> to vector<16xf32>
      %mul3A_1255 = arith.mulf %get3A_109, %get3A_1254 : vector<16xf32>
      %add3A_1256 = arith.addf %get3A_1250, %mul3A_1255 : vector<16xf32>
      %get3A_1257 = arith.index_cast %scan3A_106 : i32 to index
      %get3A_1258 = arith.constant 864 : index
      %get3A_1259 = tpu.vector_load %arg12[%get3A_1257, %get3A_1258] {strides = array<i32>} : memref<32x1024xf32, #tpu.memory_space<vmem>>, vector<1x16xf32>,
      %get3A_1260 = vector.shape_cast %get3A_1259 : vector<1x16xf32> to vector<16xf32>
      %mul3A_1261 = arith.mulf %get3A_113, %get3A_1260 : vector<16xf32>
      %add3A_1262 = arith.addf %add3A_1256, %mul3A_1261 : vector<16xf32>
      %swap3A_1263 = arith.index_cast %scan3A_106 : i32 to index
      %swap3A_1264 = arith.constant 864 : index
      %swap3A_1265 = tpu.vector_load %arg13[%swap3A_1263, %swap3A_1264] {strides = array<i32>} : memref<32x1024xf32, #tpu.memory_space<vmem>>, vector<1x16xf32>,
      %swap3A_1266 = vector.shape_cast %swap3A_1265 : vector<1x16xf32> to vector<16xf32>
      %swap3A_1267 = vector.shape_cast %add3A_1262 : vector<16xf32> to vector<1x16xf32>
      tpu.vector_store %arg13[%swap3A_1263, %swap3A_1264], %swap3A_1267 {strides = array<i32>} : memref<32x1024xf32, #tpu.memory_space<vmem>>, vector<1x16xf32>,
      %get3A_1268 = arith.index_cast %scan3A_106 : i32 to index
      %get3A_1269 = arith.constant 880 : index
      %get3A_1270 = tpu.vector_load %arg13[%get3A_1268, %get3A_1269] {strides = array<i32>} : memref<32x1024xf32, #tpu.memory_space<vmem>>, vector<1x16xf32>,
      %get3A_1271 = vector.shape_cast %get3A_1270 : vector<1x16xf32> to vector<16xf32>
      %get3A_1272 = arith.index_cast %scan3A_106 : i32 to index
      %get3A_1273 = arith.constant 880 : index
      %get3A_1274 = tpu.vector_load %arg11[%get3A_1272, %get3A_1273] {strides = array<i32>} : memref<32x1024xf32, #tpu.memory_space<vmem>>, vector<1x16xf32>,
      %get3A_1275 = vector.shape_cast %get3A_1274 : vector<1x16xf32> to vector<16xf32>
      %mul3A_1276 = arith.mulf %get3A_109, %get3A_1275 : vector<16xf32>
      %add3A_1277 = arith.addf %get3A_1271, %mul3A_1276 : vector<16xf32>
      %get3A_1278 = arith.index_cast %scan3A_106 : i32 to index
      %get3A_1279 = arith.constant 880 : index
      %get3A_1280 = tpu.vector_load %arg12[%get3A_1278, %get3A_1279] {strides = array<i32>} : memref<32x1024xf32, #tpu.memory_space<vmem>>, vector<1x16xf32>,
      %get3A_1281 = vector.shape_cast %get3A_1280 : vector<1x16xf32> to vector<16xf32>
      %mul3A_1282 = arith.mulf %get3A_113, %get3A_1281 : vector<16xf32>
      %add3A_1283 = arith.addf %add3A_1277, %mul3A_1282 : vector<16xf32>
      %swap3A_1284 = arith.index_cast %scan3A_106 : i32 to index
      %swap3A_1285 = arith.constant 880 : index
      %swap3A_1286 = tpu.vector_load %arg13[%swap3A_1284, %swap3A_1285] {strides = array<i32>} : memref<32x1024xf32, #tpu.memory_space<vmem>>, vector<1x16xf32>,
      %swap3A_1287 = vector.shape_cast %swap3A_1286 : vector<1x16xf32> to vector<16xf32>
      %swap3A_1288 = vector.shape_cast %add3A_1283 : vector<16xf32> to vector<1x16xf32>
      tpu.vector_store %arg13[%swap3A_1284, %swap3A_1285], %swap3A_1288 {strides = array<i32>} : memref<32x1024xf32, #tpu.memory_space<vmem>>, vector<1x16xf32>,
      %get3A_1289 = arith.index_cast %scan3A_106 : i32 to index
      %get3A_1290 = arith.constant 896 : index
      %get3A_1291 = tpu.vector_load %arg13[%get3A_1289, %get3A_1290] {strides = array<i32>} : memref<32x1024xf32, #tpu.memory_space<vmem>>, vector<1x16xf32>,
      %get3A_1292 = vector.shape_cast %get3A_1291 : vector<1x16xf32> to vector<16xf32>
      %get3A_1293 = arith.index_cast %scan3A_106 : i32 to index
      %get3A_1294 = arith.constant 896 : index
      %get3A_1295 = tpu.vector_load %arg11[%get3A_1293, %get3A_1294] {strides = array<i32>} : memref<32x1024xf32, #tpu.memory_space<vmem>>, vector<1x16xf32>,
      %get3A_1296 = vector.shape_cast %get3A_1295 : vector<1x16xf32> to vector<16xf32>
      %mul3A_1297 = arith.mulf %get3A_109, %get3A_1296 : vector<16xf32>
      %add3A_1298 = arith.addf %get3A_1292, %mul3A_1297 : vector<16xf32>
      %get3A_1299 = arith.index_cast %scan3A_106 : i32 to index
      %get3A_1300 = arith.constant 896 : index
      %get3A_1301 = tpu.vector_load %arg12[%get3A_1299, %get3A_1300] {strides = array<i32>} : memref<32x1024xf32, #tpu.memory_space<vmem>>, vector<1x16xf32>,
      %get3A_1302 = vector.shape_cast %get3A_1301 : vector<1x16xf32> to vector<16xf32>
      %mul3A_1303 = arith.mulf %get3A_113, %get3A_1302 : vector<16xf32>
      %add3A_1304 = arith.addf %add3A_1298, %mul3A_1303 : vector<16xf32>
      %swap3A_1305 = arith.index_cast %scan3A_106 : i32 to index
      %swap3A_1306 = arith.constant 896 : index
      %swap3A_1307 = tpu.vector_load %arg13[%swap3A_1305, %swap3A_1306] {strides = array<i32>} : memref<32x1024xf32, #tpu.memory_space<vmem>>, vector<1x16xf32>,
      %swap3A_1308 = vector.shape_cast %swap3A_1307 : vector<1x16xf32> to vector<16xf32>
      %swap3A_1309 = vector.shape_cast %add3A_1304 : vector<16xf32> to vector<1x16xf32>
      tpu.vector_store %arg13[%swap3A_1305, %swap3A_1306], %swap3A_1309 {strides = array<i32>} : memref<32x1024xf32, #tpu.memory_space<vmem>>, vector<1x16xf32>,
      %get3A_1310 = arith.index_cast %scan3A_106 : i32 to index
      %get3A_1311 = arith.constant 912 : index
      %get3A_1312 = tpu.vector_load %arg13[%get3A_1310, %get3A_1311] {strides = array<i32>} : memref<32x1024xf32, #tpu.memory_space<vmem>>, vector<1x16xf32>,
      %get3A_1313 = vector.shape_cast %get3A_1312 : vector<1x16xf32> to vector<16xf32>
      %get3A_1314 = arith.index_cast %scan3A_106 : i32 to index
      %get3A_1315 = arith.constant 912 : index
      %get3A_1316 = tpu.vector_load %arg11[%get3A_1314, %get3A_1315] {strides = array<i32>} : memref<32x1024xf32, #tpu.memory_space<vmem>>, vector<1x16xf32>,
      %get3A_1317 = vector.shape_cast %get3A_1316 : vector<1x16xf32> to vector<16xf32>
      %mul3A_1318 = arith.mulf %get3A_109, %get3A_1317 : vector<16xf32>
      %add3A_1319 = arith.addf %get3A_1313, %mul3A_1318 : vector<16xf32>
      %get3A_1320 = arith.index_cast %scan3A_106 : i32 to index
      %get3A_1321 = arith.constant 912 : index
      %get3A_1322 = tpu.vector_load %arg12[%get3A_1320, %get3A_1321] {strides = array<i32>} : memref<32x1024xf32, #tpu.memory_space<vmem>>, vector<1x16xf32>,
      %get3A_1323 = vector.shape_cast %get3A_1322 : vector<1x16xf32> to vector<16xf32>
      %mul3A_1324 = arith.mulf %get3A_113, %get3A_1323 : vector<16xf32>
      %add3A_1325 = arith.addf %add3A_1319, %mul3A_1324 : vector<16xf32>
      %swap3A_1326 = arith.index_cast %scan3A_106 : i32 to index
      %swap3A_1327 = arith.constant 912 : index
      %swap3A_1328 = tpu.vector_load %arg13[%swap3A_1326, %swap3A_1327] {strides = array<i32>} : memref<32x1024xf32, #tpu.memory_space<vmem>>, vector<1x16xf32>,
      %swap3A_1329 = vector.shape_cast %swap3A_1328 : vector<1x16xf32> to vector<16xf32>
      %swap3A_1330 = vector.shape_cast %add3A_1325 : vector<16xf32> to vector<1x16xf32>
      tpu.vector_store %arg13[%swap3A_1326, %swap3A_1327], %swap3A_1330 {strides = array<i32>} : memref<32x1024xf32, #tpu.memory_space<vmem>>, vector<1x16xf32>,
      %get3A_1331 = arith.index_cast %scan3A_106 : i32 to index
      %get3A_1332 = arith.constant 928 : index
      %get3A_1333 = tpu.vector_load %arg13[%get3A_1331, %get3A_1332] {strides = array<i32>} : memref<32x1024xf32, #tpu.memory_space<vmem>>, vector<1x16xf32>,
      %get3A_1334 = vector.shape_cast %get3A_1333 : vector<1x16xf32> to vector<16xf32>
      %get3A_1335 = arith.index_cast %scan3A_106 : i32 to index
      %get3A_1336 = arith.constant 928 : index
      %get3A_1337 = tpu.vector_load %arg11[%get3A_1335, %get3A_1336] {strides = array<i32>} : memref<32x1024xf32, #tpu.memory_space<vmem>>, vector<1x16xf32>,
      %get3A_1338 = vector.shape_cast %get3A_1337 : vector<1x16xf32> to vector<16xf32>
      %mul3A_1339 = arith.mulf %get3A_109, %get3A_1338 : vector<16xf32>
      %add3A_1340 = arith.addf %get3A_1334, %mul3A_1339 : vector<16xf32>
      %get3A_1341 = arith.index_cast %scan3A_106 : i32 to index
      %get3A_1342 = arith.constant 928 : index
      %get3A_1343 = tpu.vector_load %arg12[%get3A_1341, %get3A_1342] {strides = array<i32>} : memref<32x1024xf32, #tpu.memory_space<vmem>>, vector<1x16xf32>,
      %get3A_1344 = vector.shape_cast %get3A_1343 : vector<1x16xf32> to vector<16xf32>
      %mul3A_1345 = arith.mulf %get3A_113, %get3A_1344 : vector<16xf32>
      %add3A_1346 = arith.addf %add3A_1340, %mul3A_1345 : vector<16xf32>
      %swap3A_1347 = arith.index_cast %scan3A_106 : i32 to index
      %swap3A_1348 = arith.constant 928 : index
      %swap3A_1349 = tpu.vector_load %arg13[%swap3A_1347, %swap3A_1348] {strides = array<i32>} : memref<32x1024xf32, #tpu.memory_space<vmem>>, vector<1x16xf32>,
      %swap3A_1350 = vector.shape_cast %swap3A_1349 : vector<1x16xf32> to vector<16xf32>
      %swap3A_1351 = vector.shape_cast %add3A_1346 : vector<16xf32> to vector<1x16xf32>
      tpu.vector_store %arg13[%swap3A_1347, %swap3A_1348], %swap3A_1351 {strides = array<i32>} : memref<32x1024xf32, #tpu.memory_space<vmem>>, vector<1x16xf32>,
      %get3A_1352 = arith.index_cast %scan3A_106 : i32 to index
      %get3A_1353 = arith.constant 944 : index
      %get3A_1354 = tpu.vector_load %arg13[%get3A_1352, %get3A_1353] {strides = array<i32>} : memref<32x1024xf32, #tpu.memory_space<vmem>>, vector<1x16xf32>,
      %get3A_1355 = vector.shape_cast %get3A_1354 : vector<1x16xf32> to vector<16xf32>
      %get3A_1356 = arith.index_cast %scan3A_106 : i32 to index
      %get3A_1357 = arith.constant 944 : index
      %get3A_1358 = tpu.vector_load %arg11[%get3A_1356, %get3A_1357] {strides = array<i32>} : memref<32x1024xf32, #tpu.memory_space<vmem>>, vector<1x16xf32>,
      %get3A_1359 = vector.shape_cast %get3A_1358 : vector<1x16xf32> to vector<16xf32>
      %mul3A_1360 = arith.mulf %get3A_109, %get3A_1359 : vector<16xf32>
      %add3A_1361 = arith.addf %get3A_1355, %mul3A_1360 : vector<16xf32>
      %get3A_1362 = arith.index_cast %scan3A_106 : i32 to index
      %get3A_1363 = arith.constant 944 : index
      %get3A_1364 = tpu.vector_load %arg12[%get3A_1362, %get3A_1363] {strides = array<i32>} : memref<32x1024xf32, #tpu.memory_space<vmem>>, vector<1x16xf32>,
      %get3A_1365 = vector.shape_cast %get3A_1364 : vector<1x16xf32> to vector<16xf32>
      %mul3A_1366 = arith.mulf %get3A_113, %get3A_1365 : vector<16xf32>
      %add3A_1367 = arith.addf %add3A_1361, %mul3A_1366 : vector<16xf32>
      %swap3A_1368 = arith.index_cast %scan3A_106 : i32 to index
      %swap3A_1369 = arith.constant 944 : index
      %swap3A_1370 = tpu.vector_load %arg13[%swap3A_1368, %swap3A_1369] {strides = array<i32>} : memref<32x1024xf32, #tpu.memory_space<vmem>>, vector<1x16xf32>,
      %swap3A_1371 = vector.shape_cast %swap3A_1370 : vector<1x16xf32> to vector<16xf32>
      %swap3A_1372 = vector.shape_cast %add3A_1367 : vector<16xf32> to vector<1x16xf32>
      tpu.vector_store %arg13[%swap3A_1368, %swap3A_1369], %swap3A_1372 {strides = array<i32>} : memref<32x1024xf32, #tpu.memory_space<vmem>>, vector<1x16xf32>,
      %get3A_1373 = arith.index_cast %scan3A_106 : i32 to index
      %get3A_1374 = arith.constant 960 : index
      %get3A_1375 = tpu.vector_load %arg13[%get3A_1373, %get3A_1374] {strides = array<i32>} : memref<32x1024xf32, #tpu.memory_space<vmem>>, vector<1x16xf32>,
      %get3A_1376 = vector.shape_cast %get3A_1375 : vector<1x16xf32> to vector<16xf32>
      %get3A_1377 = arith.index_cast %scan3A_106 : i32 to index
      %get3A_1378 = arith.constant 960 : index
      %get3A_1379 = tpu.vector_load %arg11[%get3A_1377, %get3A_1378] {strides = array<i32>} : memref<32x1024xf32, #tpu.memory_space<vmem>>, vector<1x16xf32>,
      %get3A_1380 = vector.shape_cast %get3A_1379 : vector<1x16xf32> to vector<16xf32>
      %mul3A_1381 = arith.mulf %get3A_109, %get3A_1380 : vector<16xf32>
      %add3A_1382 = arith.addf %get3A_1376, %mul3A_1381 : vector<16xf32>
      %get3A_1383 = arith.index_cast %scan3A_106 : i32 to index
      %get3A_1384 = arith.constant 960 : index
      %get3A_1385 = tpu.vector_load %arg12[%get3A_1383, %get3A_1384] {strides = array<i32>} : memref<32x1024xf32, #tpu.memory_space<vmem>>, vector<1x16xf32>,
      %get3A_1386 = vector.shape_cast %get3A_1385 : vector<1x16xf32> to vector<16xf32>
      %mul3A_1387 = arith.mulf %get3A_113, %get3A_1386 : vector<16xf32>
      %add3A_1388 = arith.addf %add3A_1382, %mul3A_1387 : vector<16xf32>
      %swap3A_1389 = arith.index_cast %scan3A_106 : i32 to index
      %swap3A_1390 = arith.constant 960 : index
      %swap3A_1391 = tpu.vector_load %arg13[%swap3A_1389, %swap3A_1390] {strides = array<i32>} : memref<32x1024xf32, #tpu.memory_space<vmem>>, vector<1x16xf32>,
      %swap3A_1392 = vector.shape_cast %swap3A_1391 : vector<1x16xf32> to vector<16xf32>
      %swap3A_1393 = vector.shape_cast %add3A_1388 : vector<16xf32> to vector<1x16xf32>
      tpu.vector_store %arg13[%swap3A_1389, %swap3A_1390], %swap3A_1393 {strides = array<i32>} : memref<32x1024xf32, #tpu.memory_space<vmem>>, vector<1x16xf32>,
      %get3A_1394 = arith.index_cast %scan3A_106 : i32 to index
      %get3A_1395 = arith.constant 976 : index
      %get3A_1396 = tpu.vector_load %arg13[%get3A_1394, %get3A_1395] {strides = array<i32>} : memref<32x1024xf32, #tpu.memory_space<vmem>>, vector<1x16xf32>,
      %get3A_1397 = vector.shape_cast %get3A_1396 : vector<1x16xf32> to vector<16xf32>
      %get3A_1398 = arith.index_cast %scan3A_106 : i32 to index
      %get3A_1399 = arith.constant 976 : index
      %get3A_1400 = tpu.vector_load %arg11[%get3A_1398, %get3A_1399] {strides = array<i32>} : memref<32x1024xf32, #tpu.memory_space<vmem>>, vector<1x16xf32>,
      %get3A_1401 = vector.shape_cast %get3A_1400 : vector<1x16xf32> to vector<16xf32>
      %mul3A_1402 = arith.mulf %get3A_109, %get3A_1401 : vector<16xf32>
      %add3A_1403 = arith.addf %get3A_1397, %mul3A_1402 : vector<16xf32>
      %get3A_1404 = arith.index_cast %scan3A_106 : i32 to index
      %get3A_1405 = arith.constant 976 : index
      %get3A_1406 = tpu.vector_load %arg12[%get3A_1404, %get3A_1405] {strides = array<i32>} : memref<32x1024xf32, #tpu.memory_space<vmem>>, vector<1x16xf32>,
      %get3A_1407 = vector.shape_cast %get3A_1406 : vector<1x16xf32> to vector<16xf32>
      %mul3A_1408 = arith.mulf %get3A_113, %get3A_1407 : vector<16xf32>
      %add3A_1409 = arith.addf %add3A_1403, %mul3A_1408 : vector<16xf32>
      %swap3A_1410 = arith.index_cast %scan3A_106 : i32 to index
      %swap3A_1411 = arith.constant 976 : index
      %swap3A_1412 = tpu.vector_load %arg13[%swap3A_1410, %swap3A_1411] {strides = array<i32>} : memref<32x1024xf32, #tpu.memory_space<vmem>>, vector<1x16xf32>,
      %swap3A_1413 = vector.shape_cast %swap3A_1412 : vector<1x16xf32> to vector<16xf32>
      %swap3A_1414 = vector.shape_cast %add3A_1409 : vector<16xf32> to vector<1x16xf32>
      tpu.vector_store %arg13[%swap3A_1410, %swap3A_1411], %swap3A_1414 {strides = array<i32>} : memref<32x1024xf32, #tpu.memory_space<vmem>>, vector<1x16xf32>,
      %get3A_1415 = arith.index_cast %scan3A_106 : i32 to index
      %get3A_1416 = arith.constant 992 : index
      %get3A_1417 = tpu.vector_load %arg13[%get3A_1415, %get3A_1416] {strides = array<i32>} : memref<32x1024xf32, #tpu.memory_space<vmem>>, vector<1x16xf32>,
      %get3A_1418 = vector.shape_cast %get3A_1417 : vector<1x16xf32> to vector<16xf32>
      %get3A_1419 = arith.index_cast %scan3A_106 : i32 to index
      %get3A_1420 = arith.constant 992 : index
      %get3A_1421 = tpu.vector_load %arg11[%get3A_1419, %get3A_1420] {strides = array<i32>} : memref<32x1024xf32, #tpu.memory_space<vmem>>, vector<1x16xf32>,
      %get3A_1422 = vector.shape_cast %get3A_1421 : vector<1x16xf32> to vector<16xf32>
      %mul3A_1423 = arith.mulf %get3A_109, %get3A_1422 : vector<16xf32>
      %add3A_1424 = arith.addf %get3A_1418, %mul3A_1423 : vector<16xf32>
      %get3A_1425 = arith.index_cast %scan3A_106 : i32 to index
      %get3A_1426 = arith.constant 992 : index
      %get3A_1427 = tpu.vector_load %arg12[%get3A_1425, %get3A_1426] {strides = array<i32>} : memref<32x1024xf32, #tpu.memory_space<vmem>>, vector<1x16xf32>,
      %get3A_1428 = vector.shape_cast %get3A_1427 : vector<1x16xf32> to vector<16xf32>
      %mul3A_1429 = arith.mulf %get3A_113, %get3A_1428 : vector<16xf32>
      %add3A_1430 = arith.addf %add3A_1424, %mul3A_1429 : vector<16xf32>
      %swap3A_1431 = arith.index_cast %scan3A_106 : i32 to index
      %swap3A_1432 = arith.constant 992 : index
      %swap3A_1433 = tpu.vector_load %arg13[%swap3A_1431, %swap3A_1432] {strides = array<i32>} : memref<32x1024xf32, #tpu.memory_space<vmem>>, vector<1x16xf32>,
      %swap3A_1434 = vector.shape_cast %swap3A_1433 : vector<1x16xf32> to vector<16xf32>
      %swap3A_1435 = vector.shape_cast %add3A_1430 : vector<16xf32> to vector<1x16xf32>
      tpu.vector_store %arg13[%swap3A_1431, %swap3A_1432], %swap3A_1435 {strides = array<i32>} : memref<32x1024xf32, #tpu.memory_space<vmem>>, vector<1x16xf32>,
      %get3A_1436 = arith.index_cast %scan3A_106 : i32 to index
      %get3A_1437 = arith.constant 1008 : index
      %get3A_1438 = tpu.vector_load %arg13[%get3A_1436, %get3A_1437] {strides = array<i32>} : memref<32x1024xf32, #tpu.memory_space<vmem>>, vector<1x16xf32>,
      %get3A_1439 = vector.shape_cast %get3A_1438 : vector<1x16xf32> to vector<16xf32>
      %get3A_1440 = arith.index_cast %scan3A_106 : i32 to index
      %get3A_1441 = arith.constant 1008 : index
      %get3A_1442 = tpu.vector_load %arg11[%get3A_1440, %get3A_1441] {strides = array<i32>} : memref<32x1024xf32, #tpu.memory_space<vmem>>, vector<1x16xf32>,
      %get3A_1443 = vector.shape_cast %get3A_1442 : vector<1x16xf32> to vector<16xf32>
      %mul3A_1444 = arith.mulf %get3A_109, %get3A_1443 : vector<16xf32>
      %add3A_1445 = arith.addf %get3A_1439, %mul3A_1444 : vector<16xf32>
      %get3A_1446 = arith.index_cast %scan3A_106 : i32 to index
      %get3A_1447 = arith.constant 1008 : index
      %get3A_1448 = tpu.vector_load %arg12[%get3A_1446, %get3A_1447] {strides = array<i32>} : memref<32x1024xf32, #tpu.memory_space<vmem>>, vector<1x16xf32>,
      %get3A_1449 = vector.shape_cast %get3A_1448 : vector<1x16xf32> to vector<16xf32>
      %mul3A_1450 = arith.mulf %get3A_113, %get3A_1449 : vector<16xf32>
      %add3A_1451 = arith.addf %add3A_1445, %mul3A_1450 : vector<16xf32>
      %swap3A_1452 = arith.index_cast %scan3A_106 : i32 to index
      %swap3A_1453 = arith.constant 1008 : index
      %swap3A_1454 = tpu.vector_load %arg13[%swap3A_1452, %swap3A_1453] {strides = array<i32>} : memref<32x1024xf32, #tpu.memory_space<vmem>>, vector<1x16xf32>,
      %swap3A_1455 = vector.shape_cast %swap3A_1454 : vector<1x16xf32> to vector<16xf32>
      %swap3A_1456 = vector.shape_cast %add3A_1451 : vector<16xf32> to vector<1x16xf32>
      tpu.vector_store %arg13[%swap3A_1452, %swap3A_1453], %swap3A_1456 {strides = array<i32>} : memref<32x1024xf32, #tpu.memory_space<vmem>>, vector<1x16xf32>,
    }
    %scan3A_51 = arith.constant 32 : i32
    "tpu.region"() ({
      %run_scoped3A = tpu.sem_alloc : memref<!tpu.dma_semaphore, #tpu.memory_space<semaphore_mem>>
      %dma_start3A_106 = arith.constant 0 : i32
      %dma_start3A_107 = tpu.memref_slice %arg8[%add3A_4, %dma_start3A_106] : memref<2048x1024xf32, #tpu.memory_space<hbm>> -> memref<32x1024xf32, #tpu.memory_space<hbm>>
      %dma_start3A_108 = arith.constant 0 : i32
      %dma_start3A_109 = tpu.memref_slice %arg8[%add3A_4, %dma_start3A_108] : memref<2048x1024xf32, #tpu.memory_space<hbm>> -> memref<32x1024xf32, #tpu.memory_space<hbm>>
      tpu.enqueue_dma source(%arg13 : memref<32x1024xf32, #tpu.memory_space<vmem>>) target(%dma_start3A_109 : memref<32x1024xf32, #tpu.memory_space<hbm>>) target_semaphore(%run_scoped3A : memref<!tpu.dma_semaphore, #tpu.memory_space<semaphore_mem>>)
      %dma_wait3A_110 = arith.constant 0 : i32
      %dma_wait3A_111 = tpu.memref_slice %arg8[%add3A_4, %dma_wait3A_110] : memref<2048x1024xf32, #tpu.memory_space<hbm>> -> memref<32x1024xf32, #tpu.memory_space<hbm>>
      %dma_wait3A_112 = arith.constant 0 : i32
      %dma_wait3A_113 = tpu.memref_slice %arg8[%add3A_4, %dma_wait3A_112] : memref<2048x1024xf32, #tpu.memory_space<hbm>> -> memref<32x1024xf32, #tpu.memory_space<hbm>>
      tpu.wait_dma2 semaphore(%run_scoped3A : memref<!tpu.dma_semaphore, #tpu.memory_space<semaphore_mem>>) src(%arg13 : memref<32x1024xf32, #tpu.memory_space<vmem>>) dst(%dma_wait3A_113 : memref<32x1024xf32, #tpu.memory_space<hbm>>)
      tpu.yield
    }) : () -> ()
    %mul3A_52 = arith.constant 64 : i32
    %mul3A_53 = arith.muli %add3A, %mul3A_52 : i32
    %add3A_54 = arith.constant 32 : i32
    %add3A_55 = arith.addi %mul3A_53, %add3A_54 : i32
    %dma_start3A_56 = tpu.memref_slice %arg4[%add3A_55] : memref<2048xi32, #tpu.memory_space<hbm>> -> memref<32xi32, #tpu.memory_space<hbm>>
    %dma_start3A_57 = tpu.memref_slice %arg4[%add3A_55] : memref<2048xi32, #tpu.memory_space<hbm>> -> memref<32xi32, #tpu.memory_space<hbm>>
    tpu.enqueue_dma source(%dma_start3A_57 : memref<32xi32, #tpu.memory_space<hbm>>) target(%arg9 : memref<32xi32, #tpu.memory_space<vmem>>) target_semaphore(%arg16 : memref<!tpu.dma_semaphore, #tpu.memory_space<semaphore_mem>>)
    %dma_start3A_58 = tpu.memref_slice %arg5[%add3A_55] : memref<2048xi32, #tpu.memory_space<hbm>> -> memref<32xi32, #tpu.memory_space<hbm>>
    %dma_start3A_59 = tpu.memref_slice %arg5[%add3A_55] : memref<2048xi32, #tpu.memory_space<hbm>> -> memref<32xi32, #tpu.memory_space<hbm>>
    tpu.enqueue_dma source(%dma_start3A_59 : memref<32xi32, #tpu.memory_space<hbm>>) target(%arg10 : memref<32xi32, #tpu.memory_space<vmem>>) target_semaphore(%arg16 : memref<!tpu.dma_semaphore, #tpu.memory_space<semaphore_mem>>)
    %dma_start3A_60 = arith.constant 0 : i32
    %dma_start3A_61 = tpu.memref_slice %arg3[%add3A_55, %dma_start3A_60] : memref<2048x1024xf32, #tpu.memory_space<hbm>> -> memref<32x1024xf32, #tpu.memory_space<hbm>>
    %dma_start3A_62 = arith.constant 0 : i32
    %dma_start3A_63 = tpu.memref_slice %arg3[%add3A_55, %dma_start3A_62] : memref<2048x1024xf32, #tpu.memory_space<hbm>> -> memref<32x1024xf32, #tpu.memory_space<hbm>>
    tpu.enqueue_dma source(%dma_start3A_63 : memref<32x1024xf32, #tpu.memory_space<hbm>>) target(%arg13 : memref<32x1024xf32, #tpu.memory_space<vmem>>) target_semaphore(%arg16 : memref<!tpu.dma_semaphore, #tpu.memory_space<semaphore_mem>>)
    %dma_start3A_64 = arith.constant 0 : i32
    %dma_start3A_65 = tpu.memref_slice %arg6[%add3A_55, %dma_start3A_64] : memref<2048x16xf32, #tpu.memory_space<hbm>> -> memref<32x16xf32, #tpu.memory_space<hbm>>
    %dma_start3A_66 = arith.constant 0 : i32
    %dma_start3A_67 = tpu.memref_slice %arg6[%add3A_55, %dma_start3A_66] : memref<2048x16xf32, #tpu.memory_space<hbm>> -> memref<32x16xf32, #tpu.memory_space<hbm>>
    tpu.enqueue_dma source(%dma_start3A_67 : memref<32x16xf32, #tpu.memory_space<hbm>>) target(%arg14 : memref<32x16xf32, #tpu.memory_space<vmem>>) target_semaphore(%arg16 : memref<!tpu.dma_semaphore, #tpu.memory_space<semaphore_mem>>)
    %dma_start3A_68 = arith.constant 0 : i32
    %dma_start3A_69 = tpu.memref_slice %arg7[%add3A_55, %dma_start3A_68] : memref<2048x16xf32, #tpu.memory_space<hbm>> -> memref<32x16xf32, #tpu.memory_space<hbm>>
    %dma_start3A_70 = arith.constant 0 : i32
    %dma_start3A_71 = tpu.memref_slice %arg7[%add3A_55, %dma_start3A_70] : memref<2048x16xf32, #tpu.memory_space<hbm>> -> memref<32x16xf32, #tpu.memory_space<hbm>>
    tpu.enqueue_dma source(%dma_start3A_71 : memref<32x16xf32, #tpu.memory_space<hbm>>) target(%arg15 : memref<32x16xf32, #tpu.memory_space<vmem>>) target_semaphore(%arg16 : memref<!tpu.dma_semaphore, #tpu.memory_space<semaphore_mem>>)
    %dma_wait3A_72 = tpu.memref_slice %arg4[%add3A_55] : memref<2048xi32, #tpu.memory_space<hbm>> -> memref<32xi32, #tpu.memory_space<hbm>>
    %dma_wait3A_73 = tpu.memref_slice %arg4[%add3A_55] : memref<2048xi32, #tpu.memory_space<hbm>> -> memref<32xi32, #tpu.memory_space<hbm>>
    tpu.wait_dma2 semaphore(%arg16 : memref<!tpu.dma_semaphore, #tpu.memory_space<semaphore_mem>>) src(%dma_wait3A_73 : memref<32xi32, #tpu.memory_space<hbm>>) dst(%arg9 : memref<32xi32, #tpu.memory_space<vmem>>)
    %dma_wait3A_74 = tpu.memref_slice %arg5[%add3A_55] : memref<2048xi32, #tpu.memory_space<hbm>> -> memref<32xi32, #tpu.memory_space<hbm>>
    %dma_wait3A_75 = tpu.memref_slice %arg5[%add3A_55] : memref<2048xi32, #tpu.memory_space<hbm>> -> memref<32xi32, #tpu.memory_space<hbm>>
    tpu.wait_dma2 semaphore(%arg16 : memref<!tpu.dma_semaphore, #tpu.memory_space<semaphore_mem>>) src(%dma_wait3A_75 : memref<32xi32, #tpu.memory_space<hbm>>) dst(%arg10 : memref<32xi32, #tpu.memory_space<vmem>>)
    %dma_start3A_76 = arith.constant 0 : i32
    %dma_start3A_77 = arith.constant 0 : i32
    %dma_start3A_78 = tpu.memref_slice %arg2[%dma_start3A_76, %dma_start3A_77] : memref<8192x1024xf32, #tpu.memory_space<hbm>> -> memref<8192x1024xf32, #tpu.memory_space<hbm>>
    tpu.enqueue_indirect_dma source(%dma_start3A_78 : memref<8192x1024xf32, #tpu.memory_space<hbm>>) target(%arg11 : memref<32x1024xf32, #tpu.memory_space<vmem>>) offsets(%arg9 : memref<32xi32, #tpu.memory_space<vmem>>) semaphore(%arg16 : memref<!tpu.dma_semaphore, #tpu.memory_space<semaphore_mem>>)
    %dma_start3A_79 = arith.constant 0 : i32
    %dma_start3A_80 = arith.constant 0 : i32
    %dma_start3A_81 = tpu.memref_slice %arg2[%dma_start3A_79, %dma_start3A_80] : memref<8192x1024xf32, #tpu.memory_space<hbm>> -> memref<8192x1024xf32, #tpu.memory_space<hbm>>
    tpu.enqueue_indirect_dma source(%dma_start3A_81 : memref<8192x1024xf32, #tpu.memory_space<hbm>>) target(%arg12 : memref<32x1024xf32, #tpu.memory_space<vmem>>) offsets(%arg10 : memref<32xi32, #tpu.memory_space<vmem>>) semaphore(%arg16 : memref<!tpu.dma_semaphore, #tpu.memory_space<semaphore_mem>>)
    %dma_wait3A_82 = arith.constant 0 : i32
    %dma_wait3A_83 = tpu.memref_slice %arg3[%add3A_55, %dma_wait3A_82] : memref<2048x1024xf32, #tpu.memory_space<hbm>> -> memref<32x1024xf32, #tpu.memory_space<hbm>>
    %dma_wait3A_84 = arith.constant 0 : i32
    %dma_wait3A_85 = tpu.memref_slice %arg3[%add3A_55, %dma_wait3A_84] : memref<2048x1024xf32, #tpu.memory_space<hbm>> -> memref<32x1024xf32, #tpu.memory_space<hbm>>
    tpu.wait_dma2 semaphore(%arg16 : memref<!tpu.dma_semaphore, #tpu.memory_space<semaphore_mem>>) src(%dma_wait3A_85 : memref<32x1024xf32, #tpu.memory_space<hbm>>) dst(%arg13 : memref<32x1024xf32, #tpu.memory_space<vmem>>)
    %dma_wait3A_86 = arith.constant 0 : i32
    %dma_wait3A_87 = tpu.memref_slice %arg6[%add3A_55, %dma_wait3A_86] : memref<2048x16xf32, #tpu.memory_space<hbm>> -> memref<32x16xf32, #tpu.memory_space<hbm>>
    %dma_wait3A_88 = arith.constant 0 : i32
    %dma_wait3A_89 = tpu.memref_slice %arg6[%add3A_55, %dma_wait3A_88] : memref<2048x16xf32, #tpu.memory_space<hbm>> -> memref<32x16xf32, #tpu.memory_space<hbm>>
    tpu.wait_dma2 semaphore(%arg16 : memref<!tpu.dma_semaphore, #tpu.memory_space<semaphore_mem>>) src(%dma_wait3A_89 : memref<32x16xf32, #tpu.memory_space<hbm>>) dst(%arg14 : memref<32x16xf32, #tpu.memory_space<vmem>>)
    %dma_wait3A_90 = arith.constant 0 : i32
    %dma_wait3A_91 = tpu.memref_slice %arg7[%add3A_55, %dma_wait3A_90] : memref<2048x16xf32, #tpu.memory_space<hbm>> -> memref<32x16xf32, #tpu.memory_space<hbm>>
    %dma_wait3A_92 = arith.constant 0 : i32
    %dma_wait3A_93 = tpu.memref_slice %arg7[%add3A_55, %dma_wait3A_92] : memref<2048x16xf32, #tpu.memory_space<hbm>> -> memref<32x16xf32, #tpu.memory_space<hbm>>
    tpu.wait_dma2 semaphore(%arg16 : memref<!tpu.dma_semaphore, #tpu.memory_space<semaphore_mem>>) src(%dma_wait3A_93 : memref<32x16xf32, #tpu.memory_space<hbm>>) dst(%arg15 : memref<32x16xf32, #tpu.memory_space<vmem>>)
    %dma_wait3A_94 = arith.constant 0 : i32
    %dma_wait3A_95 = arith.constant 0 : i32
    %dma_wait3A_96 = tpu.memref_slice %arg2[%dma_wait3A_94, %dma_wait3A_95] : memref<8192x1024xf32, #tpu.memory_space<hbm>> -> memref<8192x1024xf32, #tpu.memory_space<hbm>>
    tpu.wait_indirect_dma semaphore(%arg16 : memref<!tpu.dma_semaphore, #tpu.memory_space<semaphore_mem>>) src(%dma_wait3A_96 : memref<8192x1024xf32, #tpu.memory_space<hbm>>) dst(%arg11 : memref<32x1024xf32, #tpu.memory_space<vmem>>)
    %dma_wait3A_97 = arith.constant 0 : i32
    %dma_wait3A_98 = arith.constant 0 : i32
    %dma_wait3A_99 = tpu.memref_slice %arg2[%dma_wait3A_97, %dma_wait3A_98] : memref<8192x1024xf32, #tpu.memory_space<hbm>> -> memref<8192x1024xf32, #tpu.memory_space<hbm>>
    tpu.wait_indirect_dma semaphore(%arg16 : memref<!tpu.dma_semaphore, #tpu.memory_space<semaphore_mem>>) src(%dma_wait3A_99 : memref<8192x1024xf32, #tpu.memory_space<hbm>>) dst(%arg12 : memref<32x1024xf32, #tpu.memory_space<vmem>>)
    %scan3A_100 = arith.constant 0 : i32
    %scan3A_101 = arith.constant 0 : i32
    %scan3A_102 = arith.constant 32 : i32
    %scan3A_103 = arith.addi %scan3A_101, %scan3A_102 : i32
    %scan3A_104 = arith.constant 1 : i32
    scf.for %scan3A_106 = %scan3A_101 to %scan3A_103 step %scan3A_104  : i32 {
      %get3A = arith.index_cast %scan3A_106 : i32 to index
      %get3A_107 = arith.constant 0 : index
      %get3A_108 = tpu.vector_load %arg14[%get3A, %get3A_107] {strides = array<i32>} : memref<32x16xf32, #tpu.memory_space<vmem>>, vector<1x16xf32>,
      %get3A_109 = vector.shape_cast %get3A_108 : vector<1x16xf32> to vector<16xf32>
      %get3A_110 = arith.index_cast %scan3A_106 : i32 to index
      %get3A_111 = arith.constant 0 : index
      %get3A_112 = tpu.vector_load %arg15[%get3A_110, %get3A_111] {strides = array<i32>} : memref<32x16xf32, #tpu.memory_space<vmem>>, vector<1x16xf32>,
      %get3A_113 = vector.shape_cast %get3A_112 : vector<1x16xf32> to vector<16xf32>
      %get3A_114 = arith.index_cast %scan3A_106 : i32 to index
      %get3A_115 = arith.constant 0 : index
      %get3A_116 = tpu.vector_load %arg13[%get3A_114, %get3A_115] {strides = array<i32>} : memref<32x1024xf32, #tpu.memory_space<vmem>>, vector<1x16xf32>,
      %get3A_117 = vector.shape_cast %get3A_116 : vector<1x16xf32> to vector<16xf32>
      %get3A_118 = arith.index_cast %scan3A_106 : i32 to index
      %get3A_119 = arith.constant 0 : index
      %get3A_120 = tpu.vector_load %arg11[%get3A_118, %get3A_119] {strides = array<i32>} : memref<32x1024xf32, #tpu.memory_space<vmem>>, vector<1x16xf32>,
      %get3A_121 = vector.shape_cast %get3A_120 : vector<1x16xf32> to vector<16xf32>
      %mul3A_122 = arith.mulf %get3A_109, %get3A_121 : vector<16xf32>
      %add3A_123 = arith.addf %get3A_117, %mul3A_122 : vector<16xf32>
      %get3A_124 = arith.index_cast %scan3A_106 : i32 to index
      %get3A_125 = arith.constant 0 : index
      %get3A_126 = tpu.vector_load %arg12[%get3A_124, %get3A_125] {strides = array<i32>} : memref<32x1024xf32, #tpu.memory_space<vmem>>, vector<1x16xf32>,
      %get3A_127 = vector.shape_cast %get3A_126 : vector<1x16xf32> to vector<16xf32>
      %mul3A_128 = arith.mulf %get3A_113, %get3A_127 : vector<16xf32>
      %add3A_129 = arith.addf %add3A_123, %mul3A_128 : vector<16xf32>
      %swap3A = arith.index_cast %scan3A_106 : i32 to index
      %swap3A_130 = arith.constant 0 : index
      %swap3A_131 = tpu.vector_load %arg13[%swap3A, %swap3A_130] {strides = array<i32>} : memref<32x1024xf32, #tpu.memory_space<vmem>>, vector<1x16xf32>,
      %swap3A_132 = vector.shape_cast %swap3A_131 : vector<1x16xf32> to vector<16xf32>
      %swap3A_133 = vector.shape_cast %add3A_129 : vector<16xf32> to vector<1x16xf32>
      tpu.vector_store %arg13[%swap3A, %swap3A_130], %swap3A_133 {strides = array<i32>} : memref<32x1024xf32, #tpu.memory_space<vmem>>, vector<1x16xf32>,
      %get3A_134 = arith.index_cast %scan3A_106 : i32 to index
      %get3A_135 = arith.constant 16 : index
      %get3A_136 = tpu.vector_load %arg13[%get3A_134, %get3A_135] {strides = array<i32>} : memref<32x1024xf32, #tpu.memory_space<vmem>>, vector<1x16xf32>,
      %get3A_137 = vector.shape_cast %get3A_136 : vector<1x16xf32> to vector<16xf32>
      %get3A_138 = arith.index_cast %scan3A_106 : i32 to index
      %get3A_139 = arith.constant 16 : index
      %get3A_140 = tpu.vector_load %arg11[%get3A_138, %get3A_139] {strides = array<i32>} : memref<32x1024xf32, #tpu.memory_space<vmem>>, vector<1x16xf32>,
      %get3A_141 = vector.shape_cast %get3A_140 : vector<1x16xf32> to vector<16xf32>
      %mul3A_142 = arith.mulf %get3A_109, %get3A_141 : vector<16xf32>
      %add3A_143 = arith.addf %get3A_137, %mul3A_142 : vector<16xf32>
      %get3A_144 = arith.index_cast %scan3A_106 : i32 to index
      %get3A_145 = arith.constant 16 : index
      %get3A_146 = tpu.vector_load %arg12[%get3A_144, %get3A_145] {strides = array<i32>} : memref<32x1024xf32, #tpu.memory_space<vmem>>, vector<1x16xf32>,
      %get3A_147 = vector.shape_cast %get3A_146 : vector<1x16xf32> to vector<16xf32>
      %mul3A_148 = arith.mulf %get3A_113, %get3A_147 : vector<16xf32>
      %add3A_149 = arith.addf %add3A_143, %mul3A_148 : vector<16xf32>
      %swap3A_150 = arith.index_cast %scan3A_106 : i32 to index
      %swap3A_151 = arith.constant 16 : index
      %swap3A_152 = tpu.vector_load %arg13[%swap3A_150, %swap3A_151] {strides = array<i32>} : memref<32x1024xf32, #tpu.memory_space<vmem>>, vector<1x16xf32>,
      %swap3A_153 = vector.shape_cast %swap3A_152 : vector<1x16xf32> to vector<16xf32>
      %swap3A_154 = vector.shape_cast %add3A_149 : vector<16xf32> to vector<1x16xf32>
      tpu.vector_store %arg13[%swap3A_150, %swap3A_151], %swap3A_154 {strides = array<i32>} : memref<32x1024xf32, #tpu.memory_space<vmem>>, vector<1x16xf32>,
      %get3A_155 = arith.index_cast %scan3A_106 : i32 to index
      %get3A_156 = arith.constant 32 : index
      %get3A_157 = tpu.vector_load %arg13[%get3A_155, %get3A_156] {strides = array<i32>} : memref<32x1024xf32, #tpu.memory_space<vmem>>, vector<1x16xf32>,
      %get3A_158 = vector.shape_cast %get3A_157 : vector<1x16xf32> to vector<16xf32>
      %get3A_159 = arith.index_cast %scan3A_106 : i32 to index
      %get3A_160 = arith.constant 32 : index
      %get3A_161 = tpu.vector_load %arg11[%get3A_159, %get3A_160] {strides = array<i32>} : memref<32x1024xf32, #tpu.memory_space<vmem>>, vector<1x16xf32>,
      %get3A_162 = vector.shape_cast %get3A_161 : vector<1x16xf32> to vector<16xf32>
      %mul3A_163 = arith.mulf %get3A_109, %get3A_162 : vector<16xf32>
      %add3A_164 = arith.addf %get3A_158, %mul3A_163 : vector<16xf32>
      %get3A_165 = arith.index_cast %scan3A_106 : i32 to index
      %get3A_166 = arith.constant 32 : index
      %get3A_167 = tpu.vector_load %arg12[%get3A_165, %get3A_166] {strides = array<i32>} : memref<32x1024xf32, #tpu.memory_space<vmem>>, vector<1x16xf32>,
      %get3A_168 = vector.shape_cast %get3A_167 : vector<1x16xf32> to vector<16xf32>
      %mul3A_169 = arith.mulf %get3A_113, %get3A_168 : vector<16xf32>
      %add3A_170 = arith.addf %add3A_164, %mul3A_169 : vector<16xf32>
      %swap3A_171 = arith.index_cast %scan3A_106 : i32 to index
      %swap3A_172 = arith.constant 32 : index
      %swap3A_173 = tpu.vector_load %arg13[%swap3A_171, %swap3A_172] {strides = array<i32>} : memref<32x1024xf32, #tpu.memory_space<vmem>>, vector<1x16xf32>,
      %swap3A_174 = vector.shape_cast %swap3A_173 : vector<1x16xf32> to vector<16xf32>
      %swap3A_175 = vector.shape_cast %add3A_170 : vector<16xf32> to vector<1x16xf32>
      tpu.vector_store %arg13[%swap3A_171, %swap3A_172], %swap3A_175 {strides = array<i32>} : memref<32x1024xf32, #tpu.memory_space<vmem>>, vector<1x16xf32>,
      %get3A_176 = arith.index_cast %scan3A_106 : i32 to index
      %get3A_177 = arith.constant 48 : index
      %get3A_178 = tpu.vector_load %arg13[%get3A_176, %get3A_177] {strides = array<i32>} : memref<32x1024xf32, #tpu.memory_space<vmem>>, vector<1x16xf32>,
      %get3A_179 = vector.shape_cast %get3A_178 : vector<1x16xf32> to vector<16xf32>
      %get3A_180 = arith.index_cast %scan3A_106 : i32 to index
      %get3A_181 = arith.constant 48 : index
      %get3A_182 = tpu.vector_load %arg11[%get3A_180, %get3A_181] {strides = array<i32>} : memref<32x1024xf32, #tpu.memory_space<vmem>>, vector<1x16xf32>,
      %get3A_183 = vector.shape_cast %get3A_182 : vector<1x16xf32> to vector<16xf32>
      %mul3A_184 = arith.mulf %get3A_109, %get3A_183 : vector<16xf32>
      %add3A_185 = arith.addf %get3A_179, %mul3A_184 : vector<16xf32>
      %get3A_186 = arith.index_cast %scan3A_106 : i32 to index
      %get3A_187 = arith.constant 48 : index
      %get3A_188 = tpu.vector_load %arg12[%get3A_186, %get3A_187] {strides = array<i32>} : memref<32x1024xf32, #tpu.memory_space<vmem>>, vector<1x16xf32>,
      %get3A_189 = vector.shape_cast %get3A_188 : vector<1x16xf32> to vector<16xf32>
      %mul3A_190 = arith.mulf %get3A_113, %get3A_189 : vector<16xf32>
      %add3A_191 = arith.addf %add3A_185, %mul3A_190 : vector<16xf32>
      %swap3A_192 = arith.index_cast %scan3A_106 : i32 to index
      %swap3A_193 = arith.constant 48 : index
      %swap3A_194 = tpu.vector_load %arg13[%swap3A_192, %swap3A_193] {strides = array<i32>} : memref<32x1024xf32, #tpu.memory_space<vmem>>, vector<1x16xf32>,
      %swap3A_195 = vector.shape_cast %swap3A_194 : vector<1x16xf32> to vector<16xf32>
      %swap3A_196 = vector.shape_cast %add3A_191 : vector<16xf32> to vector<1x16xf32>
      tpu.vector_store %arg13[%swap3A_192, %swap3A_193], %swap3A_196 {strides = array<i32>} : memref<32x1024xf32, #tpu.memory_space<vmem>>, vector<1x16xf32>,
      %get3A_197 = arith.index_cast %scan3A_106 : i32 to index
      %get3A_198 = arith.constant 64 : index
      %get3A_199 = tpu.vector_load %arg13[%get3A_197, %get3A_198] {strides = array<i32>} : memref<32x1024xf32, #tpu.memory_space<vmem>>, vector<1x16xf32>,
      %get3A_200 = vector.shape_cast %get3A_199 : vector<1x16xf32> to vector<16xf32>
      %get3A_201 = arith.index_cast %scan3A_106 : i32 to index
      %get3A_202 = arith.constant 64 : index
      %get3A_203 = tpu.vector_load %arg11[%get3A_201, %get3A_202] {strides = array<i32>} : memref<32x1024xf32, #tpu.memory_space<vmem>>, vector<1x16xf32>,
      %get3A_204 = vector.shape_cast %get3A_203 : vector<1x16xf32> to vector<16xf32>
      %mul3A_205 = arith.mulf %get3A_109, %get3A_204 : vector<16xf32>
      %add3A_206 = arith.addf %get3A_200, %mul3A_205 : vector<16xf32>
      %get3A_207 = arith.index_cast %scan3A_106 : i32 to index
      %get3A_208 = arith.constant 64 : index
      %get3A_209 = tpu.vector_load %arg12[%get3A_207, %get3A_208] {strides = array<i32>} : memref<32x1024xf32, #tpu.memory_space<vmem>>, vector<1x16xf32>,
      %get3A_210 = vector.shape_cast %get3A_209 : vector<1x16xf32> to vector<16xf32>
      %mul3A_211 = arith.mulf %get3A_113, %get3A_210 : vector<16xf32>
      %add3A_212 = arith.addf %add3A_206, %mul3A_211 : vector<16xf32>
      %swap3A_213 = arith.index_cast %scan3A_106 : i32 to index
      %swap3A_214 = arith.constant 64 : index
      %swap3A_215 = tpu.vector_load %arg13[%swap3A_213, %swap3A_214] {strides = array<i32>} : memref<32x1024xf32, #tpu.memory_space<vmem>>, vector<1x16xf32>,
      %swap3A_216 = vector.shape_cast %swap3A_215 : vector<1x16xf32> to vector<16xf32>
      %swap3A_217 = vector.shape_cast %add3A_212 : vector<16xf32> to vector<1x16xf32>
      tpu.vector_store %arg13[%swap3A_213, %swap3A_214], %swap3A_217 {strides = array<i32>} : memref<32x1024xf32, #tpu.memory_space<vmem>>, vector<1x16xf32>,
      %get3A_218 = arith.index_cast %scan3A_106 : i32 to index
      %get3A_219 = arith.constant 80 : index
      %get3A_220 = tpu.vector_load %arg13[%get3A_218, %get3A_219] {strides = array<i32>} : memref<32x1024xf32, #tpu.memory_space<vmem>>, vector<1x16xf32>,
      %get3A_221 = vector.shape_cast %get3A_220 : vector<1x16xf32> to vector<16xf32>
      %get3A_222 = arith.index_cast %scan3A_106 : i32 to index
      %get3A_223 = arith.constant 80 : index
      %get3A_224 = tpu.vector_load %arg11[%get3A_222, %get3A_223] {strides = array<i32>} : memref<32x1024xf32, #tpu.memory_space<vmem>>, vector<1x16xf32>,
      %get3A_225 = vector.shape_cast %get3A_224 : vector<1x16xf32> to vector<16xf32>
      %mul3A_226 = arith.mulf %get3A_109, %get3A_225 : vector<16xf32>
      %add3A_227 = arith.addf %get3A_221, %mul3A_226 : vector<16xf32>
      %get3A_228 = arith.index_cast %scan3A_106 : i32 to index
      %get3A_229 = arith.constant 80 : index
      %get3A_230 = tpu.vector_load %arg12[%get3A_228, %get3A_229] {strides = array<i32>} : memref<32x1024xf32, #tpu.memory_space<vmem>>, vector<1x16xf32>,
      %get3A_231 = vector.shape_cast %get3A_230 : vector<1x16xf32> to vector<16xf32>
      %mul3A_232 = arith.mulf %get3A_113, %get3A_231 : vector<16xf32>
      %add3A_233 = arith.addf %add3A_227, %mul3A_232 : vector<16xf32>
      %swap3A_234 = arith.index_cast %scan3A_106 : i32 to index
      %swap3A_235 = arith.constant 80 : index
      %swap3A_236 = tpu.vector_load %arg13[%swap3A_234, %swap3A_235] {strides = array<i32>} : memref<32x1024xf32, #tpu.memory_space<vmem>>, vector<1x16xf32>,
      %swap3A_237 = vector.shape_cast %swap3A_236 : vector<1x16xf32> to vector<16xf32>
      %swap3A_238 = vector.shape_cast %add3A_233 : vector<16xf32> to vector<1x16xf32>
      tpu.vector_store %arg13[%swap3A_234, %swap3A_235], %swap3A_238 {strides = array<i32>} : memref<32x1024xf32, #tpu.memory_space<vmem>>, vector<1x16xf32>,
      %get3A_239 = arith.index_cast %scan3A_106 : i32 to index
      %get3A_240 = arith.constant 96 : index
      %get3A_241 = tpu.vector_load %arg13[%get3A_239, %get3A_240] {strides = array<i32>} : memref<32x1024xf32, #tpu.memory_space<vmem>>, vector<1x16xf32>,
      %get3A_242 = vector.shape_cast %get3A_241 : vector<1x16xf32> to vector<16xf32>
      %get3A_243 = arith.index_cast %scan3A_106 : i32 to index
      %get3A_244 = arith.constant 96 : index
      %get3A_245 = tpu.vector_load %arg11[%get3A_243, %get3A_244] {strides = array<i32>} : memref<32x1024xf32, #tpu.memory_space<vmem>>, vector<1x16xf32>,
      %get3A_246 = vector.shape_cast %get3A_245 : vector<1x16xf32> to vector<16xf32>
      %mul3A_247 = arith.mulf %get3A_109, %get3A_246 : vector<16xf32>
      %add3A_248 = arith.addf %get3A_242, %mul3A_247 : vector<16xf32>
      %get3A_249 = arith.index_cast %scan3A_106 : i32 to index
      %get3A_250 = arith.constant 96 : index
      %get3A_251 = tpu.vector_load %arg12[%get3A_249, %get3A_250] {strides = array<i32>} : memref<32x1024xf32, #tpu.memory_space<vmem>>, vector<1x16xf32>,
      %get3A_252 = vector.shape_cast %get3A_251 : vector<1x16xf32> to vector<16xf32>
      %mul3A_253 = arith.mulf %get3A_113, %get3A_252 : vector<16xf32>
      %add3A_254 = arith.addf %add3A_248, %mul3A_253 : vector<16xf32>
      %swap3A_255 = arith.index_cast %scan3A_106 : i32 to index
      %swap3A_256 = arith.constant 96 : index
      %swap3A_257 = tpu.vector_load %arg13[%swap3A_255, %swap3A_256] {strides = array<i32>} : memref<32x1024xf32, #tpu.memory_space<vmem>>, vector<1x16xf32>,
      %swap3A_258 = vector.shape_cast %swap3A_257 : vector<1x16xf32> to vector<16xf32>
      %swap3A_259 = vector.shape_cast %add3A_254 : vector<16xf32> to vector<1x16xf32>
      tpu.vector_store %arg13[%swap3A_255, %swap3A_256], %swap3A_259 {strides = array<i32>} : memref<32x1024xf32, #tpu.memory_space<vmem>>, vector<1x16xf32>,
      %get3A_260 = arith.index_cast %scan3A_106 : i32 to index
      %get3A_261 = arith.constant 112 : index
      %get3A_262 = tpu.vector_load %arg13[%get3A_260, %get3A_261] {strides = array<i32>} : memref<32x1024xf32, #tpu.memory_space<vmem>>, vector<1x16xf32>,
      %get3A_263 = vector.shape_cast %get3A_262 : vector<1x16xf32> to vector<16xf32>
      %get3A_264 = arith.index_cast %scan3A_106 : i32 to index
      %get3A_265 = arith.constant 112 : index
      %get3A_266 = tpu.vector_load %arg11[%get3A_264, %get3A_265] {strides = array<i32>} : memref<32x1024xf32, #tpu.memory_space<vmem>>, vector<1x16xf32>,
      %get3A_267 = vector.shape_cast %get3A_266 : vector<1x16xf32> to vector<16xf32>
      %mul3A_268 = arith.mulf %get3A_109, %get3A_267 : vector<16xf32>
      %add3A_269 = arith.addf %get3A_263, %mul3A_268 : vector<16xf32>
      %get3A_270 = arith.index_cast %scan3A_106 : i32 to index
      %get3A_271 = arith.constant 112 : index
      %get3A_272 = tpu.vector_load %arg12[%get3A_270, %get3A_271] {strides = array<i32>} : memref<32x1024xf32, #tpu.memory_space<vmem>>, vector<1x16xf32>,
      %get3A_273 = vector.shape_cast %get3A_272 : vector<1x16xf32> to vector<16xf32>
      %mul3A_274 = arith.mulf %get3A_113, %get3A_273 : vector<16xf32>
      %add3A_275 = arith.addf %add3A_269, %mul3A_274 : vector<16xf32>
      %swap3A_276 = arith.index_cast %scan3A_106 : i32 to index
      %swap3A_277 = arith.constant 112 : index
      %swap3A_278 = tpu.vector_load %arg13[%swap3A_276, %swap3A_277] {strides = array<i32>} : memref<32x1024xf32, #tpu.memory_space<vmem>>, vector<1x16xf32>,
      %swap3A_279 = vector.shape_cast %swap3A_278 : vector<1x16xf32> to vector<16xf32>
      %swap3A_280 = vector.shape_cast %add3A_275 : vector<16xf32> to vector<1x16xf32>
      tpu.vector_store %arg13[%swap3A_276, %swap3A_277], %swap3A_280 {strides = array<i32>} : memref<32x1024xf32, #tpu.memory_space<vmem>>, vector<1x16xf32>,
      %get3A_281 = arith.index_cast %scan3A_106 : i32 to index
      %get3A_282 = arith.constant 128 : index
      %get3A_283 = tpu.vector_load %arg13[%get3A_281, %get3A_282] {strides = array<i32>} : memref<32x1024xf32, #tpu.memory_space<vmem>>, vector<1x16xf32>,
      %get3A_284 = vector.shape_cast %get3A_283 : vector<1x16xf32> to vector<16xf32>
      %get3A_285 = arith.index_cast %scan3A_106 : i32 to index
      %get3A_286 = arith.constant 128 : index
      %get3A_287 = tpu.vector_load %arg11[%get3A_285, %get3A_286] {strides = array<i32>} : memref<32x1024xf32, #tpu.memory_space<vmem>>, vector<1x16xf32>,
      %get3A_288 = vector.shape_cast %get3A_287 : vector<1x16xf32> to vector<16xf32>
      %mul3A_289 = arith.mulf %get3A_109, %get3A_288 : vector<16xf32>
      %add3A_290 = arith.addf %get3A_284, %mul3A_289 : vector<16xf32>
      %get3A_291 = arith.index_cast %scan3A_106 : i32 to index
      %get3A_292 = arith.constant 128 : index
      %get3A_293 = tpu.vector_load %arg12[%get3A_291, %get3A_292] {strides = array<i32>} : memref<32x1024xf32, #tpu.memory_space<vmem>>, vector<1x16xf32>,
      %get3A_294 = vector.shape_cast %get3A_293 : vector<1x16xf32> to vector<16xf32>
      %mul3A_295 = arith.mulf %get3A_113, %get3A_294 : vector<16xf32>
      %add3A_296 = arith.addf %add3A_290, %mul3A_295 : vector<16xf32>
      %swap3A_297 = arith.index_cast %scan3A_106 : i32 to index
      %swap3A_298 = arith.constant 128 : index
      %swap3A_299 = tpu.vector_load %arg13[%swap3A_297, %swap3A_298] {strides = array<i32>} : memref<32x1024xf32, #tpu.memory_space<vmem>>, vector<1x16xf32>,
      %swap3A_300 = vector.shape_cast %swap3A_299 : vector<1x16xf32> to vector<16xf32>
      %swap3A_301 = vector.shape_cast %add3A_296 : vector<16xf32> to vector<1x16xf32>
      tpu.vector_store %arg13[%swap3A_297, %swap3A_298], %swap3A_301 {strides = array<i32>} : memref<32x1024xf32, #tpu.memory_space<vmem>>, vector<1x16xf32>,
      %get3A_302 = arith.index_cast %scan3A_106 : i32 to index
      %get3A_303 = arith.constant 144 : index
      %get3A_304 = tpu.vector_load %arg13[%get3A_302, %get3A_303] {strides = array<i32>} : memref<32x1024xf32, #tpu.memory_space<vmem>>, vector<1x16xf32>,
      %get3A_305 = vector.shape_cast %get3A_304 : vector<1x16xf32> to vector<16xf32>
      %get3A_306 = arith.index_cast %scan3A_106 : i32 to index
      %get3A_307 = arith.constant 144 : index
      %get3A_308 = tpu.vector_load %arg11[%get3A_306, %get3A_307] {strides = array<i32>} : memref<32x1024xf32, #tpu.memory_space<vmem>>, vector<1x16xf32>,
      %get3A_309 = vector.shape_cast %get3A_308 : vector<1x16xf32> to vector<16xf32>
      %mul3A_310 = arith.mulf %get3A_109, %get3A_309 : vector<16xf32>
      %add3A_311 = arith.addf %get3A_305, %mul3A_310 : vector<16xf32>
      %get3A_312 = arith.index_cast %scan3A_106 : i32 to index
      %get3A_313 = arith.constant 144 : index
      %get3A_314 = tpu.vector_load %arg12[%get3A_312, %get3A_313] {strides = array<i32>} : memref<32x1024xf32, #tpu.memory_space<vmem>>, vector<1x16xf32>,
      %get3A_315 = vector.shape_cast %get3A_314 : vector<1x16xf32> to vector<16xf32>
      %mul3A_316 = arith.mulf %get3A_113, %get3A_315 : vector<16xf32>
      %add3A_317 = arith.addf %add3A_311, %mul3A_316 : vector<16xf32>
      %swap3A_318 = arith.index_cast %scan3A_106 : i32 to index
      %swap3A_319 = arith.constant 144 : index
      %swap3A_320 = tpu.vector_load %arg13[%swap3A_318, %swap3A_319] {strides = array<i32>} : memref<32x1024xf32, #tpu.memory_space<vmem>>, vector<1x16xf32>,
      %swap3A_321 = vector.shape_cast %swap3A_320 : vector<1x16xf32> to vector<16xf32>
      %swap3A_322 = vector.shape_cast %add3A_317 : vector<16xf32> to vector<1x16xf32>
      tpu.vector_store %arg13[%swap3A_318, %swap3A_319], %swap3A_322 {strides = array<i32>} : memref<32x1024xf32, #tpu.memory_space<vmem>>, vector<1x16xf32>,
      %get3A_323 = arith.index_cast %scan3A_106 : i32 to index
      %get3A_324 = arith.constant 160 : index
      %get3A_325 = tpu.vector_load %arg13[%get3A_323, %get3A_324] {strides = array<i32>} : memref<32x1024xf32, #tpu.memory_space<vmem>>, vector<1x16xf32>,
      %get3A_326 = vector.shape_cast %get3A_325 : vector<1x16xf32> to vector<16xf32>
      %get3A_327 = arith.index_cast %scan3A_106 : i32 to index
      %get3A_328 = arith.constant 160 : index
      %get3A_329 = tpu.vector_load %arg11[%get3A_327, %get3A_328] {strides = array<i32>} : memref<32x1024xf32, #tpu.memory_space<vmem>>, vector<1x16xf32>,
      %get3A_330 = vector.shape_cast %get3A_329 : vector<1x16xf32> to vector<16xf32>
      %mul3A_331 = arith.mulf %get3A_109, %get3A_330 : vector<16xf32>
      %add3A_332 = arith.addf %get3A_326, %mul3A_331 : vector<16xf32>
      %get3A_333 = arith.index_cast %scan3A_106 : i32 to index
      %get3A_334 = arith.constant 160 : index
      %get3A_335 = tpu.vector_load %arg12[%get3A_333, %get3A_334] {strides = array<i32>} : memref<32x1024xf32, #tpu.memory_space<vmem>>, vector<1x16xf32>,
      %get3A_336 = vector.shape_cast %get3A_335 : vector<1x16xf32> to vector<16xf32>
      %mul3A_337 = arith.mulf %get3A_113, %get3A_336 : vector<16xf32>
      %add3A_338 = arith.addf %add3A_332, %mul3A_337 : vector<16xf32>
      %swap3A_339 = arith.index_cast %scan3A_106 : i32 to index
      %swap3A_340 = arith.constant 160 : index
      %swap3A_341 = tpu.vector_load %arg13[%swap3A_339, %swap3A_340] {strides = array<i32>} : memref<32x1024xf32, #tpu.memory_space<vmem>>, vector<1x16xf32>,
      %swap3A_342 = vector.shape_cast %swap3A_341 : vector<1x16xf32> to vector<16xf32>
      %swap3A_343 = vector.shape_cast %add3A_338 : vector<16xf32> to vector<1x16xf32>
      tpu.vector_store %arg13[%swap3A_339, %swap3A_340], %swap3A_343 {strides = array<i32>} : memref<32x1024xf32, #tpu.memory_space<vmem>>, vector<1x16xf32>,
      %get3A_344 = arith.index_cast %scan3A_106 : i32 to index
      %get3A_345 = arith.constant 176 : index
      %get3A_346 = tpu.vector_load %arg13[%get3A_344, %get3A_345] {strides = array<i32>} : memref<32x1024xf32, #tpu.memory_space<vmem>>, vector<1x16xf32>,
      %get3A_347 = vector.shape_cast %get3A_346 : vector<1x16xf32> to vector<16xf32>
      %get3A_348 = arith.index_cast %scan3A_106 : i32 to index
      %get3A_349 = arith.constant 176 : index
      %get3A_350 = tpu.vector_load %arg11[%get3A_348, %get3A_349] {strides = array<i32>} : memref<32x1024xf32, #tpu.memory_space<vmem>>, vector<1x16xf32>,
      %get3A_351 = vector.shape_cast %get3A_350 : vector<1x16xf32> to vector<16xf32>
      %mul3A_352 = arith.mulf %get3A_109, %get3A_351 : vector<16xf32>
      %add3A_353 = arith.addf %get3A_347, %mul3A_352 : vector<16xf32>
      %get3A_354 = arith.index_cast %scan3A_106 : i32 to index
      %get3A_355 = arith.constant 176 : index
      %get3A_356 = tpu.vector_load %arg12[%get3A_354, %get3A_355] {strides = array<i32>} : memref<32x1024xf32, #tpu.memory_space<vmem>>, vector<1x16xf32>,
      %get3A_357 = vector.shape_cast %get3A_356 : vector<1x16xf32> to vector<16xf32>
      %mul3A_358 = arith.mulf %get3A_113, %get3A_357 : vector<16xf32>
      %add3A_359 = arith.addf %add3A_353, %mul3A_358 : vector<16xf32>
      %swap3A_360 = arith.index_cast %scan3A_106 : i32 to index
      %swap3A_361 = arith.constant 176 : index
      %swap3A_362 = tpu.vector_load %arg13[%swap3A_360, %swap3A_361] {strides = array<i32>} : memref<32x1024xf32, #tpu.memory_space<vmem>>, vector<1x16xf32>,
      %swap3A_363 = vector.shape_cast %swap3A_362 : vector<1x16xf32> to vector<16xf32>
      %swap3A_364 = vector.shape_cast %add3A_359 : vector<16xf32> to vector<1x16xf32>
      tpu.vector_store %arg13[%swap3A_360, %swap3A_361], %swap3A_364 {strides = array<i32>} : memref<32x1024xf32, #tpu.memory_space<vmem>>, vector<1x16xf32>,
      %get3A_365 = arith.index_cast %scan3A_106 : i32 to index
      %get3A_366 = arith.constant 192 : index
      %get3A_367 = tpu.vector_load %arg13[%get3A_365, %get3A_366] {strides = array<i32>} : memref<32x1024xf32, #tpu.memory_space<vmem>>, vector<1x16xf32>,
      %get3A_368 = vector.shape_cast %get3A_367 : vector<1x16xf32> to vector<16xf32>
      %get3A_369 = arith.index_cast %scan3A_106 : i32 to index
      %get3A_370 = arith.constant 192 : index
      %get3A_371 = tpu.vector_load %arg11[%get3A_369, %get3A_370] {strides = array<i32>} : memref<32x1024xf32, #tpu.memory_space<vmem>>, vector<1x16xf32>,
      %get3A_372 = vector.shape_cast %get3A_371 : vector<1x16xf32> to vector<16xf32>
      %mul3A_373 = arith.mulf %get3A_109, %get3A_372 : vector<16xf32>
      %add3A_374 = arith.addf %get3A_368, %mul3A_373 : vector<16xf32>
      %get3A_375 = arith.index_cast %scan3A_106 : i32 to index
      %get3A_376 = arith.constant 192 : index
      %get3A_377 = tpu.vector_load %arg12[%get3A_375, %get3A_376] {strides = array<i32>} : memref<32x1024xf32, #tpu.memory_space<vmem>>, vector<1x16xf32>,
      %get3A_378 = vector.shape_cast %get3A_377 : vector<1x16xf32> to vector<16xf32>
      %mul3A_379 = arith.mulf %get3A_113, %get3A_378 : vector<16xf32>
      %add3A_380 = arith.addf %add3A_374, %mul3A_379 : vector<16xf32>
      %swap3A_381 = arith.index_cast %scan3A_106 : i32 to index
      %swap3A_382 = arith.constant 192 : index
      %swap3A_383 = tpu.vector_load %arg13[%swap3A_381, %swap3A_382] {strides = array<i32>} : memref<32x1024xf32, #tpu.memory_space<vmem>>, vector<1x16xf32>,
      %swap3A_384 = vector.shape_cast %swap3A_383 : vector<1x16xf32> to vector<16xf32>
      %swap3A_385 = vector.shape_cast %add3A_380 : vector<16xf32> to vector<1x16xf32>
      tpu.vector_store %arg13[%swap3A_381, %swap3A_382], %swap3A_385 {strides = array<i32>} : memref<32x1024xf32, #tpu.memory_space<vmem>>, vector<1x16xf32>,
      %get3A_386 = arith.index_cast %scan3A_106 : i32 to index
      %get3A_387 = arith.constant 208 : index
      %get3A_388 = tpu.vector_load %arg13[%get3A_386, %get3A_387] {strides = array<i32>} : memref<32x1024xf32, #tpu.memory_space<vmem>>, vector<1x16xf32>,
      %get3A_389 = vector.shape_cast %get3A_388 : vector<1x16xf32> to vector<16xf32>
      %get3A_390 = arith.index_cast %scan3A_106 : i32 to index
      %get3A_391 = arith.constant 208 : index
      %get3A_392 = tpu.vector_load %arg11[%get3A_390, %get3A_391] {strides = array<i32>} : memref<32x1024xf32, #tpu.memory_space<vmem>>, vector<1x16xf32>,
      %get3A_393 = vector.shape_cast %get3A_392 : vector<1x16xf32> to vector<16xf32>
      %mul3A_394 = arith.mulf %get3A_109, %get3A_393 : vector<16xf32>
      %add3A_395 = arith.addf %get3A_389, %mul3A_394 : vector<16xf32>
      %get3A_396 = arith.index_cast %scan3A_106 : i32 to index
      %get3A_397 = arith.constant 208 : index
      %get3A_398 = tpu.vector_load %arg12[%get3A_396, %get3A_397] {strides = array<i32>} : memref<32x1024xf32, #tpu.memory_space<vmem>>, vector<1x16xf32>,
      %get3A_399 = vector.shape_cast %get3A_398 : vector<1x16xf32> to vector<16xf32>
      %mul3A_400 = arith.mulf %get3A_113, %get3A_399 : vector<16xf32>
      %add3A_401 = arith.addf %add3A_395, %mul3A_400 : vector<16xf32>
      %swap3A_402 = arith.index_cast %scan3A_106 : i32 to index
      %swap3A_403 = arith.constant 208 : index
      %swap3A_404 = tpu.vector_load %arg13[%swap3A_402, %swap3A_403] {strides = array<i32>} : memref<32x1024xf32, #tpu.memory_space<vmem>>, vector<1x16xf32>,
      %swap3A_405 = vector.shape_cast %swap3A_404 : vector<1x16xf32> to vector<16xf32>
      %swap3A_406 = vector.shape_cast %add3A_401 : vector<16xf32> to vector<1x16xf32>
      tpu.vector_store %arg13[%swap3A_402, %swap3A_403], %swap3A_406 {strides = array<i32>} : memref<32x1024xf32, #tpu.memory_space<vmem>>, vector<1x16xf32>,
      %get3A_407 = arith.index_cast %scan3A_106 : i32 to index
      %get3A_408 = arith.constant 224 : index
      %get3A_409 = tpu.vector_load %arg13[%get3A_407, %get3A_408] {strides = array<i32>} : memref<32x1024xf32, #tpu.memory_space<vmem>>, vector<1x16xf32>,
      %get3A_410 = vector.shape_cast %get3A_409 : vector<1x16xf32> to vector<16xf32>
      %get3A_411 = arith.index_cast %scan3A_106 : i32 to index
      %get3A_412 = arith.constant 224 : index
      %get3A_413 = tpu.vector_load %arg11[%get3A_411, %get3A_412] {strides = array<i32>} : memref<32x1024xf32, #tpu.memory_space<vmem>>, vector<1x16xf32>,
      %get3A_414 = vector.shape_cast %get3A_413 : vector<1x16xf32> to vector<16xf32>
      %mul3A_415 = arith.mulf %get3A_109, %get3A_414 : vector<16xf32>
      %add3A_416 = arith.addf %get3A_410, %mul3A_415 : vector<16xf32>
      %get3A_417 = arith.index_cast %scan3A_106 : i32 to index
      %get3A_418 = arith.constant 224 : index
      %get3A_419 = tpu.vector_load %arg12[%get3A_417, %get3A_418] {strides = array<i32>} : memref<32x1024xf32, #tpu.memory_space<vmem>>, vector<1x16xf32>,
      %get3A_420 = vector.shape_cast %get3A_419 : vector<1x16xf32> to vector<16xf32>
      %mul3A_421 = arith.mulf %get3A_113, %get3A_420 : vector<16xf32>
      %add3A_422 = arith.addf %add3A_416, %mul3A_421 : vector<16xf32>
      %swap3A_423 = arith.index_cast %scan3A_106 : i32 to index
      %swap3A_424 = arith.constant 224 : index
      %swap3A_425 = tpu.vector_load %arg13[%swap3A_423, %swap3A_424] {strides = array<i32>} : memref<32x1024xf32, #tpu.memory_space<vmem>>, vector<1x16xf32>,
      %swap3A_426 = vector.shape_cast %swap3A_425 : vector<1x16xf32> to vector<16xf32>
      %swap3A_427 = vector.shape_cast %add3A_422 : vector<16xf32> to vector<1x16xf32>
      tpu.vector_store %arg13[%swap3A_423, %swap3A_424], %swap3A_427 {strides = array<i32>} : memref<32x1024xf32, #tpu.memory_space<vmem>>, vector<1x16xf32>,
      %get3A_428 = arith.index_cast %scan3A_106 : i32 to index
      %get3A_429 = arith.constant 240 : index
      %get3A_430 = tpu.vector_load %arg13[%get3A_428, %get3A_429] {strides = array<i32>} : memref<32x1024xf32, #tpu.memory_space<vmem>>, vector<1x16xf32>,
      %get3A_431 = vector.shape_cast %get3A_430 : vector<1x16xf32> to vector<16xf32>
      %get3A_432 = arith.index_cast %scan3A_106 : i32 to index
      %get3A_433 = arith.constant 240 : index
      %get3A_434 = tpu.vector_load %arg11[%get3A_432, %get3A_433] {strides = array<i32>} : memref<32x1024xf32, #tpu.memory_space<vmem>>, vector<1x16xf32>,
      %get3A_435 = vector.shape_cast %get3A_434 : vector<1x16xf32> to vector<16xf32>
      %mul3A_436 = arith.mulf %get3A_109, %get3A_435 : vector<16xf32>
      %add3A_437 = arith.addf %get3A_431, %mul3A_436 : vector<16xf32>
      %get3A_438 = arith.index_cast %scan3A_106 : i32 to index
      %get3A_439 = arith.constant 240 : index
      %get3A_440 = tpu.vector_load %arg12[%get3A_438, %get3A_439] {strides = array<i32>} : memref<32x1024xf32, #tpu.memory_space<vmem>>, vector<1x16xf32>,
      %get3A_441 = vector.shape_cast %get3A_440 : vector<1x16xf32> to vector<16xf32>
      %mul3A_442 = arith.mulf %get3A_113, %get3A_441 : vector<16xf32>
      %add3A_443 = arith.addf %add3A_437, %mul3A_442 : vector<16xf32>
      %swap3A_444 = arith.index_cast %scan3A_106 : i32 to index
      %swap3A_445 = arith.constant 240 : index
      %swap3A_446 = tpu.vector_load %arg13[%swap3A_444, %swap3A_445] {strides = array<i32>} : memref<32x1024xf32, #tpu.memory_space<vmem>>, vector<1x16xf32>,
      %swap3A_447 = vector.shape_cast %swap3A_446 : vector<1x16xf32> to vector<16xf32>
      %swap3A_448 = vector.shape_cast %add3A_443 : vector<16xf32> to vector<1x16xf32>
      tpu.vector_store %arg13[%swap3A_444, %swap3A_445], %swap3A_448 {strides = array<i32>} : memref<32x1024xf32, #tpu.memory_space<vmem>>, vector<1x16xf32>,
      %get3A_449 = arith.index_cast %scan3A_106 : i32 to index
      %get3A_450 = arith.constant 256 : index
      %get3A_451 = tpu.vector_load %arg13[%get3A_449, %get3A_450] {strides = array<i32>} : memref<32x1024xf32, #tpu.memory_space<vmem>>, vector<1x16xf32>,
      %get3A_452 = vector.shape_cast %get3A_451 : vector<1x16xf32> to vector<16xf32>
      %get3A_453 = arith.index_cast %scan3A_106 : i32 to index
      %get3A_454 = arith.constant 256 : index
      %get3A_455 = tpu.vector_load %arg11[%get3A_453, %get3A_454] {strides = array<i32>} : memref<32x1024xf32, #tpu.memory_space<vmem>>, vector<1x16xf32>,
      %get3A_456 = vector.shape_cast %get3A_455 : vector<1x16xf32> to vector<16xf32>
      %mul3A_457 = arith.mulf %get3A_109, %get3A_456 : vector<16xf32>
      %add3A_458 = arith.addf %get3A_452, %mul3A_457 : vector<16xf32>
      %get3A_459 = arith.index_cast %scan3A_106 : i32 to index
      %get3A_460 = arith.constant 256 : index
      %get3A_461 = tpu.vector_load %arg12[%get3A_459, %get3A_460] {strides = array<i32>} : memref<32x1024xf32, #tpu.memory_space<vmem>>, vector<1x16xf32>,
      %get3A_462 = vector.shape_cast %get3A_461 : vector<1x16xf32> to vector<16xf32>
      %mul3A_463 = arith.mulf %get3A_113, %get3A_462 : vector<16xf32>
      %add3A_464 = arith.addf %add3A_458, %mul3A_463 : vector<16xf32>
      %swap3A_465 = arith.index_cast %scan3A_106 : i32 to index
      %swap3A_466 = arith.constant 256 : index
      %swap3A_467 = tpu.vector_load %arg13[%swap3A_465, %swap3A_466] {strides = array<i32>} : memref<32x1024xf32, #tpu.memory_space<vmem>>, vector<1x16xf32>,
      %swap3A_468 = vector.shape_cast %swap3A_467 : vector<1x16xf32> to vector<16xf32>
      %swap3A_469 = vector.shape_cast %add3A_464 : vector<16xf32> to vector<1x16xf32>
      tpu.vector_store %arg13[%swap3A_465, %swap3A_466], %swap3A_469 {strides = array<i32>} : memref<32x1024xf32, #tpu.memory_space<vmem>>, vector<1x16xf32>,
      %get3A_470 = arith.index_cast %scan3A_106 : i32 to index
      %get3A_471 = arith.constant 272 : index
      %get3A_472 = tpu.vector_load %arg13[%get3A_470, %get3A_471] {strides = array<i32>} : memref<32x1024xf32, #tpu.memory_space<vmem>>, vector<1x16xf32>,
      %get3A_473 = vector.shape_cast %get3A_472 : vector<1x16xf32> to vector<16xf32>
      %get3A_474 = arith.index_cast %scan3A_106 : i32 to index
      %get3A_475 = arith.constant 272 : index
      %get3A_476 = tpu.vector_load %arg11[%get3A_474, %get3A_475] {strides = array<i32>} : memref<32x1024xf32, #tpu.memory_space<vmem>>, vector<1x16xf32>,
      %get3A_477 = vector.shape_cast %get3A_476 : vector<1x16xf32> to vector<16xf32>
      %mul3A_478 = arith.mulf %get3A_109, %get3A_477 : vector<16xf32>
      %add3A_479 = arith.addf %get3A_473, %mul3A_478 : vector<16xf32>
      %get3A_480 = arith.index_cast %scan3A_106 : i32 to index
      %get3A_481 = arith.constant 272 : index
      %get3A_482 = tpu.vector_load %arg12[%get3A_480, %get3A_481] {strides = array<i32>} : memref<32x1024xf32, #tpu.memory_space<vmem>>, vector<1x16xf32>,
      %get3A_483 = vector.shape_cast %get3A_482 : vector<1x16xf32> to vector<16xf32>
      %mul3A_484 = arith.mulf %get3A_113, %get3A_483 : vector<16xf32>
      %add3A_485 = arith.addf %add3A_479, %mul3A_484 : vector<16xf32>
      %swap3A_486 = arith.index_cast %scan3A_106 : i32 to index
      %swap3A_487 = arith.constant 272 : index
      %swap3A_488 = tpu.vector_load %arg13[%swap3A_486, %swap3A_487] {strides = array<i32>} : memref<32x1024xf32, #tpu.memory_space<vmem>>, vector<1x16xf32>,
      %swap3A_489 = vector.shape_cast %swap3A_488 : vector<1x16xf32> to vector<16xf32>
      %swap3A_490 = vector.shape_cast %add3A_485 : vector<16xf32> to vector<1x16xf32>
      tpu.vector_store %arg13[%swap3A_486, %swap3A_487], %swap3A_490 {strides = array<i32>} : memref<32x1024xf32, #tpu.memory_space<vmem>>, vector<1x16xf32>,
      %get3A_491 = arith.index_cast %scan3A_106 : i32 to index
      %get3A_492 = arith.constant 288 : index
      %get3A_493 = tpu.vector_load %arg13[%get3A_491, %get3A_492] {strides = array<i32>} : memref<32x1024xf32, #tpu.memory_space<vmem>>, vector<1x16xf32>,
      %get3A_494 = vector.shape_cast %get3A_493 : vector<1x16xf32> to vector<16xf32>
      %get3A_495 = arith.index_cast %scan3A_106 : i32 to index
      %get3A_496 = arith.constant 288 : index
      %get3A_497 = tpu.vector_load %arg11[%get3A_495, %get3A_496] {strides = array<i32>} : memref<32x1024xf32, #tpu.memory_space<vmem>>, vector<1x16xf32>,
      %get3A_498 = vector.shape_cast %get3A_497 : vector<1x16xf32> to vector<16xf32>
      %mul3A_499 = arith.mulf %get3A_109, %get3A_498 : vector<16xf32>
      %add3A_500 = arith.addf %get3A_494, %mul3A_499 : vector<16xf32>
      %get3A_501 = arith.index_cast %scan3A_106 : i32 to index
      %get3A_502 = arith.constant 288 : index
      %get3A_503 = tpu.vector_load %arg12[%get3A_501, %get3A_502] {strides = array<i32>} : memref<32x1024xf32, #tpu.memory_space<vmem>>, vector<1x16xf32>,
      %get3A_504 = vector.shape_cast %get3A_503 : vector<1x16xf32> to vector<16xf32>
      %mul3A_505 = arith.mulf %get3A_113, %get3A_504 : vector<16xf32>
      %add3A_506 = arith.addf %add3A_500, %mul3A_505 : vector<16xf32>
      %swap3A_507 = arith.index_cast %scan3A_106 : i32 to index
      %swap3A_508 = arith.constant 288 : index
      %swap3A_509 = tpu.vector_load %arg13[%swap3A_507, %swap3A_508] {strides = array<i32>} : memref<32x1024xf32, #tpu.memory_space<vmem>>, vector<1x16xf32>,
      %swap3A_510 = vector.shape_cast %swap3A_509 : vector<1x16xf32> to vector<16xf32>
      %swap3A_511 = vector.shape_cast %add3A_506 : vector<16xf32> to vector<1x16xf32>
      tpu.vector_store %arg13[%swap3A_507, %swap3A_508], %swap3A_511 {strides = array<i32>} : memref<32x1024xf32, #tpu.memory_space<vmem>>, vector<1x16xf32>,
      %get3A_512 = arith.index_cast %scan3A_106 : i32 to index
      %get3A_513 = arith.constant 304 : index
      %get3A_514 = tpu.vector_load %arg13[%get3A_512, %get3A_513] {strides = array<i32>} : memref<32x1024xf32, #tpu.memory_space<vmem>>, vector<1x16xf32>,
      %get3A_515 = vector.shape_cast %get3A_514 : vector<1x16xf32> to vector<16xf32>
      %get3A_516 = arith.index_cast %scan3A_106 : i32 to index
      %get3A_517 = arith.constant 304 : index
      %get3A_518 = tpu.vector_load %arg11[%get3A_516, %get3A_517] {strides = array<i32>} : memref<32x1024xf32, #tpu.memory_space<vmem>>, vector<1x16xf32>,
      %get3A_519 = vector.shape_cast %get3A_518 : vector<1x16xf32> to vector<16xf32>
      %mul3A_520 = arith.mulf %get3A_109, %get3A_519 : vector<16xf32>
      %add3A_521 = arith.addf %get3A_515, %mul3A_520 : vector<16xf32>
      %get3A_522 = arith.index_cast %scan3A_106 : i32 to index
      %get3A_523 = arith.constant 304 : index
      %get3A_524 = tpu.vector_load %arg12[%get3A_522, %get3A_523] {strides = array<i32>} : memref<32x1024xf32, #tpu.memory_space<vmem>>, vector<1x16xf32>,
      %get3A_525 = vector.shape_cast %get3A_524 : vector<1x16xf32> to vector<16xf32>
      %mul3A_526 = arith.mulf %get3A_113, %get3A_525 : vector<16xf32>
      %add3A_527 = arith.addf %add3A_521, %mul3A_526 : vector<16xf32>
      %swap3A_528 = arith.index_cast %scan3A_106 : i32 to index
      %swap3A_529 = arith.constant 304 : index
      %swap3A_530 = tpu.vector_load %arg13[%swap3A_528, %swap3A_529] {strides = array<i32>} : memref<32x1024xf32, #tpu.memory_space<vmem>>, vector<1x16xf32>,
      %swap3A_531 = vector.shape_cast %swap3A_530 : vector<1x16xf32> to vector<16xf32>
      %swap3A_532 = vector.shape_cast %add3A_527 : vector<16xf32> to vector<1x16xf32>
      tpu.vector_store %arg13[%swap3A_528, %swap3A_529], %swap3A_532 {strides = array<i32>} : memref<32x1024xf32, #tpu.memory_space<vmem>>, vector<1x16xf32>,
      %get3A_533 = arith.index_cast %scan3A_106 : i32 to index
      %get3A_534 = arith.constant 320 : index
      %get3A_535 = tpu.vector_load %arg13[%get3A_533, %get3A_534] {strides = array<i32>} : memref<32x1024xf32, #tpu.memory_space<vmem>>, vector<1x16xf32>,
      %get3A_536 = vector.shape_cast %get3A_535 : vector<1x16xf32> to vector<16xf32>
      %get3A_537 = arith.index_cast %scan3A_106 : i32 to index
      %get3A_538 = arith.constant 320 : index
      %get3A_539 = tpu.vector_load %arg11[%get3A_537, %get3A_538] {strides = array<i32>} : memref<32x1024xf32, #tpu.memory_space<vmem>>, vector<1x16xf32>,
      %get3A_540 = vector.shape_cast %get3A_539 : vector<1x16xf32> to vector<16xf32>
      %mul3A_541 = arith.mulf %get3A_109, %get3A_540 : vector<16xf32>
      %add3A_542 = arith.addf %get3A_536, %mul3A_541 : vector<16xf32>
      %get3A_543 = arith.index_cast %scan3A_106 : i32 to index
      %get3A_544 = arith.constant 320 : index
      %get3A_545 = tpu.vector_load %arg12[%get3A_543, %get3A_544] {strides = array<i32>} : memref<32x1024xf32, #tpu.memory_space<vmem>>, vector<1x16xf32>,
      %get3A_546 = vector.shape_cast %get3A_545 : vector<1x16xf32> to vector<16xf32>
      %mul3A_547 = arith.mulf %get3A_113, %get3A_546 : vector<16xf32>
      %add3A_548 = arith.addf %add3A_542, %mul3A_547 : vector<16xf32>
      %swap3A_549 = arith.index_cast %scan3A_106 : i32 to index
      %swap3A_550 = arith.constant 320 : index
      %swap3A_551 = tpu.vector_load %arg13[%swap3A_549, %swap3A_550] {strides = array<i32>} : memref<32x1024xf32, #tpu.memory_space<vmem>>, vector<1x16xf32>,
      %swap3A_552 = vector.shape_cast %swap3A_551 : vector<1x16xf32> to vector<16xf32>
      %swap3A_553 = vector.shape_cast %add3A_548 : vector<16xf32> to vector<1x16xf32>
      tpu.vector_store %arg13[%swap3A_549, %swap3A_550], %swap3A_553 {strides = array<i32>} : memref<32x1024xf32, #tpu.memory_space<vmem>>, vector<1x16xf32>,
      %get3A_554 = arith.index_cast %scan3A_106 : i32 to index
      %get3A_555 = arith.constant 336 : index
      %get3A_556 = tpu.vector_load %arg13[%get3A_554, %get3A_555] {strides = array<i32>} : memref<32x1024xf32, #tpu.memory_space<vmem>>, vector<1x16xf32>,
      %get3A_557 = vector.shape_cast %get3A_556 : vector<1x16xf32> to vector<16xf32>
      %get3A_558 = arith.index_cast %scan3A_106 : i32 to index
      %get3A_559 = arith.constant 336 : index
      %get3A_560 = tpu.vector_load %arg11[%get3A_558, %get3A_559] {strides = array<i32>} : memref<32x1024xf32, #tpu.memory_space<vmem>>, vector<1x16xf32>,
      %get3A_561 = vector.shape_cast %get3A_560 : vector<1x16xf32> to vector<16xf32>
      %mul3A_562 = arith.mulf %get3A_109, %get3A_561 : vector<16xf32>
      %add3A_563 = arith.addf %get3A_557, %mul3A_562 : vector<16xf32>
      %get3A_564 = arith.index_cast %scan3A_106 : i32 to index
      %get3A_565 = arith.constant 336 : index
      %get3A_566 = tpu.vector_load %arg12[%get3A_564, %get3A_565] {strides = array<i32>} : memref<32x1024xf32, #tpu.memory_space<vmem>>, vector<1x16xf32>,
      %get3A_567 = vector.shape_cast %get3A_566 : vector<1x16xf32> to vector<16xf32>
      %mul3A_568 = arith.mulf %get3A_113, %get3A_567 : vector<16xf32>
      %add3A_569 = arith.addf %add3A_563, %mul3A_568 : vector<16xf32>
      %swap3A_570 = arith.index_cast %scan3A_106 : i32 to index
      %swap3A_571 = arith.constant 336 : index
      %swap3A_572 = tpu.vector_load %arg13[%swap3A_570, %swap3A_571] {strides = array<i32>} : memref<32x1024xf32, #tpu.memory_space<vmem>>, vector<1x16xf32>,
      %swap3A_573 = vector.shape_cast %swap3A_572 : vector<1x16xf32> to vector<16xf32>
      %swap3A_574 = vector.shape_cast %add3A_569 : vector<16xf32> to vector<1x16xf32>
      tpu.vector_store %arg13[%swap3A_570, %swap3A_571], %swap3A_574 {strides = array<i32>} : memref<32x1024xf32, #tpu.memory_space<vmem>>, vector<1x16xf32>,
      %get3A_575 = arith.index_cast %scan3A_106 : i32 to index
      %get3A_576 = arith.constant 352 : index
      %get3A_577 = tpu.vector_load %arg13[%get3A_575, %get3A_576] {strides = array<i32>} : memref<32x1024xf32, #tpu.memory_space<vmem>>, vector<1x16xf32>,
      %get3A_578 = vector.shape_cast %get3A_577 : vector<1x16xf32> to vector<16xf32>
      %get3A_579 = arith.index_cast %scan3A_106 : i32 to index
      %get3A_580 = arith.constant 352 : index
      %get3A_581 = tpu.vector_load %arg11[%get3A_579, %get3A_580] {strides = array<i32>} : memref<32x1024xf32, #tpu.memory_space<vmem>>, vector<1x16xf32>,
      %get3A_582 = vector.shape_cast %get3A_581 : vector<1x16xf32> to vector<16xf32>
      %mul3A_583 = arith.mulf %get3A_109, %get3A_582 : vector<16xf32>
      %add3A_584 = arith.addf %get3A_578, %mul3A_583 : vector<16xf32>
      %get3A_585 = arith.index_cast %scan3A_106 : i32 to index
      %get3A_586 = arith.constant 352 : index
      %get3A_587 = tpu.vector_load %arg12[%get3A_585, %get3A_586] {strides = array<i32>} : memref<32x1024xf32, #tpu.memory_space<vmem>>, vector<1x16xf32>,
      %get3A_588 = vector.shape_cast %get3A_587 : vector<1x16xf32> to vector<16xf32>
      %mul3A_589 = arith.mulf %get3A_113, %get3A_588 : vector<16xf32>
      %add3A_590 = arith.addf %add3A_584, %mul3A_589 : vector<16xf32>
      %swap3A_591 = arith.index_cast %scan3A_106 : i32 to index
      %swap3A_592 = arith.constant 352 : index
      %swap3A_593 = tpu.vector_load %arg13[%swap3A_591, %swap3A_592] {strides = array<i32>} : memref<32x1024xf32, #tpu.memory_space<vmem>>, vector<1x16xf32>,
      %swap3A_594 = vector.shape_cast %swap3A_593 : vector<1x16xf32> to vector<16xf32>
      %swap3A_595 = vector.shape_cast %add3A_590 : vector<16xf32> to vector<1x16xf32>
      tpu.vector_store %arg13[%swap3A_591, %swap3A_592], %swap3A_595 {strides = array<i32>} : memref<32x1024xf32, #tpu.memory_space<vmem>>, vector<1x16xf32>,
      %get3A_596 = arith.index_cast %scan3A_106 : i32 to index
      %get3A_597 = arith.constant 368 : index
      %get3A_598 = tpu.vector_load %arg13[%get3A_596, %get3A_597] {strides = array<i32>} : memref<32x1024xf32, #tpu.memory_space<vmem>>, vector<1x16xf32>,
      %get3A_599 = vector.shape_cast %get3A_598 : vector<1x16xf32> to vector<16xf32>
      %get3A_600 = arith.index_cast %scan3A_106 : i32 to index
      %get3A_601 = arith.constant 368 : index
      %get3A_602 = tpu.vector_load %arg11[%get3A_600, %get3A_601] {strides = array<i32>} : memref<32x1024xf32, #tpu.memory_space<vmem>>, vector<1x16xf32>,
      %get3A_603 = vector.shape_cast %get3A_602 : vector<1x16xf32> to vector<16xf32>
      %mul3A_604 = arith.mulf %get3A_109, %get3A_603 : vector<16xf32>
      %add3A_605 = arith.addf %get3A_599, %mul3A_604 : vector<16xf32>
      %get3A_606 = arith.index_cast %scan3A_106 : i32 to index
      %get3A_607 = arith.constant 368 : index
      %get3A_608 = tpu.vector_load %arg12[%get3A_606, %get3A_607] {strides = array<i32>} : memref<32x1024xf32, #tpu.memory_space<vmem>>, vector<1x16xf32>,
      %get3A_609 = vector.shape_cast %get3A_608 : vector<1x16xf32> to vector<16xf32>
      %mul3A_610 = arith.mulf %get3A_113, %get3A_609 : vector<16xf32>
      %add3A_611 = arith.addf %add3A_605, %mul3A_610 : vector<16xf32>
      %swap3A_612 = arith.index_cast %scan3A_106 : i32 to index
      %swap3A_613 = arith.constant 368 : index
      %swap3A_614 = tpu.vector_load %arg13[%swap3A_612, %swap3A_613] {strides = array<i32>} : memref<32x1024xf32, #tpu.memory_space<vmem>>, vector<1x16xf32>,
      %swap3A_615 = vector.shape_cast %swap3A_614 : vector<1x16xf32> to vector<16xf32>
      %swap3A_616 = vector.shape_cast %add3A_611 : vector<16xf32> to vector<1x16xf32>
      tpu.vector_store %arg13[%swap3A_612, %swap3A_613], %swap3A_616 {strides = array<i32>} : memref<32x1024xf32, #tpu.memory_space<vmem>>, vector<1x16xf32>,
      %get3A_617 = arith.index_cast %scan3A_106 : i32 to index
      %get3A_618 = arith.constant 384 : index
      %get3A_619 = tpu.vector_load %arg13[%get3A_617, %get3A_618] {strides = array<i32>} : memref<32x1024xf32, #tpu.memory_space<vmem>>, vector<1x16xf32>,
      %get3A_620 = vector.shape_cast %get3A_619 : vector<1x16xf32> to vector<16xf32>
      %get3A_621 = arith.index_cast %scan3A_106 : i32 to index
      %get3A_622 = arith.constant 384 : index
      %get3A_623 = tpu.vector_load %arg11[%get3A_621, %get3A_622] {strides = array<i32>} : memref<32x1024xf32, #tpu.memory_space<vmem>>, vector<1x16xf32>,
      %get3A_624 = vector.shape_cast %get3A_623 : vector<1x16xf32> to vector<16xf32>
      %mul3A_625 = arith.mulf %get3A_109, %get3A_624 : vector<16xf32>
      %add3A_626 = arith.addf %get3A_620, %mul3A_625 : vector<16xf32>
      %get3A_627 = arith.index_cast %scan3A_106 : i32 to index
      %get3A_628 = arith.constant 384 : index
      %get3A_629 = tpu.vector_load %arg12[%get3A_627, %get3A_628] {strides = array<i32>} : memref<32x1024xf32, #tpu.memory_space<vmem>>, vector<1x16xf32>,
      %get3A_630 = vector.shape_cast %get3A_629 : vector<1x16xf32> to vector<16xf32>
      %mul3A_631 = arith.mulf %get3A_113, %get3A_630 : vector<16xf32>
      %add3A_632 = arith.addf %add3A_626, %mul3A_631 : vector<16xf32>
      %swap3A_633 = arith.index_cast %scan3A_106 : i32 to index
      %swap3A_634 = arith.constant 384 : index
      %swap3A_635 = tpu.vector_load %arg13[%swap3A_633, %swap3A_634] {strides = array<i32>} : memref<32x1024xf32, #tpu.memory_space<vmem>>, vector<1x16xf32>,
      %swap3A_636 = vector.shape_cast %swap3A_635 : vector<1x16xf32> to vector<16xf32>
      %swap3A_637 = vector.shape_cast %add3A_632 : vector<16xf32> to vector<1x16xf32>
      tpu.vector_store %arg13[%swap3A_633, %swap3A_634], %swap3A_637 {strides = array<i32>} : memref<32x1024xf32, #tpu.memory_space<vmem>>, vector<1x16xf32>,
      %get3A_638 = arith.index_cast %scan3A_106 : i32 to index
      %get3A_639 = arith.constant 400 : index
      %get3A_640 = tpu.vector_load %arg13[%get3A_638, %get3A_639] {strides = array<i32>} : memref<32x1024xf32, #tpu.memory_space<vmem>>, vector<1x16xf32>,
      %get3A_641 = vector.shape_cast %get3A_640 : vector<1x16xf32> to vector<16xf32>
      %get3A_642 = arith.index_cast %scan3A_106 : i32 to index
      %get3A_643 = arith.constant 400 : index
      %get3A_644 = tpu.vector_load %arg11[%get3A_642, %get3A_643] {strides = array<i32>} : memref<32x1024xf32, #tpu.memory_space<vmem>>, vector<1x16xf32>,
      %get3A_645 = vector.shape_cast %get3A_644 : vector<1x16xf32> to vector<16xf32>
      %mul3A_646 = arith.mulf %get3A_109, %get3A_645 : vector<16xf32>
      %add3A_647 = arith.addf %get3A_641, %mul3A_646 : vector<16xf32>
      %get3A_648 = arith.index_cast %scan3A_106 : i32 to index
      %get3A_649 = arith.constant 400 : index
      %get3A_650 = tpu.vector_load %arg12[%get3A_648, %get3A_649] {strides = array<i32>} : memref<32x1024xf32, #tpu.memory_space<vmem>>, vector<1x16xf32>,
      %get3A_651 = vector.shape_cast %get3A_650 : vector<1x16xf32> to vector<16xf32>
      %mul3A_652 = arith.mulf %get3A_113, %get3A_651 : vector<16xf32>
      %add3A_653 = arith.addf %add3A_647, %mul3A_652 : vector<16xf32>
      %swap3A_654 = arith.index_cast %scan3A_106 : i32 to index
      %swap3A_655 = arith.constant 400 : index
      %swap3A_656 = tpu.vector_load %arg13[%swap3A_654, %swap3A_655] {strides = array<i32>} : memref<32x1024xf32, #tpu.memory_space<vmem>>, vector<1x16xf32>,
      %swap3A_657 = vector.shape_cast %swap3A_656 : vector<1x16xf32> to vector<16xf32>
      %swap3A_658 = vector.shape_cast %add3A_653 : vector<16xf32> to vector<1x16xf32>
      tpu.vector_store %arg13[%swap3A_654, %swap3A_655], %swap3A_658 {strides = array<i32>} : memref<32x1024xf32, #tpu.memory_space<vmem>>, vector<1x16xf32>,
      %get3A_659 = arith.index_cast %scan3A_106 : i32 to index
      %get3A_660 = arith.constant 416 : index
      %get3A_661 = tpu.vector_load %arg13[%get3A_659, %get3A_660] {strides = array<i32>} : memref<32x1024xf32, #tpu.memory_space<vmem>>, vector<1x16xf32>,
      %get3A_662 = vector.shape_cast %get3A_661 : vector<1x16xf32> to vector<16xf32>
      %get3A_663 = arith.index_cast %scan3A_106 : i32 to index
      %get3A_664 = arith.constant 416 : index
      %get3A_665 = tpu.vector_load %arg11[%get3A_663, %get3A_664] {strides = array<i32>} : memref<32x1024xf32, #tpu.memory_space<vmem>>, vector<1x16xf32>,
      %get3A_666 = vector.shape_cast %get3A_665 : vector<1x16xf32> to vector<16xf32>
      %mul3A_667 = arith.mulf %get3A_109, %get3A_666 : vector<16xf32>
      %add3A_668 = arith.addf %get3A_662, %mul3A_667 : vector<16xf32>
      %get3A_669 = arith.index_cast %scan3A_106 : i32 to index
      %get3A_670 = arith.constant 416 : index
      %get3A_671 = tpu.vector_load %arg12[%get3A_669, %get3A_670] {strides = array<i32>} : memref<32x1024xf32, #tpu.memory_space<vmem>>, vector<1x16xf32>,
      %get3A_672 = vector.shape_cast %get3A_671 : vector<1x16xf32> to vector<16xf32>
      %mul3A_673 = arith.mulf %get3A_113, %get3A_672 : vector<16xf32>
      %add3A_674 = arith.addf %add3A_668, %mul3A_673 : vector<16xf32>
      %swap3A_675 = arith.index_cast %scan3A_106 : i32 to index
      %swap3A_676 = arith.constant 416 : index
      %swap3A_677 = tpu.vector_load %arg13[%swap3A_675, %swap3A_676] {strides = array<i32>} : memref<32x1024xf32, #tpu.memory_space<vmem>>, vector<1x16xf32>,
      %swap3A_678 = vector.shape_cast %swap3A_677 : vector<1x16xf32> to vector<16xf32>
      %swap3A_679 = vector.shape_cast %add3A_674 : vector<16xf32> to vector<1x16xf32>
      tpu.vector_store %arg13[%swap3A_675, %swap3A_676], %swap3A_679 {strides = array<i32>} : memref<32x1024xf32, #tpu.memory_space<vmem>>, vector<1x16xf32>,
      %get3A_680 = arith.index_cast %scan3A_106 : i32 to index
      %get3A_681 = arith.constant 432 : index
      %get3A_682 = tpu.vector_load %arg13[%get3A_680, %get3A_681] {strides = array<i32>} : memref<32x1024xf32, #tpu.memory_space<vmem>>, vector<1x16xf32>,
      %get3A_683 = vector.shape_cast %get3A_682 : vector<1x16xf32> to vector<16xf32>
      %get3A_684 = arith.index_cast %scan3A_106 : i32 to index
      %get3A_685 = arith.constant 432 : index
      %get3A_686 = tpu.vector_load %arg11[%get3A_684, %get3A_685] {strides = array<i32>} : memref<32x1024xf32, #tpu.memory_space<vmem>>, vector<1x16xf32>,
      %get3A_687 = vector.shape_cast %get3A_686 : vector<1x16xf32> to vector<16xf32>
      %mul3A_688 = arith.mulf %get3A_109, %get3A_687 : vector<16xf32>
      %add3A_689 = arith.addf %get3A_683, %mul3A_688 : vector<16xf32>
      %get3A_690 = arith.index_cast %scan3A_106 : i32 to index
      %get3A_691 = arith.constant 432 : index
      %get3A_692 = tpu.vector_load %arg12[%get3A_690, %get3A_691] {strides = array<i32>} : memref<32x1024xf32, #tpu.memory_space<vmem>>, vector<1x16xf32>,
      %get3A_693 = vector.shape_cast %get3A_692 : vector<1x16xf32> to vector<16xf32>
      %mul3A_694 = arith.mulf %get3A_113, %get3A_693 : vector<16xf32>
      %add3A_695 = arith.addf %add3A_689, %mul3A_694 : vector<16xf32>
      %swap3A_696 = arith.index_cast %scan3A_106 : i32 to index
      %swap3A_697 = arith.constant 432 : index
      %swap3A_698 = tpu.vector_load %arg13[%swap3A_696, %swap3A_697] {strides = array<i32>} : memref<32x1024xf32, #tpu.memory_space<vmem>>, vector<1x16xf32>,
      %swap3A_699 = vector.shape_cast %swap3A_698 : vector<1x16xf32> to vector<16xf32>
      %swap3A_700 = vector.shape_cast %add3A_695 : vector<16xf32> to vector<1x16xf32>
      tpu.vector_store %arg13[%swap3A_696, %swap3A_697], %swap3A_700 {strides = array<i32>} : memref<32x1024xf32, #tpu.memory_space<vmem>>, vector<1x16xf32>,
      %get3A_701 = arith.index_cast %scan3A_106 : i32 to index
      %get3A_702 = arith.constant 448 : index
      %get3A_703 = tpu.vector_load %arg13[%get3A_701, %get3A_702] {strides = array<i32>} : memref<32x1024xf32, #tpu.memory_space<vmem>>, vector<1x16xf32>,
      %get3A_704 = vector.shape_cast %get3A_703 : vector<1x16xf32> to vector<16xf32>
      %get3A_705 = arith.index_cast %scan3A_106 : i32 to index
      %get3A_706 = arith.constant 448 : index
      %get3A_707 = tpu.vector_load %arg11[%get3A_705, %get3A_706] {strides = array<i32>} : memref<32x1024xf32, #tpu.memory_space<vmem>>, vector<1x16xf32>,
      %get3A_708 = vector.shape_cast %get3A_707 : vector<1x16xf32> to vector<16xf32>
      %mul3A_709 = arith.mulf %get3A_109, %get3A_708 : vector<16xf32>
      %add3A_710 = arith.addf %get3A_704, %mul3A_709 : vector<16xf32>
      %get3A_711 = arith.index_cast %scan3A_106 : i32 to index
      %get3A_712 = arith.constant 448 : index
      %get3A_713 = tpu.vector_load %arg12[%get3A_711, %get3A_712] {strides = array<i32>} : memref<32x1024xf32, #tpu.memory_space<vmem>>, vector<1x16xf32>,
      %get3A_714 = vector.shape_cast %get3A_713 : vector<1x16xf32> to vector<16xf32>
      %mul3A_715 = arith.mulf %get3A_113, %get3A_714 : vector<16xf32>
      %add3A_716 = arith.addf %add3A_710, %mul3A_715 : vector<16xf32>
      %swap3A_717 = arith.index_cast %scan3A_106 : i32 to index
      %swap3A_718 = arith.constant 448 : index
      %swap3A_719 = tpu.vector_load %arg13[%swap3A_717, %swap3A_718] {strides = array<i32>} : memref<32x1024xf32, #tpu.memory_space<vmem>>, vector<1x16xf32>,
      %swap3A_720 = vector.shape_cast %swap3A_719 : vector<1x16xf32> to vector<16xf32>
      %swap3A_721 = vector.shape_cast %add3A_716 : vector<16xf32> to vector<1x16xf32>
      tpu.vector_store %arg13[%swap3A_717, %swap3A_718], %swap3A_721 {strides = array<i32>} : memref<32x1024xf32, #tpu.memory_space<vmem>>, vector<1x16xf32>,
      %get3A_722 = arith.index_cast %scan3A_106 : i32 to index
      %get3A_723 = arith.constant 464 : index
      %get3A_724 = tpu.vector_load %arg13[%get3A_722, %get3A_723] {strides = array<i32>} : memref<32x1024xf32, #tpu.memory_space<vmem>>, vector<1x16xf32>,
      %get3A_725 = vector.shape_cast %get3A_724 : vector<1x16xf32> to vector<16xf32>
      %get3A_726 = arith.index_cast %scan3A_106 : i32 to index
      %get3A_727 = arith.constant 464 : index
      %get3A_728 = tpu.vector_load %arg11[%get3A_726, %get3A_727] {strides = array<i32>} : memref<32x1024xf32, #tpu.memory_space<vmem>>, vector<1x16xf32>,
      %get3A_729 = vector.shape_cast %get3A_728 : vector<1x16xf32> to vector<16xf32>
      %mul3A_730 = arith.mulf %get3A_109, %get3A_729 : vector<16xf32>
      %add3A_731 = arith.addf %get3A_725, %mul3A_730 : vector<16xf32>
      %get3A_732 = arith.index_cast %scan3A_106 : i32 to index
      %get3A_733 = arith.constant 464 : index
      %get3A_734 = tpu.vector_load %arg12[%get3A_732, %get3A_733] {strides = array<i32>} : memref<32x1024xf32, #tpu.memory_space<vmem>>, vector<1x16xf32>,
      %get3A_735 = vector.shape_cast %get3A_734 : vector<1x16xf32> to vector<16xf32>
      %mul3A_736 = arith.mulf %get3A_113, %get3A_735 : vector<16xf32>
      %add3A_737 = arith.addf %add3A_731, %mul3A_736 : vector<16xf32>
      %swap3A_738 = arith.index_cast %scan3A_106 : i32 to index
      %swap3A_739 = arith.constant 464 : index
      %swap3A_740 = tpu.vector_load %arg13[%swap3A_738, %swap3A_739] {strides = array<i32>} : memref<32x1024xf32, #tpu.memory_space<vmem>>, vector<1x16xf32>,
      %swap3A_741 = vector.shape_cast %swap3A_740 : vector<1x16xf32> to vector<16xf32>
      %swap3A_742 = vector.shape_cast %add3A_737 : vector<16xf32> to vector<1x16xf32>
      tpu.vector_store %arg13[%swap3A_738, %swap3A_739], %swap3A_742 {strides = array<i32>} : memref<32x1024xf32, #tpu.memory_space<vmem>>, vector<1x16xf32>,
      %get3A_743 = arith.index_cast %scan3A_106 : i32 to index
      %get3A_744 = arith.constant 480 : index
      %get3A_745 = tpu.vector_load %arg13[%get3A_743, %get3A_744] {strides = array<i32>} : memref<32x1024xf32, #tpu.memory_space<vmem>>, vector<1x16xf32>,
      %get3A_746 = vector.shape_cast %get3A_745 : vector<1x16xf32> to vector<16xf32>
      %get3A_747 = arith.index_cast %scan3A_106 : i32 to index
      %get3A_748 = arith.constant 480 : index
      %get3A_749 = tpu.vector_load %arg11[%get3A_747, %get3A_748] {strides = array<i32>} : memref<32x1024xf32, #tpu.memory_space<vmem>>, vector<1x16xf32>,
      %get3A_750 = vector.shape_cast %get3A_749 : vector<1x16xf32> to vector<16xf32>
      %mul3A_751 = arith.mulf %get3A_109, %get3A_750 : vector<16xf32>
      %add3A_752 = arith.addf %get3A_746, %mul3A_751 : vector<16xf32>
      %get3A_753 = arith.index_cast %scan3A_106 : i32 to index
      %get3A_754 = arith.constant 480 : index
      %get3A_755 = tpu.vector_load %arg12[%get3A_753, %get3A_754] {strides = array<i32>} : memref<32x1024xf32, #tpu.memory_space<vmem>>, vector<1x16xf32>,
      %get3A_756 = vector.shape_cast %get3A_755 : vector<1x16xf32> to vector<16xf32>
      %mul3A_757 = arith.mulf %get3A_113, %get3A_756 : vector<16xf32>
      %add3A_758 = arith.addf %add3A_752, %mul3A_757 : vector<16xf32>
      %swap3A_759 = arith.index_cast %scan3A_106 : i32 to index
      %swap3A_760 = arith.constant 480 : index
      %swap3A_761 = tpu.vector_load %arg13[%swap3A_759, %swap3A_760] {strides = array<i32>} : memref<32x1024xf32, #tpu.memory_space<vmem>>, vector<1x16xf32>,
      %swap3A_762 = vector.shape_cast %swap3A_761 : vector<1x16xf32> to vector<16xf32>
      %swap3A_763 = vector.shape_cast %add3A_758 : vector<16xf32> to vector<1x16xf32>
      tpu.vector_store %arg13[%swap3A_759, %swap3A_760], %swap3A_763 {strides = array<i32>} : memref<32x1024xf32, #tpu.memory_space<vmem>>, vector<1x16xf32>,
      %get3A_764 = arith.index_cast %scan3A_106 : i32 to index
      %get3A_765 = arith.constant 496 : index
      %get3A_766 = tpu.vector_load %arg13[%get3A_764, %get3A_765] {strides = array<i32>} : memref<32x1024xf32, #tpu.memory_space<vmem>>, vector<1x16xf32>,
      %get3A_767 = vector.shape_cast %get3A_766 : vector<1x16xf32> to vector<16xf32>
      %get3A_768 = arith.index_cast %scan3A_106 : i32 to index
      %get3A_769 = arith.constant 496 : index
      %get3A_770 = tpu.vector_load %arg11[%get3A_768, %get3A_769] {strides = array<i32>} : memref<32x1024xf32, #tpu.memory_space<vmem>>, vector<1x16xf32>,
      %get3A_771 = vector.shape_cast %get3A_770 : vector<1x16xf32> to vector<16xf32>
      %mul3A_772 = arith.mulf %get3A_109, %get3A_771 : vector<16xf32>
      %add3A_773 = arith.addf %get3A_767, %mul3A_772 : vector<16xf32>
      %get3A_774 = arith.index_cast %scan3A_106 : i32 to index
      %get3A_775 = arith.constant 496 : index
      %get3A_776 = tpu.vector_load %arg12[%get3A_774, %get3A_775] {strides = array<i32>} : memref<32x1024xf32, #tpu.memory_space<vmem>>, vector<1x16xf32>,
      %get3A_777 = vector.shape_cast %get3A_776 : vector<1x16xf32> to vector<16xf32>
      %mul3A_778 = arith.mulf %get3A_113, %get3A_777 : vector<16xf32>
      %add3A_779 = arith.addf %add3A_773, %mul3A_778 : vector<16xf32>
      %swap3A_780 = arith.index_cast %scan3A_106 : i32 to index
      %swap3A_781 = arith.constant 496 : index
      %swap3A_782 = tpu.vector_load %arg13[%swap3A_780, %swap3A_781] {strides = array<i32>} : memref<32x1024xf32, #tpu.memory_space<vmem>>, vector<1x16xf32>,
      %swap3A_783 = vector.shape_cast %swap3A_782 : vector<1x16xf32> to vector<16xf32>
      %swap3A_784 = vector.shape_cast %add3A_779 : vector<16xf32> to vector<1x16xf32>
      tpu.vector_store %arg13[%swap3A_780, %swap3A_781], %swap3A_784 {strides = array<i32>} : memref<32x1024xf32, #tpu.memory_space<vmem>>, vector<1x16xf32>,
      %get3A_785 = arith.index_cast %scan3A_106 : i32 to index
      %get3A_786 = arith.constant 512 : index
      %get3A_787 = tpu.vector_load %arg13[%get3A_785, %get3A_786] {strides = array<i32>} : memref<32x1024xf32, #tpu.memory_space<vmem>>, vector<1x16xf32>,
      %get3A_788 = vector.shape_cast %get3A_787 : vector<1x16xf32> to vector<16xf32>
      %get3A_789 = arith.index_cast %scan3A_106 : i32 to index
      %get3A_790 = arith.constant 512 : index
      %get3A_791 = tpu.vector_load %arg11[%get3A_789, %get3A_790] {strides = array<i32>} : memref<32x1024xf32, #tpu.memory_space<vmem>>, vector<1x16xf32>,
      %get3A_792 = vector.shape_cast %get3A_791 : vector<1x16xf32> to vector<16xf32>
      %mul3A_793 = arith.mulf %get3A_109, %get3A_792 : vector<16xf32>
      %add3A_794 = arith.addf %get3A_788, %mul3A_793 : vector<16xf32>
      %get3A_795 = arith.index_cast %scan3A_106 : i32 to index
      %get3A_796 = arith.constant 512 : index
      %get3A_797 = tpu.vector_load %arg12[%get3A_795, %get3A_796] {strides = array<i32>} : memref<32x1024xf32, #tpu.memory_space<vmem>>, vector<1x16xf32>,
      %get3A_798 = vector.shape_cast %get3A_797 : vector<1x16xf32> to vector<16xf32>
      %mul3A_799 = arith.mulf %get3A_113, %get3A_798 : vector<16xf32>
      %add3A_800 = arith.addf %add3A_794, %mul3A_799 : vector<16xf32>
      %swap3A_801 = arith.index_cast %scan3A_106 : i32 to index
      %swap3A_802 = arith.constant 512 : index
      %swap3A_803 = tpu.vector_load %arg13[%swap3A_801, %swap3A_802] {strides = array<i32>} : memref<32x1024xf32, #tpu.memory_space<vmem>>, vector<1x16xf32>,
      %swap3A_804 = vector.shape_cast %swap3A_803 : vector<1x16xf32> to vector<16xf32>
      %swap3A_805 = vector.shape_cast %add3A_800 : vector<16xf32> to vector<1x16xf32>
      tpu.vector_store %arg13[%swap3A_801, %swap3A_802], %swap3A_805 {strides = array<i32>} : memref<32x1024xf32, #tpu.memory_space<vmem>>, vector<1x16xf32>,
      %get3A_806 = arith.index_cast %scan3A_106 : i32 to index
      %get3A_807 = arith.constant 528 : index
      %get3A_808 = tpu.vector_load %arg13[%get3A_806, %get3A_807] {strides = array<i32>} : memref<32x1024xf32, #tpu.memory_space<vmem>>, vector<1x16xf32>,
      %get3A_809 = vector.shape_cast %get3A_808 : vector<1x16xf32> to vector<16xf32>
      %get3A_810 = arith.index_cast %scan3A_106 : i32 to index
      %get3A_811 = arith.constant 528 : index
      %get3A_812 = tpu.vector_load %arg11[%get3A_810, %get3A_811] {strides = array<i32>} : memref<32x1024xf32, #tpu.memory_space<vmem>>, vector<1x16xf32>,
      %get3A_813 = vector.shape_cast %get3A_812 : vector<1x16xf32> to vector<16xf32>
      %mul3A_814 = arith.mulf %get3A_109, %get3A_813 : vector<16xf32>
      %add3A_815 = arith.addf %get3A_809, %mul3A_814 : vector<16xf32>
      %get3A_816 = arith.index_cast %scan3A_106 : i32 to index
      %get3A_817 = arith.constant 528 : index
      %get3A_818 = tpu.vector_load %arg12[%get3A_816, %get3A_817] {strides = array<i32>} : memref<32x1024xf32, #tpu.memory_space<vmem>>, vector<1x16xf32>,
      %get3A_819 = vector.shape_cast %get3A_818 : vector<1x16xf32> to vector<16xf32>
      %mul3A_820 = arith.mulf %get3A_113, %get3A_819 : vector<16xf32>
      %add3A_821 = arith.addf %add3A_815, %mul3A_820 : vector<16xf32>
      %swap3A_822 = arith.index_cast %scan3A_106 : i32 to index
      %swap3A_823 = arith.constant 528 : index
      %swap3A_824 = tpu.vector_load %arg13[%swap3A_822, %swap3A_823] {strides = array<i32>} : memref<32x1024xf32, #tpu.memory_space<vmem>>, vector<1x16xf32>,
      %swap3A_825 = vector.shape_cast %swap3A_824 : vector<1x16xf32> to vector<16xf32>
      %swap3A_826 = vector.shape_cast %add3A_821 : vector<16xf32> to vector<1x16xf32>
      tpu.vector_store %arg13[%swap3A_822, %swap3A_823], %swap3A_826 {strides = array<i32>} : memref<32x1024xf32, #tpu.memory_space<vmem>>, vector<1x16xf32>,
      %get3A_827 = arith.index_cast %scan3A_106 : i32 to index
      %get3A_828 = arith.constant 544 : index
      %get3A_829 = tpu.vector_load %arg13[%get3A_827, %get3A_828] {strides = array<i32>} : memref<32x1024xf32, #tpu.memory_space<vmem>>, vector<1x16xf32>,
      %get3A_830 = vector.shape_cast %get3A_829 : vector<1x16xf32> to vector<16xf32>
      %get3A_831 = arith.index_cast %scan3A_106 : i32 to index
      %get3A_832 = arith.constant 544 : index
      %get3A_833 = tpu.vector_load %arg11[%get3A_831, %get3A_832] {strides = array<i32>} : memref<32x1024xf32, #tpu.memory_space<vmem>>, vector<1x16xf32>,
      %get3A_834 = vector.shape_cast %get3A_833 : vector<1x16xf32> to vector<16xf32>
      %mul3A_835 = arith.mulf %get3A_109, %get3A_834 : vector<16xf32>
      %add3A_836 = arith.addf %get3A_830, %mul3A_835 : vector<16xf32>
      %get3A_837 = arith.index_cast %scan3A_106 : i32 to index
      %get3A_838 = arith.constant 544 : index
      %get3A_839 = tpu.vector_load %arg12[%get3A_837, %get3A_838] {strides = array<i32>} : memref<32x1024xf32, #tpu.memory_space<vmem>>, vector<1x16xf32>,
      %get3A_840 = vector.shape_cast %get3A_839 : vector<1x16xf32> to vector<16xf32>
      %mul3A_841 = arith.mulf %get3A_113, %get3A_840 : vector<16xf32>
      %add3A_842 = arith.addf %add3A_836, %mul3A_841 : vector<16xf32>
      %swap3A_843 = arith.index_cast %scan3A_106 : i32 to index
      %swap3A_844 = arith.constant 544 : index
      %swap3A_845 = tpu.vector_load %arg13[%swap3A_843, %swap3A_844] {strides = array<i32>} : memref<32x1024xf32, #tpu.memory_space<vmem>>, vector<1x16xf32>,
      %swap3A_846 = vector.shape_cast %swap3A_845 : vector<1x16xf32> to vector<16xf32>
      %swap3A_847 = vector.shape_cast %add3A_842 : vector<16xf32> to vector<1x16xf32>
      tpu.vector_store %arg13[%swap3A_843, %swap3A_844], %swap3A_847 {strides = array<i32>} : memref<32x1024xf32, #tpu.memory_space<vmem>>, vector<1x16xf32>,
      %get3A_848 = arith.index_cast %scan3A_106 : i32 to index
      %get3A_849 = arith.constant 560 : index
      %get3A_850 = tpu.vector_load %arg13[%get3A_848, %get3A_849] {strides = array<i32>} : memref<32x1024xf32, #tpu.memory_space<vmem>>, vector<1x16xf32>,
      %get3A_851 = vector.shape_cast %get3A_850 : vector<1x16xf32> to vector<16xf32>
      %get3A_852 = arith.index_cast %scan3A_106 : i32 to index
      %get3A_853 = arith.constant 560 : index
      %get3A_854 = tpu.vector_load %arg11[%get3A_852, %get3A_853] {strides = array<i32>} : memref<32x1024xf32, #tpu.memory_space<vmem>>, vector<1x16xf32>,
      %get3A_855 = vector.shape_cast %get3A_854 : vector<1x16xf32> to vector<16xf32>
      %mul3A_856 = arith.mulf %get3A_109, %get3A_855 : vector<16xf32>
      %add3A_857 = arith.addf %get3A_851, %mul3A_856 : vector<16xf32>
      %get3A_858 = arith.index_cast %scan3A_106 : i32 to index
      %get3A_859 = arith.constant 560 : index
      %get3A_860 = tpu.vector_load %arg12[%get3A_858, %get3A_859] {strides = array<i32>} : memref<32x1024xf32, #tpu.memory_space<vmem>>, vector<1x16xf32>,
      %get3A_861 = vector.shape_cast %get3A_860 : vector<1x16xf32> to vector<16xf32>
      %mul3A_862 = arith.mulf %get3A_113, %get3A_861 : vector<16xf32>
      %add3A_863 = arith.addf %add3A_857, %mul3A_862 : vector<16xf32>
      %swap3A_864 = arith.index_cast %scan3A_106 : i32 to index
      %swap3A_865 = arith.constant 560 : index
      %swap3A_866 = tpu.vector_load %arg13[%swap3A_864, %swap3A_865] {strides = array<i32>} : memref<32x1024xf32, #tpu.memory_space<vmem>>, vector<1x16xf32>,
      %swap3A_867 = vector.shape_cast %swap3A_866 : vector<1x16xf32> to vector<16xf32>
      %swap3A_868 = vector.shape_cast %add3A_863 : vector<16xf32> to vector<1x16xf32>
      tpu.vector_store %arg13[%swap3A_864, %swap3A_865], %swap3A_868 {strides = array<i32>} : memref<32x1024xf32, #tpu.memory_space<vmem>>, vector<1x16xf32>,
      %get3A_869 = arith.index_cast %scan3A_106 : i32 to index
      %get3A_870 = arith.constant 576 : index
      %get3A_871 = tpu.vector_load %arg13[%get3A_869, %get3A_870] {strides = array<i32>} : memref<32x1024xf32, #tpu.memory_space<vmem>>, vector<1x16xf32>,
      %get3A_872 = vector.shape_cast %get3A_871 : vector<1x16xf32> to vector<16xf32>
      %get3A_873 = arith.index_cast %scan3A_106 : i32 to index
      %get3A_874 = arith.constant 576 : index
      %get3A_875 = tpu.vector_load %arg11[%get3A_873, %get3A_874] {strides = array<i32>} : memref<32x1024xf32, #tpu.memory_space<vmem>>, vector<1x16xf32>,
      %get3A_876 = vector.shape_cast %get3A_875 : vector<1x16xf32> to vector<16xf32>
      %mul3A_877 = arith.mulf %get3A_109, %get3A_876 : vector<16xf32>
      %add3A_878 = arith.addf %get3A_872, %mul3A_877 : vector<16xf32>
      %get3A_879 = arith.index_cast %scan3A_106 : i32 to index
      %get3A_880 = arith.constant 576 : index
      %get3A_881 = tpu.vector_load %arg12[%get3A_879, %get3A_880] {strides = array<i32>} : memref<32x1024xf32, #tpu.memory_space<vmem>>, vector<1x16xf32>,
      %get3A_882 = vector.shape_cast %get3A_881 : vector<1x16xf32> to vector<16xf32>
      %mul3A_883 = arith.mulf %get3A_113, %get3A_882 : vector<16xf32>
      %add3A_884 = arith.addf %add3A_878, %mul3A_883 : vector<16xf32>
      %swap3A_885 = arith.index_cast %scan3A_106 : i32 to index
      %swap3A_886 = arith.constant 576 : index
      %swap3A_887 = tpu.vector_load %arg13[%swap3A_885, %swap3A_886] {strides = array<i32>} : memref<32x1024xf32, #tpu.memory_space<vmem>>, vector<1x16xf32>,
      %swap3A_888 = vector.shape_cast %swap3A_887 : vector<1x16xf32> to vector<16xf32>
      %swap3A_889 = vector.shape_cast %add3A_884 : vector<16xf32> to vector<1x16xf32>
      tpu.vector_store %arg13[%swap3A_885, %swap3A_886], %swap3A_889 {strides = array<i32>} : memref<32x1024xf32, #tpu.memory_space<vmem>>, vector<1x16xf32>,
      %get3A_890 = arith.index_cast %scan3A_106 : i32 to index
      %get3A_891 = arith.constant 592 : index
      %get3A_892 = tpu.vector_load %arg13[%get3A_890, %get3A_891] {strides = array<i32>} : memref<32x1024xf32, #tpu.memory_space<vmem>>, vector<1x16xf32>,
      %get3A_893 = vector.shape_cast %get3A_892 : vector<1x16xf32> to vector<16xf32>
      %get3A_894 = arith.index_cast %scan3A_106 : i32 to index
      %get3A_895 = arith.constant 592 : index
      %get3A_896 = tpu.vector_load %arg11[%get3A_894, %get3A_895] {strides = array<i32>} : memref<32x1024xf32, #tpu.memory_space<vmem>>, vector<1x16xf32>,
      %get3A_897 = vector.shape_cast %get3A_896 : vector<1x16xf32> to vector<16xf32>
      %mul3A_898 = arith.mulf %get3A_109, %get3A_897 : vector<16xf32>
      %add3A_899 = arith.addf %get3A_893, %mul3A_898 : vector<16xf32>
      %get3A_900 = arith.index_cast %scan3A_106 : i32 to index
      %get3A_901 = arith.constant 592 : index
      %get3A_902 = tpu.vector_load %arg12[%get3A_900, %get3A_901] {strides = array<i32>} : memref<32x1024xf32, #tpu.memory_space<vmem>>, vector<1x16xf32>,
      %get3A_903 = vector.shape_cast %get3A_902 : vector<1x16xf32> to vector<16xf32>
      %mul3A_904 = arith.mulf %get3A_113, %get3A_903 : vector<16xf32>
      %add3A_905 = arith.addf %add3A_899, %mul3A_904 : vector<16xf32>
      %swap3A_906 = arith.index_cast %scan3A_106 : i32 to index
      %swap3A_907 = arith.constant 592 : index
      %swap3A_908 = tpu.vector_load %arg13[%swap3A_906, %swap3A_907] {strides = array<i32>} : memref<32x1024xf32, #tpu.memory_space<vmem>>, vector<1x16xf32>,
      %swap3A_909 = vector.shape_cast %swap3A_908 : vector<1x16xf32> to vector<16xf32>
      %swap3A_910 = vector.shape_cast %add3A_905 : vector<16xf32> to vector<1x16xf32>
      tpu.vector_store %arg13[%swap3A_906, %swap3A_907], %swap3A_910 {strides = array<i32>} : memref<32x1024xf32, #tpu.memory_space<vmem>>, vector<1x16xf32>,
      %get3A_911 = arith.index_cast %scan3A_106 : i32 to index
      %get3A_912 = arith.constant 608 : index
      %get3A_913 = tpu.vector_load %arg13[%get3A_911, %get3A_912] {strides = array<i32>} : memref<32x1024xf32, #tpu.memory_space<vmem>>, vector<1x16xf32>,
      %get3A_914 = vector.shape_cast %get3A_913 : vector<1x16xf32> to vector<16xf32>
      %get3A_915 = arith.index_cast %scan3A_106 : i32 to index
      %get3A_916 = arith.constant 608 : index
      %get3A_917 = tpu.vector_load %arg11[%get3A_915, %get3A_916] {strides = array<i32>} : memref<32x1024xf32, #tpu.memory_space<vmem>>, vector<1x16xf32>,
      %get3A_918 = vector.shape_cast %get3A_917 : vector<1x16xf32> to vector<16xf32>
      %mul3A_919 = arith.mulf %get3A_109, %get3A_918 : vector<16xf32>
      %add3A_920 = arith.addf %get3A_914, %mul3A_919 : vector<16xf32>
      %get3A_921 = arith.index_cast %scan3A_106 : i32 to index
      %get3A_922 = arith.constant 608 : index
      %get3A_923 = tpu.vector_load %arg12[%get3A_921, %get3A_922] {strides = array<i32>} : memref<32x1024xf32, #tpu.memory_space<vmem>>, vector<1x16xf32>,
      %get3A_924 = vector.shape_cast %get3A_923 : vector<1x16xf32> to vector<16xf32>
      %mul3A_925 = arith.mulf %get3A_113, %get3A_924 : vector<16xf32>
      %add3A_926 = arith.addf %add3A_920, %mul3A_925 : vector<16xf32>
      %swap3A_927 = arith.index_cast %scan3A_106 : i32 to index
      %swap3A_928 = arith.constant 608 : index
      %swap3A_929 = tpu.vector_load %arg13[%swap3A_927, %swap3A_928] {strides = array<i32>} : memref<32x1024xf32, #tpu.memory_space<vmem>>, vector<1x16xf32>,
      %swap3A_930 = vector.shape_cast %swap3A_929 : vector<1x16xf32> to vector<16xf32>
      %swap3A_931 = vector.shape_cast %add3A_926 : vector<16xf32> to vector<1x16xf32>
      tpu.vector_store %arg13[%swap3A_927, %swap3A_928], %swap3A_931 {strides = array<i32>} : memref<32x1024xf32, #tpu.memory_space<vmem>>, vector<1x16xf32>,
      %get3A_932 = arith.index_cast %scan3A_106 : i32 to index
      %get3A_933 = arith.constant 624 : index
      %get3A_934 = tpu.vector_load %arg13[%get3A_932, %get3A_933] {strides = array<i32>} : memref<32x1024xf32, #tpu.memory_space<vmem>>, vector<1x16xf32>,
      %get3A_935 = vector.shape_cast %get3A_934 : vector<1x16xf32> to vector<16xf32>
      %get3A_936 = arith.index_cast %scan3A_106 : i32 to index
      %get3A_937 = arith.constant 624 : index
      %get3A_938 = tpu.vector_load %arg11[%get3A_936, %get3A_937] {strides = array<i32>} : memref<32x1024xf32, #tpu.memory_space<vmem>>, vector<1x16xf32>,
      %get3A_939 = vector.shape_cast %get3A_938 : vector<1x16xf32> to vector<16xf32>
      %mul3A_940 = arith.mulf %get3A_109, %get3A_939 : vector<16xf32>
      %add3A_941 = arith.addf %get3A_935, %mul3A_940 : vector<16xf32>
      %get3A_942 = arith.index_cast %scan3A_106 : i32 to index
      %get3A_943 = arith.constant 624 : index
      %get3A_944 = tpu.vector_load %arg12[%get3A_942, %get3A_943] {strides = array<i32>} : memref<32x1024xf32, #tpu.memory_space<vmem>>, vector<1x16xf32>,
      %get3A_945 = vector.shape_cast %get3A_944 : vector<1x16xf32> to vector<16xf32>
      %mul3A_946 = arith.mulf %get3A_113, %get3A_945 : vector<16xf32>
      %add3A_947 = arith.addf %add3A_941, %mul3A_946 : vector<16xf32>
      %swap3A_948 = arith.index_cast %scan3A_106 : i32 to index
      %swap3A_949 = arith.constant 624 : index
      %swap3A_950 = tpu.vector_load %arg13[%swap3A_948, %swap3A_949] {strides = array<i32>} : memref<32x1024xf32, #tpu.memory_space<vmem>>, vector<1x16xf32>,
      %swap3A_951 = vector.shape_cast %swap3A_950 : vector<1x16xf32> to vector<16xf32>
      %swap3A_952 = vector.shape_cast %add3A_947 : vector<16xf32> to vector<1x16xf32>
      tpu.vector_store %arg13[%swap3A_948, %swap3A_949], %swap3A_952 {strides = array<i32>} : memref<32x1024xf32, #tpu.memory_space<vmem>>, vector<1x16xf32>,
      %get3A_953 = arith.index_cast %scan3A_106 : i32 to index
      %get3A_954 = arith.constant 640 : index
      %get3A_955 = tpu.vector_load %arg13[%get3A_953, %get3A_954] {strides = array<i32>} : memref<32x1024xf32, #tpu.memory_space<vmem>>, vector<1x16xf32>,
      %get3A_956 = vector.shape_cast %get3A_955 : vector<1x16xf32> to vector<16xf32>
      %get3A_957 = arith.index_cast %scan3A_106 : i32 to index
      %get3A_958 = arith.constant 640 : index
      %get3A_959 = tpu.vector_load %arg11[%get3A_957, %get3A_958] {strides = array<i32>} : memref<32x1024xf32, #tpu.memory_space<vmem>>, vector<1x16xf32>,
      %get3A_960 = vector.shape_cast %get3A_959 : vector<1x16xf32> to vector<16xf32>
      %mul3A_961 = arith.mulf %get3A_109, %get3A_960 : vector<16xf32>
      %add3A_962 = arith.addf %get3A_956, %mul3A_961 : vector<16xf32>
      %get3A_963 = arith.index_cast %scan3A_106 : i32 to index
      %get3A_964 = arith.constant 640 : index
      %get3A_965 = tpu.vector_load %arg12[%get3A_963, %get3A_964] {strides = array<i32>} : memref<32x1024xf32, #tpu.memory_space<vmem>>, vector<1x16xf32>,
      %get3A_966 = vector.shape_cast %get3A_965 : vector<1x16xf32> to vector<16xf32>
      %mul3A_967 = arith.mulf %get3A_113, %get3A_966 : vector<16xf32>
      %add3A_968 = arith.addf %add3A_962, %mul3A_967 : vector<16xf32>
      %swap3A_969 = arith.index_cast %scan3A_106 : i32 to index
      %swap3A_970 = arith.constant 640 : index
      %swap3A_971 = tpu.vector_load %arg13[%swap3A_969, %swap3A_970] {strides = array<i32>} : memref<32x1024xf32, #tpu.memory_space<vmem>>, vector<1x16xf32>,
      %swap3A_972 = vector.shape_cast %swap3A_971 : vector<1x16xf32> to vector<16xf32>
      %swap3A_973 = vector.shape_cast %add3A_968 : vector<16xf32> to vector<1x16xf32>
      tpu.vector_store %arg13[%swap3A_969, %swap3A_970], %swap3A_973 {strides = array<i32>} : memref<32x1024xf32, #tpu.memory_space<vmem>>, vector<1x16xf32>,
      %get3A_974 = arith.index_cast %scan3A_106 : i32 to index
      %get3A_975 = arith.constant 656 : index
      %get3A_976 = tpu.vector_load %arg13[%get3A_974, %get3A_975] {strides = array<i32>} : memref<32x1024xf32, #tpu.memory_space<vmem>>, vector<1x16xf32>,
      %get3A_977 = vector.shape_cast %get3A_976 : vector<1x16xf32> to vector<16xf32>
      %get3A_978 = arith.index_cast %scan3A_106 : i32 to index
      %get3A_979 = arith.constant 656 : index
      %get3A_980 = tpu.vector_load %arg11[%get3A_978, %get3A_979] {strides = array<i32>} : memref<32x1024xf32, #tpu.memory_space<vmem>>, vector<1x16xf32>,
      %get3A_981 = vector.shape_cast %get3A_980 : vector<1x16xf32> to vector<16xf32>
      %mul3A_982 = arith.mulf %get3A_109, %get3A_981 : vector<16xf32>
      %add3A_983 = arith.addf %get3A_977, %mul3A_982 : vector<16xf32>
      %get3A_984 = arith.index_cast %scan3A_106 : i32 to index
      %get3A_985 = arith.constant 656 : index
      %get3A_986 = tpu.vector_load %arg12[%get3A_984, %get3A_985] {strides = array<i32>} : memref<32x1024xf32, #tpu.memory_space<vmem>>, vector<1x16xf32>,
      %get3A_987 = vector.shape_cast %get3A_986 : vector<1x16xf32> to vector<16xf32>
      %mul3A_988 = arith.mulf %get3A_113, %get3A_987 : vector<16xf32>
      %add3A_989 = arith.addf %add3A_983, %mul3A_988 : vector<16xf32>
      %swap3A_990 = arith.index_cast %scan3A_106 : i32 to index
      %swap3A_991 = arith.constant 656 : index
      %swap3A_992 = tpu.vector_load %arg13[%swap3A_990, %swap3A_991] {strides = array<i32>} : memref<32x1024xf32, #tpu.memory_space<vmem>>, vector<1x16xf32>,
      %swap3A_993 = vector.shape_cast %swap3A_992 : vector<1x16xf32> to vector<16xf32>
      %swap3A_994 = vector.shape_cast %add3A_989 : vector<16xf32> to vector<1x16xf32>
      tpu.vector_store %arg13[%swap3A_990, %swap3A_991], %swap3A_994 {strides = array<i32>} : memref<32x1024xf32, #tpu.memory_space<vmem>>, vector<1x16xf32>,
      %get3A_995 = arith.index_cast %scan3A_106 : i32 to index
      %get3A_996 = arith.constant 672 : index
      %get3A_997 = tpu.vector_load %arg13[%get3A_995, %get3A_996] {strides = array<i32>} : memref<32x1024xf32, #tpu.memory_space<vmem>>, vector<1x16xf32>,
      %get3A_998 = vector.shape_cast %get3A_997 : vector<1x16xf32> to vector<16xf32>
      %get3A_999 = arith.index_cast %scan3A_106 : i32 to index
      %get3A_1000 = arith.constant 672 : index
      %get3A_1001 = tpu.vector_load %arg11[%get3A_999, %get3A_1000] {strides = array<i32>} : memref<32x1024xf32, #tpu.memory_space<vmem>>, vector<1x16xf32>,
      %get3A_1002 = vector.shape_cast %get3A_1001 : vector<1x16xf32> to vector<16xf32>
      %mul3A_1003 = arith.mulf %get3A_109, %get3A_1002 : vector<16xf32>
      %add3A_1004 = arith.addf %get3A_998, %mul3A_1003 : vector<16xf32>
      %get3A_1005 = arith.index_cast %scan3A_106 : i32 to index
      %get3A_1006 = arith.constant 672 : index
      %get3A_1007 = tpu.vector_load %arg12[%get3A_1005, %get3A_1006] {strides = array<i32>} : memref<32x1024xf32, #tpu.memory_space<vmem>>, vector<1x16xf32>,
      %get3A_1008 = vector.shape_cast %get3A_1007 : vector<1x16xf32> to vector<16xf32>
      %mul3A_1009 = arith.mulf %get3A_113, %get3A_1008 : vector<16xf32>
      %add3A_1010 = arith.addf %add3A_1004, %mul3A_1009 : vector<16xf32>
      %swap3A_1011 = arith.index_cast %scan3A_106 : i32 to index
      %swap3A_1012 = arith.constant 672 : index
      %swap3A_1013 = tpu.vector_load %arg13[%swap3A_1011, %swap3A_1012] {strides = array<i32>} : memref<32x1024xf32, #tpu.memory_space<vmem>>, vector<1x16xf32>,
      %swap3A_1014 = vector.shape_cast %swap3A_1013 : vector<1x16xf32> to vector<16xf32>
      %swap3A_1015 = vector.shape_cast %add3A_1010 : vector<16xf32> to vector<1x16xf32>
      tpu.vector_store %arg13[%swap3A_1011, %swap3A_1012], %swap3A_1015 {strides = array<i32>} : memref<32x1024xf32, #tpu.memory_space<vmem>>, vector<1x16xf32>,
      %get3A_1016 = arith.index_cast %scan3A_106 : i32 to index
      %get3A_1017 = arith.constant 688 : index
      %get3A_1018 = tpu.vector_load %arg13[%get3A_1016, %get3A_1017] {strides = array<i32>} : memref<32x1024xf32, #tpu.memory_space<vmem>>, vector<1x16xf32>,
      %get3A_1019 = vector.shape_cast %get3A_1018 : vector<1x16xf32> to vector<16xf32>
      %get3A_1020 = arith.index_cast %scan3A_106 : i32 to index
      %get3A_1021 = arith.constant 688 : index
      %get3A_1022 = tpu.vector_load %arg11[%get3A_1020, %get3A_1021] {strides = array<i32>} : memref<32x1024xf32, #tpu.memory_space<vmem>>, vector<1x16xf32>,
      %get3A_1023 = vector.shape_cast %get3A_1022 : vector<1x16xf32> to vector<16xf32>
      %mul3A_1024 = arith.mulf %get3A_109, %get3A_1023 : vector<16xf32>
      %add3A_1025 = arith.addf %get3A_1019, %mul3A_1024 : vector<16xf32>
      %get3A_1026 = arith.index_cast %scan3A_106 : i32 to index
      %get3A_1027 = arith.constant 688 : index
      %get3A_1028 = tpu.vector_load %arg12[%get3A_1026, %get3A_1027] {strides = array<i32>} : memref<32x1024xf32, #tpu.memory_space<vmem>>, vector<1x16xf32>,
      %get3A_1029 = vector.shape_cast %get3A_1028 : vector<1x16xf32> to vector<16xf32>
      %mul3A_1030 = arith.mulf %get3A_113, %get3A_1029 : vector<16xf32>
      %add3A_1031 = arith.addf %add3A_1025, %mul3A_1030 : vector<16xf32>
      %swap3A_1032 = arith.index_cast %scan3A_106 : i32 to index
      %swap3A_1033 = arith.constant 688 : index
      %swap3A_1034 = tpu.vector_load %arg13[%swap3A_1032, %swap3A_1033] {strides = array<i32>} : memref<32x1024xf32, #tpu.memory_space<vmem>>, vector<1x16xf32>,
      %swap3A_1035 = vector.shape_cast %swap3A_1034 : vector<1x16xf32> to vector<16xf32>
      %swap3A_1036 = vector.shape_cast %add3A_1031 : vector<16xf32> to vector<1x16xf32>
      tpu.vector_store %arg13[%swap3A_1032, %swap3A_1033], %swap3A_1036 {strides = array<i32>} : memref<32x1024xf32, #tpu.memory_space<vmem>>, vector<1x16xf32>,
      %get3A_1037 = arith.index_cast %scan3A_106 : i32 to index
      %get3A_1038 = arith.constant 704 : index
      %get3A_1039 = tpu.vector_load %arg13[%get3A_1037, %get3A_1038] {strides = array<i32>} : memref<32x1024xf32, #tpu.memory_space<vmem>>, vector<1x16xf32>,
      %get3A_1040 = vector.shape_cast %get3A_1039 : vector<1x16xf32> to vector<16xf32>
      %get3A_1041 = arith.index_cast %scan3A_106 : i32 to index
      %get3A_1042 = arith.constant 704 : index
      %get3A_1043 = tpu.vector_load %arg11[%get3A_1041, %get3A_1042] {strides = array<i32>} : memref<32x1024xf32, #tpu.memory_space<vmem>>, vector<1x16xf32>,
      %get3A_1044 = vector.shape_cast %get3A_1043 : vector<1x16xf32> to vector<16xf32>
      %mul3A_1045 = arith.mulf %get3A_109, %get3A_1044 : vector<16xf32>
      %add3A_1046 = arith.addf %get3A_1040, %mul3A_1045 : vector<16xf32>
      %get3A_1047 = arith.index_cast %scan3A_106 : i32 to index
      %get3A_1048 = arith.constant 704 : index
      %get3A_1049 = tpu.vector_load %arg12[%get3A_1047, %get3A_1048] {strides = array<i32>} : memref<32x1024xf32, #tpu.memory_space<vmem>>, vector<1x16xf32>,
      %get3A_1050 = vector.shape_cast %get3A_1049 : vector<1x16xf32> to vector<16xf32>
      %mul3A_1051 = arith.mulf %get3A_113, %get3A_1050 : vector<16xf32>
      %add3A_1052 = arith.addf %add3A_1046, %mul3A_1051 : vector<16xf32>
      %swap3A_1053 = arith.index_cast %scan3A_106 : i32 to index
      %swap3A_1054 = arith.constant 704 : index
      %swap3A_1055 = tpu.vector_load %arg13[%swap3A_1053, %swap3A_1054] {strides = array<i32>} : memref<32x1024xf32, #tpu.memory_space<vmem>>, vector<1x16xf32>,
      %swap3A_1056 = vector.shape_cast %swap3A_1055 : vector<1x16xf32> to vector<16xf32>
      %swap3A_1057 = vector.shape_cast %add3A_1052 : vector<16xf32> to vector<1x16xf32>
      tpu.vector_store %arg13[%swap3A_1053, %swap3A_1054], %swap3A_1057 {strides = array<i32>} : memref<32x1024xf32, #tpu.memory_space<vmem>>, vector<1x16xf32>,
      %get3A_1058 = arith.index_cast %scan3A_106 : i32 to index
      %get3A_1059 = arith.constant 720 : index
      %get3A_1060 = tpu.vector_load %arg13[%get3A_1058, %get3A_1059] {strides = array<i32>} : memref<32x1024xf32, #tpu.memory_space<vmem>>, vector<1x16xf32>,
      %get3A_1061 = vector.shape_cast %get3A_1060 : vector<1x16xf32> to vector<16xf32>
      %get3A_1062 = arith.index_cast %scan3A_106 : i32 to index
      %get3A_1063 = arith.constant 720 : index
      %get3A_1064 = tpu.vector_load %arg11[%get3A_1062, %get3A_1063] {strides = array<i32>} : memref<32x1024xf32, #tpu.memory_space<vmem>>, vector<1x16xf32>,
      %get3A_1065 = vector.shape_cast %get3A_1064 : vector<1x16xf32> to vector<16xf32>
      %mul3A_1066 = arith.mulf %get3A_109, %get3A_1065 : vector<16xf32>
      %add3A_1067 = arith.addf %get3A_1061, %mul3A_1066 : vector<16xf32>
      %get3A_1068 = arith.index_cast %scan3A_106 : i32 to index
      %get3A_1069 = arith.constant 720 : index
      %get3A_1070 = tpu.vector_load %arg12[%get3A_1068, %get3A_1069] {strides = array<i32>} : memref<32x1024xf32, #tpu.memory_space<vmem>>, vector<1x16xf32>,
      %get3A_1071 = vector.shape_cast %get3A_1070 : vector<1x16xf32> to vector<16xf32>
      %mul3A_1072 = arith.mulf %get3A_113, %get3A_1071 : vector<16xf32>
      %add3A_1073 = arith.addf %add3A_1067, %mul3A_1072 : vector<16xf32>
      %swap3A_1074 = arith.index_cast %scan3A_106 : i32 to index
      %swap3A_1075 = arith.constant 720 : index
      %swap3A_1076 = tpu.vector_load %arg13[%swap3A_1074, %swap3A_1075] {strides = array<i32>} : memref<32x1024xf32, #tpu.memory_space<vmem>>, vector<1x16xf32>,
      %swap3A_1077 = vector.shape_cast %swap3A_1076 : vector<1x16xf32> to vector<16xf32>
      %swap3A_1078 = vector.shape_cast %add3A_1073 : vector<16xf32> to vector<1x16xf32>
      tpu.vector_store %arg13[%swap3A_1074, %swap3A_1075], %swap3A_1078 {strides = array<i32>} : memref<32x1024xf32, #tpu.memory_space<vmem>>, vector<1x16xf32>,
      %get3A_1079 = arith.index_cast %scan3A_106 : i32 to index
      %get3A_1080 = arith.constant 736 : index
      %get3A_1081 = tpu.vector_load %arg13[%get3A_1079, %get3A_1080] {strides = array<i32>} : memref<32x1024xf32, #tpu.memory_space<vmem>>, vector<1x16xf32>,
      %get3A_1082 = vector.shape_cast %get3A_1081 : vector<1x16xf32> to vector<16xf32>
      %get3A_1083 = arith.index_cast %scan3A_106 : i32 to index
      %get3A_1084 = arith.constant 736 : index
      %get3A_1085 = tpu.vector_load %arg11[%get3A_1083, %get3A_1084] {strides = array<i32>} : memref<32x1024xf32, #tpu.memory_space<vmem>>, vector<1x16xf32>,
      %get3A_1086 = vector.shape_cast %get3A_1085 : vector<1x16xf32> to vector<16xf32>
      %mul3A_1087 = arith.mulf %get3A_109, %get3A_1086 : vector<16xf32>
      %add3A_1088 = arith.addf %get3A_1082, %mul3A_1087 : vector<16xf32>
      %get3A_1089 = arith.index_cast %scan3A_106 : i32 to index
      %get3A_1090 = arith.constant 736 : index
      %get3A_1091 = tpu.vector_load %arg12[%get3A_1089, %get3A_1090] {strides = array<i32>} : memref<32x1024xf32, #tpu.memory_space<vmem>>, vector<1x16xf32>,
      %get3A_1092 = vector.shape_cast %get3A_1091 : vector<1x16xf32> to vector<16xf32>
      %mul3A_1093 = arith.mulf %get3A_113, %get3A_1092 : vector<16xf32>
      %add3A_1094 = arith.addf %add3A_1088, %mul3A_1093 : vector<16xf32>
      %swap3A_1095 = arith.index_cast %scan3A_106 : i32 to index
      %swap3A_1096 = arith.constant 736 : index
      %swap3A_1097 = tpu.vector_load %arg13[%swap3A_1095, %swap3A_1096] {strides = array<i32>} : memref<32x1024xf32, #tpu.memory_space<vmem>>, vector<1x16xf32>,
      %swap3A_1098 = vector.shape_cast %swap3A_1097 : vector<1x16xf32> to vector<16xf32>
      %swap3A_1099 = vector.shape_cast %add3A_1094 : vector<16xf32> to vector<1x16xf32>
      tpu.vector_store %arg13[%swap3A_1095, %swap3A_1096], %swap3A_1099 {strides = array<i32>} : memref<32x1024xf32, #tpu.memory_space<vmem>>, vector<1x16xf32>,
      %get3A_1100 = arith.index_cast %scan3A_106 : i32 to index
      %get3A_1101 = arith.constant 752 : index
      %get3A_1102 = tpu.vector_load %arg13[%get3A_1100, %get3A_1101] {strides = array<i32>} : memref<32x1024xf32, #tpu.memory_space<vmem>>, vector<1x16xf32>,
      %get3A_1103 = vector.shape_cast %get3A_1102 : vector<1x16xf32> to vector<16xf32>
      %get3A_1104 = arith.index_cast %scan3A_106 : i32 to index
      %get3A_1105 = arith.constant 752 : index
      %get3A_1106 = tpu.vector_load %arg11[%get3A_1104, %get3A_1105] {strides = array<i32>} : memref<32x1024xf32, #tpu.memory_space<vmem>>, vector<1x16xf32>,
      %get3A_1107 = vector.shape_cast %get3A_1106 : vector<1x16xf32> to vector<16xf32>
      %mul3A_1108 = arith.mulf %get3A_109, %get3A_1107 : vector<16xf32>
      %add3A_1109 = arith.addf %get3A_1103, %mul3A_1108 : vector<16xf32>
      %get3A_1110 = arith.index_cast %scan3A_106 : i32 to index
      %get3A_1111 = arith.constant 752 : index
      %get3A_1112 = tpu.vector_load %arg12[%get3A_1110, %get3A_1111] {strides = array<i32>} : memref<32x1024xf32, #tpu.memory_space<vmem>>, vector<1x16xf32>,
      %get3A_1113 = vector.shape_cast %get3A_1112 : vector<1x16xf32> to vector<16xf32>
      %mul3A_1114 = arith.mulf %get3A_113, %get3A_1113 : vector<16xf32>
      %add3A_1115 = arith.addf %add3A_1109, %mul3A_1114 : vector<16xf32>
      %swap3A_1116 = arith.index_cast %scan3A_106 : i32 to index
      %swap3A_1117 = arith.constant 752 : index
      %swap3A_1118 = tpu.vector_load %arg13[%swap3A_1116, %swap3A_1117] {strides = array<i32>} : memref<32x1024xf32, #tpu.memory_space<vmem>>, vector<1x16xf32>,
      %swap3A_1119 = vector.shape_cast %swap3A_1118 : vector<1x16xf32> to vector<16xf32>
      %swap3A_1120 = vector.shape_cast %add3A_1115 : vector<16xf32> to vector<1x16xf32>
      tpu.vector_store %arg13[%swap3A_1116, %swap3A_1117], %swap3A_1120 {strides = array<i32>} : memref<32x1024xf32, #tpu.memory_space<vmem>>, vector<1x16xf32>,
      %get3A_1121 = arith.index_cast %scan3A_106 : i32 to index
      %get3A_1122 = arith.constant 768 : index
      %get3A_1123 = tpu.vector_load %arg13[%get3A_1121, %get3A_1122] {strides = array<i32>} : memref<32x1024xf32, #tpu.memory_space<vmem>>, vector<1x16xf32>,
      %get3A_1124 = vector.shape_cast %get3A_1123 : vector<1x16xf32> to vector<16xf32>
      %get3A_1125 = arith.index_cast %scan3A_106 : i32 to index
      %get3A_1126 = arith.constant 768 : index
      %get3A_1127 = tpu.vector_load %arg11[%get3A_1125, %get3A_1126] {strides = array<i32>} : memref<32x1024xf32, #tpu.memory_space<vmem>>, vector<1x16xf32>,
      %get3A_1128 = vector.shape_cast %get3A_1127 : vector<1x16xf32> to vector<16xf32>
      %mul3A_1129 = arith.mulf %get3A_109, %get3A_1128 : vector<16xf32>
      %add3A_1130 = arith.addf %get3A_1124, %mul3A_1129 : vector<16xf32>
      %get3A_1131 = arith.index_cast %scan3A_106 : i32 to index
      %get3A_1132 = arith.constant 768 : index
      %get3A_1133 = tpu.vector_load %arg12[%get3A_1131, %get3A_1132] {strides = array<i32>} : memref<32x1024xf32, #tpu.memory_space<vmem>>, vector<1x16xf32>,
      %get3A_1134 = vector.shape_cast %get3A_1133 : vector<1x16xf32> to vector<16xf32>
      %mul3A_1135 = arith.mulf %get3A_113, %get3A_1134 : vector<16xf32>
      %add3A_1136 = arith.addf %add3A_1130, %mul3A_1135 : vector<16xf32>
      %swap3A_1137 = arith.index_cast %scan3A_106 : i32 to index
      %swap3A_1138 = arith.constant 768 : index
      %swap3A_1139 = tpu.vector_load %arg13[%swap3A_1137, %swap3A_1138] {strides = array<i32>} : memref<32x1024xf32, #tpu.memory_space<vmem>>, vector<1x16xf32>,
      %swap3A_1140 = vector.shape_cast %swap3A_1139 : vector<1x16xf32> to vector<16xf32>
      %swap3A_1141 = vector.shape_cast %add3A_1136 : vector<16xf32> to vector<1x16xf32>
      tpu.vector_store %arg13[%swap3A_1137, %swap3A_1138], %swap3A_1141 {strides = array<i32>} : memref<32x1024xf32, #tpu.memory_space<vmem>>, vector<1x16xf32>,
      %get3A_1142 = arith.index_cast %scan3A_106 : i32 to index
      %get3A_1143 = arith.constant 784 : index
      %get3A_1144 = tpu.vector_load %arg13[%get3A_1142, %get3A_1143] {strides = array<i32>} : memref<32x1024xf32, #tpu.memory_space<vmem>>, vector<1x16xf32>,
      %get3A_1145 = vector.shape_cast %get3A_1144 : vector<1x16xf32> to vector<16xf32>
      %get3A_1146 = arith.index_cast %scan3A_106 : i32 to index
      %get3A_1147 = arith.constant 784 : index
      %get3A_1148 = tpu.vector_load %arg11[%get3A_1146, %get3A_1147] {strides = array<i32>} : memref<32x1024xf32, #tpu.memory_space<vmem>>, vector<1x16xf32>,
      %get3A_1149 = vector.shape_cast %get3A_1148 : vector<1x16xf32> to vector<16xf32>
      %mul3A_1150 = arith.mulf %get3A_109, %get3A_1149 : vector<16xf32>
      %add3A_1151 = arith.addf %get3A_1145, %mul3A_1150 : vector<16xf32>
      %get3A_1152 = arith.index_cast %scan3A_106 : i32 to index
      %get3A_1153 = arith.constant 784 : index
      %get3A_1154 = tpu.vector_load %arg12[%get3A_1152, %get3A_1153] {strides = array<i32>} : memref<32x1024xf32, #tpu.memory_space<vmem>>, vector<1x16xf32>,
      %get3A_1155 = vector.shape_cast %get3A_1154 : vector<1x16xf32> to vector<16xf32>
      %mul3A_1156 = arith.mulf %get3A_113, %get3A_1155 : vector<16xf32>
      %add3A_1157 = arith.addf %add3A_1151, %mul3A_1156 : vector<16xf32>
      %swap3A_1158 = arith.index_cast %scan3A_106 : i32 to index
      %swap3A_1159 = arith.constant 784 : index
      %swap3A_1160 = tpu.vector_load %arg13[%swap3A_1158, %swap3A_1159] {strides = array<i32>} : memref<32x1024xf32, #tpu.memory_space<vmem>>, vector<1x16xf32>,
      %swap3A_1161 = vector.shape_cast %swap3A_1160 : vector<1x16xf32> to vector<16xf32>
      %swap3A_1162 = vector.shape_cast %add3A_1157 : vector<16xf32> to vector<1x16xf32>
      tpu.vector_store %arg13[%swap3A_1158, %swap3A_1159], %swap3A_1162 {strides = array<i32>} : memref<32x1024xf32, #tpu.memory_space<vmem>>, vector<1x16xf32>,
      %get3A_1163 = arith.index_cast %scan3A_106 : i32 to index
      %get3A_1164 = arith.constant 800 : index
      %get3A_1165 = tpu.vector_load %arg13[%get3A_1163, %get3A_1164] {strides = array<i32>} : memref<32x1024xf32, #tpu.memory_space<vmem>>, vector<1x16xf32>,
      %get3A_1166 = vector.shape_cast %get3A_1165 : vector<1x16xf32> to vector<16xf32>
      %get3A_1167 = arith.index_cast %scan3A_106 : i32 to index
      %get3A_1168 = arith.constant 800 : index
      %get3A_1169 = tpu.vector_load %arg11[%get3A_1167, %get3A_1168] {strides = array<i32>} : memref<32x1024xf32, #tpu.memory_space<vmem>>, vector<1x16xf32>,
      %get3A_1170 = vector.shape_cast %get3A_1169 : vector<1x16xf32> to vector<16xf32>
      %mul3A_1171 = arith.mulf %get3A_109, %get3A_1170 : vector<16xf32>
      %add3A_1172 = arith.addf %get3A_1166, %mul3A_1171 : vector<16xf32>
      %get3A_1173 = arith.index_cast %scan3A_106 : i32 to index
      %get3A_1174 = arith.constant 800 : index
      %get3A_1175 = tpu.vector_load %arg12[%get3A_1173, %get3A_1174] {strides = array<i32>} : memref<32x1024xf32, #tpu.memory_space<vmem>>, vector<1x16xf32>,
      %get3A_1176 = vector.shape_cast %get3A_1175 : vector<1x16xf32> to vector<16xf32>
      %mul3A_1177 = arith.mulf %get3A_113, %get3A_1176 : vector<16xf32>
      %add3A_1178 = arith.addf %add3A_1172, %mul3A_1177 : vector<16xf32>
      %swap3A_1179 = arith.index_cast %scan3A_106 : i32 to index
      %swap3A_1180 = arith.constant 800 : index
      %swap3A_1181 = tpu.vector_load %arg13[%swap3A_1179, %swap3A_1180] {strides = array<i32>} : memref<32x1024xf32, #tpu.memory_space<vmem>>, vector<1x16xf32>,
      %swap3A_1182 = vector.shape_cast %swap3A_1181 : vector<1x16xf32> to vector<16xf32>
      %swap3A_1183 = vector.shape_cast %add3A_1178 : vector<16xf32> to vector<1x16xf32>
      tpu.vector_store %arg13[%swap3A_1179, %swap3A_1180], %swap3A_1183 {strides = array<i32>} : memref<32x1024xf32, #tpu.memory_space<vmem>>, vector<1x16xf32>,
      %get3A_1184 = arith.index_cast %scan3A_106 : i32 to index
      %get3A_1185 = arith.constant 816 : index
      %get3A_1186 = tpu.vector_load %arg13[%get3A_1184, %get3A_1185] {strides = array<i32>} : memref<32x1024xf32, #tpu.memory_space<vmem>>, vector<1x16xf32>,
      %get3A_1187 = vector.shape_cast %get3A_1186 : vector<1x16xf32> to vector<16xf32>
      %get3A_1188 = arith.index_cast %scan3A_106 : i32 to index
      %get3A_1189 = arith.constant 816 : index
      %get3A_1190 = tpu.vector_load %arg11[%get3A_1188, %get3A_1189] {strides = array<i32>} : memref<32x1024xf32, #tpu.memory_space<vmem>>, vector<1x16xf32>,
      %get3A_1191 = vector.shape_cast %get3A_1190 : vector<1x16xf32> to vector<16xf32>
      %mul3A_1192 = arith.mulf %get3A_109, %get3A_1191 : vector<16xf32>
      %add3A_1193 = arith.addf %get3A_1187, %mul3A_1192 : vector<16xf32>
      %get3A_1194 = arith.index_cast %scan3A_106 : i32 to index
      %get3A_1195 = arith.constant 816 : index
      %get3A_1196 = tpu.vector_load %arg12[%get3A_1194, %get3A_1195] {strides = array<i32>} : memref<32x1024xf32, #tpu.memory_space<vmem>>, vector<1x16xf32>,
      %get3A_1197 = vector.shape_cast %get3A_1196 : vector<1x16xf32> to vector<16xf32>
      %mul3A_1198 = arith.mulf %get3A_113, %get3A_1197 : vector<16xf32>
      %add3A_1199 = arith.addf %add3A_1193, %mul3A_1198 : vector<16xf32>
      %swap3A_1200 = arith.index_cast %scan3A_106 : i32 to index
      %swap3A_1201 = arith.constant 816 : index
      %swap3A_1202 = tpu.vector_load %arg13[%swap3A_1200, %swap3A_1201] {strides = array<i32>} : memref<32x1024xf32, #tpu.memory_space<vmem>>, vector<1x16xf32>,
      %swap3A_1203 = vector.shape_cast %swap3A_1202 : vector<1x16xf32> to vector<16xf32>
      %swap3A_1204 = vector.shape_cast %add3A_1199 : vector<16xf32> to vector<1x16xf32>
      tpu.vector_store %arg13[%swap3A_1200, %swap3A_1201], %swap3A_1204 {strides = array<i32>} : memref<32x1024xf32, #tpu.memory_space<vmem>>, vector<1x16xf32>,
      %get3A_1205 = arith.index_cast %scan3A_106 : i32 to index
      %get3A_1206 = arith.constant 832 : index
      %get3A_1207 = tpu.vector_load %arg13[%get3A_1205, %get3A_1206] {strides = array<i32>} : memref<32x1024xf32, #tpu.memory_space<vmem>>, vector<1x16xf32>,
      %get3A_1208 = vector.shape_cast %get3A_1207 : vector<1x16xf32> to vector<16xf32>
      %get3A_1209 = arith.index_cast %scan3A_106 : i32 to index
      %get3A_1210 = arith.constant 832 : index
      %get3A_1211 = tpu.vector_load %arg11[%get3A_1209, %get3A_1210] {strides = array<i32>} : memref<32x1024xf32, #tpu.memory_space<vmem>>, vector<1x16xf32>,
      %get3A_1212 = vector.shape_cast %get3A_1211 : vector<1x16xf32> to vector<16xf32>
      %mul3A_1213 = arith.mulf %get3A_109, %get3A_1212 : vector<16xf32>
      %add3A_1214 = arith.addf %get3A_1208, %mul3A_1213 : vector<16xf32>
      %get3A_1215 = arith.index_cast %scan3A_106 : i32 to index
      %get3A_1216 = arith.constant 832 : index
      %get3A_1217 = tpu.vector_load %arg12[%get3A_1215, %get3A_1216] {strides = array<i32>} : memref<32x1024xf32, #tpu.memory_space<vmem>>, vector<1x16xf32>,
      %get3A_1218 = vector.shape_cast %get3A_1217 : vector<1x16xf32> to vector<16xf32>
      %mul3A_1219 = arith.mulf %get3A_113, %get3A_1218 : vector<16xf32>
      %add3A_1220 = arith.addf %add3A_1214, %mul3A_1219 : vector<16xf32>
      %swap3A_1221 = arith.index_cast %scan3A_106 : i32 to index
      %swap3A_1222 = arith.constant 832 : index
      %swap3A_1223 = tpu.vector_load %arg13[%swap3A_1221, %swap3A_1222] {strides = array<i32>} : memref<32x1024xf32, #tpu.memory_space<vmem>>, vector<1x16xf32>,
      %swap3A_1224 = vector.shape_cast %swap3A_1223 : vector<1x16xf32> to vector<16xf32>
      %swap3A_1225 = vector.shape_cast %add3A_1220 : vector<16xf32> to vector<1x16xf32>
      tpu.vector_store %arg13[%swap3A_1221, %swap3A_1222], %swap3A_1225 {strides = array<i32>} : memref<32x1024xf32, #tpu.memory_space<vmem>>, vector<1x16xf32>,
      %get3A_1226 = arith.index_cast %scan3A_106 : i32 to index
      %get3A_1227 = arith.constant 848 : index
      %get3A_1228 = tpu.vector_load %arg13[%get3A_1226, %get3A_1227] {strides = array<i32>} : memref<32x1024xf32, #tpu.memory_space<vmem>>, vector<1x16xf32>,
      %get3A_1229 = vector.shape_cast %get3A_1228 : vector<1x16xf32> to vector<16xf32>
      %get3A_1230 = arith.index_cast %scan3A_106 : i32 to index
      %get3A_1231 = arith.constant 848 : index
      %get3A_1232 = tpu.vector_load %arg11[%get3A_1230, %get3A_1231] {strides = array<i32>} : memref<32x1024xf32, #tpu.memory_space<vmem>>, vector<1x16xf32>,
      %get3A_1233 = vector.shape_cast %get3A_1232 : vector<1x16xf32> to vector<16xf32>
      %mul3A_1234 = arith.mulf %get3A_109, %get3A_1233 : vector<16xf32>
      %add3A_1235 = arith.addf %get3A_1229, %mul3A_1234 : vector<16xf32>
      %get3A_1236 = arith.index_cast %scan3A_106 : i32 to index
      %get3A_1237 = arith.constant 848 : index
      %get3A_1238 = tpu.vector_load %arg12[%get3A_1236, %get3A_1237] {strides = array<i32>} : memref<32x1024xf32, #tpu.memory_space<vmem>>, vector<1x16xf32>,
      %get3A_1239 = vector.shape_cast %get3A_1238 : vector<1x16xf32> to vector<16xf32>
      %mul3A_1240 = arith.mulf %get3A_113, %get3A_1239 : vector<16xf32>
      %add3A_1241 = arith.addf %add3A_1235, %mul3A_1240 : vector<16xf32>
      %swap3A_1242 = arith.index_cast %scan3A_106 : i32 to index
      %swap3A_1243 = arith.constant 848 : index
      %swap3A_1244 = tpu.vector_load %arg13[%swap3A_1242, %swap3A_1243] {strides = array<i32>} : memref<32x1024xf32, #tpu.memory_space<vmem>>, vector<1x16xf32>,
      %swap3A_1245 = vector.shape_cast %swap3A_1244 : vector<1x16xf32> to vector<16xf32>
      %swap3A_1246 = vector.shape_cast %add3A_1241 : vector<16xf32> to vector<1x16xf32>
      tpu.vector_store %arg13[%swap3A_1242, %swap3A_1243], %swap3A_1246 {strides = array<i32>} : memref<32x1024xf32, #tpu.memory_space<vmem>>, vector<1x16xf32>,
      %get3A_1247 = arith.index_cast %scan3A_106 : i32 to index
      %get3A_1248 = arith.constant 864 : index
      %get3A_1249 = tpu.vector_load %arg13[%get3A_1247, %get3A_1248] {strides = array<i32>} : memref<32x1024xf32, #tpu.memory_space<vmem>>, vector<1x16xf32>,
      %get3A_1250 = vector.shape_cast %get3A_1249 : vector<1x16xf32> to vector<16xf32>
      %get3A_1251 = arith.index_cast %scan3A_106 : i32 to index
      %get3A_1252 = arith.constant 864 : index
      %get3A_1253 = tpu.vector_load %arg11[%get3A_1251, %get3A_1252] {strides = array<i32>} : memref<32x1024xf32, #tpu.memory_space<vmem>>, vector<1x16xf32>,
      %get3A_1254 = vector.shape_cast %get3A_1253 : vector<1x16xf32> to vector<16xf32>
      %mul3A_1255 = arith.mulf %get3A_109, %get3A_1254 : vector<16xf32>
      %add3A_1256 = arith.addf %get3A_1250, %mul3A_1255 : vector<16xf32>
      %get3A_1257 = arith.index_cast %scan3A_106 : i32 to index
      %get3A_1258 = arith.constant 864 : index
      %get3A_1259 = tpu.vector_load %arg12[%get3A_1257, %get3A_1258] {strides = array<i32>} : memref<32x1024xf32, #tpu.memory_space<vmem>>, vector<1x16xf32>,
      %get3A_1260 = vector.shape_cast %get3A_1259 : vector<1x16xf32> to vector<16xf32>
      %mul3A_1261 = arith.mulf %get3A_113, %get3A_1260 : vector<16xf32>
      %add3A_1262 = arith.addf %add3A_1256, %mul3A_1261 : vector<16xf32>
      %swap3A_1263 = arith.index_cast %scan3A_106 : i32 to index
      %swap3A_1264 = arith.constant 864 : index
      %swap3A_1265 = tpu.vector_load %arg13[%swap3A_1263, %swap3A_1264] {strides = array<i32>} : memref<32x1024xf32, #tpu.memory_space<vmem>>, vector<1x16xf32>,
      %swap3A_1266 = vector.shape_cast %swap3A_1265 : vector<1x16xf32> to vector<16xf32>
      %swap3A_1267 = vector.shape_cast %add3A_1262 : vector<16xf32> to vector<1x16xf32>
      tpu.vector_store %arg13[%swap3A_1263, %swap3A_1264], %swap3A_1267 {strides = array<i32>} : memref<32x1024xf32, #tpu.memory_space<vmem>>, vector<1x16xf32>,
      %get3A_1268 = arith.index_cast %scan3A_106 : i32 to index
      %get3A_1269 = arith.constant 880 : index
      %get3A_1270 = tpu.vector_load %arg13[%get3A_1268, %get3A_1269] {strides = array<i32>} : memref<32x1024xf32, #tpu.memory_space<vmem>>, vector<1x16xf32>,
      %get3A_1271 = vector.shape_cast %get3A_1270 : vector<1x16xf32> to vector<16xf32>
      %get3A_1272 = arith.index_cast %scan3A_106 : i32 to index
      %get3A_1273 = arith.constant 880 : index
      %get3A_1274 = tpu.vector_load %arg11[%get3A_1272, %get3A_1273] {strides = array<i32>} : memref<32x1024xf32, #tpu.memory_space<vmem>>, vector<1x16xf32>,
      %get3A_1275 = vector.shape_cast %get3A_1274 : vector<1x16xf32> to vector<16xf32>
      %mul3A_1276 = arith.mulf %get3A_109, %get3A_1275 : vector<16xf32>
      %add3A_1277 = arith.addf %get3A_1271, %mul3A_1276 : vector<16xf32>
      %get3A_1278 = arith.index_cast %scan3A_106 : i32 to index
      %get3A_1279 = arith.constant 880 : index
      %get3A_1280 = tpu.vector_load %arg12[%get3A_1278, %get3A_1279] {strides = array<i32>} : memref<32x1024xf32, #tpu.memory_space<vmem>>, vector<1x16xf32>,
      %get3A_1281 = vector.shape_cast %get3A_1280 : vector<1x16xf32> to vector<16xf32>
      %mul3A_1282 = arith.mulf %get3A_113, %get3A_1281 : vector<16xf32>
      %add3A_1283 = arith.addf %add3A_1277, %mul3A_1282 : vector<16xf32>
      %swap3A_1284 = arith.index_cast %scan3A_106 : i32 to index
      %swap3A_1285 = arith.constant 880 : index
      %swap3A_1286 = tpu.vector_load %arg13[%swap3A_1284, %swap3A_1285] {strides = array<i32>} : memref<32x1024xf32, #tpu.memory_space<vmem>>, vector<1x16xf32>,
      %swap3A_1287 = vector.shape_cast %swap3A_1286 : vector<1x16xf32> to vector<16xf32>
      %swap3A_1288 = vector.shape_cast %add3A_1283 : vector<16xf32> to vector<1x16xf32>
      tpu.vector_store %arg13[%swap3A_1284, %swap3A_1285], %swap3A_1288 {strides = array<i32>} : memref<32x1024xf32, #tpu.memory_space<vmem>>, vector<1x16xf32>,
      %get3A_1289 = arith.index_cast %scan3A_106 : i32 to index
      %get3A_1290 = arith.constant 896 : index
      %get3A_1291 = tpu.vector_load %arg13[%get3A_1289, %get3A_1290] {strides = array<i32>} : memref<32x1024xf32, #tpu.memory_space<vmem>>, vector<1x16xf32>,
      %get3A_1292 = vector.shape_cast %get3A_1291 : vector<1x16xf32> to vector<16xf32>
      %get3A_1293 = arith.index_cast %scan3A_106 : i32 to index
      %get3A_1294 = arith.constant 896 : index
      %get3A_1295 = tpu.vector_load %arg11[%get3A_1293, %get3A_1294] {strides = array<i32>} : memref<32x1024xf32, #tpu.memory_space<vmem>>, vector<1x16xf32>,
      %get3A_1296 = vector.shape_cast %get3A_1295 : vector<1x16xf32> to vector<16xf32>
      %mul3A_1297 = arith.mulf %get3A_109, %get3A_1296 : vector<16xf32>
      %add3A_1298 = arith.addf %get3A_1292, %mul3A_1297 : vector<16xf32>
      %get3A_1299 = arith.index_cast %scan3A_106 : i32 to index
      %get3A_1300 = arith.constant 896 : index
      %get3A_1301 = tpu.vector_load %arg12[%get3A_1299, %get3A_1300] {strides = array<i32>} : memref<32x1024xf32, #tpu.memory_space<vmem>>, vector<1x16xf32>,
      %get3A_1302 = vector.shape_cast %get3A_1301 : vector<1x16xf32> to vector<16xf32>
      %mul3A_1303 = arith.mulf %get3A_113, %get3A_1302 : vector<16xf32>
      %add3A_1304 = arith.addf %add3A_1298, %mul3A_1303 : vector<16xf32>
      %swap3A_1305 = arith.index_cast %scan3A_106 : i32 to index
      %swap3A_1306 = arith.constant 896 : index
      %swap3A_1307 = tpu.vector_load %arg13[%swap3A_1305, %swap3A_1306] {strides = array<i32>} : memref<32x1024xf32, #tpu.memory_space<vmem>>, vector<1x16xf32>,
      %swap3A_1308 = vector.shape_cast %swap3A_1307 : vector<1x16xf32> to vector<16xf32>
      %swap3A_1309 = vector.shape_cast %add3A_1304 : vector<16xf32> to vector<1x16xf32>
      tpu.vector_store %arg13[%swap3A_1305, %swap3A_1306], %swap3A_1309 {strides = array<i32>} : memref<32x1024xf32, #tpu.memory_space<vmem>>, vector<1x16xf32>,
      %get3A_1310 = arith.index_cast %scan3A_106 : i32 to index
      %get3A_1311 = arith.constant 912 : index
      %get3A_1312 = tpu.vector_load %arg13[%get3A_1310, %get3A_1311] {strides = array<i32>} : memref<32x1024xf32, #tpu.memory_space<vmem>>, vector<1x16xf32>,
      %get3A_1313 = vector.shape_cast %get3A_1312 : vector<1x16xf32> to vector<16xf32>
      %get3A_1314 = arith.index_cast %scan3A_106 : i32 to index
      %get3A_1315 = arith.constant 912 : index
      %get3A_1316 = tpu.vector_load %arg11[%get3A_1314, %get3A_1315] {strides = array<i32>} : memref<32x1024xf32, #tpu.memory_space<vmem>>, vector<1x16xf32>,
      %get3A_1317 = vector.shape_cast %get3A_1316 : vector<1x16xf32> to vector<16xf32>
      %mul3A_1318 = arith.mulf %get3A_109, %get3A_1317 : vector<16xf32>
      %add3A_1319 = arith.addf %get3A_1313, %mul3A_1318 : vector<16xf32>
      %get3A_1320 = arith.index_cast %scan3A_106 : i32 to index
      %get3A_1321 = arith.constant 912 : index
      %get3A_1322 = tpu.vector_load %arg12[%get3A_1320, %get3A_1321] {strides = array<i32>} : memref<32x1024xf32, #tpu.memory_space<vmem>>, vector<1x16xf32>,
      %get3A_1323 = vector.shape_cast %get3A_1322 : vector<1x16xf32> to vector<16xf32>
      %mul3A_1324 = arith.mulf %get3A_113, %get3A_1323 : vector<16xf32>
      %add3A_1325 = arith.addf %add3A_1319, %mul3A_1324 : vector<16xf32>
      %swap3A_1326 = arith.index_cast %scan3A_106 : i32 to index
      %swap3A_1327 = arith.constant 912 : index
      %swap3A_1328 = tpu.vector_load %arg13[%swap3A_1326, %swap3A_1327] {strides = array<i32>} : memref<32x1024xf32, #tpu.memory_space<vmem>>, vector<1x16xf32>,
      %swap3A_1329 = vector.shape_cast %swap3A_1328 : vector<1x16xf32> to vector<16xf32>
      %swap3A_1330 = vector.shape_cast %add3A_1325 : vector<16xf32> to vector<1x16xf32>
      tpu.vector_store %arg13[%swap3A_1326, %swap3A_1327], %swap3A_1330 {strides = array<i32>} : memref<32x1024xf32, #tpu.memory_space<vmem>>, vector<1x16xf32>,
      %get3A_1331 = arith.index_cast %scan3A_106 : i32 to index
      %get3A_1332 = arith.constant 928 : index
      %get3A_1333 = tpu.vector_load %arg13[%get3A_1331, %get3A_1332] {strides = array<i32>} : memref<32x1024xf32, #tpu.memory_space<vmem>>, vector<1x16xf32>,
      %get3A_1334 = vector.shape_cast %get3A_1333 : vector<1x16xf32> to vector<16xf32>
      %get3A_1335 = arith.index_cast %scan3A_106 : i32 to index
      %get3A_1336 = arith.constant 928 : index
      %get3A_1337 = tpu.vector_load %arg11[%get3A_1335, %get3A_1336] {strides = array<i32>} : memref<32x1024xf32, #tpu.memory_space<vmem>>, vector<1x16xf32>,
      %get3A_1338 = vector.shape_cast %get3A_1337 : vector<1x16xf32> to vector<16xf32>
      %mul3A_1339 = arith.mulf %get3A_109, %get3A_1338 : vector<16xf32>
      %add3A_1340 = arith.addf %get3A_1334, %mul3A_1339 : vector<16xf32>
      %get3A_1341 = arith.index_cast %scan3A_106 : i32 to index
      %get3A_1342 = arith.constant 928 : index
      %get3A_1343 = tpu.vector_load %arg12[%get3A_1341, %get3A_1342] {strides = array<i32>} : memref<32x1024xf32, #tpu.memory_space<vmem>>, vector<1x16xf32>,
      %get3A_1344 = vector.shape_cast %get3A_1343 : vector<1x16xf32> to vector<16xf32>
      %mul3A_1345 = arith.mulf %get3A_113, %get3A_1344 : vector<16xf32>
      %add3A_1346 = arith.addf %add3A_1340, %mul3A_1345 : vector<16xf32>
      %swap3A_1347 = arith.index_cast %scan3A_106 : i32 to index
      %swap3A_1348 = arith.constant 928 : index
      %swap3A_1349 = tpu.vector_load %arg13[%swap3A_1347, %swap3A_1348] {strides = array<i32>} : memref<32x1024xf32, #tpu.memory_space<vmem>>, vector<1x16xf32>,
      %swap3A_1350 = vector.shape_cast %swap3A_1349 : vector<1x16xf32> to vector<16xf32>
      %swap3A_1351 = vector.shape_cast %add3A_1346 : vector<16xf32> to vector<1x16xf32>
      tpu.vector_store %arg13[%swap3A_1347, %swap3A_1348], %swap3A_1351 {strides = array<i32>} : memref<32x1024xf32, #tpu.memory_space<vmem>>, vector<1x16xf32>,
      %get3A_1352 = arith.index_cast %scan3A_106 : i32 to index
      %get3A_1353 = arith.constant 944 : index
      %get3A_1354 = tpu.vector_load %arg13[%get3A_1352, %get3A_1353] {strides = array<i32>} : memref<32x1024xf32, #tpu.memory_space<vmem>>, vector<1x16xf32>,
      %get3A_1355 = vector.shape_cast %get3A_1354 : vector<1x16xf32> to vector<16xf32>
      %get3A_1356 = arith.index_cast %scan3A_106 : i32 to index
      %get3A_1357 = arith.constant 944 : index
      %get3A_1358 = tpu.vector_load %arg11[%get3A_1356, %get3A_1357] {strides = array<i32>} : memref<32x1024xf32, #tpu.memory_space<vmem>>, vector<1x16xf32>,
      %get3A_1359 = vector.shape_cast %get3A_1358 : vector<1x16xf32> to vector<16xf32>
      %mul3A_1360 = arith.mulf %get3A_109, %get3A_1359 : vector<16xf32>
      %add3A_1361 = arith.addf %get3A_1355, %mul3A_1360 : vector<16xf32>
      %get3A_1362 = arith.index_cast %scan3A_106 : i32 to index
      %get3A_1363 = arith.constant 944 : index
      %get3A_1364 = tpu.vector_load %arg12[%get3A_1362, %get3A_1363] {strides = array<i32>} : memref<32x1024xf32, #tpu.memory_space<vmem>>, vector<1x16xf32>,
      %get3A_1365 = vector.shape_cast %get3A_1364 : vector<1x16xf32> to vector<16xf32>
      %mul3A_1366 = arith.mulf %get3A_113, %get3A_1365 : vector<16xf32>
      %add3A_1367 = arith.addf %add3A_1361, %mul3A_1366 : vector<16xf32>
      %swap3A_1368 = arith.index_cast %scan3A_106 : i32 to index
      %swap3A_1369 = arith.constant 944 : index
      %swap3A_1370 = tpu.vector_load %arg13[%swap3A_1368, %swap3A_1369] {strides = array<i32>} : memref<32x1024xf32, #tpu.memory_space<vmem>>, vector<1x16xf32>,
      %swap3A_1371 = vector.shape_cast %swap3A_1370 : vector<1x16xf32> to vector<16xf32>
      %swap3A_1372 = vector.shape_cast %add3A_1367 : vector<16xf32> to vector<1x16xf32>
      tpu.vector_store %arg13[%swap3A_1368, %swap3A_1369], %swap3A_1372 {strides = array<i32>} : memref<32x1024xf32, #tpu.memory_space<vmem>>, vector<1x16xf32>,
      %get3A_1373 = arith.index_cast %scan3A_106 : i32 to index
      %get3A_1374 = arith.constant 960 : index
      %get3A_1375 = tpu.vector_load %arg13[%get3A_1373, %get3A_1374] {strides = array<i32>} : memref<32x1024xf32, #tpu.memory_space<vmem>>, vector<1x16xf32>,
      %get3A_1376 = vector.shape_cast %get3A_1375 : vector<1x16xf32> to vector<16xf32>
      %get3A_1377 = arith.index_cast %scan3A_106 : i32 to index
      %get3A_1378 = arith.constant 960 : index
      %get3A_1379 = tpu.vector_load %arg11[%get3A_1377, %get3A_1378] {strides = array<i32>} : memref<32x1024xf32, #tpu.memory_space<vmem>>, vector<1x16xf32>,
      %get3A_1380 = vector.shape_cast %get3A_1379 : vector<1x16xf32> to vector<16xf32>
      %mul3A_1381 = arith.mulf %get3A_109, %get3A_1380 : vector<16xf32>
      %add3A_1382 = arith.addf %get3A_1376, %mul3A_1381 : vector<16xf32>
      %get3A_1383 = arith.index_cast %scan3A_106 : i32 to index
      %get3A_1384 = arith.constant 960 : index
      %get3A_1385 = tpu.vector_load %arg12[%get3A_1383, %get3A_1384] {strides = array<i32>} : memref<32x1024xf32, #tpu.memory_space<vmem>>, vector<1x16xf32>,
      %get3A_1386 = vector.shape_cast %get3A_1385 : vector<1x16xf32> to vector<16xf32>
      %mul3A_1387 = arith.mulf %get3A_113, %get3A_1386 : vector<16xf32>
      %add3A_1388 = arith.addf %add3A_1382, %mul3A_1387 : vector<16xf32>
      %swap3A_1389 = arith.index_cast %scan3A_106 : i32 to index
      %swap3A_1390 = arith.constant 960 : index
      %swap3A_1391 = tpu.vector_load %arg13[%swap3A_1389, %swap3A_1390] {strides = array<i32>} : memref<32x1024xf32, #tpu.memory_space<vmem>>, vector<1x16xf32>,
      %swap3A_1392 = vector.shape_cast %swap3A_1391 : vector<1x16xf32> to vector<16xf32>
      %swap3A_1393 = vector.shape_cast %add3A_1388 : vector<16xf32> to vector<1x16xf32>
      tpu.vector_store %arg13[%swap3A_1389, %swap3A_1390], %swap3A_1393 {strides = array<i32>} : memref<32x1024xf32, #tpu.memory_space<vmem>>, vector<1x16xf32>,
      %get3A_1394 = arith.index_cast %scan3A_106 : i32 to index
      %get3A_1395 = arith.constant 976 : index
      %get3A_1396 = tpu.vector_load %arg13[%get3A_1394, %get3A_1395] {strides = array<i32>} : memref<32x1024xf32, #tpu.memory_space<vmem>>, vector<1x16xf32>,
      %get3A_1397 = vector.shape_cast %get3A_1396 : vector<1x16xf32> to vector<16xf32>
      %get3A_1398 = arith.index_cast %scan3A_106 : i32 to index
      %get3A_1399 = arith.constant 976 : index
      %get3A_1400 = tpu.vector_load %arg11[%get3A_1398, %get3A_1399] {strides = array<i32>} : memref<32x1024xf32, #tpu.memory_space<vmem>>, vector<1x16xf32>,
      %get3A_1401 = vector.shape_cast %get3A_1400 : vector<1x16xf32> to vector<16xf32>
      %mul3A_1402 = arith.mulf %get3A_109, %get3A_1401 : vector<16xf32>
      %add3A_1403 = arith.addf %get3A_1397, %mul3A_1402 : vector<16xf32>
      %get3A_1404 = arith.index_cast %scan3A_106 : i32 to index
      %get3A_1405 = arith.constant 976 : index
      %get3A_1406 = tpu.vector_load %arg12[%get3A_1404, %get3A_1405] {strides = array<i32>} : memref<32x1024xf32, #tpu.memory_space<vmem>>, vector<1x16xf32>,
      %get3A_1407 = vector.shape_cast %get3A_1406 : vector<1x16xf32> to vector<16xf32>
      %mul3A_1408 = arith.mulf %get3A_113, %get3A_1407 : vector<16xf32>
      %add3A_1409 = arith.addf %add3A_1403, %mul3A_1408 : vector<16xf32>
      %swap3A_1410 = arith.index_cast %scan3A_106 : i32 to index
      %swap3A_1411 = arith.constant 976 : index
      %swap3A_1412 = tpu.vector_load %arg13[%swap3A_1410, %swap3A_1411] {strides = array<i32>} : memref<32x1024xf32, #tpu.memory_space<vmem>>, vector<1x16xf32>,
      %swap3A_1413 = vector.shape_cast %swap3A_1412 : vector<1x16xf32> to vector<16xf32>
      %swap3A_1414 = vector.shape_cast %add3A_1409 : vector<16xf32> to vector<1x16xf32>
      tpu.vector_store %arg13[%swap3A_1410, %swap3A_1411], %swap3A_1414 {strides = array<i32>} : memref<32x1024xf32, #tpu.memory_space<vmem>>, vector<1x16xf32>,
      %get3A_1415 = arith.index_cast %scan3A_106 : i32 to index
      %get3A_1416 = arith.constant 992 : index
      %get3A_1417 = tpu.vector_load %arg13[%get3A_1415, %get3A_1416] {strides = array<i32>} : memref<32x1024xf32, #tpu.memory_space<vmem>>, vector<1x16xf32>,
      %get3A_1418 = vector.shape_cast %get3A_1417 : vector<1x16xf32> to vector<16xf32>
      %get3A_1419 = arith.index_cast %scan3A_106 : i32 to index
      %get3A_1420 = arith.constant 992 : index
      %get3A_1421 = tpu.vector_load %arg11[%get3A_1419, %get3A_1420] {strides = array<i32>} : memref<32x1024xf32, #tpu.memory_space<vmem>>, vector<1x16xf32>,
      %get3A_1422 = vector.shape_cast %get3A_1421 : vector<1x16xf32> to vector<16xf32>
      %mul3A_1423 = arith.mulf %get3A_109, %get3A_1422 : vector<16xf32>
      %add3A_1424 = arith.addf %get3A_1418, %mul3A_1423 : vector<16xf32>
      %get3A_1425 = arith.index_cast %scan3A_106 : i32 to index
      %get3A_1426 = arith.constant 992 : index
      %get3A_1427 = tpu.vector_load %arg12[%get3A_1425, %get3A_1426] {strides = array<i32>} : memref<32x1024xf32, #tpu.memory_space<vmem>>, vector<1x16xf32>,
      %get3A_1428 = vector.shape_cast %get3A_1427 : vector<1x16xf32> to vector<16xf32>
      %mul3A_1429 = arith.mulf %get3A_113, %get3A_1428 : vector<16xf32>
      %add3A_1430 = arith.addf %add3A_1424, %mul3A_1429 : vector<16xf32>
      %swap3A_1431 = arith.index_cast %scan3A_106 : i32 to index
      %swap3A_1432 = arith.constant 992 : index
      %swap3A_1433 = tpu.vector_load %arg13[%swap3A_1431, %swap3A_1432] {strides = array<i32>} : memref<32x1024xf32, #tpu.memory_space<vmem>>, vector<1x16xf32>,
      %swap3A_1434 = vector.shape_cast %swap3A_1433 : vector<1x16xf32> to vector<16xf32>
      %swap3A_1435 = vector.shape_cast %add3A_1430 : vector<16xf32> to vector<1x16xf32>
      tpu.vector_store %arg13[%swap3A_1431, %swap3A_1432], %swap3A_1435 {strides = array<i32>} : memref<32x1024xf32, #tpu.memory_space<vmem>>, vector<1x16xf32>,
      %get3A_1436 = arith.index_cast %scan3A_106 : i32 to index
      %get3A_1437 = arith.constant 1008 : index
      %get3A_1438 = tpu.vector_load %arg13[%get3A_1436, %get3A_1437] {strides = array<i32>} : memref<32x1024xf32, #tpu.memory_space<vmem>>, vector<1x16xf32>,
      %get3A_1439 = vector.shape_cast %get3A_1438 : vector<1x16xf32> to vector<16xf32>
      %get3A_1440 = arith.index_cast %scan3A_106 : i32 to index
      %get3A_1441 = arith.constant 1008 : index
      %get3A_1442 = tpu.vector_load %arg11[%get3A_1440, %get3A_1441] {strides = array<i32>} : memref<32x1024xf32, #tpu.memory_space<vmem>>, vector<1x16xf32>,
      %get3A_1443 = vector.shape_cast %get3A_1442 : vector<1x16xf32> to vector<16xf32>
      %mul3A_1444 = arith.mulf %get3A_109, %get3A_1443 : vector<16xf32>
      %add3A_1445 = arith.addf %get3A_1439, %mul3A_1444 : vector<16xf32>
      %get3A_1446 = arith.index_cast %scan3A_106 : i32 to index
      %get3A_1447 = arith.constant 1008 : index
      %get3A_1448 = tpu.vector_load %arg12[%get3A_1446, %get3A_1447] {strides = array<i32>} : memref<32x1024xf32, #tpu.memory_space<vmem>>, vector<1x16xf32>,
      %get3A_1449 = vector.shape_cast %get3A_1448 : vector<1x16xf32> to vector<16xf32>
      %mul3A_1450 = arith.mulf %get3A_113, %get3A_1449 : vector<16xf32>
      %add3A_1451 = arith.addf %add3A_1445, %mul3A_1450 : vector<16xf32>
      %swap3A_1452 = arith.index_cast %scan3A_106 : i32 to index
      %swap3A_1453 = arith.constant 1008 : index
      %swap3A_1454 = tpu.vector_load %arg13[%swap3A_1452, %swap3A_1453] {strides = array<i32>} : memref<32x1024xf32, #tpu.memory_space<vmem>>, vector<1x16xf32>,
      %swap3A_1455 = vector.shape_cast %swap3A_1454 : vector<1x16xf32> to vector<16xf32>
      %swap3A_1456 = vector.shape_cast %add3A_1451 : vector<16xf32> to vector<1x16xf32>
      tpu.vector_store %arg13[%swap3A_1452, %swap3A_1453], %swap3A_1456 {strides = array<i32>} : memref<32x1024xf32, #tpu.memory_space<vmem>>, vector<1x16xf32>,
    }
    %scan3A_105 = arith.constant 32 : i32
    "tpu.region"() ({
      %run_scoped3A = tpu.sem_alloc : memref<!tpu.dma_semaphore, #tpu.memory_space<semaphore_mem>>
      %dma_start3A_106 = arith.constant 0 : i32
      %dma_start3A_107 = tpu.memref_slice %arg8[%add3A_55, %dma_start3A_106] : memref<2048x1024xf32, #tpu.memory_space<hbm>> -> memref<32x1024xf32, #tpu.memory_space<hbm>>
      %dma_start3A_108 = arith.constant 0 : i32
      %dma_start3A_109 = tpu.memref_slice %arg8[%add3A_55, %dma_start3A_108] : memref<2048x1024xf32, #tpu.memory_space<hbm>> -> memref<32x1024xf32, #tpu.memory_space<hbm>>
      tpu.enqueue_dma source(%arg13 : memref<32x1024xf32, #tpu.memory_space<vmem>>) target(%dma_start3A_109 : memref<32x1024xf32, #tpu.memory_space<hbm>>) target_semaphore(%run_scoped3A : memref<!tpu.dma_semaphore, #tpu.memory_space<semaphore_mem>>)
      %dma_wait3A_110 = arith.constant 0 : i32
      %dma_wait3A_111 = tpu.memref_slice %arg8[%add3A_55, %dma_wait3A_110] : memref<2048x1024xf32, #tpu.memory_space<hbm>> -> memref<32x1024xf32, #tpu.memory_space<hbm>>
      %dma_wait3A_112 = arith.constant 0 : i32
      %dma_wait3A_113 = tpu.memref_slice %arg8[%add3A_55, %dma_wait3A_112] : memref<2048x1024xf32, #tpu.memory_space<hbm>> -> memref<32x1024xf32, #tpu.memory_space<hbm>>
      tpu.wait_dma2 semaphore(%run_scoped3A : memref<!tpu.dma_semaphore, #tpu.memory_space<semaphore_mem>>) src(%arg13 : memref<32x1024xf32, #tpu.memory_space<vmem>>) dst(%dma_wait3A_113 : memref<32x1024xf32, #tpu.memory_space<hbm>>)
      tpu.yield
    }) : () -> ()
    return
  }
}

#map = affine_map<(d0, d1) -> (0, 0)>
#map1 = affine_map<(d0, d1) -> (0)>
module attributes {stable_mosaic.version = 14 : i64} {
  func.func @_dispatch(%arg0: i32, %arg1: i32, %arg2: memref<2048x1024xf32, #tpu.memory_space<hbm>>, %arg3: memref<2048xi32, #tpu.memory_space<hbm>>, %arg4: memref<2048xi32, #tpu.memory_space<hbm>>, %arg5: memref<8192x1024xf32, #tpu.memory_space<hbm>>, %arg6: memref<64xi32, #tpu.memory_space<vmem>>, %arg7: memref<64xi32, #tpu.memory_space<vmem>>, %arg8: memref<64x1024xf32, #tpu.memory_space<vmem>>, %arg9: memref<!tpu.dma_semaphore, #tpu.memory_space<semaphore_mem>>) attributes {dimension_semantics = [#tpu.dimension_semantics<core_parallel>, #tpu.dimension_semantics<subcore_parallel>], iteration_bounds = array<i64: 2, 16>, scalar_prefetch = 0 : i64, scratch_operands = 4 : i64, tpu.core_type = #tpu.core_type<sc_vector_subcore>, window_params = [{transform_indices = #map}, {transform_indices = #map1}, {transform_indices = #map1}, {transform_indices = #map}]} {
    %mul3A = arith.constant 2 : i32
    %mul3A_0 = arith.muli %arg1, %mul3A : i32
    %add3A = arith.addi %mul3A_0, %arg0 : i32
    %mul3A_1 = arith.constant 64 : i32
    %mul3A_2 = arith.muli %add3A, %mul3A_1 : i32
    %dma_start3A = tpu.memref_slice %arg3[%mul3A_2] : memref<2048xi32, #tpu.memory_space<hbm>> -> memref<64xi32, #tpu.memory_space<hbm>>
    %dma_start3A_3 = tpu.memref_slice %arg3[%mul3A_2] : memref<2048xi32, #tpu.memory_space<hbm>> -> memref<64xi32, #tpu.memory_space<hbm>>
    tpu.enqueue_dma source(%dma_start3A_3 : memref<64xi32, #tpu.memory_space<hbm>>) target(%arg6 : memref<64xi32, #tpu.memory_space<vmem>>) target_semaphore(%arg9 : memref<!tpu.dma_semaphore, #tpu.memory_space<semaphore_mem>>)
    %dma_start3A_4 = tpu.memref_slice %arg4[%mul3A_2] : memref<2048xi32, #tpu.memory_space<hbm>> -> memref<64xi32, #tpu.memory_space<hbm>>
    %dma_start3A_5 = tpu.memref_slice %arg4[%mul3A_2] : memref<2048xi32, #tpu.memory_space<hbm>> -> memref<64xi32, #tpu.memory_space<hbm>>
    tpu.enqueue_dma source(%dma_start3A_5 : memref<64xi32, #tpu.memory_space<hbm>>) target(%arg7 : memref<64xi32, #tpu.memory_space<vmem>>) target_semaphore(%arg9 : memref<!tpu.dma_semaphore, #tpu.memory_space<semaphore_mem>>)
    %dma_start3A_6 = arith.constant 0 : i32
    %dma_start3A_7 = tpu.memref_slice %arg2[%mul3A_2, %dma_start3A_6] : memref<2048x1024xf32, #tpu.memory_space<hbm>> -> memref<64x1024xf32, #tpu.memory_space<hbm>>
    %dma_start3A_8 = arith.constant 0 : i32
    %dma_start3A_9 = tpu.memref_slice %arg2[%mul3A_2, %dma_start3A_8] : memref<2048x1024xf32, #tpu.memory_space<hbm>> -> memref<64x1024xf32, #tpu.memory_space<hbm>>
    tpu.enqueue_dma source(%dma_start3A_9 : memref<64x1024xf32, #tpu.memory_space<hbm>>) target(%arg8 : memref<64x1024xf32, #tpu.memory_space<vmem>>) target_semaphore(%arg9 : memref<!tpu.dma_semaphore, #tpu.memory_space<semaphore_mem>>)
    %dma_wait3A = tpu.memref_slice %arg3[%mul3A_2] : memref<2048xi32, #tpu.memory_space<hbm>> -> memref<64xi32, #tpu.memory_space<hbm>>
    %dma_wait3A_10 = tpu.memref_slice %arg3[%mul3A_2] : memref<2048xi32, #tpu.memory_space<hbm>> -> memref<64xi32, #tpu.memory_space<hbm>>
    tpu.wait_dma2 semaphore(%arg9 : memref<!tpu.dma_semaphore, #tpu.memory_space<semaphore_mem>>) src(%dma_wait3A_10 : memref<64xi32, #tpu.memory_space<hbm>>) dst(%arg6 : memref<64xi32, #tpu.memory_space<vmem>>)
    %dma_wait3A_11 = tpu.memref_slice %arg4[%mul3A_2] : memref<2048xi32, #tpu.memory_space<hbm>> -> memref<64xi32, #tpu.memory_space<hbm>>
    %dma_wait3A_12 = tpu.memref_slice %arg4[%mul3A_2] : memref<2048xi32, #tpu.memory_space<hbm>> -> memref<64xi32, #tpu.memory_space<hbm>>
    tpu.wait_dma2 semaphore(%arg9 : memref<!tpu.dma_semaphore, #tpu.memory_space<semaphore_mem>>) src(%dma_wait3A_12 : memref<64xi32, #tpu.memory_space<hbm>>) dst(%arg7 : memref<64xi32, #tpu.memory_space<vmem>>)
    %dma_wait3A_13 = arith.constant 0 : i32
    %dma_wait3A_14 = tpu.memref_slice %arg2[%mul3A_2, %dma_wait3A_13] : memref<2048x1024xf32, #tpu.memory_space<hbm>> -> memref<64x1024xf32, #tpu.memory_space<hbm>>
    %dma_wait3A_15 = arith.constant 0 : i32
    %dma_wait3A_16 = tpu.memref_slice %arg2[%mul3A_2, %dma_wait3A_15] : memref<2048x1024xf32, #tpu.memory_space<hbm>> -> memref<64x1024xf32, #tpu.memory_space<hbm>>
    tpu.wait_dma2 semaphore(%arg9 : memref<!tpu.dma_semaphore, #tpu.memory_space<semaphore_mem>>) src(%dma_wait3A_16 : memref<64x1024xf32, #tpu.memory_space<hbm>>) dst(%arg8 : memref<64x1024xf32, #tpu.memory_space<vmem>>)
    %dma_start3A_17 = arith.constant 0 : i32
    %dma_start3A_18 = arith.constant 0 : i32
    %dma_start3A_19 = tpu.memref_slice %arg5[%dma_start3A_17, %dma_start3A_18] : memref<8192x1024xf32, #tpu.memory_space<hbm>> -> memref<8192x1024xf32, #tpu.memory_space<hbm>>
    tpu.enqueue_indirect_dma source(%arg8 : memref<64x1024xf32, #tpu.memory_space<vmem>>) target(%dma_start3A_19 : memref<8192x1024xf32, #tpu.memory_space<hbm>>) offsets(%arg6 : memref<64xi32, #tpu.memory_space<vmem>>) semaphore(%arg9 : memref<!tpu.dma_semaphore, #tpu.memory_space<semaphore_mem>>)
    %dma_start3A_20 = arith.constant 0 : i32
    %dma_start3A_21 = arith.constant 0 : i32
    %dma_start3A_22 = tpu.memref_slice %arg5[%dma_start3A_20, %dma_start3A_21] : memref<8192x1024xf32, #tpu.memory_space<hbm>> -> memref<8192x1024xf32, #tpu.memory_space<hbm>>
    tpu.enqueue_indirect_dma source(%arg8 : memref<64x1024xf32, #tpu.memory_space<vmem>>) target(%dma_start3A_22 : memref<8192x1024xf32, #tpu.memory_space<hbm>>) offsets(%arg7 : memref<64xi32, #tpu.memory_space<vmem>>) semaphore(%arg9 : memref<!tpu.dma_semaphore, #tpu.memory_space<semaphore_mem>>)
    %dma_wait3A_23 = arith.constant 0 : i32
    %dma_wait3A_24 = arith.constant 0 : i32
    %dma_wait3A_25 = tpu.memref_slice %arg5[%dma_wait3A_23, %dma_wait3A_24] : memref<8192x1024xf32, #tpu.memory_space<hbm>> -> memref<8192x1024xf32, #tpu.memory_space<hbm>>
    tpu.wait_indirect_dma semaphore(%arg9 : memref<!tpu.dma_semaphore, #tpu.memory_space<semaphore_mem>>) src(%arg8 : memref<64x1024xf32, #tpu.memory_space<vmem>>) dst(%dma_wait3A_25 : memref<8192x1024xf32, #tpu.memory_space<hbm>>)
    %dma_wait3A_26 = arith.constant 0 : i32
    %dma_wait3A_27 = arith.constant 0 : i32
    %dma_wait3A_28 = tpu.memref_slice %arg5[%dma_wait3A_26, %dma_wait3A_27] : memref<8192x1024xf32, #tpu.memory_space<hbm>> -> memref<8192x1024xf32, #tpu.memory_space<hbm>>
    tpu.wait_indirect_dma semaphore(%arg9 : memref<!tpu.dma_semaphore, #tpu.memory_space<semaphore_mem>>) src(%arg8 : memref<64x1024xf32, #tpu.memory_space<vmem>>) dst(%dma_wait3A_28 : memref<8192x1024xf32, #tpu.memory_space<hbm>>)
    return
  }
}

module attributes {stable_mosaic.version = 14 : i64} {
  func.func @_routing_kernel(%arg0: memref<2048x1024xf32, #tpu.memory_space<vmem>>, %arg1: memref<1024x8xf32, #tpu.memory_space<vmem>>, %arg2: memref<1024x1024xbf16, #tpu.memory_space<vmem>>, %arg3: memref<128x1024xf32, #tpu.memory_space<vmem>>, %arg4: memref<1024x128xf32, #tpu.memory_space<vmem>>, %arg5: memref<8x1024xf32, #tpu.memory_space<vmem>>, %arg6: memref<16x16xf32, #tpu.memory_space<vmem>>, %arg7: memref<8x8xf32, #tpu.memory_space<vmem>>, %arg8: memref<16x128xi32, #tpu.memory_space<vmem>>, %arg9: memref<16x128xi32, #tpu.memory_space<vmem>>, %arg10: memref<2048x16xf32, #tpu.memory_space<vmem>>, %arg11: memref<2048x16xf32, #tpu.memory_space<vmem>>, %arg12: memref<32x128xi32, #tpu.memory_space<vmem>>) attributes {dimension_semantics = [], scalar_prefetch = 0 : i64, scratch_operands = 0 : i64, tpu.core_type = #tpu.core_type<tc>} {
    %get3A = arith.constant 0 : index
    %get3A_0 = arith.constant 0 : index
    %get3A_1 = vector.load %arg0[%get3A, %get3A_0] : memref<2048x1024xf32, #tpu.memory_space<vmem>>, vector<2048x1024xf32>
    %get3A_2 = arith.constant 0 : index
    %get3A_3 = arith.constant 0 : index
    %get3A_4 = vector.load %arg1[%get3A_2, %get3A_3] : memref<1024x8xf32, #tpu.memory_space<vmem>>, vector<1024x8xf32>
    %dot_general3A = arith.constant dense<0.000000e+00> : vector<2048x8xf32>
    %dot_general3A_5 = tpu.matmul %get3A_1, %get3A_4, %dot_general3A {dimension_numbers = #tpu.dot_dimension_numbers<[1], [0], [0], [1], [0, 0, 1, 1], [], []>, transpose_lhs_hint = false} : vector<2048x1024xf32>, vector<1024x8xf32>, vector<2048x8xf32> -> vector<2048x8xf32>
    %reduce_max3A = arith.constant dense<0xFF800000> : vector<2048xf32>
    %reduce_max3A_6 = vector.multi_reduction <maximumf>, %dot_general3A_5, %reduce_max3A [1] : vector<2048x8xf32> to vector<2048xf32>
    %max3A = arith.constant 0xFF800000 : f32
    %max3A_7 = vector.broadcast %max3A : f32 to vector<2048xf32>
    %max3A_8 = arith.maximumf %max3A_7, %reduce_max3A_6 : vector<2048xf32>
    %broadcast_in_dim3A = vector.shape_cast %max3A_8 : vector<2048xf32> to vector<2048x1xf32>
    %sub3A = vector.broadcast %broadcast_in_dim3A : vector<2048x1xf32> to vector<2048x8xf32>
    %sub3A_9 = arith.subf %dot_general3A_5, %sub3A : vector<2048x8xf32>
    %exp3A = math.exp %sub3A_9 : vector<2048x8xf32>
    %reduce_sum3A = arith.constant dense<0.000000e+00> : vector<2048xf32>
    %reduce_sum3A_10 = vector.multi_reduction <add>, %exp3A, %reduce_sum3A [1] : vector<2048x8xf32> to vector<2048xf32>
    %broadcast_in_dim3A_11 = vector.shape_cast %reduce_sum3A_10 : vector<2048xf32> to vector<2048x1xf32>
    %div3A = vector.broadcast %broadcast_in_dim3A_11 : vector<2048x1xf32> to vector<2048x8xf32>
    %div3A_12 = arith.divf %exp3A, %div3A : vector<2048x8xf32>
    %iota3A = tpu.iota {dimensions = array<i32: 1>} : vector<2048x8xi32>
    %reduce_max3A_13 = arith.constant dense<0xFF800000> : vector<2048xf32>
    %reduce_max3A_14 = vector.multi_reduction <maximumf>, %div3A_12, %reduce_max3A_13 [1] : vector<2048x8xf32> to vector<2048xf32>
    %broadcast_in_dim3A_15 = vector.shape_cast %reduce_max3A_14 : vector<2048xf32> to vector<2048x1xf32>
    %eq3A = vector.broadcast %broadcast_in_dim3A_15 : vector<2048x1xf32> to vector<2048x8xf32>
    %eq3A_16 = arith.cmpf oeq, %div3A_12, %eq3A : vector<2048x8xf32>
    %jit3A = arith.constant 8 : i32
    %broadcast_in_dim3A_17 = vector.broadcast %jit3A : i32 to vector<2048x8xi32>
    %select_n3A = arith.select %eq3A_16, %iota3A, %broadcast_in_dim3A_17 : vector<2048x8xi1>, vector<2048x8xi32>
    %reduce_min3A = arith.constant dense<2147483647> : vector<2048xi32>
    %reduce_min3A_18 = vector.multi_reduction <minsi>, %select_n3A, %reduce_min3A [1] : vector<2048x8xi32> to vector<2048xi32>
    %broadcast_in_dim3A_19 = vector.shape_cast %reduce_min3A_18 : vector<2048xi32> to vector<2048x1xi32>
    %eq3A_20 = vector.broadcast %broadcast_in_dim3A_19 : vector<2048x1xi32> to vector<2048x8xi32>
    %eq3A_21 = arith.cmpi eq, %iota3A, %eq3A_20 : vector<2048x8xi32>
    %jit3A_22 = arith.constant 0xFF800000 : f32
    %broadcast_in_dim3A_23 = vector.broadcast %jit3A_22 : f32 to vector<2048x8xf32>
    %select_n3A_24 = arith.select %eq3A_21, %broadcast_in_dim3A_23, %div3A_12 : vector<2048x8xi1>, vector<2048x8xf32>
    %reduce_max3A_25 = arith.constant dense<0xFF800000> : vector<2048xf32>
    %reduce_max3A_26 = vector.multi_reduction <maximumf>, %select_n3A_24, %reduce_max3A_25 [1] : vector<2048x8xf32> to vector<2048xf32>
    %broadcast_in_dim3A_27 = vector.shape_cast %reduce_max3A_26 : vector<2048xf32> to vector<2048x1xf32>
    %eq3A_28 = vector.broadcast %broadcast_in_dim3A_27 : vector<2048x1xf32> to vector<2048x8xf32>
    %eq3A_29 = arith.cmpf oeq, %select_n3A_24, %eq3A_28 : vector<2048x8xf32>
    %jit3A_30 = arith.constant 8 : i32
    %broadcast_in_dim3A_31 = vector.broadcast %jit3A_30 : i32 to vector<2048x8xi32>
    %select_n3A_32 = arith.select %eq3A_29, %iota3A, %broadcast_in_dim3A_31 : vector<2048x8xi1>, vector<2048x8xi32>
    %reduce_min3A_33 = arith.constant dense<2147483647> : vector<2048xi32>
    %reduce_min3A_34 = vector.multi_reduction <minsi>, %select_n3A_32, %reduce_min3A_33 [1] : vector<2048x8xi32> to vector<2048xi32>
    %broadcast_in_dim3A_35 = vector.shape_cast %reduce_min3A_34 : vector<2048xi32> to vector<2048x1xi32>
    %add3A = arith.addf %broadcast_in_dim3A_15, %broadcast_in_dim3A_27 : vector<2048x1xf32>
    %div3A_36 = arith.divf %broadcast_in_dim3A_15, %add3A : vector<2048x1xf32>
    %broadcast_in_dim3A_37 = vector.shape_cast %div3A_36 : vector<2048x1xf32> to vector<2048x1xf32>
    %broadcast_in_dim3A_38 = vector.broadcast %broadcast_in_dim3A_37 : vector<2048x1xf32> to vector<2048x16xf32>
    %swap3A = arith.constant 0 : index
    %swap3A_39 = arith.constant 0 : index
    %swap3A_40 = vector.load %arg10[%swap3A, %swap3A_39] : memref<2048x16xf32, #tpu.memory_space<vmem>>, vector<2048x16xf32>
    tpu.vector_store %arg10[%swap3A, %swap3A_39], %broadcast_in_dim3A_38 {strides = array<i32>} : memref<2048x16xf32, #tpu.memory_space<vmem>>, vector<2048x16xf32>,
    %div3A_41 = arith.divf %broadcast_in_dim3A_27, %add3A : vector<2048x1xf32>
    %broadcast_in_dim3A_42 = vector.shape_cast %div3A_41 : vector<2048x1xf32> to vector<2048x1xf32>
    %broadcast_in_dim3A_43 = vector.broadcast %broadcast_in_dim3A_42 : vector<2048x1xf32> to vector<2048x16xf32>
    %swap3A_44 = arith.constant 0 : index
    %swap3A_45 = arith.constant 0 : index
    %swap3A_46 = vector.load %arg11[%swap3A_44, %swap3A_45] : memref<2048x16xf32, #tpu.memory_space<vmem>>, vector<2048x16xf32>
    tpu.vector_store %arg11[%swap3A_44, %swap3A_45], %broadcast_in_dim3A_43 {strides = array<i32>} : memref<2048x16xf32, #tpu.memory_space<vmem>>, vector<2048x16xf32>,
    %iota3A_47 = tpu.iota {dimensions = array<i32: 1>} : vector<16x1024xi32>
    %jit3A_48 = arith.constant 8 : i32
    %eq3A_49 = arith.constant 0 : i32
    %eq3A_50 = arith.cmpi eq, %jit3A_48, %eq3A_49 : i32
    %jit3A_51 = arith.constant 1 : i32
    %select_n3A_52 = arith.select %eq3A_50, %jit3A_51, %jit3A_48 : i32
    %rem3A = vector.broadcast %select_n3A_52 : i32 to vector<16x1024xi32>
    %rem3A_53 = arith.remsi %iota3A_47, %rem3A : vector<16x1024xi32>
    %ne3A = arith.constant 0 : i32
    %ne3A_54 = vector.broadcast %ne3A : i32 to vector<16x1024xi32>
    %ne3A_55 = arith.cmpi ne, %rem3A_53, %ne3A_54 : vector<16x1024xi32>
    %lt3A = arith.constant 0 : i32
    %lt3A_56 = vector.broadcast %lt3A : i32 to vector<16x1024xi32>
    %lt3A_57 = arith.cmpi slt, %rem3A_53, %lt3A_56 : vector<16x1024xi32>
    %lt3A_58 = arith.constant 0 : i32
    %lt3A_59 = arith.cmpi slt, %select_n3A_52, %lt3A_58 : i32
    %ne3A_60 = vector.broadcast %lt3A_59 : i1 to vector<16x1024xi1>
    %ne3A_61 = vector.broadcast %ne3A_60 : vector<16x1024xi1> to vector<16x1024xi1>
    %ne3A_62 = arith.xori %lt3A_57, %ne3A_61 : vector<16x1024xi1>
    %and3A = arith.andi %ne3A_62, %ne3A_55 : vector<16x1024xi1>
    %add3A_63 = vector.broadcast %select_n3A_52 : i32 to vector<16x1024xi32>
    %add3A_64 = arith.addi %rem3A_53, %add3A_63 : vector<16x1024xi32>
    %select_n3A_65 = arith.select %and3A, %add3A_64, %rem3A_53 : vector<16x1024xi1>, vector<16x1024xi32>
    %convert_element_type3A = arith.sitofp %select_n3A_65 : vector<16x1024xi32> to vector<16x1024xf32>
    %reshape3A = vector.shape_cast %broadcast_in_dim3A_19 : vector<2048x1xi32> to vector<16x128xi32>
    %convert_element_type3A_66 = arith.sitofp %reshape3A : vector<16x128xi32> to vector<16x128xf32>
    %get3A_67 = arith.constant 0 : index
    %get3A_68 = arith.constant 0 : index
    %get3A_69 = vector.load %arg3[%get3A_67, %get3A_68] : memref<128x1024xf32, #tpu.memory_space<vmem>>, vector<128x1024xf32>
    %dot_general3A_70 = arith.constant dense<0.000000e+00> : vector<16x1024xf32>
    %dot_general3A_71 = tpu.matmul %convert_element_type3A_66, %get3A_69, %dot_general3A_70 {dimension_numbers = #tpu.dot_dimension_numbers<[1], [0], [0], [1], [0, 0, 1, 1], [], []>, transpose_lhs_hint = false} : vector<16x128xf32>, vector<128x1024xf32>, vector<16x1024xf32> -> vector<16x1024xf32>
    %eq3A_72 = arith.cmpf oeq, %dot_general3A_71, %convert_element_type3A : vector<16x1024xf32>
    %convert_element_type3A_73 = arith.extui %eq3A_72 : vector<16x1024xi1> to vector<16x1024xi32>
    %convert_element_type3A_74 = arith.sitofp %convert_element_type3A_73 : vector<16x1024xi32> to vector<16x1024xf32>
    %convert_element_type3A_75 = arith.truncf %convert_element_type3A_74 : vector<16x1024xf32> to vector<16x1024xbf16>
    %get3A_76 = arith.constant 0 : index
    %get3A_77 = arith.constant 0 : index
    %get3A_78 = vector.load %arg2[%get3A_76, %get3A_77] : memref<1024x1024xbf16, #tpu.memory_space<vmem>>, vector<1024x1024xbf16>
    %dot_general3A_79 = arith.constant dense<0.000000e+00> : vector<16x1024xf32>
    %dot_general3A_80 = tpu.matmul %convert_element_type3A_75, %get3A_78, %dot_general3A_79 {dimension_numbers = #tpu.dot_dimension_numbers<[1], [0], [0], [1], [0, 0, 1, 1], [], []>, transpose_lhs_hint = false} : vector<16x1024xbf16>, vector<1024x1024xbf16>, vector<16x1024xf32> -> vector<16x1024xf32>
    %slice3A = vector.extract_strided_slice %dot_general3A_80 {offsets = [0, 1016], sizes = [16, 8], strides = [1, 1]} : vector<16x1024xf32> to vector<16x8xf32>
    %get3A_81 = arith.constant 0 : index
    %get3A_82 = arith.constant 0 : index
    %get3A_83 = vector.load %arg6[%get3A_81, %get3A_82] : memref<16x16xf32, #tpu.memory_space<vmem>>, vector<16x16xf32>
    %dot_general3A_84 = arith.constant dense<0.000000e+00> : vector<16x8xf32>
    %dot_general3A_85 = tpu.matmul %get3A_83, %slice3A, %dot_general3A_84 {dimension_numbers = #tpu.dot_dimension_numbers<[1], [0], [0], [1], [0, 0, 1, 1], [], []>, transpose_lhs_hint = false} : vector<16x16xf32>, vector<16x8xf32>, vector<16x8xf32> -> vector<16x8xf32>
    %slice3A_86 = vector.extract_strided_slice %dot_general3A_85 {offsets = [15, 0], sizes = [1, 8], strides = [1, 1]} : vector<16x8xf32> to vector<1x8xf32>
    %slice3A_87 = vector.extract_strided_slice %slice3A {offsets = [15, 0], sizes = [1, 8], strides = [1, 1]} : vector<16x8xf32> to vector<1x8xf32>
    %add3A_88 = arith.addf %slice3A_86, %slice3A_87 : vector<1x8xf32>
    %reshape3A_89 = vector.shape_cast %broadcast_in_dim3A_35 : vector<2048x1xi32> to vector<16x128xi32>
    %convert_element_type3A_90 = arith.sitofp %reshape3A_89 : vector<16x128xi32> to vector<16x128xf32>
    %get3A_91 = arith.constant 0 : index
    %get3A_92 = arith.constant 0 : index
    %get3A_93 = vector.load %arg3[%get3A_91, %get3A_92] : memref<128x1024xf32, #tpu.memory_space<vmem>>, vector<128x1024xf32>
    %dot_general3A_94 = arith.constant dense<0.000000e+00> : vector<16x1024xf32>
    %dot_general3A_95 = tpu.matmul %convert_element_type3A_90, %get3A_93, %dot_general3A_94 {dimension_numbers = #tpu.dot_dimension_numbers<[1], [0], [0], [1], [0, 0, 1, 1], [], []>, transpose_lhs_hint = false} : vector<16x128xf32>, vector<128x1024xf32>, vector<16x1024xf32> -> vector<16x1024xf32>
    %eq3A_96 = arith.cmpf oeq, %dot_general3A_95, %convert_element_type3A : vector<16x1024xf32>
    %convert_element_type3A_97 = arith.extui %eq3A_96 : vector<16x1024xi1> to vector<16x1024xi32>
    %convert_element_type3A_98 = arith.sitofp %convert_element_type3A_97 : vector<16x1024xi32> to vector<16x1024xf32>
    %convert_element_type3A_99 = arith.truncf %convert_element_type3A_98 : vector<16x1024xf32> to vector<16x1024xbf16>
    %get3A_100 = arith.constant 0 : index
    %get3A_101 = arith.constant 0 : index
    %get3A_102 = vector.load %arg2[%get3A_100, %get3A_101] : memref<1024x1024xbf16, #tpu.memory_space<vmem>>, vector<1024x1024xbf16>
    %dot_general3A_103 = arith.constant dense<0.000000e+00> : vector<16x1024xf32>
    %dot_general3A_104 = tpu.matmul %convert_element_type3A_99, %get3A_102, %dot_general3A_103 {dimension_numbers = #tpu.dot_dimension_numbers<[1], [0], [0], [1], [0, 0, 1, 1], [], []>, transpose_lhs_hint = false} : vector<16x1024xbf16>, vector<1024x1024xbf16>, vector<16x1024xf32> -> vector<16x1024xf32>
    %slice3A_105 = vector.extract_strided_slice %dot_general3A_104 {offsets = [0, 1016], sizes = [16, 8], strides = [1, 1]} : vector<16x1024xf32> to vector<16x8xf32>
    %get3A_106 = arith.constant 0 : index
    %get3A_107 = arith.constant 0 : index
    %get3A_108 = vector.load %arg6[%get3A_106, %get3A_107] : memref<16x16xf32, #tpu.memory_space<vmem>>, vector<16x16xf32>
    %dot_general3A_109 = arith.constant dense<0.000000e+00> : vector<16x8xf32>
    %dot_general3A_110 = tpu.matmul %get3A_108, %slice3A_105, %dot_general3A_109 {dimension_numbers = #tpu.dot_dimension_numbers<[1], [0], [0], [1], [0, 0, 1, 1], [], []>, transpose_lhs_hint = false} : vector<16x16xf32>, vector<16x8xf32>, vector<16x8xf32> -> vector<16x8xf32>
    %slice3A_111 = vector.extract_strided_slice %dot_general3A_110 {offsets = [15, 0], sizes = [1, 8], strides = [1, 1]} : vector<16x8xf32> to vector<1x8xf32>
    %slice3A_112 = vector.extract_strided_slice %slice3A_105 {offsets = [15, 0], sizes = [1, 8], strides = [1, 1]} : vector<16x8xf32> to vector<1x8xf32>
    %add3A_113 = arith.addf %slice3A_111, %slice3A_112 : vector<1x8xf32>
    %add3A_114 = arith.addf %add3A_88, %add3A_113 : vector<1x8xf32>
    %div3A_115 = arith.constant 5.120000e+02 : f32
    %div3A_116 = vector.broadcast %div3A_115 : f32 to vector<1x8xf32>
    %div3A_117 = arith.divf %add3A_114, %div3A_116 : vector<1x8xf32>
    %ceil3A = math.ceil %div3A_117 : vector<1x8xf32>
    %mul3A = arith.constant 5.120000e+02 : f32
    %mul3A_118 = vector.broadcast %mul3A : f32 to vector<1x8xf32>
    %mul3A_119 = arith.mulf %ceil3A, %mul3A_118 : vector<1x8xf32>
    %get3A_120 = arith.constant 0 : index
    %get3A_121 = arith.constant 0 : index
    %get3A_122 = vector.load %arg7[%get3A_120, %get3A_121] : memref<8x8xf32, #tpu.memory_space<vmem>>, vector<8x8xf32>
    %dot_general3A_123 = arith.constant dense<0.000000e+00> : vector<1x8xf32>
    %dot_general3A_124 = tpu.matmul %mul3A_119, %get3A_122, %dot_general3A_123 {dimension_numbers = #tpu.dot_dimension_numbers<[1], [0], [0], [1], [0, 0, 1, 1], [], []>, transpose_lhs_hint = false} : vector<1x8xf32>, vector<8x8xf32>, vector<1x8xf32> -> vector<1x8xf32>
    %add3A_125 = arith.addf %dot_general3A_124, %mul3A_119 : vector<1x8xf32>
    %iota3A_126 = tpu.iota {dimensions = array<i32: 0>} : vector<32x8xi32>
    %mul3A_127 = arith.constant 512 : i32
    %mul3A_128 = vector.broadcast %mul3A_127 : i32 to vector<32x8xi32>
    %mul3A_129 = arith.muli %iota3A_126, %mul3A_128 : vector<32x8xi32>
    %convert_element_type3A_130 = arith.sitofp %mul3A_129 : vector<32x8xi32> to vector<32x8xf32>
    %broadcast_in_dim3A_131 = vector.shape_cast %add3A_125 : vector<1x8xf32> to vector<1x8xf32>
    %broadcast_in_dim3A_132 = vector.broadcast %broadcast_in_dim3A_131 : vector<1x8xf32> to vector<32x8xf32>
    %ge3A = arith.cmpf oge, %convert_element_type3A_130, %broadcast_in_dim3A_132 : vector<32x8xf32>
    %convert_element_type3A_133 = arith.extui %ge3A : vector<32x8xi1> to vector<32x8xi32>
    %reduce_sum3A_134 = arith.constant dense<0> : vector<32xi32>
    %reduce_sum3A_135 = vector.multi_reduction <add>, %convert_element_type3A_133, %reduce_sum3A_134 [1] : vector<32x8xi32> to vector<32xi32>
    %broadcast_in_dim3A_136 = vector.shape_cast %reduce_sum3A_135 : vector<32xi32> to vector<32x1xi32>
    %broadcast_in_dim3A_137 = vector.shape_cast %broadcast_in_dim3A_136 : vector<32x1xi32> to vector<32x1xi32>
    %broadcast_in_dim3A_138 = vector.broadcast %broadcast_in_dim3A_137 : vector<32x1xi32> to vector<32x128xi32>
    %swap3A_139 = arith.constant 0 : index
    %swap3A_140 = arith.constant 0 : index
    %swap3A_141 = vector.load %arg12[%swap3A_139, %swap3A_140] : memref<32x128xi32, #tpu.memory_space<vmem>>, vector<32x128xi32>
    tpu.vector_store %arg12[%swap3A_139, %swap3A_140], %broadcast_in_dim3A_138 {strides = array<i32>} : memref<32x128xi32, #tpu.memory_space<vmem>>, vector<32x128xi32>,
    %get3A_142 = arith.constant 0 : index
    %get3A_143 = arith.constant 0 : index
    %get3A_144 = vector.load %arg5[%get3A_142, %get3A_143] : memref<8x1024xf32, #tpu.memory_space<vmem>>, vector<8x1024xf32>
    %dot_general3A_145 = arith.constant dense<0.000000e+00> : vector<1x1024xf32>
    %dot_general3A_146 = tpu.matmul %dot_general3A_124, %get3A_144, %dot_general3A_145 {dimension_numbers = #tpu.dot_dimension_numbers<[1], [0], [0], [1], [0, 0, 1, 1], [], []>, precision = #tpu.contract_precision<fp32>, transpose_lhs_hint = false} : vector<1x8xf32>, vector<8x1024xf32>, vector<1x1024xf32> -> vector<1x1024xf32>
    %add3A_147 = arith.addf %dot_general3A_124, %add3A_88 : vector<1x8xf32>
    %get3A_148 = arith.constant 0 : index
    %get3A_149 = arith.constant 0 : index
    %get3A_150 = vector.load %arg5[%get3A_148, %get3A_149] : memref<8x1024xf32, #tpu.memory_space<vmem>>, vector<8x1024xf32>
    %dot_general3A_151 = arith.constant dense<0.000000e+00> : vector<1x1024xf32>
    %dot_general3A_152 = tpu.matmul %add3A_147, %get3A_150, %dot_general3A_151 {dimension_numbers = #tpu.dot_dimension_numbers<[1], [0], [0], [1], [0, 0, 1, 1], [], []>, precision = #tpu.contract_precision<fp32>, transpose_lhs_hint = false} : vector<1x8xf32>, vector<8x1024xf32>, vector<1x1024xf32> -> vector<1x1024xf32>
    %get3A_153 = arith.constant 0 : index
    %get3A_154 = arith.constant 0 : index
    %get3A_155 = vector.load %arg5[%get3A_153, %get3A_154] : memref<8x1024xf32, #tpu.memory_space<vmem>>, vector<8x1024xf32>
    %dot_general3A_156 = arith.constant dense<0.000000e+00> : vector<16x1024xf32>
    %dot_general3A_157 = tpu.matmul %dot_general3A_85, %get3A_155, %dot_general3A_156 {dimension_numbers = #tpu.dot_dimension_numbers<[1], [0], [0], [1], [0, 0, 1, 1], [], []>, precision = #tpu.contract_precision<fp32>, transpose_lhs_hint = false} : vector<16x8xf32>, vector<8x1024xf32>, vector<16x1024xf32> -> vector<16x1024xf32>
    %get3A_158 = arith.constant 0 : index
    %get3A_159 = arith.constant 0 : index
    %get3A_160 = vector.load %arg5[%get3A_158, %get3A_159] : memref<8x1024xf32, #tpu.memory_space<vmem>>, vector<8x1024xf32>
    %dot_general3A_161 = arith.constant dense<0.000000e+00> : vector<16x1024xf32>
    %dot_general3A_162 = tpu.matmul %dot_general3A_110, %get3A_160, %dot_general3A_161 {dimension_numbers = #tpu.dot_dimension_numbers<[1], [0], [0], [1], [0, 0, 1, 1], [], []>, precision = #tpu.contract_precision<fp32>, transpose_lhs_hint = false} : vector<16x8xf32>, vector<8x1024xf32>, vector<16x1024xf32> -> vector<16x1024xf32>
    %sub3A_163 = arith.constant 1.000000e+00 : f32
    %sub3A_164 = vector.broadcast %sub3A_163 : f32 to vector<16x1024xf32>
    %sub3A_165 = arith.subf %dot_general3A_80, %sub3A_164 : vector<16x1024xf32>
    %add3A_166 = arith.addf %sub3A_165, %dot_general3A_157 : vector<16x1024xf32>
    %broadcast_in_dim3A_167 = vector.shape_cast %dot_general3A_146 : vector<1x1024xf32> to vector<1x1024xf32>
    %broadcast_in_dim3A_168 = vector.broadcast %broadcast_in_dim3A_167 : vector<1x1024xf32> to vector<16x1024xf32>
    %add3A_169 = arith.addf %add3A_166, %broadcast_in_dim3A_168 : vector<16x1024xf32>
    %mul3A_170 = arith.mulf %convert_element_type3A_74, %add3A_169 : vector<16x1024xf32>
    %sub3A_171 = arith.constant 1.000000e+00 : f32
    %sub3A_172 = vector.broadcast %sub3A_171 : f32 to vector<16x1024xf32>
    %sub3A_173 = arith.subf %dot_general3A_104, %sub3A_172 : vector<16x1024xf32>
    %add3A_174 = arith.addf %sub3A_173, %dot_general3A_162 : vector<16x1024xf32>
    %broadcast_in_dim3A_175 = vector.shape_cast %dot_general3A_152 : vector<1x1024xf32> to vector<1x1024xf32>
    %broadcast_in_dim3A_176 = vector.broadcast %broadcast_in_dim3A_175 : vector<1x1024xf32> to vector<16x1024xf32>
    %add3A_177 = arith.addf %add3A_174, %broadcast_in_dim3A_176 : vector<16x1024xf32>
    %mul3A_178 = arith.mulf %convert_element_type3A_98, %add3A_177 : vector<16x1024xf32>
    %get3A_179 = arith.constant 0 : index
    %get3A_180 = arith.constant 0 : index
    %get3A_181 = vector.load %arg4[%get3A_179, %get3A_180] : memref<1024x128xf32, #tpu.memory_space<vmem>>, vector<1024x128xf32>
    %dot_general3A_182 = arith.constant dense<0.000000e+00> : vector<16x128xf32>
    %dot_general3A_183 = tpu.matmul %mul3A_170, %get3A_181, %dot_general3A_182 {dimension_numbers = #tpu.dot_dimension_numbers<[1], [0], [0], [1], [0, 0, 1, 1], [], []>, precision = #tpu.contract_precision<fp32>, transpose_lhs_hint = false} : vector<16x1024xf32>, vector<1024x128xf32>, vector<16x128xf32> -> vector<16x128xf32>
    %get3A_184 = arith.constant 0 : index
    %get3A_185 = arith.constant 0 : index
    %get3A_186 = vector.load %arg4[%get3A_184, %get3A_185] : memref<1024x128xf32, #tpu.memory_space<vmem>>, vector<1024x128xf32>
    %dot_general3A_187 = arith.constant dense<0.000000e+00> : vector<16x128xf32>
    %dot_general3A_188 = tpu.matmul %mul3A_178, %get3A_186, %dot_general3A_187 {dimension_numbers = #tpu.dot_dimension_numbers<[1], [0], [0], [1], [0, 0, 1, 1], [], []>, precision = #tpu.contract_precision<fp32>, transpose_lhs_hint = false} : vector<16x1024xf32>, vector<1024x128xf32>, vector<16x128xf32> -> vector<16x128xf32>
    %convert_element_type3A_189 = arith.fptosi %dot_general3A_183 : vector<16x128xf32> to vector<16x128xi32>
    %swap3A_190 = arith.constant 0 : index
    %swap3A_191 = arith.constant 0 : index
    %swap3A_192 = vector.load %arg8[%swap3A_190, %swap3A_191] : memref<16x128xi32, #tpu.memory_space<vmem>>, vector<16x128xi32>
    tpu.vector_store %arg8[%swap3A_190, %swap3A_191], %convert_element_type3A_189 {strides = array<i32>} : memref<16x128xi32, #tpu.memory_space<vmem>>, vector<16x128xi32>,
    %convert_element_type3A_193 = arith.fptosi %dot_general3A_188 : vector<16x128xf32> to vector<16x128xi32>
    %swap3A_194 = arith.constant 0 : index
    %swap3A_195 = arith.constant 0 : index
    %swap3A_196 = vector.load %arg9[%swap3A_194, %swap3A_195] : memref<16x128xi32, #tpu.memory_space<vmem>>, vector<16x128xi32>
    tpu.vector_store %arg9[%swap3A_194, %swap3A_195], %convert_element_type3A_193 {strides = array<i32>} : memref<16x128xi32, #tpu.memory_space<vmem>>, vector<16x128xi32>,
    return
  }
}

module attributes {stable_mosaic.version = 14 : i64} {
  func.func @_shared_kernel(%arg0: i32, %arg1: memref<1024x1024xf32, #tpu.memory_space<vmem>>, %arg2: memref<1024x1024xbf16, #tpu.memory_space<vmem>>, %arg3: memref<512x1024xbf16, #tpu.memory_space<vmem>>, %arg4: memref<1024x1024xf32, #tpu.memory_space<vmem>>) attributes {dimension_semantics = [#tpu.dimension_semantics<arbitrary>], iteration_bounds = array<i64: 2>, scalar_prefetch = 0 : i64, scratch_operands = 0 : i64, tpu.core_type = #tpu.core_type<tc>, window_params = [{transform_indices = @transform_0, window_bounds = array<i64: 1024, 1024>}, {pipeline_mode = #tpu.pipeline_mode<synchronous>, transform_indices = @transform_1, window_bounds = array<i64: 1024, 1024>}, {pipeline_mode = #tpu.pipeline_mode<synchronous>, transform_indices = @transform_2, window_bounds = array<i64: 512, 1024>}, {transform_indices = @transform_3, window_bounds = array<i64: 1024, 1024>}]} {
    %get3A = arith.constant 0 : index
    %get3A_0 = arith.constant 0 : index
    %get3A_1 = vector.load %arg1[%get3A, %get3A_0] : memref<1024x1024xf32, #tpu.memory_space<vmem>>, vector<1024x1024xf32>
    %convert_element_type3A = arith.truncf %get3A_1 : vector<1024x1024xf32> to vector<1024x1024xbf16>
    %get3A_2 = arith.constant 0 : index
    %get3A_3 = arith.constant 0 : index
    %get3A_4 = vector.load %arg2[%get3A_2, %get3A_3] : memref<1024x1024xbf16, #tpu.memory_space<vmem>>, vector<1024x1024xbf16>
    %dot_general3A = arith.constant dense<0.000000e+00> : vector<1024x1024xf32>
    %dot_general3A_5 = tpu.matmul %convert_element_type3A, %get3A_4, %dot_general3A {dimension_numbers = #tpu.dot_dimension_numbers<[1], [0], [0], [1], [0, 0, 1, 1], [], []>, transpose_lhs_hint = false} : vector<1024x1024xbf16>, vector<1024x1024xbf16>, vector<1024x1024xf32> -> vector<1024x1024xf32>
    %slice3A = vector.extract_strided_slice %dot_general3A_5 {offsets = [0, 0], sizes = [1024, 512], strides = [1, 1]} : vector<1024x1024xf32> to vector<1024x512xf32>
    %slice3A_6 = vector.extract_strided_slice %dot_general3A_5 {offsets = [0, 512], sizes = [1024, 512], strides = [1, 1]} : vector<1024x1024xf32> to vector<1024x512xf32>
    %logistic3A = arith.negf %slice3A : vector<1024x512xf32>
    %logistic3A_7 = math.exp %logistic3A : vector<1024x512xf32>
    %logistic3A_8 = arith.constant 1.000000e+00 : f32
    %logistic3A_9 = vector.broadcast %logistic3A_8 : f32 to vector<1024x512xf32>
    %logistic3A_10 = arith.addf %logistic3A_9, %logistic3A_7 : vector<1024x512xf32>
    %logistic3A_11 = arith.divf %logistic3A_9, %logistic3A_10 : vector<1024x512xf32>
    %mul3A = arith.mulf %slice3A, %logistic3A_11 : vector<1024x512xf32>
    %mul3A_12 = arith.mulf %mul3A, %slice3A_6 : vector<1024x512xf32>
    %convert_element_type3A_13 = arith.truncf %mul3A_12 : vector<1024x512xf32> to vector<1024x512xbf16>
    %get3A_14 = arith.constant 0 : index
    %get3A_15 = arith.constant 0 : index
    %get3A_16 = vector.load %arg3[%get3A_14, %get3A_15] : memref<512x1024xbf16, #tpu.memory_space<vmem>>, vector<512x1024xbf16>
    %dot_general3A_17 = arith.constant dense<0.000000e+00> : vector<1024x1024xf32>
    %dot_general3A_18 = tpu.matmul %convert_element_type3A_13, %get3A_16, %dot_general3A_17 {dimension_numbers = #tpu.dot_dimension_numbers<[1], [0], [0], [1], [0, 0, 1, 1], [], []>, transpose_lhs_hint = false} : vector<1024x512xbf16>, vector<512x1024xbf16>, vector<1024x1024xf32> -> vector<1024x1024xf32>
    %swap3A = arith.constant 0 : index
    %swap3A_19 = arith.constant 0 : index
    %swap3A_20 = vector.load %arg4[%swap3A, %swap3A_19] : memref<1024x1024xf32, #tpu.memory_space<vmem>>, vector<1024x1024xf32>
    tpu.vector_store %arg4[%swap3A, %swap3A_19], %dot_general3A_18 {strides = array<i32>} : memref<1024x1024xf32, #tpu.memory_space<vmem>>, vector<1024x1024xf32>,
    return
  }
  func.func @transform_0(%arg0: i32) -> (i32, i32) {
    %c0_i32 = arith.constant 0 : i32
    %c0_i32_0 = arith.constant 0 : i32
    return %arg0, %c0_i32 : i32, i32
  }
  func.func @transform_1(%arg0: i32) -> (i32, i32) {
    %c0_i32 = arith.constant 0 : i32
    %c0_i32_0 = arith.constant 0 : i32
    %c0_i32_1 = arith.constant 0 : i32
    return %c0_i32, %c0_i32_0 : i32, i32
  }
  func.func @transform_2(%arg0: i32) -> (i32, i32) {
    %c0_i32 = arith.constant 0 : i32
    %c0_i32_0 = arith.constant 0 : i32
    %c0_i32_1 = arith.constant 0 : i32
    return %c0_i32, %c0_i32_0 : i32, i32
  }
  func.func @transform_3(%arg0: i32) -> (i32, i32) {
    %c0_i32 = arith.constant 0 : i32
    %c0_i32_0 = arith.constant 0 : i32
    return %arg0, %c0_i32 : i32, i32
  }
}

module attributes {stable_mosaic.version = 14 : i64} {
  func.func @_gmm_kernel(%arg0: i32, %arg1: memref<16xi32, #tpu.memory_space<smem>>, %arg2: memref<512x1024xf32, #tpu.memory_space<vmem>>, %arg3: memref<1x1024x1024xbf16, #tpu.memory_space<vmem>>, %arg4: memref<1x512x1024xbf16, #tpu.memory_space<vmem>>, %arg5: memref<512x1024xf32, #tpu.memory_space<vmem>>) attributes {dimension_semantics = [#tpu.dimension_semantics<arbitrary>], iteration_bounds = array<i64: 16>, scalar_prefetch = 1 : i64, scratch_operands = 0 : i64, tpu.core_type = #tpu.core_type<tc>, window_params = [{transform_indices = @transform_0, window_bounds = array<i64: 512, 1024>}, {transform_indices = @transform_1, window_bounds = array<i64: 1, 1024, 1024>}, {transform_indices = @transform_2, window_bounds = array<i64: 1, 512, 1024>}, {transform_indices = @transform_3, window_bounds = array<i64: 512, 1024>}]} {
    %get3A = arith.index_cast %arg0 : i32 to index
    %get3A_0 = memref.load %arg1[%get3A] : memref<16xi32, #tpu.memory_space<smem>>
    %lt3A = arith.constant 8 : i32
    %lt3A_1 = arith.cmpi slt, %get3A_0, %lt3A : i32
    %convert_element_type3A = arith.extui %lt3A_1 : i1 to i32
    %cond3A = arith.constant 0 : i32
    %cond3A_2 = arith.cmpi ne, %convert_element_type3A, %cond3A : i32
    scf.if %cond3A_2 {
      %get3A_3 = arith.constant 0 : index
      %get3A_4 = arith.constant 0 : index
      %get3A_5 = vector.load %arg2[%get3A_3, %get3A_4] : memref<512x1024xf32, #tpu.memory_space<vmem>>, vector<512x1024xf32>
      %convert_element_type3A_6 = arith.truncf %get3A_5 : vector<512x1024xf32> to vector<512x1024xbf16>
      %get3A_7 = arith.constant 0 : index
      %get3A_8 = arith.constant 0 : index
      %get3A_9 = arith.constant 0 : index
      %get3A_10 = vector.load %arg3[%get3A_7, %get3A_8, %get3A_9] : memref<1x1024x1024xbf16, #tpu.memory_space<vmem>>, vector<1x1024x1024xbf16>
      %get3A_11 = vector.shape_cast %get3A_10 : vector<1x1024x1024xbf16> to vector<1024x1024xbf16>
      %dot_general3A = arith.constant dense<0.000000e+00> : vector<512x1024xf32>
      %dot_general3A_12 = tpu.matmul %convert_element_type3A_6, %get3A_11, %dot_general3A {dimension_numbers = #tpu.dot_dimension_numbers<[1], [0], [0], [1], [0, 0, 1, 1], [], []>, transpose_lhs_hint = false} : vector<512x1024xbf16>, vector<1024x1024xbf16>, vector<512x1024xf32> -> vector<512x1024xf32>
      %slice3A = vector.extract_strided_slice %dot_general3A_12 {offsets = [0, 0], sizes = [512, 512], strides = [1, 1]} : vector<512x1024xf32> to vector<512x512xf32>
      %slice3A_13 = vector.extract_strided_slice %dot_general3A_12 {offsets = [0, 512], sizes = [512, 512], strides = [1, 1]} : vector<512x1024xf32> to vector<512x512xf32>
      %logistic3A = arith.negf %slice3A : vector<512x512xf32>
      %logistic3A_14 = math.exp %logistic3A : vector<512x512xf32>
      %logistic3A_15 = arith.constant 1.000000e+00 : f32
      %logistic3A_16 = vector.broadcast %logistic3A_15 : f32 to vector<512x512xf32>
      %logistic3A_17 = arith.addf %logistic3A_16, %logistic3A_14 : vector<512x512xf32>
      %logistic3A_18 = arith.divf %logistic3A_16, %logistic3A_17 : vector<512x512xf32>
      %mul3A = arith.mulf %slice3A, %logistic3A_18 : vector<512x512xf32>
      %mul3A_19 = arith.mulf %mul3A, %slice3A_13 : vector<512x512xf32>
      %convert_element_type3A_20 = arith.truncf %mul3A_19 : vector<512x512xf32> to vector<512x512xbf16>
      %get3A_21 = arith.constant 0 : index
      %get3A_22 = arith.constant 0 : index
      %get3A_23 = arith.constant 0 : index
      %get3A_24 = vector.load %arg4[%get3A_21, %get3A_22, %get3A_23] : memref<1x512x1024xbf16, #tpu.memory_space<vmem>>, vector<1x512x1024xbf16>
      %get3A_25 = vector.shape_cast %get3A_24 : vector<1x512x1024xbf16> to vector<512x1024xbf16>
      %dot_general3A_26 = arith.constant dense<0.000000e+00> : vector<512x1024xf32>
      %dot_general3A_27 = tpu.matmul %convert_element_type3A_20, %get3A_25, %dot_general3A_26 {dimension_numbers = #tpu.dot_dimension_numbers<[1], [0], [0], [1], [0, 0, 1, 1], [], []>, transpose_lhs_hint = false} : vector<512x512xbf16>, vector<512x1024xbf16>, vector<512x1024xf32> -> vector<512x1024xf32>
      %swap3A = arith.constant 0 : index
      %swap3A_28 = arith.constant 0 : index
      %swap3A_29 = vector.load %arg5[%swap3A, %swap3A_28] : memref<512x1024xf32, #tpu.memory_space<vmem>>, vector<512x1024xf32>
      tpu.vector_store %arg5[%swap3A, %swap3A_28], %dot_general3A_27 {strides = array<i32>} : memref<512x1024xf32, #tpu.memory_space<vmem>>, vector<512x1024xf32>,
    } else {
    }
    return
  }
  func.func @transform_0(%arg0: i32, %arg1: memref<16xi32, #tpu.memory_space<smem>>) -> (i32, i32) {
    %c0_i32 = arith.constant 0 : i32
    %c0_i32_0 = arith.constant 0 : i32
    return %arg0, %c0_i32 : i32, i32
  }
  func.func @transform_1(%arg0: i32, %arg1: memref<16xi32, #tpu.memory_space<smem>>) -> (i32, i32, i32) {
    %get3A = arith.index_cast %arg0 : i32 to index
    %get3A_0 = memref.load %arg1[%get3A] : memref<16xi32, #tpu.memory_space<smem>>
    %min3A = arith.constant 7 : i32
    %min3A_1 = arith.minsi %get3A_0, %min3A : i32
    %c0_i32 = arith.constant 0 : i32
    %c0_i32_2 = arith.constant 0 : i32
    %c0_i32_3 = arith.constant 0 : i32
    return %min3A_1, %c0_i32, %c0_i32_2 : i32, i32, i32
  }
  func.func @transform_2(%arg0: i32, %arg1: memref<16xi32, #tpu.memory_space<smem>>) -> (i32, i32, i32) {
    %get3A = arith.index_cast %arg0 : i32 to index
    %get3A_0 = memref.load %arg1[%get3A] : memref<16xi32, #tpu.memory_space<smem>>
    %min3A = arith.constant 7 : i32
    %min3A_1 = arith.minsi %get3A_0, %min3A : i32
    %c0_i32 = arith.constant 0 : i32
    %c0_i32_2 = arith.constant 0 : i32
    %c0_i32_3 = arith.constant 0 : i32
    return %min3A_1, %c0_i32, %c0_i32_2 : i32, i32, i32
  }
  func.func @transform_3(%arg0: i32, %arg1: memref<16xi32, #tpu.memory_space<smem>>) -> (i32, i32) {
    %c0_i32 = arith.constant 0 : i32
    %c0_i32_0 = arith.constant 0 : i32
    return %arg0, %c0_i32 : i32, i32
  }
}

</mosaic_0001>

<sc_bundles>
// kernel: kernel.10.cloned.1.call-start
scs
__scs_entry_jumppad:
0x0: {  	(pc) =	sbr.rel $0x88, $3  }
0x1: {  	(tag) =	ssettag $0x0;
	lr =	simm.s32 $0x1  }
0x2: {  	[smem:$0x3F9B] =	sst lr;
	_ =	strace $0xD0000000  }
0x3: {  	_ = 	snop  }
0x4: {  	_ = 	snop  }
0x5: {  	_ = 	snop  }
0x6: {  	_ = 	snop  }
0x7: {  	_ = 	snop  }
__scs_overlays_trampoline_lowered:
0x8: {  	[smem:$0x3FAA] =	sst s0  }
0x9: {  	[smem:$0x3FAB] =	sst s1  }
0xa: {  	[smem:$0x3FAC] =	sst s2  }
0xb: {  	[smem:$0x3FAD] =	sst s3  }
0xc: {  	[smem:$0x3FAE] =	sst s4  }
0xd: {  	[smem:$0x3FAF] =	sst s5  }
0xe: {  	[smem:$0x3FB0] =	sst s6  }
0xf: {  	[smem:$0x3FB1] =	sst s7  }
0x10: {  	[smem:$0x3FB2] =	sst s8  }
0x11: {  	[smem:$0x3FB3] =	sst s9;
	s0 =	simm.s32 @!p0 $0x0  }
0x12: {  	s1 =	sld [smem:$0x3F99];
	s0 =	simm.s32 @p0 $0x1  }
0x13: {  	[smem:$0x3FB4] =	sst s0;
	s0 =	simm.s32 @!p1 $0x0  }
0x14: {  	s2 =	sld [smem:$0x3F98];
	s0 =	simm.s32 @p1 $0x1  }
0x15: {  	[smem:$0x3FB5] =	sst s0;
	s0 =	simm.s32 @!p2 $0x0  }
0x16: {  	s3 =	sld [smem:$0x3FDB];
	s0 =	simm.s32 @p2 $0x1  }
0x17: {  	s4 =	simm.s32 $0x1BF5;
	[smem:$0x3FB7] =	sst s0  }
0x18: {  	s0 =	sld [smem:$0x3F9A];
	_ =	swait.ge [sflag:s4], $0x0  }
0x19: {  	s7 =	sld [smem:$0x3F9B]  }
0x1a: {  	s8 =	sadd.s32 $0xFFFFE003, lr  }
0x1b: {  	s9 =	sadd.s32 $0xFFFFFEF7, lr;
	s5 =	simm.s32 $0xFFFFFFFF;
	p2 =	slt.u32 s8, $0xFFFFF086  }
0x1c: {  	p1 =	slt.u32 s9, $0xF7A;
	s5 =	simm.s32 @!p2 $0x0  }
0x1d: {  	s5 =	simm.s32 @p1 $0x1;
	p0 =	seq.s32 s7, s2  }
0x1e: {  	s7 =	smul.u32 @!p0 $0xF7A, s2;
	p2 =	seq.s32 @!p0 s5, $0x0  }
0x1f: {  	s9 =	smul.u32 $0xF7A, s1;
	s8 =	simm.s32 @!p0 $0x1BF5;
	p2 =	por !p2, p0  }
0x20: {  	[sflag:s8] =	ssyncset.s32 @!p0 $0xFFFFF086;
	s6 =	sadd.s32 @!p0 s3, s7;
	s7 =	simm.s32 @!p0 $0x108  }
0x21: {  	s3 =	sadd.s32 s3, s9;
	s6 =	sadd.s32 @!p0 $0x88, s6;
	s7 =	simm.s32 @p2 $0x1082  }
0x22: {  	[simem:s7], [sflag:s8] =	dma.local @!p0 [hbm:s6], $0xF7A  }
0x23: {  	s9 =	sor.u32 $0xD0000000, s2;
	s6 =	simm.s32 $0x108;
	_ =	swait.ge @!p0 [sflag:s8], $0x0  }
0x24: {  	s3 =	sadd.s32 $0x88, s3;
	s6 =	simm.s32 @!p1 $0x1082;
	[sflag:s4] =	ssyncset.s32 $0xFFFFF086  }
0x25: {  	[simem:s6], [sflag:s4] =	dma.local [hbm:s3], $0xF7A  }
0x26: {  	[smem:$0x3F9B] =	sst s1;
	(tag) =	ssettag s2;
	_ =	strace s9  }
0x27: {  	s1 =	sld [smem:$0x3FAB]  }
0x28: {  	s2 =	sld [smem:$0x3FAC]  }
0x29: {  	s4 =	sld [smem:$0x3FAE]  }
0x2a: {  	p0 =	seq.s32 s5, $0x0;
	s5 =	sld [smem:$0x3FAF]  }
0x2b: {  	s6 =	sld [smem:$0x3FB0]  }
0x2c: {  	s7 =	sld [smem:$0x3FB1]  }
0x2d: {  	s3 =	simm.s32 $0x108;
	s8 =	sld [smem:$0x3FB2]  }
0x2e: {  	s3 =	simm.s32 @!p0 $0x1082;
	s9 =	sld [smem:$0x3FB3]  }
0x2f: {  	lr =	sadd.s32 s0, s3;
	s0 =	sld [smem:$0x3FAA]  }
0x30: {  	s3 =	sld [smem:$0x3FAD]  }
0x31: {  	[smem:$0x3FB6] =	sst s10  }
0x32: {  	s10 =	sld [smem:$0x3FB4];
	_ =	sdelay $0x3  }
0x33: {  	p0 =	seq.s32 s10, $0x1;
	s10 =	sld [smem:$0x3FB6];
	_ =	sdelay $0x3  }
0x34: {  	[smem:$0x3FB6] =	sst s10  }
0x35: {  	s10 =	sld [smem:$0x3FB5];
	_ =	sdelay $0x3  }
0x36: {  	p1 =	seq.s32 s10, $0x1;
	s10 =	sld [smem:$0x3FB6];
	_ =	sdelay $0x3  }
0x37: {  	[smem:$0x3FB6] =	sst s10  }
0x38: {  	s10 =	sld [smem:$0x3FB7]  }
0x39: {  	_ = 	snop;
	(pc) =	sbr.ind lr, $3  }
0x3a: {  	_ = 	snop  }
0x3b: {  	_ = 	snop  }
0x3c: {  	p2 =	seq.s32 s10, $0x1;
	s10 =	sld [smem:$0x3FB6]  }
0x3d: {  	_ =	shalt  }
0x3e: {  	_ =	shalt  }
0x3f: {  	_ =	shalt  }
0x40: {  	_ =	shalt  }
0x41: {  	_ =	shalt  }
0x42: {  	_ =	shalt  }
0x43: {  	_ =	shalt  }
0x44: {  	_ =	shalt  }
0x45: {  	_ =	shalt  }
0x46: {  	_ =	shalt  }
0x47: {  	_ =	shalt  }
0x48: {  	_ =	shalt  }
0x49: {  	_ =	shalt  }
0x4a: {  	_ =	shalt  }
0x4b: {  	_ =	shalt  }
0x4c: {  	_ =	shalt  }
0x4d: {  	_ =	shalt  }
0x4e: {  	_ =	shalt  }
0x4f: {  	_ =	shalt  }
0x50: {  	_ =	shalt  }
0x51: {  	_ =	shalt  }
0x52: {  	_ =	shalt  }
0x53: {  	_ =	shalt  }
0x54: {  	_ =	shalt  }
0x55: {  	_ =	shalt  }
0x56: {  	_ =	shalt  }
0x57: {  	_ =	shalt  }
0x58: {  	_ =	shalt  }
0x59: {  	_ =	shalt  }
0x5a: {  	_ =	shalt  }
0x5b: {  	_ =	shalt  }
0x5c: {  	_ =	shalt  }
0x5d: {  	_ =	shalt  }
0x5e: {  	_ =	shalt  }
0x5f: {  	_ =	shalt  }
0x60: {  	_ =	shalt  }
0x61: {  	_ =	shalt  }
0x62: {  	_ =	shalt  }
0x63: {  	_ =	shalt  }
0x64: {  	_ =	shalt  }
0x65: {  	_ =	shalt  }
0x66: {  	_ =	shalt  }
0x67: {  	_ =	shalt  }
0x68: {  	_ =	shalt  }
0x69: {  	_ =	shalt  }
0x6a: {  	_ =	shalt  }
0x6b: {  	_ =	shalt  }
0x6c: {  	_ =	shalt  }
0x6d: {  	_ =	shalt  }
0x6e: {  	_ =	shalt  }
0x6f: {  	_ =	shalt  }
0x70: {  	_ =	shalt  }
0x71: {  	_ =	shalt  }
0x72: {  	_ =	shalt  }
0x73: {  	_ =	shalt  }
0x74: {  	_ =	shalt  }
0x75: {  	_ =	shalt  }
0x76: {  	_ =	shalt  }
0x77: {  	_ =	shalt  }
0x78: {  	_ =	shalt  }
0x79: {  	_ =	shalt  }
0x7a: {  	_ =	shalt  }
0x7b: {  	_ =	shalt  }
0x7c: {  	_ =	shalt  }
0x7d: {  	_ =	shalt  }
0x7e: {  	_ =	shalt  }
0x7f: {  	_ =	shalt  }
0x80: {  	_ =	shalt  }
0x81: {  	_ =	shalt  }
0x82: {  	_ =	shalt  }
0x83: {  	_ =	shalt  }
0x84: {  	_ =	shalt  }
0x85: {  	_ =	shalt  }
0x86: {  	_ =	shalt  }
0x87: {  	_ =	shalt  }
.Lfunc_end0:
.L_simem_size_0:
called_computation.1_lowered:
.L_overlay_start_0:
0x88: {  	s2 =	sld [smem:$0x3FD9]  }
0x89: {  	s3 =	sld [smem:$0x3FFE];
	_ =	sdelay $0x1  }
0x8a: {  	s1 =	srdreg.scid  }
0x8b: {  	s0 =	sand.u32 $0x1, s1  }
0x8c: {  	s17 =	sshll.u32 s0, $0xA;
	s2 =	sadd.s32 s3, s2  }
0x8d: {  	s2 =	sadd.s32 s2, s17  }
0x8e: {  	[smem:$0x3FC2] =	sst s2  }
0x8f: {  	_ = 	snop  }
0x90: {  	s2 =	sld [smem:$0x3FD0];
	(tm) =	ssettm $0x1  }
0x91: {  	s18 =	sld [smem:$0x3FFB];
	_ =	sdelay $0x3  }
0x92: {  	_ =	strace s18  }
0x93: {  	s3 =	sld [smem:$0x3FFC];
	_ =	sdelay $0x3  }
0x94: {  	_ =	strace s3  }
0x95: {  	s3 =	sld [smem:$0x3FFD];
	_ =	sdelay $0x3  }
0x96: {  	_ =	strace s3  }
0x97: {  	_ =	strace $0x8FFFFFFF  }
0x98: {  	s19 =	sld [smem:$0x3FDB];
	_ =	sdelay $0x1  }
0x99: {  	s4 =	simm.s32 $_scs_section_size  }
0x9a: {  	s5 =	simm.s32 $_size__tile_overlayer_lowered;
	s6 =	simm.s32 $_tile_overlayer_lowered  }
0x9b: {  	s22 =	simm.s32 $0x1BFF;
	s21 =	sshll.u32 s6, $0x1;
	s3 =	sadd.s32 s4, s19  }
0x9c: {  	s7 =	simm.s32 $0x0;
	s20 =	sshll.u32 s5, $0x1;
	s5 =	sadd.s32 s21, s3  }
0x9d: {  	[timem:s7], [sflag:s22] =	dma.local [hbm:s5], s20  }
0x9e: {  	_ =	swait.ge [sflag:s22], s20  }
0x9f: {  	s4 =	ssub.s32 $0x0, s20;
	[sflag:s22] =	ssyncset.done $0x0  }
0xa0: {  	[sflag:s22] =	ssyncadd.s32 s4;
	_ =	sdelay $0x1  }
0xa1: {  	s23 =	simm.s32 $0x1B8B  }
0xa2: {  	_ =	swait.ge [sflag:s23], $0x1  }
0xa3: {  	[sflag:s23] =	ssyncset.done $0x0  }
0xa4: {  	s25 =	simm.s32 $0x1B8E;
	s24 =	sld [smem:$0x3FFE];
	[sflag:s23] =	ssyncadd.s32 $0xFFFFFFFF  }
0xa5: {  	s26 =	simm.s32 $execute0_lowered;
	[smem:$0x3FD2] =	sst s25  }
0xa6: {  	s5 =	sshll.u32 s26, $0x1;
	_ =	strace $0x80000049;
	[dreg:$0x1] =	wrdreg $0xFFFFFFFF  }
0xa7: {  	s28 =	simm.s32 $_size_execute0_lowered;
	s3 =	sadd.s32 s3, s5;
	[dreg:$0x0] =	wrdreg $0x0  }
0xa8: {  	s5 =	sshll.u32 s28, $0x1;
	[dreg:$0x2] =	wrdreg s3  }
0xa9: {  	[dreg:$0x3] =	wrdreg s5  }
0xaa: {  	[dreg:$0x4] =	wrdreg $0xC0  }
0xab: {  	_ =	task [dreg:s7], $0x5FFFF  }
0xac: {  	[dreg:$0x1] =	wrdreg $0xFFFFFFFF  }
0xad: {  	[dreg:$0x0] =	wrdreg $0x60  }
0xae: {  	[dreg:$0x2] =	wrdreg s24  }
0xaf: {  	[dreg:$0x3] =	wrdreg s2  }
0xb0: {  	[dreg:$0x4] =	wrdreg $0x9  }
0xb1: {  	_ =	task.clear_ibuf [dreg:s7], $0x5FFFF;
	_ =	strace $0x90000049  }
0xb2: {  	s29 =	simm.s32 $0x9;
	_ =	strace $0x8000004B  }
0xb3: {  	_ =	swait.ge [sflag:s29], $0x1  }
0xb4: {  	[sflag:s29] =	ssyncadd.s32 $0xFFFFFFFF  }
0xb5: {  	_ =	strace $0x9000004B  }
0xb6: {  	_ =	sfence  }
0xb7: {  	s30 =	sld [smem:$0x0];
	_ =	sdelay $0x2  }
0xb8: {  	s31 =	sshll.u32 s1, $0xD;
	s1 =	sshrl.u32 s1, $0x2  }
0xb9: {  	s3 =	sand.u32 $0x4000, s31;
	s1 =	sadd.s32 s1, s30  }
0xba: {  	s0 =	sor.u32 s3, s0;
	s1 =	sshll.u32 s1, $0x11  }
0xbb: {  	s0 =	sor.u32 s1, s0  }
0xbc: {  	s0 =	sadd.s32 $0x8F2B, s0  }
0xbd: {  	[sflag:s0] =	ssyncadd.remote.s32 $0x1  }
0xbe: {  	_ =	sfence.sel $0xFFFF  }
0xbf: {  	[dreg:$0x0] =	wrdreg $0xFFFFFFFF;
	(pc) =	sbr.abs _section_cstart, $3  }
0xc0: {  	[dreg:$0x1] =	wrdreg $0xFFFFFFFF  }
0xc1: {  	_ =	task.clear_ibuf [dreg:s7], $0x2FFFF;
	_ =	strace $0x9FFFFFFF  }
0xc2: {  	(tm) =	ssettm $0x7FFFFFFF  }
0xc3: {  	_ =	shalt  }
tec
execute0_lowered:
.L_overlay_start_1:
0x0: {  	(tag) =	ssettag $0x1  }
0x1: {  	s0 =	rddreg [dreg:$0x0]  }
0x2: {  	s2 =	rddreg [dreg:$0x1];
	s1 =	simm.s32 $0x0  }
0x3: {  	s5 =	srdreg.scid;
	s28 =	simm.s32 $0xA100;
	s29 =	simm.s32 $0xA900  }
0x4: {  	s30 =	simm.s32 $0xB100;
	s31 =	simm.s32 $0xB900;
	[smem:$0x7FF] =	sst s1  }
0x5: {  	s8 =	stileid.u32;
	s3 =	sadd.s32 $0x1D2C00, s0;
	s4 =	sadd.s32 $0x192C00, s0  }
0x6: {  	s6 =	sadd.s32 $0x2800, s0;
	s5 =	sand.u32 $0x1, s5;
	s7 =	sadd.s32 $0x2A00, s0  }
0x7: {  	s8 =	sshll.u32 s8, $0x7;
	s12 =	sadd.s32 $0x2C00, s0;
	s9 =	sshll.u32 s5, $0x6  }
0x8: {  	s13 =	sadd.s32 $0xAC00, s0;
	s5 =	ssub.s32 $0x2, s5;
	s8 =	sor.u32 s9, s8  }
0x9: {  	_ =	strace $0x8000004A;
	s11 =	sshrl.u32 s5, $0x1;
	s10 =	sshrl.u32 s8, $0x3  }
0xa: {  	s5 =	ssub.s32 s5, s11;
	s17 =	sshll.u32 s8, $0x4;
	s14 =	sadd.s32 s6, s10  }
0xb: {  	s11 =	sadd.s32 $0x1D2F00, s0;
	s15 =	sadd.s32 s7, s10;
	[dreg:$0x3] =	wrdreg s14  }
0xc: {  	s18 =	sadd.s32 s12, s17;
	s9 =	sadd.s32 s13, s17;
	[dreg:$0x4] =	wrdreg s15  }
0xd: {  	s10 =	sadd.s32 $0x1D2E00, s0;
	s26 =	smax.u32 s5, $0x1;
	[dreg:$0x6] =	wrdreg s18  }
0xe: {  	s5 =	simm.s32 $0xF900;
	s14 =	sshll.u32 s8, $0x7;
	[dreg:$0x7] =	wrdreg s9  }
0xf: {  	s8 =	sor.u32 $0x20, s8;
	s9 =	sadd.s32 $0x1D2D00, s0;
	[dreg:$0xf] =	wrdreg s26  }
0x10: {  	s26 =	simm.s32 $0x9900;
	s16 =	sadd.s32 s4, s14;
	s15 =	sshrl.u32 s8, $0x3  }
0x11: {  	s19 =	sadd.s32 s2, s14;
	s22 =	sshll.u32 s8, $0x7;
	s23 =	sshll.u32 s8, $0x4  }
0x12: {  	s8 =	simm.s32 $0x8900;
	s14 =	simm.s32 $0xE100;
	[dreg:$0x5] =	wrdreg s16  }
0x13: {  	[dreg:$0x8] =	wrdreg s19;
	s20 =	sadd.s32 s6, s15;
	s21 =	sadd.s32 s7, s15  }
0x14: {  	s4 =	sadd.s32 s4, s22;
	s24 =	sadd.s32 s12, s23;
	[dreg:$0x9] =	wrdreg s20  }
0x15: {  	s25 =	sadd.s32 s13, s23;
	s0 =	sadd.s32 s2, s22;
	[dreg:$0xa] =	wrdreg s21  }
0x16: {  	v0 =	vlaneseq.u32;
	s22 =	simm.s32 $0x1;
	s12 =	simm.s32 $0xC100;
	[dreg:$0xb] =	wrdreg s4  }
0x17: {  	v1 =	vand.u32 $0x7, v0;
	v63 =	vshrl.u32 v0, $0x3;
	s13 =	simm.s32 $0xD100;
	s2 =	simm.s32 $0xD900;
	[dreg:$0xc] =	wrdreg s24  }
0x18: {  	v0 =	vor.u32 $0x8, v0;
	[tilespmem:$0x1FFD0] =	vst v1;
	v1 =	vmul.u32 $0x8, v63;
	s15 =	simm.s32 $0x2;
	s6 =	simm.s32 $0x0;
	[dreg:$0xd] =	wrdreg s25  }
0x19: {  	[tilespmem:$0x1FFF0] =	vst v0;
	[dreg:$0xe] =	wrdreg s0;
	s21 =	simm.s32 $0x10100;
	s25 =	simm.s32 $0x9100  }
0x1a: {  	vm0 =	vmmov $0xffff;
	[tilespmem:$0x1FFE0] =	vst v1;
	s0 =	simm.s32 $0xC900;
	s4 =	simm.s32 $0xE900;
	s20 =	simm.s32 $0xF100  }
.LBB2_1:
0x1b: {  	s7 =	rddreg [dreg:$0x3]  }
0x1c: {  	[tilespmem:s1], [sflag:$0x1] =	stream.linear.gather [hbm4b:s7+s1], $0x20, $0x38;
	[tilespmem:$0x1A100] =	vst v63  }
0x1d: {  	s24 =	rddreg [dreg:$0x4];
	s16 =	simm.s32 $0x80  }
0x1e: {  	[tilespmem:s16], [sflag:$0x1] =	stream.linear.gather [hbm4b:s24+s1], $0x20, $0x38;
	[tilespmem:$0x1A100] =	vst v63  }
0x1f: {  	s17 =	rddreg [dreg:$0x5]  }
0x20: {  	[tilespmem:s21], [sflag:$0x1] =	stream.linear.gather [hbm4b:s17+s1], $0x8000, $0x38;
	[tilespmem:$0x1A100] =	vst v63  }
0x21: {  	s18 =	rddreg [dreg:$0x6];
	s16 =	simm.s32 $0x18100  }
0x22: {  	[tilespmem:s16], [sflag:$0x1] =	stream.linear.gather [hbm4b:s18+s1], $0x1000, $0x38;
	[tilespmem:$0x1A100] =	vst v63  }
0x23: {  	s23 =	simm.s32 $0x19100;
	s19 =	rddreg [dreg:$0x7]  }
0x24: {  	[tilespmem:s23], [sflag:$0x1] =	stream.linear.gather [hbm4b:s19+s1], $0x1000, $0x38;
	[tilespmem:$0x1A100] =	vst v63  }
0x25: {  	_ =	swait.ge [sflag:s22], $0x20  }
0x26: {  	[sflag:s22] =	ssyncset.done $0x0  }
0x27: {  	[sflag:s22] =	ssyncadd.s32 $0xFFFFFFE0  }
0x28: {  	_ =	swait.ge [sflag:s22], $0x20  }
0x29: {  	[sflag:s22] =	ssyncset.done $0x0  }
0x2a: {  	[sflag:s22] =	ssyncadd.s32 $0xFFFFFFE0  }
0x2b: {  	v0 =	vld [tilespmem:$0x0];
	_ =	sdelay $0x2  }
0x2c: {  	v2 =	vld [tilespmem:$0x1FFD0];
	_ =	sdelay $0x1  }
0x2d: {  	v3 =	vld [tilespmem:$0x1FFE0];
	v1 =	vshll.u32 v0, $0x3  }
0x2e: {  	v0 =	vand.u32 $0x7, v0;
	v1 =	vand.u32 $0xFFFFFFC0, v1  }
0x2f: {  	v0 =	vor.u32 v0, v1  }
0x30: {  	v1 =	vperm.xlane v0, v2;
	_ =	sdelay $0x1  }
0x31: {  	v1 =	vadd.s32 v3, v1  }
0x32: {  	v4 =	vld [tilespmem:$0x1FFF0];
	_ =	sdelay $0x2  }
0x33: {  	s24 =	simm.s32 $0x100  }
0x34: {  	[tilespmem:s24], [sflag:$0x1] =	stream.indirect_vreg.gather [hbm4b:s3+s1], $0x80, v1, vm0, $0xb8;
	[tilespmem:$0x1A100] =	vst v63  }
0x35: {  	s17 =	simm.s32 $0x900;
	v0 =	vperm.xlane v0, v4  }
0x36: {  	[tilespmem:s17], [sflag:$0x1] =	stream.indirect_vreg.gather [hbm4b:s9+s1], $0x80, v1, vm0, $0xb8;
	[tilespmem:$0x1A100] =	vst v63  }
0x37: {  	s18 =	simm.s32 $0x1100;
	v0 =	vadd.s32 v3, v0  }
0x38: {  	[tilespmem:s18], [sflag:$0x1] =	stream.indirect_vreg.gather [hbm4b:s10+s1], $0x80, v1, vm0, $0xb8;
	[tilespmem:$0x1A100] =	vst v63  }
0x39: {  	s19 =	simm.s32 $0x1900  }
0x3a: {  	[tilespmem:s19], [sflag:$0x1] =	stream.indirect_vreg.gather [hbm4b:s11+s1], $0x80, v1, vm0, $0xb8;
	[tilespmem:$0x1A100] =	vst v63  }
0x3b: {  	s24 =	simm.s32 $0x2100  }
0x3c: {  	[tilespmem:s24], [sflag:$0x1] =	stream.indirect_vreg.gather [hbm4b:s3+s1], $0x80, v0, vm0, $0xb8;
	[tilespmem:$0x1A100] =	vst v63  }
0x3d: {  	s17 =	simm.s32 $0x2900  }
0x3e: {  	[tilespmem:s17], [sflag:$0x1] =	stream.indirect_vreg.gather [hbm4b:s9+s1], $0x80, v0, vm0, $0xb8;
	[tilespmem:$0x1A100] =	vst v63  }
0x3f: {  	s18 =	simm.s32 $0x3100  }
0x40: {  	[tilespmem:s18], [sflag:$0x1] =	stream.indirect_vreg.gather [hbm4b:s10+s1], $0x80, v0, vm0, $0xb8;
	[tilespmem:$0x1A100] =	vst v63  }
0x41: {  	s19 =	simm.s32 $0x3900  }
0x42: {  	[tilespmem:s19], [sflag:$0x1] =	stream.indirect_vreg.gather [hbm4b:s11+s1], $0x80, v0, vm0, $0xb8;
	[tilespmem:$0x1A100] =	vst v63  }
0x43: {  	v0 =	vld [tilespmem:$0x10];
	_ =	sdelay $0x4  }
0x44: {  	v61 =	vshll.u32 v0, $0x3  }
0x45: {  	v0 =	vand.u32 $0x7, v0;
	v1 =	vand.u32 $0xFFFFFFC0, v61  }
0x46: {  	v0 =	vor.u32 v0, v1  }
0x47: {  	v1 =	vperm.xlane v0, v2;
	_ =	sdelay $0x1  }
0x48: {  	v1 =	vadd.s32 v3, v1;
	_ =	sdelay $0x3  }
0x49: {  	s24 =	simm.s32 $0x4100  }
0x4a: {  	[tilespmem:s24], [sflag:$0x1] =	stream.indirect_vreg.gather [hbm4b:s3+s1], $0x80, v1, vm0, $0xb8;
	[tilespmem:$0x1A100] =	vst v63  }
0x4b: {  	s17 =	simm.s32 $0x4900;
	v0 =	vperm.xlane v0, v4  }
0x4c: {  	[tilespmem:s17], [sflag:$0x1] =	stream.indirect_vreg.gather [hbm4b:s9+s1], $0x80, v1, vm0, $0xb8;
	[tilespmem:$0x1A100] =	vst v63  }
0x4d: {  	s18 =	simm.s32 $0x5100;
	v0 =	vadd.s32 v3, v0  }
0x4e: {  	[tilespmem:s18], [sflag:$0x1] =	stream.indirect_vreg.gather [hbm4b:s10+s1], $0x80, v1, vm0, $0xb8;
	[tilespmem:$0x1A100] =	vst v63  }
0x4f: {  	s19 =	simm.s32 $0x5900  }
0x50: {  	[tilespmem:s19], [sflag:$0x1] =	stream.indirect_vreg.gather [hbm4b:s11+s1], $0x80, v1, vm0, $0xb8;
	[tilespmem:$0x1A100] =	vst v63  }
0x51: {  	s24 =	simm.s32 $0x6100  }
0x52: {  	[tilespmem:s24], [sflag:$0x1] =	stream.indirect_vreg.gather [hbm4b:s3+s1], $0x80, v0, vm0, $0xb8;
	[tilespmem:$0x1A100] =	vst v63  }
0x53: {  	s17 =	simm.s32 $0x6900  }
0x54: {  	[tilespmem:s17], [sflag:$0x1] =	stream.indirect_vreg.gather [hbm4b:s9+s1], $0x80, v0, vm0, $0xb8;
	[tilespmem:$0x1A100] =	vst v63  }
0x55: {  	s18 =	simm.s32 $0x7100  }
0x56: {  	[tilespmem:s18], [sflag:$0x1] =	stream.indirect_vreg.gather [hbm4b:s10+s1], $0x80, v0, vm0, $0xb8;
	[tilespmem:$0x1A100] =	vst v63  }
0x57: {  	s19 =	simm.s32 $0x7900  }
0x58: {  	[tilespmem:s19], [sflag:$0x1] =	stream.indirect_vreg.gather [hbm4b:s11+s1], $0x80, v0, vm0, $0xb8;
	[tilespmem:$0x1A100] =	vst v63  }
0x59: {  	v0 =	vld [tilespmem:$0x80];
	_ =	sdelay $0x4  }
0x5a: {  	v62 =	vshll.u32 v0, $0x3  }
0x5b: {  	v0 =	vand.u32 $0x7, v0;
	v1 =	vand.u32 $0xFFFFFFC0, v62  }
0x5c: {  	v0 =	vor.u32 v0, v1  }
0x5d: {  	v1 =	vperm.xlane v0, v2;
	_ =	sdelay $0x1  }
0x5e: {  	v1 =	vadd.s32 v3, v1;
	_ =	sdelay $0x3  }
0x5f: {  	s24 =	simm.s32 $0x8100  }
0x60: {  	[tilespmem:s24], [sflag:$0x1] =	stream.indirect_vreg.gather [hbm4b:s3+s1], $0x80, v1, vm0, $0xb8;
	[tilespmem:$0x1A100] =	vst v63  }
0x61: {  	v0 =	vperm.xlane v0, v4  }
0x62: {  	[tilespmem:s8], [sflag:$0x1] =	stream.indirect_vreg.gather [hbm4b:s9+s1], $0x80, v1, vm0, $0xb8;
	[tilespmem:$0x1A100] =	vst v63  }
0x63: {  	v0 =	vadd.s32 v3, v0  }
0x64: {  	[tilespmem:s25], [sflag:$0x1] =	stream.indirect_vreg.gather [hbm4b:s10+s1], $0x80, v1, vm0, $0xb8;
	[tilespmem:$0x1A100] =	vst v63  }
0x65: {  	_ = 	snop  }
0x66: {  	[tilespmem:s26], [sflag:$0x1] =	stream.indirect_vreg.gather [hbm4b:s11+s1], $0x80, v1, vm0, $0xb8;
	[tilespmem:$0x1A100] =	vst v63  }
0x67: {  	_ = 	snop  }
0x68: {  	[tilespmem:s28], [sflag:$0x1] =	stream.indirect_vreg.gather [hbm4b:s3+s1], $0x80, v0, vm0, $0xb8;
	[tilespmem:$0x1A100] =	vst v63  }
0x69: {  	_ = 	snop  }
0x6a: {  	[tilespmem:s29], [sflag:$0x1] =	stream.indirect_vreg.gather [hbm4b:s9+s1], $0x80, v0, vm0, $0xb8;
	[tilespmem:$0x1A100] =	vst v63  }
0x6b: {  	_ = 	snop  }
0x6c: {  	[tilespmem:s30], [sflag:$0x1] =	stream.indirect_vreg.gather [hbm4b:s10+s1], $0x80, v0, vm0, $0xb8;
	[tilespmem:$0x1A100] =	vst v63  }
0x6d: {  	_ = 	snop  }
0x6e: {  	[tilespmem:s31], [sflag:$0x1] =	stream.indirect_vreg.gather [hbm4b:s11+s1], $0x80, v0, vm0, $0xb8;
	[tilespmem:$0x1A100] =	vst v63  }
0x6f: {  	v0 =	vld [tilespmem:$0x90];
	_ =	sdelay $0x4  }
0x70: {  	v63 =	vshll.u32 v0, $0x3  }
0x71: {  	v0 =	vand.u32 $0x7, v0;
	v1 =	vand.u32 $0xFFFFFFC0, v63  }
0x72: {  	v0 =	vor.u32 v0, v1  }
0x73: {  	v1 =	vperm.xlane v0, v2;
	_ =	sdelay $0x1  }
0x74: {  	v1 =	vadd.s32 v3, v1;
	_ =	sdelay $0x4  }
0x75: {  	[tilespmem:s12], [sflag:$0x1] =	stream.indirect_vreg.gather [hbm4b:s3+s1], $0x80, v1, vm0, $0xb8;
	[tilespmem:$0x1A100] =	vst v63  }
0x76: {  	v0 =	vperm.xlane v0, v4  }
0x77: {  	[tilespmem:s0], [sflag:$0x1] =	stream.indirect_vreg.gather [hbm4b:s9+s1], $0x80, v1, vm0, $0xb8;
	[tilespmem:$0x1A100] =	vst v63  }
0x78: {  	v0 =	vadd.s32 v3, v0  }
0x79: {  	[tilespmem:s13], [sflag:$0x1] =	stream.indirect_vreg.gather [hbm4b:s10+s1], $0x80, v1, vm0, $0xb8;
	[tilespmem:$0x1A100] =	vst v63  }
0x7a: {  	_ = 	snop  }
0x7b: {  	[tilespmem:s2], [sflag:$0x1] =	stream.indirect_vreg.gather [hbm4b:s11+s1], $0x80, v1, vm0, $0xb8;
	[tilespmem:$0x1A100] =	vst v63  }
0x7c: {  	_ = 	snop  }
0x7d: {  	[tilespmem:s14], [sflag:$0x1] =	stream.indirect_vreg.gather [hbm4b:s3+s1], $0x80, v0, vm0, $0xb8;
	[tilespmem:$0x1A100] =	vst v63  }
0x7e: {  	_ = 	snop  }
0x7f: {  	[tilespmem:s4], [sflag:$0x1] =	stream.indirect_vreg.gather [hbm4b:s9+s1], $0x80, v0, vm0, $0xb8;
	[tilespmem:$0x1A100] =	vst v63  }
0x80: {  	_ = 	snop  }
0x81: {  	[tilespmem:s20], [sflag:$0x1] =	stream.indirect_vreg.gather [hbm4b:s10+s1], $0x80, v0, vm0, $0xb8;
	[tilespmem:$0x1A100] =	vst v63  }
0x82: {  	_ = 	snop  }
0x83: {  	[tilespmem:s5], [sflag:$0x1] =	stream.indirect_vreg.gather [hbm4b:s11+s1], $0x80, v0, vm0, $0xb8;
	[tilespmem:$0x1A100] =	vst v63  }
0x84: {  	_ =	swait.ge [sflag:s22], $0x8000  }
0x85: {  	[sflag:s22] =	ssyncset.done $0x0  }
0x86: {  	[sflag:s22] =	ssyncadd.s32 $0xFFFF8000  }
0x87: {  	_ =	swait.ge [sflag:s22], $0x1000  }
0x88: {  	[sflag:s22] =	ssyncset.done $0x0  }
0x89: {  	[sflag:s22] =	ssyncadd.s32 $0xFFFFF000  }
0x8a: {  	_ =	swait.ge [sflag:s22], $0x1000  }
0x8b: {  	[sflag:s22] =	ssyncset.done $0x0  }
0x8c: {  	[sflag:s22] =	ssyncadd.s32 $0xFFFFF000  }
0x8d: {  	_ =	swait.ge [sflag:s22], $0x8000  }
0x8e: {  	[sflag:s22] =	ssyncset.done $0x0  }
0x8f: {  	[sflag:s22] =	ssyncadd.s32 $0xFFFF8000  }
0x90: {  	_ =	swait.ge [sflag:s22], $0x8000  }
0x91: {  	s7 =	simm.s32 $0x0;
	[sflag:s22] =	ssyncset.done $0x0  }
0x92: {  	s17 =	simm.s32 $0x0;
	s18 =	simm.s32 $0x0;
	[sflag:s22] =	ssyncadd.s32 $0xFFFF8000  }
.LBB2_2:
0x93: {  	v3 =	vld [tilespmem:s16+$0x0];
	s19 =	sand.u32 $0x6000, s7;
	s24 =	sand.u32 $0x380, s18  }
0x94: {  	v4 =	vld [tilespmem:s23+$0x0];
	s24 =	sor.u32 s24, s19  }
0x95: {  	v20 =	vld [tilespmem:s24+$0x10100]  }
0x96: {  	v27 =	vld [tilespmem:s24+$0x100]  }
0x97: {  	v28 =	vld [tilespmem:s24+$0x8100]  }
0x98: {  	v29 =	vld [tilespmem:s24+$0x10110]  }
0x99: {  	v30 =	vld [tilespmem:s24+$0x110]  }
0x9a: {  	v34 =	vld [tilespmem:s24+$0x8110]  }
0x9b: {  	v40 =	vld [tilespmem:s24+$0x10120]  }
0x9c: {  	v41 =	vld [tilespmem:s24+$0x120]  }
0x9d: {  	v44 =	vld [tilespmem:s24+$0x8120]  }
0x9e: {  	v49 =	vld [tilespmem:s24+$0x10130]  }
0x9f: {  	v59 =	vld [tilespmem:s24+$0x130]  }
0xa0: {  	v10 =	vld [tilespmem:s24+$0x8130]  }
0xa1: {  	v5 =	vld [tilespmem:s24+$0x10140]  }
0xa2: {  	v0 =	vld [tilespmem:s24+$0x140]  }
0xa3: {  	v11 =	vld [tilespmem:s24+$0x8140]  }
0xa4: {  	v7 =	vld [tilespmem:s24+$0x10150]  }
0xa5: {  	v1 =	vld [tilespmem:s24+$0x150]  }
0xa6: {  	v6 =	vld [tilespmem:s24+$0x8150]  }
0xa7: {  	v18 =	vld [tilespmem:s24+$0x10160]  }
0xa8: {  	v9 =	vld [tilespmem:s24+$0x160]  }
0xa9: {  	v19 =	vld [tilespmem:s24+$0x8160]  }
0xaa: {  	v13 =	vld [tilespmem:s24+$0x10170]  }
0xab: {  	v2 =	vld [tilespmem:s24+$0x170]  }
0xac: {  	v21 =	vld [tilespmem:s24+$0x8170]  }
0xad: {  	v15 =	vld [tilespmem:s24+$0x10500]  }
0xae: {  	v63 =	vld [tilespmem:s24+$0x8960]  }
0xaf: {  	v8 =	vld [tilespmem:s24+$0x500]  }
0xb0: {  	v14 =	vld [tilespmem:s24+$0x8500]  }
0xb1: {  	v32 =	vld [tilespmem:s24+$0x10510]  }
0xb2: {  	v17 =	vld [tilespmem:s24+$0x510]  }
0xb3: {  	[tilespmem:$0x1FDB0] =	vst v63;
	v63 =	vld [tilespmem:s24+$0x10970]  }
0xb4: {  	v33 =	vld [tilespmem:s24+$0x8510]  }
0xb5: {  	v23 =	vld [tilespmem:s24+$0x10520]  }
0xb6: {  	v12 =	vld [tilespmem:s24+$0x520]  }
0xb7: {  	v35 =	vld [tilespmem:s24+$0x8520]  }
0xb8: {  	[tilespmem:$0x1FDA0] =	vst v63;
	v63 =	vld [tilespmem:s24+$0x970]  }
0xb9: {  	v25 =	vld [tilespmem:s24+$0x10530]  }
0xba: {  	v16 =	vld [tilespmem:s24+$0x530]  }
0xbb: {  	v24 =	vld [tilespmem:s24+$0x8530]  }
0xbc: {  	v43 =	vld [tilespmem:s24+$0x10540]  }
0xbd: {  	[tilespmem:$0x1FD60] =	vst v63;
	v63 =	vld [tilespmem:s24+$0x8970]  }
0xbe: {  	v31 =	vld [tilespmem:s24+$0x540]  }
0xbf: {  	v45 =	vld [tilespmem:s24+$0x8540]  }
0xc0: {  	v52 =	vld [tilespmem:s24+$0x10550]  }
0xc1: {  	v22 =	vld [tilespmem:s24+$0x550]  }
0xc2: {  	[tilespmem:$0x1FDC0] =	vst v63;
	v63 =	vld [tilespmem:s24+$0x10D00]  }
0xc3: {  	v58 =	vld [tilespmem:s24+$0x8550]  }
0xc4: {  	v38 =	vld [tilespmem:s24+$0x10560]  }
0xc5: {  	v26 =	vld [tilespmem:s24+$0x560]  }
0xc6: {  	v39 =	vld [tilespmem:s24+$0x8560]  }
0xc7: {  	[tilespmem:$0x1FE00] =	vst v63;
	v63 =	vld [tilespmem:s24+$0xD00]  }
0xc8: {  	v56 =	vld [tilespmem:s24+$0x10570]  }
0xc9: {  	v42 =	vld [tilespmem:s24+$0x570]  }
0xca: {  	v60 =	vld [tilespmem:s24+$0x8570]  }
0xcb: {  	v46 =	vld [tilespmem:s24+$0x10900]  }
0xcc: {  	[tilespmem:$0x1FDD0] =	vst v63;
	v63 =	vld [tilespmem:s24+$0x8D00]  }
0xcd: {  	v36 =	vld [tilespmem:s24+$0x900]  }
0xce: {  	v53 =	vld [tilespmem:s24+$0x8900]  }
0xcf: {  	v50 =	vld [tilespmem:s24+$0x10910]  }
0xd0: {  	v37 =	vld [tilespmem:s24+$0x910]  }
0xd1: {  	[tilespmem:$0x1FE20] =	vst v63;
	v63 =	vld [tilespmem:s24+$0x10D10]  }
0xd2: {  	v47 =	vld [tilespmem:s24+$0x8910]  }
0xd3: {  	v48 =	vld [tilespmem:s24+$0x10920]  }
0xd4: {  	v54 =	vld [tilespmem:s24+$0x920]  }
0xd5: {  	v62 =	vld [tilespmem:s24+$0x8920]  }
0xd6: {  	[tilespmem:$0x1FE10] =	vst v63;
	v63 =	vld [tilespmem:s24+$0xD10]  }
0xd7: {  	v55 =	vld [tilespmem:s24+$0x10930]  }
0xd8: {  	v51 =	vld [tilespmem:s24+$0x8930]  }
0xd9: {  	v57 =	vld [tilespmem:s24+$0x10940]  }
0xda: {  	v61 =	vld [tilespmem:s24+$0x10950]  }
0xdb: {  	[tilespmem:$0x1FDE0] =	vst v63;
	v63 =	vld [tilespmem:s24+$0x8D10]  }
0xdc: {  	[tilespmem:$0x1FD20] =	vst v48;
	v48 =	vld [tilespmem:s24+$0x930]  }
0xdd: {  	[tilespmem:$0x1FD40] =	vst v51;
	v51 =	vld [tilespmem:s24+$0x940]  }
0xde: {  	[tilespmem:$0x1FD30] =	vst v62;
	v62 =	vld [tilespmem:s24+$0x8940];
	v27 =	vmul.f32 v27, v3;
	v30 =	vmul.f32 v30, v3  }
0xdf: {  	[tilespmem:$0x1FD70] =	vst v61;
	v61 =	vld [tilespmem:s24+$0x950];
	v41 =	vmul.f32 v41, v3;
	v2 =	vmul.f32 v2, v3  }
0xe0: {  	v20 =	vadd.f32 v27, v20;
	v27 =	vadd.f32 v30, v29;
	v30 =	vmul.f32 v34, v4;
	[tilespmem:$0x1FE40] =	vst v63;
	v63 =	vld [tilespmem:s24+$0x10D20]  }
0xe1: {  	v34 =	vmul.f32 v44, v4;
	v44 =	vmul.f32 v59, v3;
	v59 =	vld [tilespmem:s24+$0x11120]  }
0xe2: {  	v1 =	vmul.f32 v1, v3;
	v29 =	vadd.f32 v41, v40;
	v41 =	vmul.f32 v10, v4;
	v10 =	vld [tilespmem:s24+$0x11130]  }
0xe3: {  	v2 =	vadd.f32 v2, v13;
	v13 =	vld [tilespmem:s24+$0x9140]  }
0xe4: {  	v28 =	vmul.f32 v28, v4;
	v1 =	vadd.f32 v1, v7;
	v7 =	vld [tilespmem:s24+$0x1510]  }
0xe5: {  	[tilespmem:$0x1FE30] =	vst v63;
	v63 =	vld [tilespmem:s24+$0xD20]  }
0xe6: {  	v20 =	vadd.f32 v28, v20;
	v28 =	vld [tilespmem:s24+$0x1120]  }
0xe7: {  	v40 =	vadd.f32 v44, v49;
	v44 =	vld [tilespmem:s24+$0x9120]  }
0xe8: {  	v27 =	vadd.f32 v30, v27;
	v30 =	vadd.f32 v34, v29;
	v29 =	vld [tilespmem:s24+$0x9130]  }
0xe9: {  	v6 =	vmul.f32 v6, v4;
	[tilespmem:$0x1FD50] =	vst v61;
	v61 =	vld [tilespmem:s24+$0x8950]  }
0xea: {  	v0 =	vmul.f32 v0, v3;
	v49 =	vmul.f32 v11, v4;
	[tilespmem:$0x1FDF0] =	vst v63;
	v63 =	vld [tilespmem:s24+$0x8D20]  }
0xeb: {  	v1 =	vadd.f32 v6, v1;
	v34 =	vmul.f32 v8, v3;
	v11 =	vadd.f32 v41, v40;
	v40 =	vld [tilespmem:s24+$0x1130]  }
0xec: {  	v0 =	vadd.f32 v0, v5;
	v41 =	vmul.f32 v19, v4;
	v19 =	vmul.f32 v12, v3;
	v12 =	vld [tilespmem:s24+$0x11150]  }
0xed: {  	[tilespmem:s24+$0x10150] =	vst v1;
	v1 =	vld [tilespmem:s24+$0x11520]  }
0xee: {  	[tilespmem:$0x1FFA0] =	vst v59;
	v59 =	vmul.f32 v9, v3;
	v9 =	vadd.f32 v49, v0;
	v0 =	vadd.f32 v34, v15;
	v34 =	vld [tilespmem:s24+$0x1140]  }
0xef: {  	v49 =	vmul.f32 v21, v4;
	[tilespmem:$0x1FE50] =	vst v63;
	v63 =	vld [tilespmem:s24+$0x10D30]  }
0xf0: {  	[tilespmem:$0x1FFB0] =	vst v44;
	v44 =	vld [tilespmem:s24+$0x11140]  }
0xf1: {  	v15 =	vadd.f32 v49, v2;
	v49 =	vld [tilespmem:s24+$0x1150]  }
0xf2: {  	v5 =	vadd.f32 v59, v18;
	[tilespmem:s24+$0x10140] =	vst v9;
	v9 =	vld [tilespmem:s24+$0x1520]  }
0xf3: {  	v59 =	vmul.f32 v14, v4;
	v18 =	vmul.f32 v17, v3;
	[tilespmem:$0x1FD90] =	vst v61;
	v61 =	vld [tilespmem:s24+$0x10960]  }
0xf4: {  	v21 =	vmul.f32 v16, v3;
	v6 =	vadd.f32 v41, v5;
	[tilespmem:$0x1FE90] =	vst v63;
	v63 =	vld [tilespmem:s24+$0xD30]  }
0xf5: {  	v8 =	vadd.f32 v59, v0;
	v2 =	vadd.f32 v18, v32;
	v59 =	vmul.f32 v35, v4;
	v41 =	vld [tilespmem:s24+$0x9150]  }
0xf6: {  	v32 =	vadd.f32 v19, v23;
	v23 =	vmul.f32 v31, v3;
	v31 =	vmul.f32 v45, v4;
	v45 =	vld [tilespmem:s24+$0x9170]  }
0xf7: {  	v35 =	vmul.f32 v42, v3;
	v42 =	vmul.f32 v60, v4;
	v60 =	vld [tilespmem:s24+$0x9500]  }
0xf8: {  	v5 =	vld [tilespmem:s24+$0x11510]  }
0xf9: {  	v0 =	vadd.f32 v21, v25;
	v21 =	vmul.f32 v24, v4;
	v24 =	vmul.f32 v22, v3;
	[tilespmem:$0x1FE60] =	vst v63;
	v63 =	vld [tilespmem:s24+$0x8D30]  }
0xfa: {  	v14 =	vadd.f32 v59, v32;
	v59 =	vld [tilespmem:s24+$0x1160]  }
0xfb: {  	v25 =	vmul.f32 v26, v3;
	v26 =	vadd.f32 v24, v52;
	v52 =	vld [tilespmem:s24+$0x9160]  }
0xfc: {  	v32 =	vmul.f32 v58, v4;
	v58 =	vld [tilespmem:s24+$0x1170]  }
0xfd: {  	[tilespmem:s24+$0x10160] =	vst v6;
	v6 =	vld [tilespmem:s24+$0x9520]  }
0xfe: {  	[tilespmem:$0x1FEB0] =	vst v63;
	v63 =	vld [tilespmem:s24+$0x10D40]  }
0xff: {  	v36 =	vmul.f32 v36, v3;
	[tilespmem:s24+$0x10500] =	vst v8;
	v8 =	vld [tilespmem:s24+$0x11530]  }
0x100: {  	v16 =	vadd.f32 v21, v0;
	v0 =	vadd.f32 v25, v38;
	v38 =	vmul.f32 v37, v3;
	[tilespmem:$0x1FD80] =	vst v61;
	v61 =	vld [tilespmem:s24+$0x960]  }
0x101: {  	[tilespmem:$0x1FFC0] =	vst v44;
	v44 =	vmul.f32 v33, v4;
	v18 =	vadd.f32 v32, v26;
	v32 =	vld [tilespmem:$0x1FD20]  }
0x102: {  	v33 =	vmul.f32 v39, v4;
	v39 =	vadd.f32 v36, v46;
	v46 =	vadd.f32 v38, v50;
	v38 =	vld [tilespmem:$0x1FD40]  }
0x103: {  	[tilespmem:$0x1FEA0] =	vst v63;
	v63 =	vld [tilespmem:s24+$0xD40]  }
0x104: {  	v17 =	vadd.f32 v44, v2;
	v44 =	vld [tilespmem:s24+$0x11160]  }
0x105: {  	[tilespmem:s24+$0x10110] =	vst v27;
	v27 =	vmul.f32 v48, v3;
	v2 =	vadd.f32 v23, v43;
	v43 =	vld [tilespmem:s24+$0x11170]  }
0x106: {  	v19 =	vadd.f32 v33, v0;
	v0 =	vld [tilespmem:s24+$0x1500]  }
0x107: {  	v7 =	vmul.f32 v7, v3;
	v33 =	vadd.f32 v27, v55;
	v55 =	vld [tilespmem:$0x1FD80]  }
0x108: {  	v9 =	vmul.f32 v9, v3;
	[tilespmem:$0x1FE70] =	vst v63;
	v63 =	vld [tilespmem:s24+$0x8D40]  }
0x109: {  	v50 =	vmul.f32 v53, v4;
	v53 =	vmul.f32 v47, v4;
	v5 =	vadd.f32 v7, v5;
	v7 =	vld [tilespmem:s24+$0x11930]  }
0x10a: {  	v1 =	vadd.f32 v9, v1;
	v9 =	vld [tilespmem:s24+$0x11940]  }
0x10b: {  	[tilespmem:s24+$0x10100] =	vst v20;
	v20 =	vadd.f32 v53, v46;
	v46 =	vld [tilespmem:$0x1FD50]  }
0x10c: {  	v22 =	vadd.f32 v50, v39;
	v50 =	vld [tilespmem:$0x1FD60]  }
0x10d: {  	[tilespmem:$0x1FED0] =	vst v63;
	v63 =	vld [tilespmem:s24+$0x10D50]  }
0x10e: {  	v53 =	vld [tilespmem:$0x1FD70]  }
0x10f: {  	v21 =	vadd.f32 v31, v2;
	v2 =	vadd.f32 v35, v56;
	v56 =	vld [tilespmem:s24+$0x11500]  }
0x110: {  	v35 =	vld [tilespmem:$0x1FD30]  }
0x111: {  	v24 =	vadd.f32 v42, v2;
	v2 =	vld [tilespmem:s24+$0x9510]  }
0x112: {  	v31 =	vmul.f32 v51, v3;
	[tilespmem:$0x1FEC0] =	vst v63;
	v63 =	vld [tilespmem:s24+$0xD50]  }
0x113: {  	v26 =	vmul.f32 v54, v3;
	v48 =	vmul.f32 v61, v3;
	v61 =	vld [tilespmem:$0x1FD90]  }
0x114: {  	v37 =	vadd.f32 v31, v57;
	v39 =	vmul.f32 v38, v4;
	v31 =	vld [tilespmem:s24+$0x9530]  }
0x115: {  	[tilespmem:s24+$0x10130] =	vst v11;
	v11 =	vadd.f32 v26, v32;
	v32 =	vld [tilespmem:s24+$0x11540]  }
0x116: {  	v42 =	vmul.f32 v62, v4;
	v23 =	vadd.f32 v39, v33;
	v33 =	vld [tilespmem:$0x1FDA0]  }
0x117: {  	[tilespmem:$0x1FE80] =	vst v63;
	v63 =	vld [tilespmem:s24+$0x8D50]  }
0x118: {  	v0 =	vmul.f32 v0, v3;
	v25 =	vadd.f32 v42, v37;
	v37 =	vld [tilespmem:$0x1FDC0]  }
0x119: {  	v47 =	vmul.f32 v46, v3;
	v36 =	vmul.f32 v35, v4;
	v35 =	vld [tilespmem:$0x1FDB0]  }
0x11a: {  	v0 =	vadd.f32 v0, v56;
	v56 =	vld [tilespmem:s24+$0x9960]  }
0x11b: {  	v54 =	vadd.f32 v47, v53;
	v47 =	vld [tilespmem:$0x1FE00]  }
0x11c: {  	[tilespmem:$0x1FEE0] =	vst v63;
	v63 =	vld [tilespmem:s24+$0x10D60]  }
0x11d: {  	v39 =	vld [tilespmem:$0x1FDD0]  }
0x11e: {  	v57 =	vadd.f32 v48, v55;
	v48 =	vld [tilespmem:$0x1FE10]  }
0x11f: {  	v42 =	vld [tilespmem:$0x1FDE0]  }
0x120: {  	v46 =	vld [tilespmem:$0x1FDF0]  }
0x121: {  	v51 =	vmul.f32 v50, v3;
	[tilespmem:$0x1FF20] =	vst v63;
	v63 =	vld [tilespmem:s24+$0xD60]  }
0x122: {  	[tilespmem:s24+$0x10120] =	vst v30;
	v53 =	vld [tilespmem:$0x1FE40]  }
0x123: {  	[tilespmem:s24+$0x10170] =	vst v15;
	v62 =	vmul.f32 v61, v4;
	v27 =	vadd.f32 v51, v33;
	v51 =	vld [tilespmem:$0x1FE30]  }
0x124: {  	[tilespmem:s24+$0x10520] =	vst v14;
	v11 =	vadd.f32 v36, v11;
	v38 =	vmul.f32 v37, v4;
	v33 =	vld [tilespmem:s24+$0x1530]  }
0x125: {  	[tilespmem:s24+$0x10510] =	vst v17;
	v15 =	vadd.f32 v62, v54;
	v37 =	vld [tilespmem:s24+$0x9540];
	v36 =	vmul.f32 v35, v4;
	v17 =	vmul.f32 v39, v3  }
0x126: {  	v26 =	vadd.f32 v38, v27;
	v30 =	vmul.f32 v42, v3;
	v27 =	vmul.f32 v46, v3;
	[tilespmem:$0x1FEF0] =	vst v63;
	v63 =	vld [tilespmem:s24+$0x8D60]  }
0x127: {  	[tilespmem:s24+$0x10530] =	vst v16;
	v14 =	vadd.f32 v36, v57;
	v16 =	vadd.f32 v17, v47;
	v54 =	vld [tilespmem:$0x1FE50]  }
0x128: {  	[tilespmem:s24+$0x10540] =	vst v21;
	v36 =	vld [tilespmem:s24+$0x1540];
	v17 =	vadd.f32 v30, v48;
	v21 =	vadd.f32 v27, v51;
	v27 =	vmul.f32 v53, v4  }
0x129: {  	v50 =	vld [tilespmem:$0x1FE20]  }
0x12a: {  	v17 =	vadd.f32 v27, v17;
	v27 =	vld [tilespmem:s24+$0x11550]  }
0x12b: {  	[tilespmem:$0x1FF30] =	vst v63;
	v63 =	vld [tilespmem:s24+$0x10D70]  }
0x12c: {  	v35 =	vmul.f32 v54, v4;
	v57 =	vld [tilespmem:$0x1FE70]  }
0x12d: {  	v62 =	vld [tilespmem:$0x1FE90]  }
0x12e: {  	[tilespmem:s24+$0x10560] =	vst v19;
	v19 =	vadd.f32 v35, v21;
	v35 =	vld [tilespmem:$0x1FEA0]  }
0x12f: {  	v30 =	vmul.f32 v50, v4;
	v55 =	vld [tilespmem:$0x1FE60]  }
0x130: {  	[tilespmem:$0x1FF40] =	vst v63;
	v63 =	vld [tilespmem:s24+$0xD70]  }
0x131: {  	v16 =	vadd.f32 v30, v16;
	v38 =	vld [tilespmem:$0x1FEB0];
	v30 =	vmul.f32 v57, v3  }
0x132: {  	v42 =	vld [tilespmem:$0x1FED0]  }
0x133: {  	[tilespmem:s24+$0x10570] =	vst v24;
	v24 =	vadd.f32 v30, v35;
	v35 =	vld [tilespmem:s24+$0x1550]  }
0x134: {  	v61 =	vld [tilespmem:$0x1FE80]  }
0x135: {  	[tilespmem:$0x1FF00] =	vst v63;
	v63 =	vld [tilespmem:s24+$0x8D70]  }
0x136: {  	v39 =	vld [tilespmem:$0x1FEC0]  }
0x137: {  	[tilespmem:s24+$0x10900] =	vst v22;
	v22 =	vmul.f32 v42, v4;
	v46 =	vld [tilespmem:$0x1FEE0]  }
0x138: {  	v42 =	vld [tilespmem:s24+$0x11560]  }
0x139: {  	[tilespmem:s24+$0x10920] =	vst v11;
	v11 =	vadd.f32 v22, v24;
	v24 =	vld [tilespmem:s24+$0x1560];
	v21 =	vmul.f32 v61, v3  }
0x13a: {  	[tilespmem:$0x1FF50] =	vst v63;
	v63 =	vld [tilespmem:s24+$0x11100]  }
0x13b: {  	v21 =	vadd.f32 v21, v39;
	v39 =	vld [tilespmem:s24+$0x9550]  }
0x13c: {  	v30 =	vmul.f32 v38, v4;
	v38 =	vmul.f32 v46, v4;
	v51 =	vld [tilespmem:$0x1FF20]  }
0x13d: {  	v47 =	vld [tilespmem:$0x1FEF0]  }
0x13e: {  	v21 =	vadd.f32 v38, v21;
	v38 =	vld [tilespmem:s24+$0x9560]  }
0x13f: {  	[tilespmem:$0x1FF60] =	vst v63;
	v63 =	vld [tilespmem:s24+$0x1100]  }
0x140: {  	v53 =	vld [tilespmem:$0x1FF30]  }
0x141: {  	[tilespmem:s24+$0x10550] =	vst v18;
	v48 =	vld [tilespmem:$0x1FF00]  }
0x142: {  	[tilespmem:s24+$0x10910] =	vst v20;
	v18 =	vmul.f32 v55, v3;
	v20 =	vmul.f32 v47, v3;
	v47 =	vld [tilespmem:s24+$0x11570]  }
0x143: {  	v54 =	vld [tilespmem:$0x1FF40]  }
0x144: {  	v18 =	vadd.f32 v18, v62;
	[tilespmem:$0x1FF10] =	vst v63;
	v63 =	vld [tilespmem:s24+$0x9100]  }
0x145: {  	[tilespmem:s24+$0x10970] =	vst v26;
	v26 =	vld [tilespmem:s24+$0x9910]  }
0x146: {  	v18 =	vadd.f32 v30, v18;
	v30 =	vmul.f32 v48, v3;
	v55 =	vld [tilespmem:$0x1FF50]  }
0x147: {  	v48 =	vmul.f32 v28, v3;
	v28 =	vld [tilespmem:s24+$0x1570]  }
0x148: {  	v30 =	vadd.f32 v30, v54;
	v54 =	vld [tilespmem:$0x1FFA0]  }
0x149: {  	[tilespmem:$0x1FF70] =	vst v63;
	v63 =	vld [tilespmem:s24+$0x11110]  }
0x14a: {  	v57 =	vld [tilespmem:$0x1FF60]  }
0x14b: {  	[tilespmem:s24+$0x10940] =	vst v25;
	v25 =	vmul.f32 v55, v4;
	v55 =	vld [tilespmem:$0x1FFB0]  }
0x14c: {  	[tilespmem:s24+$0x10930] =	vst v23;
	v50 =	vld [tilespmem:$0x1FF10]  }
0x14d: {  	[tilespmem:s24+$0x10960] =	vst v14;
	v14 =	vadd.f32 v25, v30;
	v30 =	vld [tilespmem:s24+$0x9570]  }
0x14e: {  	v20 =	vadd.f32 v20, v51;
	v23 =	vmul.f32 v53, v4;
	[tilespmem:$0x1FF90] =	vst v63;
	v63 =	vld [tilespmem:s24+$0x1110]  }
0x14f: {  	v13 =	vmul.f32 v13, v4;
	v6 =	vmul.f32 v6, v4;
	[tilespmem:s24+$0x10950] =	vst v15;
	v61 =	vld [tilespmem:$0x1FF70]  }
0x150: {  	v2 =	vmul.f32 v2, v4;
	v15 =	vadd.f32 v23, v20;
	[tilespmem:s24+$0x10D00] =	vst v16;
	v23 =	vadd.f32 v48, v54;
	v48 =	vld [tilespmem:$0x1FFC0]  }
0x151: {  	v54 =	vld [tilespmem:s24+$0x1920];
	[tilespmem:s24+$0x10D10] =	vst v17;
	v22 =	vmul.f32 v50, v3;
	v50 =	vmul.f32 v40, v3  }
0x152: {  	v1 =	vadd.f32 v6, v1;
	v25 =	vmul.f32 v37, v4;
	v37 =	vld [tilespmem:s24+$0x11950];
	v16 =	vmul.f32 v55, v4;
	[tilespmem:s24+$0x10D20] =	vst v19  }
0x153: {  	v22 =	vadd.f32 v22, v57;
	v10 =	vadd.f32 v50, v10;
	v57 =	vmul.f32 v29, v4;
	[tilespmem:$0x1FF80] =	vst v63;
	v63 =	vld [tilespmem:s24+$0x9110]  }
0x154: {  	v16 =	vadd.f32 v16, v23;
	v50 =	vmul.f32 v41, v4;
	v46 =	vmul.f32 v61, v4;
	[tilespmem:s24+$0x10D30] =	vst v18;
	v62 =	vld [tilespmem:$0x1FF80]  }
0x155: {  	v23 =	vld [tilespmem:s24+$0x11910];
	v41 =	vmul.f32 v39, v4;
	v10 =	vadd.f32 v57, v10;
	v57 =	vmul.f32 v45, v4;
	[tilespmem:s24+$0x10D40] =	vst v11  }
0x156: {  	v45 =	vmul.f32 v30, v4;
	v51 =	vld [tilespmem:$0x1FF90];
	v22 =	vadd.f32 v46, v22;
	v46 =	vmul.f32 v59, v3;
	[tilespmem:s24+$0x10D50] =	vst v21  }
0x157: {  	v2 =	vadd.f32 v2, v5;
	v40 =	vld [tilespmem:s24+$0x11900];
	v59 =	vmul.f32 v33, v3;
	v33 =	vmul.f32 v24, v3;
	[tilespmem:s24+$0x10D60] =	vst v15  }
0x158: {  	v29 =	vld [tilespmem:s24+$0x1900];
	v19 =	vadd.f32 v46, v44;
	[tilespmem:s24+$0x10D70] =	vst v14;
	v53 =	vmul.f32 v63, v4;
	v63 =	vmul.f32 v49, v3  }
0x159: {  	v24 =	vld [tilespmem:s24+$0x9970];
	[tilespmem:s24+$0x11100] =	vst v22;
	v8 =	vadd.f32 v59, v8;
	v20 =	vmul.f32 v62, v3;
	v62 =	vmul.f32 v34, v3  }
0x15a: {  	[tilespmem:s24+$0x11120] =	vst v16;
	v44 =	vmul.f32 v38, v4;
	v49 =	vld [tilespmem:s24+$0x1910];
	v12 =	vadd.f32 v63, v12;
	v63 =	vmul.f32 v31, v4  }
0x15b: {  	[tilespmem:s24+$0x11130] =	vst v10;
	v46 =	vld [tilespmem:s24+$0x9950];
	v20 =	vadd.f32 v20, v51;
	v18 =	vadd.f32 v62, v48;
	v51 =	vmul.f32 v52, v4  }
0x15c: {  	v21 =	vld [tilespmem:s24+$0x11920];
	[tilespmem:s24+$0x11510] =	vst v2;
	v52 =	vmul.f32 v58, v3;
	v11 =	vadd.f32 v50, v12;
	v8 =	vadd.f32 v63, v8  }
0x15d: {  	[tilespmem:s24+$0x11520] =	vst v1;
	v34 =	vld [tilespmem:s24+$0x9900];
	v58 =	vmul.f32 v60, v4;
	v61 =	vadd.f32 v53, v20;
	v13 =	vadd.f32 v13, v18  }
0x15e: {  	v60 =	vld [tilespmem:s24+$0x1930];
	v48 =	vmul.f32 v29, v3;
	v53 =	vadd.f32 v51, v19;
	v55 =	vadd.f32 v52, v43;
	[tilespmem:s24+$0x11150] =	vst v11  }
0x15f: {  	v19 =	vld [tilespmem:s24+$0x9920];
	v0 =	vadd.f32 v58, v0;
	v49 =	vmul.f32 v49, v3;
	v52 =	vmul.f32 v54, v3;
	[tilespmem:s24+$0x11530] =	vst v8  }
0x160: {  	v62 =	vld [tilespmem:s24+$0x9930];
	v58 =	vmul.f32 v26, v4;
	v11 =	vadd.f32 v33, v42;
	v33 =	vmul.f32 v46, v4;
	[tilespmem:s24+$0x11110] =	vst v61  }
0x161: {  	v43 =	vld [tilespmem:s24+$0x1950];
	v14 =	vadd.f32 v57, v55;
	v61 =	vmul.f32 v36, v3;
	[tilespmem:s24+$0x11140] =	vst v13;
	v36 =	vmul.f32 v28, v3  }
0x162: {  	v31 =	vld [tilespmem:s24+$0x1940];
	[tilespmem:s24+$0x11500] =	vst v0;
	v54 =	vadd.f32 v49, v23;
	v57 =	vmul.f32 v34, v4;
	v0 =	vadd.f32 v44, v11  }
0x163: {  	v59 =	vld [tilespmem:s24+$0x1970];
	[tilespmem:s24+$0x11160] =	vst v53;
	v55 =	vmul.f32 v60, v3;
	v5 =	vadd.f32 v61, v32;
	v32 =	vmul.f32 v35, v3  }
0x164: {  	v53 =	vld [tilespmem:s24+$0x1960];
	[tilespmem:s24+$0x11170] =	vst v14;
	v10 =	vadd.f32 v36, v47;
	v60 =	vmul.f32 v19, v4;
	v19 =	vadd.f32 v58, v54  }
0x165: {  	v35 =	vld [tilespmem:s24+$0x9940];
	v61 =	vmul.f32 v62, v4;
	v7 =	vadd.f32 v55, v7;
	[tilespmem:s24+$0x11560] =	vst v0;
	v5 =	vadd.f32 v25, v5  }
0x166: {  	v50 =	vld [tilespmem:s24+$0x11960];
	v28 =	vmul.f32 v43, v3;
	v6 =	vadd.f32 v32, v27;
	v51 =	vadd.f32 v45, v10;
	[tilespmem:s24+$0x11910] =	vst v19  }
0x167: {  	v23 =	vmul.f32 v31, v3;
	v62 =	vld [tilespmem:s24+$0x11970];
	v10 =	vadd.f32 v52, v21;
	v27 =	vadd.f32 v61, v7;
	[tilespmem:s24+$0x11540] =	vst v5  }
0x168: {  	v34 =	vmul.f32 v59, v3;
	v32 =	vadd.f32 v28, v37;
	v47 =	vadd.f32 v41, v6;
	[tilespmem:s24+$0x11570] =	vst v51  }
0x169: {  	v31 =	vmul.f32 v53, v3;
	v6 =	vadd.f32 v48, v40;
	v26 =	vadd.f32 v60, v10;
	[tilespmem:s24+$0x11930] =	vst v27  }
0x16a: {  	v29 =	vadd.f32 v23, v9;
	v30 =	vmul.f32 v35, v4;
	v37 =	vadd.f32 v33, v32;
	[tilespmem:s24+$0x11550] =	vst v47  }
0x16b: {  	v36 =	vmul.f32 v56, v4;
	v35 =	vadd.f32 v31, v50;
	v63 =	vadd.f32 v57, v6;
	[tilespmem:s24+$0x11920] =	vst v26  }
0x16c: {  	v39 =	vmul.f32 v24, v4;
	v38 =	vadd.f32 v34, v62;
	v0 =	vadd.f32 v30, v29;
	[tilespmem:s24+$0x11950] =	vst v37  }
0x16d: {  	s19 =	sand.u32 $0x7, s17;
	v40 =	vadd.f32 v36, v35;
	[tilespmem:s24+$0x11900] =	vst v63  }
0x16e: {  	s19 =	sshll.u32 s19, $0x7;
	v41 =	vadd.f32 v39, v38;
	[tilespmem:s24+$0x11940] =	vst v0  }
0x16f: {  	s19 =	sadd.s32 s19, s7;
	[tilespmem:s24+$0x11960] =	vst v40  }
0x170: {  	[tilespmem:s24+$0x11970] =	vst v41;
	s24 =	sor.u32 $0x1C00, s19  }
0x171: {  	v0 =	vld [tilespmem:s24+$0x100]  }
0x172: {  	v1 =	vld [tilespmem:s24+$0x10100]  }
0x173: {  	v2 =	vld [tilespmem:s24+$0x8100];
	_ =	sdelay $0x2  }
0x174: {  	v0 =	vmul.f32 v0, v3;
	_ =	sdelay $0x1  }
0x175: {  	v42 =	vmul.f32 v2, v4;
	v0 =	vadd.f32 v0, v1;
	_ =	sdelay $0x1  }
0x176: {  	v0 =	vadd.f32 v42, v0;
	_ =	sdelay $0x1  }
0x177: {  	[tilespmem:s24+$0x10100] =	vst v0;
	s24 =	sor.u32 $0x1C10, s19  }
0x178: {  	v0 =	vld [tilespmem:s24+$0x100]  }
0x179: {  	v43 =	vld [tilespmem:s24+$0x10100]  }
0x17a: {  	v44 =	vld [tilespmem:s24+$0x8100];
	_ =	sdelay $0x2  }
0x17b: {  	v0 =	vmul.f32 v0, v3;
	_ =	sdelay $0x1  }
0x17c: {  	v45 =	vmul.f32 v44, v4;
	v0 =	vadd.f32 v0, v43;
	_ =	sdelay $0x1  }
0x17d: {  	v0 =	vadd.f32 v45, v0;
	_ =	sdelay $0x1  }
0x17e: {  	[tilespmem:s24+$0x10100] =	vst v0;
	s24 =	sor.u32 $0x1C20, s19  }
0x17f: {  	v0 =	vld [tilespmem:s24+$0x100]  }
0x180: {  	v46 =	vld [tilespmem:s24+$0x10100]  }
0x181: {  	v47 =	vld [tilespmem:s24+$0x8100];
	_ =	sdelay $0x2  }
0x182: {  	v0 =	vmul.f32 v0, v3;
	_ =	sdelay $0x1  }
0x183: {  	v48 =	vmul.f32 v47, v4;
	v0 =	vadd.f32 v0, v46;
	_ =	sdelay $0x1  }
0x184: {  	v0 =	vadd.f32 v48, v0;
	_ =	sdelay $0x1  }
0x185: {  	[tilespmem:s24+$0x10100] =	vst v0;
	s24 =	sor.u32 $0x1C30, s19  }
0x186: {  	v0 =	vld [tilespmem:s24+$0x100]  }
0x187: {  	v49 =	vld [tilespmem:s24+$0x10100]  }
0x188: {  	v50 =	vld [tilespmem:s24+$0x8100];
	_ =	sdelay $0x2  }
0x189: {  	v0 =	vmul.f32 v0, v3;
	_ =	sdelay $0x1  }
0x18a: {  	v51 =	vmul.f32 v50, v4;
	v0 =	vadd.f32 v0, v49;
	_ =	sdelay $0x1  }
0x18b: {  	v0 =	vadd.f32 v51, v0;
	_ =	sdelay $0x1  }
0x18c: {  	[tilespmem:s24+$0x10100] =	vst v0;
	s24 =	sor.u32 $0x1C40, s19  }
0x18d: {  	v0 =	vld [tilespmem:s24+$0x100]  }
0x18e: {  	v52 =	vld [tilespmem:s24+$0x10100]  }
0x18f: {  	v53 =	vld [tilespmem:s24+$0x8100];
	_ =	sdelay $0x2  }
0x190: {  	v0 =	vmul.f32 v0, v3;
	_ =	sdelay $0x1  }
0x191: {  	v54 =	vmul.f32 v53, v4;
	v0 =	vadd.f32 v0, v52;
	_ =	sdelay $0x1  }
0x192: {  	v0 =	vadd.f32 v54, v0;
	_ =	sdelay $0x1  }
0x193: {  	[tilespmem:s24+$0x10100] =	vst v0;
	s24 =	sor.u32 $0x1C50, s19  }
0x194: {  	v0 =	vld [tilespmem:s24+$0x100]  }
0x195: {  	v55 =	vld [tilespmem:s24+$0x10100]  }
0x196: {  	v56 =	vld [tilespmem:s24+$0x8100];
	_ =	sdelay $0x2  }
0x197: {  	v0 =	vmul.f32 v0, v3;
	_ =	sdelay $0x1  }
0x198: {  	v57 =	vmul.f32 v56, v4;
	v0 =	vadd.f32 v0, v55;
	_ =	sdelay $0x1  }
0x199: {  	v0 =	vadd.f32 v57, v0;
	_ =	sdelay $0x1  }
0x19a: {  	[tilespmem:s24+$0x10100] =	vst v0;
	s24 =	sor.u32 $0x1C60, s19  }
0x19b: {  	v0 =	vld [tilespmem:s24+$0x100]  }
0x19c: {  	v58 =	vld [tilespmem:s24+$0x10100]  }
0x19d: {  	v59 =	vld [tilespmem:s24+$0x8100];
	_ =	sdelay $0x2  }
0x19e: {  	v0 =	vmul.f32 v0, v3;
	_ =	sdelay $0x1  }
0x19f: {  	v60 =	vmul.f32 v59, v4;
	v0 =	vadd.f32 v0, v58;
	_ =	sdelay $0x1  }
0x1a0: {  	v0 =	vadd.f32 v60, v0;
	_ =	sdelay $0x1  }
0x1a1: {  	s19 =	sor.u32 $0x1C70, s19;
	[tilespmem:s24+$0x10100] =	vst v0  }
0x1a2: {  	v0 =	vld [tilespmem:s19+$0x100]  }
0x1a3: {  	v61 =	vld [tilespmem:s19+$0x10100]  }
0x1a4: {  	v62 =	vld [tilespmem:s19+$0x8100];
	_ =	sdelay $0x2  }
0x1a5: {  	v0 =	vmul.f32 v0, v3  }
0x1a6: {  	p0 =	sne.s32 s18, $0xF80  }
.Ltmp0:
0x1a7: {  	v63 =	vmul.f32 v62, v4;
	v0 =	vadd.f32 v0, v61;
	(pc) =	sbr.rel @p0 .LBB2_2-.Ltmp0, $4  }
0x1a8: {  	_ = 	snop  }
0x1a9: {  	v0 =	vadd.f32 v63, v0  }
0x1aa: {  	s16 =	sadd.s32 $0x80, s16;
	s23 =	sadd.s32 $0x80, s23  }
0x1ab: {  	s18 =	sadd.s32 $0x80, s18;
	s17 =	sadd.s32 $0x1, s17;
	s7 =	sadd.s32 $0x400, s7;
	[tilespmem:s19+$0x10100] =	vst v0  }
0x1ac: {  	s16 =	simm.s32 $0x0;
	s7 =	rddreg [dreg:$0x8]  }
0x1ad: {  	[hbm4b:s7+s16] =	stream.linear.scatter [tilespmem:s21], [sflag:$0x2], $0x8000, $0x38;
	[tilespmem:$0x1A100] =	vst v63  }
0x1ae: {  	_ =	swait.ge [sflag:s15], $0x8000  }
0x1af: {  	[sflag:s15] =	ssyncset.done $0x0  }
0x1b0: {  	s19 =	rddreg [dreg:$0x9];
	[sflag:s15] =	ssyncadd.s32 $0xFFFF8000  }
0x1b1: {  	[tilespmem:s16], [sflag:$0x1] =	stream.linear.gather [hbm4b:s19+s16], $0x20, $0x38;
	[tilespmem:$0x1A100] =	vst v63  }
0x1b2: {  	s17 =	simm.s32 $0x80;
	s23 =	rddreg [dreg:$0xa]  }
0x1b3: {  	[tilespmem:s17], [sflag:$0x1] =	stream.linear.gather [hbm4b:s23+s16], $0x20, $0x38;
	[tilespmem:$0x1A100] =	vst v63  }
0x1b4: {  	s24 =	rddreg [dreg:$0xb]  }
0x1b5: {  	[tilespmem:s21], [sflag:$0x1] =	stream.linear.gather [hbm4b:s24+s16], $0x8000, $0x38;
	[tilespmem:$0x1A100] =	vst v63  }
0x1b6: {  	s23 =	simm.s32 $0x18100;
	s17 =	rddreg [dreg:$0xc]  }
0x1b7: {  	[tilespmem:s23], [sflag:$0x1] =	stream.linear.gather [hbm4b:s17+s16], $0x1000, $0x38;
	[tilespmem:$0x1A100] =	vst v63  }
0x1b8: {  	s18 =	rddreg [dreg:$0xd];
	s17 =	simm.s32 $0x19100  }
0x1b9: {  	[tilespmem:s17], [sflag:$0x1] =	stream.linear.gather [hbm4b:s18+s16], $0x1000, $0x38;
	[tilespmem:$0x1A100] =	vst v63  }
0x1ba: {  	_ =	swait.ge [sflag:s22], $0x20  }
0x1bb: {  	[sflag:s22] =	ssyncset.done $0x0  }
0x1bc: {  	[sflag:s22] =	ssyncadd.s32 $0xFFFFFFE0  }
0x1bd: {  	_ =	swait.ge [sflag:s22], $0x20  }
0x1be: {  	[sflag:s22] =	ssyncset.done $0x0  }
0x1bf: {  	[sflag:s22] =	ssyncadd.s32 $0xFFFFFFE0  }
0x1c0: {  	v0 =	vld [tilespmem:$0x0];
	_ =	sdelay $0x2  }
0x1c1: {  	v2 =	vld [tilespmem:$0x1FFD0];
	_ =	sdelay $0x1  }
0x1c2: {  	v3 =	vld [tilespmem:$0x1FFE0];
	v1 =	vshll.u32 v0, $0x3  }
0x1c3: {  	v0 =	vand.u32 $0x7, v0;
	v1 =	vand.u32 $0xFFFFFFC0, v1  }
0x1c4: {  	v0 =	vor.u32 v0, v1  }
0x1c5: {  	v1 =	vperm.xlane v0, v2;
	_ =	sdelay $0x1  }
0x1c6: {  	v1 =	vadd.s32 v3, v1  }
0x1c7: {  	v4 =	vld [tilespmem:$0x1FFF0];
	_ =	sdelay $0x2  }
0x1c8: {  	s19 =	simm.s32 $0x100  }
0x1c9: {  	[tilespmem:s19], [sflag:$0x1] =	stream.indirect_vreg.gather [hbm4b:s3+s16], $0x80, v1, vm0, $0xb8;
	[tilespmem:$0x1A100] =	vst v63  }
0x1ca: {  	s24 =	simm.s32 $0x900;
	v0 =	vperm.xlane v0, v4  }
0x1cb: {  	[tilespmem:s24], [sflag:$0x1] =	stream.indirect_vreg.gather [hbm4b:s9+s16], $0x80, v1, vm0, $0xb8;
	[tilespmem:$0x1A100] =	vst v63  }
0x1cc: {  	s18 =	simm.s32 $0x1100;
	v0 =	vadd.s32 v3, v0  }
0x1cd: {  	[tilespmem:s18], [sflag:$0x1] =	stream.indirect_vreg.gather [hbm4b:s10+s16], $0x80, v1, vm0, $0xb8;
	[tilespmem:$0x1A100] =	vst v63  }
0x1ce: {  	s19 =	simm.s32 $0x1900  }
0x1cf: {  	[tilespmem:s19], [sflag:$0x1] =	stream.indirect_vreg.gather [hbm4b:s11+s16], $0x80, v1, vm0, $0xb8;
	[tilespmem:$0x1A100] =	vst v63  }
0x1d0: {  	s24 =	simm.s32 $0x2100  }
0x1d1: {  	[tilespmem:s24], [sflag:$0x1] =	stream.indirect_vreg.gather [hbm4b:s3+s16], $0x80, v0, vm0, $0xb8;
	[tilespmem:$0x1A100] =	vst v63  }
0x1d2: {  	s18 =	simm.s32 $0x2900  }
0x1d3: {  	[tilespmem:s18], [sflag:$0x1] =	stream.indirect_vreg.gather [hbm4b:s9+s16], $0x80, v0, vm0, $0xb8;
	[tilespmem:$0x1A100] =	vst v63  }
0x1d4: {  	s19 =	simm.s32 $0x3100  }
0x1d5: {  	[tilespmem:s19], [sflag:$0x1] =	stream.indirect_vreg.gather [hbm4b:s10+s16], $0x80, v0, vm0, $0xb8;
	[tilespmem:$0x1A100] =	vst v63  }
0x1d6: {  	s24 =	simm.s32 $0x3900  }
0x1d7: {  	[tilespmem:s24], [sflag:$0x1] =	stream.indirect_vreg.gather [hbm4b:s11+s16], $0x80, v0, vm0, $0xb8;
	[tilespmem:$0x1A100] =	vst v63  }
0x1d8: {  	v0 =	vld [tilespmem:$0x10];
	_ =	sdelay $0x4  }
0x1d9: {  	v61 =	vshll.u32 v0, $0x3  }
0x1da: {  	v0 =	vand.u32 $0x7, v0;
	v1 =	vand.u32 $0xFFFFFFC0, v61  }
0x1db: {  	v0 =	vor.u32 v0, v1  }
0x1dc: {  	v1 =	vperm.xlane v0, v2;
	_ =	sdelay $0x1  }
0x1dd: {  	v1 =	vadd.s32 v3, v1;
	_ =	sdelay $0x3  }
0x1de: {  	s18 =	simm.s32 $0x4100  }
0x1df: {  	[tilespmem:s18], [sflag:$0x1] =	stream.indirect_vreg.gather [hbm4b:s3+s16], $0x80, v1, vm0, $0xb8;
	[tilespmem:$0x1A100] =	vst v63  }
0x1e0: {  	s19 =	simm.s32 $0x4900;
	v0 =	vperm.xlane v0, v4  }
0x1e1: {  	[tilespmem:s19], [sflag:$0x1] =	stream.indirect_vreg.gather [hbm4b:s9+s16], $0x80, v1, vm0, $0xb8;
	[tilespmem:$0x1A100] =	vst v63  }
0x1e2: {  	s24 =	simm.s32 $0x5100;
	v0 =	vadd.s32 v3, v0  }
0x1e3: {  	[tilespmem:s24], [sflag:$0x1] =	stream.indirect_vreg.gather [hbm4b:s10+s16], $0x80, v1, vm0, $0xb8;
	[tilespmem:$0x1A100] =	vst v63  }
0x1e4: {  	s18 =	simm.s32 $0x5900  }
0x1e5: {  	[tilespmem:s18], [sflag:$0x1] =	stream.indirect_vreg.gather [hbm4b:s11+s16], $0x80, v1, vm0, $0xb8;
	[tilespmem:$0x1A100] =	vst v63  }
0x1e6: {  	s19 =	simm.s32 $0x6100  }
0x1e7: {  	[tilespmem:s19], [sflag:$0x1] =	stream.indirect_vreg.gather [hbm4b:s3+s16], $0x80, v0, vm0, $0xb8;
	[tilespmem:$0x1A100] =	vst v63  }
0x1e8: {  	s24 =	simm.s32 $0x6900  }
0x1e9: {  	[tilespmem:s24], [sflag:$0x1] =	stream.indirect_vreg.gather [hbm4b:s9+s16], $0x80, v0, vm0, $0xb8;
	[tilespmem:$0x1A100] =	vst v63  }
0x1ea: {  	s18 =	simm.s32 $0x7100  }
0x1eb: {  	[tilespmem:s18], [sflag:$0x1] =	stream.indirect_vreg.gather [hbm4b:s10+s16], $0x80, v0, vm0, $0xb8;
	[tilespmem:$0x1A100] =	vst v63  }
0x1ec: {  	s19 =	simm.s32 $0x7900  }
0x1ed: {  	[tilespmem:s19], [sflag:$0x1] =	stream.indirect_vreg.gather [hbm4b:s11+s16], $0x80, v0, vm0, $0xb8;
	[tilespmem:$0x1A100] =	vst v63  }
0x1ee: {  	v0 =	vld [tilespmem:$0x80];
	_ =	sdelay $0x4  }
0x1ef: {  	v62 =	vshll.u32 v0, $0x3  }
0x1f0: {  	v0 =	vand.u32 $0x7, v0;
	v1 =	vand.u32 $0xFFFFFFC0, v62  }
0x1f1: {  	v0 =	vor.u32 v0, v1  }
0x1f2: {  	v1 =	vperm.xlane v0, v2;
	_ =	sdelay $0x1  }
0x1f3: {  	v1 =	vadd.s32 v3, v1;
	_ =	sdelay $0x3  }
0x1f4: {  	s24 =	simm.s32 $0x8100  }
0x1f5: {  	[tilespmem:s24], [sflag:$0x1] =	stream.indirect_vreg.gather [hbm4b:s3+s16], $0x80, v1, vm0, $0xb8;
	[tilespmem:$0x1A100] =	vst v63  }
0x1f6: {  	v0 =	vperm.xlane v0, v4  }
0x1f7: {  	[tilespmem:s8], [sflag:$0x1] =	stream.indirect_vreg.gather [hbm4b:s9+s16], $0x80, v1, vm0, $0xb8;
	[tilespmem:$0x1A100] =	vst v63  }
0x1f8: {  	v0 =	vadd.s32 v3, v0  }
0x1f9: {  	[tilespmem:s25], [sflag:$0x1] =	stream.indirect_vreg.gather [hbm4b:s10+s16], $0x80, v1, vm0, $0xb8;
	[tilespmem:$0x1A100] =	vst v63  }
0x1fa: {  	_ = 	snop  }
0x1fb: {  	[tilespmem:s26], [sflag:$0x1] =	stream.indirect_vreg.gather [hbm4b:s11+s16], $0x80, v1, vm0, $0xb8;
	[tilespmem:$0x1A100] =	vst v63  }
0x1fc: {  	_ = 	snop  }
0x1fd: {  	[tilespmem:s28], [sflag:$0x1] =	stream.indirect_vreg.gather [hbm4b:s3+s16], $0x80, v0, vm0, $0xb8;
	[tilespmem:$0x1A100] =	vst v63  }
0x1fe: {  	_ = 	snop  }
0x1ff: {  	[tilespmem:s29], [sflag:$0x1] =	stream.indirect_vreg.gather [hbm4b:s9+s16], $0x80, v0, vm0, $0xb8;
	[tilespmem:$0x1A100] =	vst v63  }
0x200: {  	_ = 	snop  }
0x201: {  	[tilespmem:s30], [sflag:$0x1] =	stream.indirect_vreg.gather [hbm4b:s10+s16], $0x80, v0, vm0, $0xb8;
	[tilespmem:$0x1A100] =	vst v63  }
0x202: {  	_ = 	snop  }
0x203: {  	[tilespmem:s31], [sflag:$0x1] =	stream.indirect_vreg.gather [hbm4b:s11+s16], $0x80, v0, vm0, $0xb8;
	[tilespmem:$0x1A100] =	vst v63  }
0x204: {  	v0 =	vld [tilespmem:$0x90];
	_ =	sdelay $0x4  }
0x205: {  	v63 =	vshll.u32 v0, $0x3  }
0x206: {  	v0 =	vand.u32 $0x7, v0;
	v1 =	vand.u32 $0xFFFFFFC0, v63  }
0x207: {  	v0 =	vor.u32 v0, v1  }
0x208: {  	v1 =	vperm.xlane v0, v2;
	_ =	sdelay $0x1  }
0x209: {  	v1 =	vadd.s32 v3, v1;
	_ =	sdelay $0x4  }
0x20a: {  	[tilespmem:s12], [sflag:$0x1] =	stream.indirect_vreg.gather [hbm4b:s3+s16], $0x80, v1, vm0, $0xb8;
	[tilespmem:$0x1A100] =	vst v63  }
0x20b: {  	v0 =	vperm.xlane v0, v4  }
0x20c: {  	[tilespmem:s0], [sflag:$0x1] =	stream.indirect_vreg.gather [hbm4b:s9+s16], $0x80, v1, vm0, $0xb8;
	[tilespmem:$0x1A100] =	vst v63  }
0x20d: {  	v0 =	vadd.s32 v3, v0  }
0x20e: {  	[tilespmem:s13], [sflag:$0x1] =	stream.indirect_vreg.gather [hbm4b:s10+s16], $0x80, v1, vm0, $0xb8;
	[tilespmem:$0x1A100] =	vst v63  }
0x20f: {  	_ = 	snop  }
0x210: {  	[tilespmem:s2], [sflag:$0x1] =	stream.indirect_vreg.gather [hbm4b:s11+s16], $0x80, v1, vm0, $0xb8;
	[tilespmem:$0x1A100] =	vst v63  }
0x211: {  	_ = 	snop  }
0x212: {  	[tilespmem:s14], [sflag:$0x1] =	stream.indirect_vreg.gather [hbm4b:s3+s16], $0x80, v0, vm0, $0xb8;
	[tilespmem:$0x1A100] =	vst v63  }
0x213: {  	_ = 	snop  }
0x214: {  	[tilespmem:s4], [sflag:$0x1] =	stream.indirect_vreg.gather [hbm4b:s9+s16], $0x80, v0, vm0, $0xb8;
	[tilespmem:$0x1A100] =	vst v63  }
0x215: {  	_ = 	snop  }
0x216: {  	[tilespmem:s20], [sflag:$0x1] =	stream.indirect_vreg.gather [hbm4b:s10+s16], $0x80, v0, vm0, $0xb8;
	[tilespmem:$0x1A100] =	vst v63  }
0x217: {  	_ = 	snop  }
0x218: {  	[tilespmem:s5], [sflag:$0x1] =	stream.indirect_vreg.gather [hbm4b:s11+s16], $0x80, v0, vm0, $0xb8;
	[tilespmem:$0x1A100] =	vst v63  }
0x219: {  	_ =	swait.ge [sflag:s22], $0x8000  }
0x21a: {  	[sflag:s22] =	ssyncset.done $0x0  }
0x21b: {  	[sflag:s22] =	ssyncadd.s32 $0xFFFF8000  }
0x21c: {  	_ =	swait.ge [sflag:s22], $0x1000  }
0x21d: {  	[sflag:s22] =	ssyncset.done $0x0  }
0x21e: {  	[sflag:s22] =	ssyncadd.s32 $0xFFFFF000  }
0x21f: {  	_ =	swait.ge [sflag:s22], $0x1000  }
0x220: {  	[sflag:s22] =	ssyncset.done $0x0  }
0x221: {  	[sflag:s22] =	ssyncadd.s32 $0xFFFFF000  }
0x222: {  	_ =	swait.ge [sflag:s22], $0x8000  }
0x223: {  	[sflag:s22] =	ssyncset.done $0x0  }
0x224: {  	[sflag:s22] =	ssyncadd.s32 $0xFFFF8000  }
0x225: {  	_ =	swait.ge [sflag:s22], $0x8000  }
0x226: {  	[sflag:s22] =	ssyncset.done $0x0  }
0x227: {  	s7 =	simm.s32 $0x0;
	s18 =	simm.s32 $0x0;
	[sflag:s22] =	ssyncadd.s32 $0xFFFF8000  }
.LBB2_4:
0x228: {  	v3 =	vld [tilespmem:s23+$0x0];
	s19 =	sand.u32 $0x6000, s7;
	s24 =	sand.u32 $0x380, s18  }
0x229: {  	v4 =	vld [tilespmem:s17+$0x0];
	s24 =	sor.u32 s24, s19  }
0x22a: {  	v20 =	vld [tilespmem:s24+$0x10100]  }
0x22b: {  	v27 =	vld [tilespmem:s24+$0x100]  }
0x22c: {  	v28 =	vld [tilespmem:s24+$0x8100]  }
0x22d: {  	v29 =	vld [tilespmem:s24+$0x10110]  }
0x22e: {  	v30 =	vld [tilespmem:s24+$0x110]  }
0x22f: {  	v34 =	vld [tilespmem:s24+$0x8110]  }
0x230: {  	v40 =	vld [tilespmem:s24+$0x10120]  }
0x231: {  	v41 =	vld [tilespmem:s24+$0x120]  }
0x232: {  	v44 =	vld [tilespmem:s24+$0x8120]  }
0x233: {  	v49 =	vld [tilespmem:s24+$0x10130]  }
0x234: {  	v59 =	vld [tilespmem:s24+$0x130]  }
0x235: {  	v10 =	vld [tilespmem:s24+$0x8130]  }
0x236: {  	v5 =	vld [tilespmem:s24+$0x10140]  }
0x237: {  	v0 =	vld [tilespmem:s24+$0x140]  }
0x238: {  	v11 =	vld [tilespmem:s24+$0x8140]  }
0x239: {  	v7 =	vld [tilespmem:s24+$0x10150]  }
0x23a: {  	v1 =	vld [tilespmem:s24+$0x150]  }
0x23b: {  	v6 =	vld [tilespmem:s24+$0x8150]  }
0x23c: {  	v18 =	vld [tilespmem:s24+$0x10160]  }
0x23d: {  	v9 =	vld [tilespmem:s24+$0x160]  }
0x23e: {  	v19 =	vld [tilespmem:s24+$0x8160]  }
0x23f: {  	v13 =	vld [tilespmem:s24+$0x10170]  }
0x240: {  	v2 =	vld [tilespmem:s24+$0x170]  }
0x241: {  	v21 =	vld [tilespmem:s24+$0x8170]  }
0x242: {  	v15 =	vld [tilespmem:s24+$0x10500]  }
0x243: {  	v63 =	vld [tilespmem:s24+$0x8960]  }
0x244: {  	v8 =	vld [tilespmem:s24+$0x500]  }
0x245: {  	v14 =	vld [tilespmem:s24+$0x8500]  }
0x246: {  	v32 =	vld [tilespmem:s24+$0x10510]  }
0x247: {  	v17 =	vld [tilespmem:s24+$0x510]  }
0x248: {  	[tilespmem:$0x1FB00] =	vst v63;
	v63 =	vld [tilespmem:s24+$0x10970]  }
0x249: {  	v33 =	vld [tilespmem:s24+$0x8510]  }
0x24a: {  	v23 =	vld [tilespmem:s24+$0x10520]  }
0x24b: {  	v12 =	vld [tilespmem:s24+$0x520]  }
0x24c: {  	v35 =	vld [tilespmem:s24+$0x8520]  }
0x24d: {  	[tilespmem:$0x1FAF0] =	vst v63;
	v63 =	vld [tilespmem:s24+$0x970]  }
0x24e: {  	v25 =	vld [tilespmem:s24+$0x10530]  }
0x24f: {  	v16 =	vld [tilespmem:s24+$0x530]  }
0x250: {  	v24 =	vld [tilespmem:s24+$0x8530]  }
0x251: {  	v43 =	vld [tilespmem:s24+$0x10540]  }
0x252: {  	[tilespmem:$0x1FAB0] =	vst v63;
	v63 =	vld [tilespmem:s24+$0x8970]  }
0x253: {  	v31 =	vld [tilespmem:s24+$0x540]  }
0x254: {  	v45 =	vld [tilespmem:s24+$0x8540]  }
0x255: {  	v52 =	vld [tilespmem:s24+$0x10550]  }
0x256: {  	v22 =	vld [tilespmem:s24+$0x550]  }
0x257: {  	[tilespmem:$0x1FB10] =	vst v63;
	v63 =	vld [tilespmem:s24+$0x10D00]  }
0x258: {  	v58 =	vld [tilespmem:s24+$0x8550]  }
0x259: {  	v38 =	vld [tilespmem:s24+$0x10560]  }
0x25a: {  	v26 =	vld [tilespmem:s24+$0x560]  }
0x25b: {  	v39 =	vld [tilespmem:s24+$0x8560]  }
0x25c: {  	[tilespmem:$0x1FB50] =	vst v63;
	v63 =	vld [tilespmem:s24+$0xD00]  }
0x25d: {  	v56 =	vld [tilespmem:s24+$0x10570]  }
0x25e: {  	v42 =	vld [tilespmem:s24+$0x570]  }
0x25f: {  	v60 =	vld [tilespmem:s24+$0x8570]  }
0x260: {  	v46 =	vld [tilespmem:s24+$0x10900]  }
0x261: {  	[tilespmem:$0x1FB20] =	vst v63;
	v63 =	vld [tilespmem:s24+$0x8D00]  }
0x262: {  	v36 =	vld [tilespmem:s24+$0x900]  }
0x263: {  	v53 =	vld [tilespmem:s24+$0x8900]  }
0x264: {  	v50 =	vld [tilespmem:s24+$0x10910]  }
0x265: {  	v37 =	vld [tilespmem:s24+$0x910]  }
0x266: {  	[tilespmem:$0x1FB70] =	vst v63;
	v63 =	vld [tilespmem:s24+$0x10D10]  }
0x267: {  	v47 =	vld [tilespmem:s24+$0x8910]  }
0x268: {  	v48 =	vld [tilespmem:s24+$0x10920]  }
0x269: {  	v54 =	vld [tilespmem:s24+$0x920]  }
0x26a: {  	v62 =	vld [tilespmem:s24+$0x8920]  }
0x26b: {  	[tilespmem:$0x1FB60] =	vst v63;
	v63 =	vld [tilespmem:s24+$0xD10]  }
0x26c: {  	v55 =	vld [tilespmem:s24+$0x10930]  }
0x26d: {  	v51 =	vld [tilespmem:s24+$0x8930]  }
0x26e: {  	v57 =	vld [tilespmem:s24+$0x10940]  }
0x26f: {  	v61 =	vld [tilespmem:s24+$0x10950]  }
0x270: {  	[tilespmem:$0x1FB30] =	vst v63;
	v63 =	vld [tilespmem:s24+$0x8D10]  }
0x271: {  	[tilespmem:$0x1FA70] =	vst v48;
	v48 =	vld [tilespmem:s24+$0x930]  }
0x272: {  	[tilespmem:$0x1FA90] =	vst v51;
	v51 =	vld [tilespmem:s24+$0x940]  }
0x273: {  	[tilespmem:$0x1FA80] =	vst v62;
	v62 =	vld [tilespmem:s24+$0x8940];
	v27 =	vmul.f32 v27, v3;
	v30 =	vmul.f32 v30, v3  }
0x274: {  	[tilespmem:$0x1FAC0] =	vst v61;
	v61 =	vld [tilespmem:s24+$0x950];
	v41 =	vmul.f32 v41, v3;
	v2 =	vmul.f32 v2, v3  }
0x275: {  	v20 =	vadd.f32 v27, v20;
	v27 =	vadd.f32 v30, v29;
	v30 =	vmul.f32 v34, v4;
	[tilespmem:$0x1FB90] =	vst v63;
	v63 =	vld [tilespmem:s24+$0x10D20]  }
0x276: {  	v34 =	vmul.f32 v44, v4;
	v44 =	vmul.f32 v59, v3;
	v59 =	vld [tilespmem:s24+$0x11120]  }
0x277: {  	v1 =	vmul.f32 v1, v3;
	v29 =	vadd.f32 v41, v40;
	v41 =	vmul.f32 v10, v4;
	v10 =	vld [tilespmem:s24+$0x11130]  }
0x278: {  	v2 =	vadd.f32 v2, v13;
	v13 =	vld [tilespmem:s24+$0x9140]  }
0x279: {  	v28 =	vmul.f32 v28, v4;
	v1 =	vadd.f32 v1, v7;
	v7 =	vld [tilespmem:s24+$0x1510]  }
0x27a: {  	[tilespmem:$0x1FB80] =	vst v63;
	v63 =	vld [tilespmem:s24+$0xD20]  }
0x27b: {  	v20 =	vadd.f32 v28, v20;
	v28 =	vld [tilespmem:s24+$0x1120]  }
0x27c: {  	v40 =	vadd.f32 v44, v49;
	v44 =	vld [tilespmem:s24+$0x9120]  }
0x27d: {  	v27 =	vadd.f32 v30, v27;
	v30 =	vadd.f32 v34, v29;
	v29 =	vld [tilespmem:s24+$0x9130]  }
0x27e: {  	v6 =	vmul.f32 v6, v4;
	[tilespmem:$0x1FAA0] =	vst v61;
	v61 =	vld [tilespmem:s24+$0x8950]  }
0x27f: {  	v0 =	vmul.f32 v0, v3;
	v49 =	vmul.f32 v11, v4;
	[tilespmem:$0x1FB40] =	vst v63;
	v63 =	vld [tilespmem:s24+$0x8D20]  }
0x280: {  	v1 =	vadd.f32 v6, v1;
	v34 =	vmul.f32 v8, v3;
	v11 =	vadd.f32 v41, v40;
	v40 =	vld [tilespmem:s24+$0x1130]  }
0x281: {  	v0 =	vadd.f32 v0, v5;
	v41 =	vmul.f32 v19, v4;
	v19 =	vmul.f32 v12, v3;
	v12 =	vld [tilespmem:s24+$0x11150]  }
0x282: {  	[tilespmem:s24+$0x10150] =	vst v1;
	v1 =	vld [tilespmem:s24+$0x11520]  }
0x283: {  	[tilespmem:$0x1FCF0] =	vst v59;
	v59 =	vmul.f32 v9, v3;
	v9 =	vadd.f32 v49, v0;
	v0 =	vadd.f32 v34, v15;
	v34 =	vld [tilespmem:s24+$0x1140]  }
0x284: {  	v49 =	vmul.f32 v21, v4;
	[tilespmem:$0x1FBA0] =	vst v63;
	v63 =	vld [tilespmem:s24+$0x10D30]  }
0x285: {  	[tilespmem:$0x1FD00] =	vst v44;
	v44 =	vld [tilespmem:s24+$0x11140]  }
0x286: {  	v15 =	vadd.f32 v49, v2;
	v49 =	vld [tilespmem:s24+$0x1150]  }
0x287: {  	v5 =	vadd.f32 v59, v18;
	[tilespmem:s24+$0x10140] =	vst v9;
	v9 =	vld [tilespmem:s24+$0x1520]  }
0x288: {  	v59 =	vmul.f32 v14, v4;
	v18 =	vmul.f32 v17, v3;
	[tilespmem:$0x1FAE0] =	vst v61;
	v61 =	vld [tilespmem:s24+$0x10960]  }
0x289: {  	v21 =	vmul.f32 v16, v3;
	v6 =	vadd.f32 v41, v5;
	[tilespmem:$0x1FBE0] =	vst v63;
	v63 =	vld [tilespmem:s24+$0xD30]  }
0x28a: {  	v8 =	vadd.f32 v59, v0;
	v2 =	vadd.f32 v18, v32;
	v59 =	vmul.f32 v35, v4;
	v41 =	vld [tilespmem:s24+$0x9150]  }
0x28b: {  	v32 =	vadd.f32 v19, v23;
	v23 =	vmul.f32 v31, v3;
	v31 =	vmul.f32 v45, v4;
	v45 =	vld [tilespmem:s24+$0x9170]  }
0x28c: {  	v35 =	vmul.f32 v42, v3;
	v42 =	vmul.f32 v60, v4;
	v60 =	vld [tilespmem:s24+$0x9500]  }
0x28d: {  	v5 =	vld [tilespmem:s24+$0x11510]  }
0x28e: {  	v0 =	vadd.f32 v21, v25;
	v21 =	vmul.f32 v24, v4;
	v24 =	vmul.f32 v22, v3;
	[tilespmem:$0x1FBB0] =	vst v63;
	v63 =	vld [tilespmem:s24+$0x8D30]  }
0x28f: {  	v14 =	vadd.f32 v59, v32;
	v59 =	vld [tilespmem:s24+$0x1160]  }
0x290: {  	v25 =	vmul.f32 v26, v3;
	v26 =	vadd.f32 v24, v52;
	v52 =	vld [tilespmem:s24+$0x9160]  }
0x291: {  	v32 =	vmul.f32 v58, v4;
	v58 =	vld [tilespmem:s24+$0x1170]  }
0x292: {  	[tilespmem:s24+$0x10160] =	vst v6;
	v6 =	vld [tilespmem:s24+$0x9520]  }
0x293: {  	[tilespmem:$0x1FC00] =	vst v63;
	v63 =	vld [tilespmem:s24+$0x10D40]  }
0x294: {  	v36 =	vmul.f32 v36, v3;
	[tilespmem:s24+$0x10500] =	vst v8;
	v8 =	vld [tilespmem:s24+$0x11530]  }
0x295: {  	v16 =	vadd.f32 v21, v0;
	v0 =	vadd.f32 v25, v38;
	v38 =	vmul.f32 v37, v3;
	[tilespmem:$0x1FAD0] =	vst v61;
	v61 =	vld [tilespmem:s24+$0x960]  }
0x296: {  	[tilespmem:$0x1FD10] =	vst v44;
	v44 =	vmul.f32 v33, v4;
	v18 =	vadd.f32 v32, v26;
	v32 =	vld [tilespmem:$0x1FA70]  }
0x297: {  	v33 =	vmul.f32 v39, v4;
	v39 =	vadd.f32 v36, v46;
	v46 =	vadd.f32 v38, v50;
	v38 =	vld [tilespmem:$0x1FA90]  }
0x298: {  	[tilespmem:$0x1FBF0] =	vst v63;
	v63 =	vld [tilespmem:s24+$0xD40]  }
0x299: {  	v17 =	vadd.f32 v44, v2;
	v44 =	vld [tilespmem:s24+$0x11160]  }
0x29a: {  	[tilespmem:s24+$0x10110] =	vst v27;
	v27 =	vmul.f32 v48, v3;
	v2 =	vadd.f32 v23, v43;
	v43 =	vld [tilespmem:s24+$0x11170]  }
0x29b: {  	v19 =	vadd.f32 v33, v0;
	v0 =	vld [tilespmem:s24+$0x1500]  }
0x29c: {  	v7 =	vmul.f32 v7, v3;
	v33 =	vadd.f32 v27, v55;
	v55 =	vld [tilespmem:$0x1FAD0]  }
0x29d: {  	v9 =	vmul.f32 v9, v3;
	[tilespmem:$0x1FBC0] =	vst v63;
	v63 =	vld [tilespmem:s24+$0x8D40]  }
0x29e: {  	v50 =	vmul.f32 v53, v4;
	v53 =	vmul.f32 v47, v4;
	v5 =	vadd.f32 v7, v5;
	v7 =	vld [tilespmem:s24+$0x11930]  }
0x29f: {  	v1 =	vadd.f32 v9, v1;
	v9 =	vld [tilespmem:s24+$0x11940]  }
0x2a0: {  	[tilespmem:s24+$0x10100] =	vst v20;
	v20 =	vadd.f32 v53, v46;
	v46 =	vld [tilespmem:$0x1FAA0]  }
0x2a1: {  	v22 =	vadd.f32 v50, v39;
	v50 =	vld [tilespmem:$0x1FAB0]  }
0x2a2: {  	[tilespmem:$0x1FC20] =	vst v63;
	v63 =	vld [tilespmem:s24+$0x10D50]  }
0x2a3: {  	v53 =	vld [tilespmem:$0x1FAC0]  }
0x2a4: {  	v21 =	vadd.f32 v31, v2;
	v2 =	vadd.f32 v35, v56;
	v56 =	vld [tilespmem:s24+$0x11500]  }
0x2a5: {  	v35 =	vld [tilespmem:$0x1FA80]  }
0x2a6: {  	v24 =	vadd.f32 v42, v2;
	v2 =	vld [tilespmem:s24+$0x9510]  }
0x2a7: {  	v31 =	vmul.f32 v51, v3;
	[tilespmem:$0x1FC10] =	vst v63;
	v63 =	vld [tilespmem:s24+$0xD50]  }
0x2a8: {  	v26 =	vmul.f32 v54, v3;
	v48 =	vmul.f32 v61, v3;
	v61 =	vld [tilespmem:$0x1FAE0]  }
0x2a9: {  	v37 =	vadd.f32 v31, v57;
	v39 =	vmul.f32 v38, v4;
	v31 =	vld [tilespmem:s24+$0x9530]  }
0x2aa: {  	[tilespmem:s24+$0x10130] =	vst v11;
	v11 =	vadd.f32 v26, v32;
	v32 =	vld [tilespmem:s24+$0x11540]  }
0x2ab: {  	v42 =	vmul.f32 v62, v4;
	v23 =	vadd.f32 v39, v33;
	v33 =	vld [tilespmem:$0x1FAF0]  }
0x2ac: {  	[tilespmem:$0x1FBD0] =	vst v63;
	v63 =	vld [tilespmem:s24+$0x8D50]  }
0x2ad: {  	v0 =	vmul.f32 v0, v3;
	v25 =	vadd.f32 v42, v37;
	v37 =	vld [tilespmem:$0x1FB10]  }
0x2ae: {  	v47 =	vmul.f32 v46, v3;
	v36 =	vmul.f32 v35, v4;
	v35 =	vld [tilespmem:$0x1FB00]  }
0x2af: {  	v0 =	vadd.f32 v0, v56;
	v56 =	vld [tilespmem:s24+$0x9960]  }
0x2b0: {  	v54 =	vadd.f32 v47, v53;
	v47 =	vld [tilespmem:$0x1FB50]  }
0x2b1: {  	[tilespmem:$0x1FC30] =	vst v63;
	v63 =	vld [tilespmem:s24+$0x10D60]  }
0x2b2: {  	v39 =	vld [tilespmem:$0x1FB20]  }
0x2b3: {  	v57 =	vadd.f32 v48, v55;
	v48 =	vld [tilespmem:$0x1FB60]  }
0x2b4: {  	v42 =	vld [tilespmem:$0x1FB30]  }
0x2b5: {  	v46 =	vld [tilespmem:$0x1FB40]  }
0x2b6: {  	v51 =	vmul.f32 v50, v3;
	[tilespmem:$0x1FC70] =	vst v63;
	v63 =	vld [tilespmem:s24+$0xD60]  }
0x2b7: {  	[tilespmem:s24+$0x10120] =	vst v30;
	v53 =	vld [tilespmem:$0x1FB90]  }
0x2b8: {  	[tilespmem:s24+$0x10170] =	vst v15;
	v62 =	vmul.f32 v61, v4;
	v27 =	vadd.f32 v51, v33;
	v51 =	vld [tilespmem:$0x1FB80]  }
0x2b9: {  	[tilespmem:s24+$0x10520] =	vst v14;
	v11 =	vadd.f32 v36, v11;
	v38 =	vmul.f32 v37, v4;
	v33 =	vld [tilespmem:s24+$0x1530]  }
0x2ba: {  	[tilespmem:s24+$0x10510] =	vst v17;
	v15 =	vadd.f32 v62, v54;
	v37 =	vld [tilespmem:s24+$0x9540];
	v36 =	vmul.f32 v35, v4;
	v17 =	vmul.f32 v39, v3  }
0x2bb: {  	v26 =	vadd.f32 v38, v27;
	v30 =	vmul.f32 v42, v3;
	v27 =	vmul.f32 v46, v3;
	[tilespmem:$0x1FC40] =	vst v63;
	v63 =	vld [tilespmem:s24+$0x8D60]  }
0x2bc: {  	[tilespmem:s24+$0x10530] =	vst v16;
	v14 =	vadd.f32 v36, v57;
	v16 =	vadd.f32 v17, v47;
	v54 =	vld [tilespmem:$0x1FBA0]  }
0x2bd: {  	[tilespmem:s24+$0x10540] =	vst v21;
	v36 =	vld [tilespmem:s24+$0x1540];
	v17 =	vadd.f32 v30, v48;
	v21 =	vadd.f32 v27, v51;
	v27 =	vmul.f32 v53, v4  }
0x2be: {  	v50 =	vld [tilespmem:$0x1FB70]  }
0x2bf: {  	v17 =	vadd.f32 v27, v17;
	v27 =	vld [tilespmem:s24+$0x11550]  }
0x2c0: {  	[tilespmem:$0x1FC80] =	vst v63;
	v63 =	vld [tilespmem:s24+$0x10D70]  }
0x2c1: {  	v35 =	vmul.f32 v54, v4;
	v57 =	vld [tilespmem:$0x1FBC0]  }
0x2c2: {  	v62 =	vld [tilespmem:$0x1FBE0]  }
0x2c3: {  	[tilespmem:s24+$0x10560] =	vst v19;
	v19 =	vadd.f32 v35, v21;
	v35 =	vld [tilespmem:$0x1FBF0]  }
0x2c4: {  	v30 =	vmul.f32 v50, v4;
	v55 =	vld [tilespmem:$0x1FBB0]  }
0x2c5: {  	[tilespmem:$0x1FC90] =	vst v63;
	v63 =	vld [tilespmem:s24+$0xD70]  }
0x2c6: {  	v16 =	vadd.f32 v30, v16;
	v38 =	vld [tilespmem:$0x1FC00];
	v30 =	vmul.f32 v57, v3  }
0x2c7: {  	v42 =	vld [tilespmem:$0x1FC20]  }
0x2c8: {  	[tilespmem:s24+$0x10570] =	vst v24;
	v24 =	vadd.f32 v30, v35;
	v35 =	vld [tilespmem:s24+$0x1550]  }
0x2c9: {  	v61 =	vld [tilespmem:$0x1FBD0]  }
0x2ca: {  	[tilespmem:$0x1FC50] =	vst v63;
	v63 =	vld [tilespmem:s24+$0x8D70]  }
0x2cb: {  	v39 =	vld [tilespmem:$0x1FC10]  }
0x2cc: {  	[tilespmem:s24+$0x10900] =	vst v22;
	v22 =	vmul.f32 v42, v4;
	v46 =	vld [tilespmem:$0x1FC30]  }
0x2cd: {  	v42 =	vld [tilespmem:s24+$0x11560]  }
0x2ce: {  	[tilespmem:s24+$0x10920] =	vst v11;
	v11 =	vadd.f32 v22, v24;
	v24 =	vld [tilespmem:s24+$0x1560];
	v21 =	vmul.f32 v61, v3  }
0x2cf: {  	[tilespmem:$0x1FCA0] =	vst v63;
	v63 =	vld [tilespmem:s24+$0x11100]  }
0x2d0: {  	v21 =	vadd.f32 v21, v39;
	v39 =	vld [tilespmem:s24+$0x9550]  }
0x2d1: {  	v30 =	vmul.f32 v38, v4;
	v38 =	vmul.f32 v46, v4;
	v51 =	vld [tilespmem:$0x1FC70]  }
0x2d2: {  	v47 =	vld [tilespmem:$0x1FC40]  }
0x2d3: {  	v21 =	vadd.f32 v38, v21;
	v38 =	vld [tilespmem:s24+$0x9560]  }
0x2d4: {  	[tilespmem:$0x1FCB0] =	vst v63;
	v63 =	vld [tilespmem:s24+$0x1100]  }
0x2d5: {  	v53 =	vld [tilespmem:$0x1FC80]  }
0x2d6: {  	[tilespmem:s24+$0x10550] =	vst v18;
	v48 =	vld [tilespmem:$0x1FC50]  }
0x2d7: {  	[tilespmem:s24+$0x10910] =	vst v20;
	v18 =	vmul.f32 v55, v3;
	v20 =	vmul.f32 v47, v3;
	v47 =	vld [tilespmem:s24+$0x11570]  }
0x2d8: {  	v54 =	vld [tilespmem:$0x1FC90]  }
0x2d9: {  	v18 =	vadd.f32 v18, v62;
	[tilespmem:$0x1FC60] =	vst v63;
	v63 =	vld [tilespmem:s24+$0x9100]  }
0x2da: {  	[tilespmem:s24+$0x10970] =	vst v26;
	v26 =	vld [tilespmem:s24+$0x9910]  }
0x2db: {  	v18 =	vadd.f32 v30, v18;
	v30 =	vmul.f32 v48, v3;
	v55 =	vld [tilespmem:$0x1FCA0]  }
0x2dc: {  	v48 =	vmul.f32 v28, v3;
	v28 =	vld [tilespmem:s24+$0x1570]  }
0x2dd: {  	v30 =	vadd.f32 v30, v54;
	v54 =	vld [tilespmem:$0x1FCF0]  }
0x2de: {  	[tilespmem:$0x1FCC0] =	vst v63;
	v63 =	vld [tilespmem:s24+$0x11110]  }
0x2df: {  	v57 =	vld [tilespmem:$0x1FCB0]  }
0x2e0: {  	[tilespmem:s24+$0x10940] =	vst v25;
	v25 =	vmul.f32 v55, v4;
	v55 =	vld [tilespmem:$0x1FD00]  }
0x2e1: {  	[tilespmem:s24+$0x10930] =	vst v23;
	v50 =	vld [tilespmem:$0x1FC60]  }
0x2e2: {  	[tilespmem:s24+$0x10960] =	vst v14;
	v14 =	vadd.f32 v25, v30;
	v30 =	vld [tilespmem:s24+$0x9570]  }
0x2e3: {  	v20 =	vadd.f32 v20, v51;
	v23 =	vmul.f32 v53, v4;
	[tilespmem:$0x1FCE0] =	vst v63;
	v63 =	vld [tilespmem:s24+$0x1110]  }
0x2e4: {  	v13 =	vmul.f32 v13, v4;
	v6 =	vmul.f32 v6, v4;
	[tilespmem:s24+$0x10950] =	vst v15;
	v61 =	vld [tilespmem:$0x1FCC0]  }
0x2e5: {  	v2 =	vmul.f32 v2, v4;
	v15 =	vadd.f32 v23, v20;
	[tilespmem:s24+$0x10D00] =	vst v16;
	v23 =	vadd.f32 v48, v54;
	v48 =	vld [tilespmem:$0x1FD10]  }
0x2e6: {  	v54 =	vld [tilespmem:s24+$0x1920];
	[tilespmem:s24+$0x10D10] =	vst v17;
	v22 =	vmul.f32 v50, v3;
	v50 =	vmul.f32 v40, v3  }
0x2e7: {  	v1 =	vadd.f32 v6, v1;
	v25 =	vmul.f32 v37, v4;
	v37 =	vld [tilespmem:s24+$0x11950];
	v16 =	vmul.f32 v55, v4;
	[tilespmem:s24+$0x10D20] =	vst v19  }
0x2e8: {  	v22 =	vadd.f32 v22, v57;
	v10 =	vadd.f32 v50, v10;
	v57 =	vmul.f32 v29, v4;
	[tilespmem:$0x1FCD0] =	vst v63;
	v63 =	vld [tilespmem:s24+$0x9110]  }
0x2e9: {  	v16 =	vadd.f32 v16, v23;
	v50 =	vmul.f32 v41, v4;
	v46 =	vmul.f32 v61, v4;
	[tilespmem:s24+$0x10D30] =	vst v18;
	v62 =	vld [tilespmem:$0x1FCD0]  }
0x2ea: {  	v23 =	vld [tilespmem:s24+$0x11910];
	v41 =	vmul.f32 v39, v4;
	v10 =	vadd.f32 v57, v10;
	v57 =	vmul.f32 v45, v4;
	[tilespmem:s24+$0x10D40] =	vst v11  }
0x2eb: {  	v45 =	vmul.f32 v30, v4;
	v51 =	vld [tilespmem:$0x1FCE0];
	v22 =	vadd.f32 v46, v22;
	v46 =	vmul.f32 v59, v3;
	[tilespmem:s24+$0x10D50] =	vst v21  }
0x2ec: {  	v2 =	vadd.f32 v2, v5;
	v40 =	vld [tilespmem:s24+$0x11900];
	v59 =	vmul.f32 v33, v3;
	v33 =	vmul.f32 v24, v3;
	[tilespmem:s24+$0x10D60] =	vst v15  }
0x2ed: {  	v29 =	vld [tilespmem:s24+$0x1900];
	v19 =	vadd.f32 v46, v44;
	[tilespmem:s24+$0x10D70] =	vst v14;
	v53 =	vmul.f32 v63, v4;
	v63 =	vmul.f32 v49, v3  }
0x2ee: {  	v24 =	vld [tilespmem:s24+$0x9970];
	[tilespmem:s24+$0x11100] =	vst v22;
	v8 =	vadd.f32 v59, v8;
	v20 =	vmul.f32 v62, v3;
	v62 =	vmul.f32 v34, v3  }
0x2ef: {  	[tilespmem:s24+$0x11120] =	vst v16;
	v44 =	vmul.f32 v38, v4;
	v49 =	vld [tilespmem:s24+$0x1910];
	v12 =	vadd.f32 v63, v12;
	v63 =	vmul.f32 v31, v4  }
0x2f0: {  	[tilespmem:s24+$0x11130] =	vst v10;
	v46 =	vld [tilespmem:s24+$0x9950];
	v20 =	vadd.f32 v20, v51;
	v18 =	vadd.f32 v62, v48;
	v51 =	vmul.f32 v52, v4  }
0x2f1: {  	v21 =	vld [tilespmem:s24+$0x11920];
	[tilespmem:s24+$0x11510] =	vst v2;
	v52 =	vmul.f32 v58, v3;
	v11 =	vadd.f32 v50, v12;
	v8 =	vadd.f32 v63, v8  }
0x2f2: {  	[tilespmem:s24+$0x11520] =	vst v1;
	v34 =	vld [tilespmem:s24+$0x9900];
	v58 =	vmul.f32 v60, v4;
	v61 =	vadd.f32 v53, v20;
	v13 =	vadd.f32 v13, v18  }
0x2f3: {  	v60 =	vld [tilespmem:s24+$0x1930];
	v48 =	vmul.f32 v29, v3;
	v53 =	vadd.f32 v51, v19;
	v55 =	vadd.f32 v52, v43;
	[tilespmem:s24+$0x11150] =	vst v11  }
0x2f4: {  	v19 =	vld [tilespmem:s24+$0x9920];
	v0 =	vadd.f32 v58, v0;
	v49 =	vmul.f32 v49, v3;
	v52 =	vmul.f32 v54, v3;
	[tilespmem:s24+$0x11530] =	vst v8  }
0x2f5: {  	v62 =	vld [tilespmem:s24+$0x9930];
	v58 =	vmul.f32 v26, v4;
	v11 =	vadd.f32 v33, v42;
	v33 =	vmul.f32 v46, v4;
	[tilespmem:s24+$0x11110] =	vst v61  }
0x2f6: {  	v43 =	vld [tilespmem:s24+$0x1950];
	v14 =	vadd.f32 v57, v55;
	v61 =	vmul.f32 v36, v3;
	[tilespmem:s24+$0x11140] =	vst v13;
	v36 =	vmul.f32 v28, v3  }
0x2f7: {  	v31 =	vld [tilespmem:s24+$0x1940];
	[tilespmem:s24+$0x11500] =	vst v0;
	v54 =	vadd.f32 v49, v23;
	v57 =	vmul.f32 v34, v4;
	v0 =	vadd.f32 v44, v11  }
0x2f8: {  	v59 =	vld [tilespmem:s24+$0x1970];
	[tilespmem:s24+$0x11160] =	vst v53;
	v55 =	vmul.f32 v60, v3;
	v5 =	vadd.f32 v61, v32;
	v32 =	vmul.f32 v35, v3  }
0x2f9: {  	v53 =	vld [tilespmem:s24+$0x1960];
	[tilespmem:s24+$0x11170] =	vst v14;
	v10 =	vadd.f32 v36, v47;
	v60 =	vmul.f32 v19, v4;
	v19 =	vadd.f32 v58, v54  }
0x2fa: {  	v35 =	vld [tilespmem:s24+$0x9940];
	v61 =	vmul.f32 v62, v4;
	v7 =	vadd.f32 v55, v7;
	[tilespmem:s24+$0x11560] =	vst v0;
	v5 =	vadd.f32 v25, v5  }
0x2fb: {  	v50 =	vld [tilespmem:s24+$0x11960];
	v28 =	vmul.f32 v43, v3;
	v6 =	vadd.f32 v32, v27;
	v51 =	vadd.f32 v45, v10;
	[tilespmem:s24+$0x11910] =	vst v19  }
0x2fc: {  	v23 =	vmul.f32 v31, v3;
	v62 =	vld [tilespmem:s24+$0x11970];
	v10 =	vadd.f32 v52, v21;
	v27 =	vadd.f32 v61, v7;
	[tilespmem:s24+$0x11540] =	vst v5  }
0x2fd: {  	v34 =	vmul.f32 v59, v3;
	v32 =	vadd.f32 v28, v37;
	v47 =	vadd.f32 v41, v6;
	[tilespmem:s24+$0x11570] =	vst v51  }
0x2fe: {  	v31 =	vmul.f32 v53, v3;
	v6 =	vadd.f32 v48, v40;
	v26 =	vadd.f32 v60, v10;
	[tilespmem:s24+$0x11930] =	vst v27  }
0x2ff: {  	v29 =	vadd.f32 v23, v9;
	v30 =	vmul.f32 v35, v4;
	v37 =	vadd.f32 v33, v32;
	[tilespmem:s24+$0x11550] =	vst v47  }
0x300: {  	v36 =	vmul.f32 v56, v4;
	v35 =	vadd.f32 v31, v50;
	v63 =	vadd.f32 v57, v6;
	[tilespmem:s24+$0x11920] =	vst v26  }
0x301: {  	v39 =	vmul.f32 v24, v4;
	v38 =	vadd.f32 v34, v62;
	v0 =	vadd.f32 v30, v29;
	[tilespmem:s24+$0x11950] =	vst v37  }
0x302: {  	s19 =	sand.u32 $0x7, s16;
	v40 =	vadd.f32 v36, v35;
	[tilespmem:s24+$0x11900] =	vst v63  }
0x303: {  	s19 =	sshll.u32 s19, $0x7;
	v41 =	vadd.f32 v39, v38;
	[tilespmem:s24+$0x11940] =	vst v0  }
0x304: {  	s19 =	sadd.s32 s19, s7;
	[tilespmem:s24+$0x11960] =	vst v40  }
0x305: {  	[tilespmem:s24+$0x11970] =	vst v41;
	s24 =	sor.u32 $0x1C00, s19  }
0x306: {  	v0 =	vld [tilespmem:s24+$0x100]  }
0x307: {  	v1 =	vld [tilespmem:s24+$0x10100]  }
0x308: {  	v2 =	vld [tilespmem:s24+$0x8100];
	_ =	sdelay $0x2  }
0x309: {  	v0 =	vmul.f32 v0, v3;
	_ =	sdelay $0x1  }
0x30a: {  	v42 =	vmul.f32 v2, v4;
	v0 =	vadd.f32 v0, v1;
	_ =	sdelay $0x1  }
0x30b: {  	v0 =	vadd.f32 v42, v0;
	_ =	sdelay $0x1  }
0x30c: {  	[tilespmem:s24+$0x10100] =	vst v0;
	s24 =	sor.u32 $0x1C10, s19  }
0x30d: {  	v0 =	vld [tilespmem:s24+$0x100]  }
0x30e: {  	v43 =	vld [tilespmem:s24+$0x10100]  }
0x30f: {  	v44 =	vld [tilespmem:s24+$0x8100];
	_ =	sdelay $0x2  }
0x310: {  	v0 =	vmul.f32 v0, v3;
	_ =	sdelay $0x1  }
0x311: {  	v45 =	vmul.f32 v44, v4;
	v0 =	vadd.f32 v0, v43;
	_ =	sdelay $0x1  }
0x312: {  	v0 =	vadd.f32 v45, v0;
	_ =	sdelay $0x1  }
0x313: {  	[tilespmem:s24+$0x10100] =	vst v0;
	s24 =	sor.u32 $0x1C20, s19  }
0x314: {  	v0 =	vld [tilespmem:s24+$0x100]  }
0x315: {  	v46 =	vld [tilespmem:s24+$0x10100]  }
0x316: {  	v47 =	vld [tilespmem:s24+$0x8100];
	_ =	sdelay $0x2  }
0x317: {  	v0 =	vmul.f32 v0, v3;
	_ =	sdelay $0x1  }
0x318: {  	v48 =	vmul.f32 v47, v4;
	v0 =	vadd.f32 v0, v46;
	_ =	sdelay $0x1  }
0x319: {  	v0 =	vadd.f32 v48, v0;
	_ =	sdelay $0x1  }
0x31a: {  	[tilespmem:s24+$0x10100] =	vst v0;
	s24 =	sor.u32 $0x1C30, s19  }
0x31b: {  	v0 =	vld [tilespmem:s24+$0x100]  }
0x31c: {  	v49 =	vld [tilespmem:s24+$0x10100]  }
0x31d: {  	v50 =	vld [tilespmem:s24+$0x8100];
	_ =	sdelay $0x2  }
0x31e: {  	v0 =	vmul.f32 v0, v3;
	_ =	sdelay $0x1  }
0x31f: {  	v51 =	vmul.f32 v50, v4;
	v0 =	vadd.f32 v0, v49;
	_ =	sdelay $0x1  }
0x320: {  	v0 =	vadd.f32 v51, v0;
	_ =	sdelay $0x1  }
0x321: {  	[tilespmem:s24+$0x10100] =	vst v0;
	s24 =	sor.u32 $0x1C40, s19  }
0x322: {  	v0 =	vld [tilespmem:s24+$0x100]  }
0x323: {  	v52 =	vld [tilespmem:s24+$0x10100]  }
0x324: {  	v53 =	vld [tilespmem:s24+$0x8100];
	_ =	sdelay $0x2  }
0x325: {  	v0 =	vmul.f32 v0, v3;
	_ =	sdelay $0x1  }
0x326: {  	v54 =	vmul.f32 v53, v4;
	v0 =	vadd.f32 v0, v52;
	_ =	sdelay $0x1  }
0x327: {  	v0 =	vadd.f32 v54, v0;
	_ =	sdelay $0x1  }
0x328: {  	[tilespmem:s24+$0x10100] =	vst v0;
	s24 =	sor.u32 $0x1C50, s19  }
0x329: {  	v0 =	vld [tilespmem:s24+$0x100]  }
0x32a: {  	v55 =	vld [tilespmem:s24+$0x10100]  }
0x32b: {  	v56 =	vld [tilespmem:s24+$0x8100];
	_ =	sdelay $0x2  }
0x32c: {  	v0 =	vmul.f32 v0, v3;
	_ =	sdelay $0x1  }
0x32d: {  	v57 =	vmul.f32 v56, v4;
	v0 =	vadd.f32 v0, v55;
	_ =	sdelay $0x1  }
0x32e: {  	v0 =	vadd.f32 v57, v0;
	_ =	sdelay $0x1  }
0x32f: {  	[tilespmem:s24+$0x10100] =	vst v0;
	s24 =	sor.u32 $0x1C60, s19  }
0x330: {  	v0 =	vld [tilespmem:s24+$0x100]  }
0x331: {  	v58 =	vld [tilespmem:s24+$0x10100]  }
0x332: {  	v59 =	vld [tilespmem:s24+$0x8100];
	_ =	sdelay $0x2  }
0x333: {  	v0 =	vmul.f32 v0, v3;
	_ =	sdelay $0x1  }
0x334: {  	v60 =	vmul.f32 v59, v4;
	v0 =	vadd.f32 v0, v58;
	_ =	sdelay $0x1  }
0x335: {  	v0 =	vadd.f32 v60, v0;
	_ =	sdelay $0x1  }
0x336: {  	s19 =	sor.u32 $0x1C70, s19;
	[tilespmem:s24+$0x10100] =	vst v0  }
0x337: {  	v0 =	vld [tilespmem:s19+$0x100]  }
0x338: {  	v61 =	vld [tilespmem:s19+$0x10100]  }
0x339: {  	v62 =	vld [tilespmem:s19+$0x8100];
	_ =	sdelay $0x2  }
0x33a: {  	v0 =	vmul.f32 v0, v3  }
0x33b: {  	p0 =	sne.s32 s18, $0xF80  }
.Ltmp1:
0x33c: {  	v63 =	vmul.f32 v62, v4;
	v0 =	vadd.f32 v0, v61;
	(pc) =	sbr.rel @p0 .LBB2_4-.Ltmp1, $4  }
0x33d: {  	_ = 	snop  }
0x33e: {  	v0 =	vadd.f32 v63, v0  }
0x33f: {  	s23 =	sadd.s32 $0x80, s23;
	s17 =	sadd.s32 $0x80, s17  }
0x340: {  	s18 =	sadd.s32 $0x80, s18;
	s16 =	sadd.s32 $0x1, s16;
	s7 =	sadd.s32 $0x400, s7;
	[tilespmem:s19+$0x10100] =	vst v0  }
0x341: {  	s7 =	rddreg [dreg:$0xe]  }
0x342: {  	[hbm4b:s7+s1] =	stream.linear.scatter [tilespmem:s21], [sflag:$0x2], $0x8000, $0x38;
	[tilespmem:$0x1A100] =	vst v63  }
0x343: {  	_ =	swait.ge [sflag:s15], $0x8000  }
0x344: {  	s6 =	sadd.s32 $0x1, s6;
	s24 =	rddreg [dreg:$0xf]  }
0x345: {  	p0 =	sne.s32 s6, s24  }
.Ltmp2:
0x346: {  	_ = 	snop;
	(pc) =	sbr.rel @p0 .LBB2_1-.Ltmp2, $3  }
0x347: {  	_ =	sdelay $0x1  }
0x348: {  	[sflag:s15] =	ssyncset.done $0x0  }
0x349: {  	[sflag:s15] =	ssyncadd.s32 $0xFFFF8000  }
0x34a: {  	_ =	sfence.sel $0x180000  }
0x34b: {  	[bflag:$0x0] =	sbarrier.arrive $0xFFFF  }
0x34c: {  	_ =	strace $0x9000004A  }
0x34d: {  	s0 =	stileid.u32;
	[bflag:$0x2] =	sbarrier.arrive $0xFFFF  }
0x34e: {  	p0 =	sne.s32 s0, $0x0;
	s0 =	rddreg [dreg:$0x2]  }
0x34f: {  	s0 =	sadd.s32 @!p0 $0x100000, s0  }
0x350: {  	[sflag:s0] =	ssyncadd.tile.s32 @!p0 $0x1;
	_ =	shalt  }
.Lfunc_end2:
_tile_overlayer_lowered:
.L_overlay_start_2:
0x351: {  	(tag) =	ssettag $0x2  }
0x352: {  	s0 =	rddreg [dreg:$0x0];
	s2 =	stileid.u32  }
0x353: {  	s1 =	rddreg [dreg:$0x1];
	p0 =	sne.s32 s2, $0x0  }
0x354: {  	s3 =	rddreg [dreg:$0x2];
	[bflag:$0x3] =	sbarrier.arrive $0xFFFF;
	s2 =	simm.s32 @!p0 $0x1C02  }
0x355: {  	[timem:s3], [sflag:s2] =	dma.local @!p0 [hbm:s0], s1  }
0x356: {  	s0 =	simm.s32 @!p0 $0x2  }
0x357: {  	_ =	swait.ge @!p0 [sflag:s0], s1  }
0x358: {  	s1 =	ssub.s32 @!p0 $0x0, s1;
	[sflag:s0] =	ssyncset.done @!p0 $0x0  }
0x359: {  	[sflag:s0] =	ssyncadd.s32 @!p0 s1  }
0x35a: {  	[bflag:$0x3] =	sbarrier.arrive $0xFFFF  }
0x35b: {  	_ =	shalt  }

// kernel: kernel.7.cloned.1.call-start
scs
__scs_entry_jumppad:
0x0: {  	(pc) =	sbr.rel $0x88, $3  }
0x1: {  	(tag) =	ssettag $0x0;
	lr =	simm.s32 $0x1  }
0x2: {  	[smem:$0x3F9B] =	sst lr;
	_ =	strace $0xD0000000  }
0x3: {  	_ = 	snop  }
0x4: {  	_ = 	snop  }
0x5: {  	_ = 	snop  }
0x6: {  	_ = 	snop  }
0x7: {  	_ = 	snop  }
__scs_overlays_trampoline_lowered:
0x8: {  	[smem:$0x3FAA] =	sst s0  }
0x9: {  	[smem:$0x3FAB] =	sst s1  }
0xa: {  	[smem:$0x3FAC] =	sst s2  }
0xb: {  	[smem:$0x3FAD] =	sst s3  }
0xc: {  	[smem:$0x3FAE] =	sst s4  }
0xd: {  	[smem:$0x3FAF] =	sst s5  }
0xe: {  	[smem:$0x3FB0] =	sst s6  }
0xf: {  	[smem:$0x3FB1] =	sst s7  }
0x10: {  	[smem:$0x3FB2] =	sst s8  }
0x11: {  	[smem:$0x3FB3] =	sst s9;
	s0 =	simm.s32 @!p0 $0x0  }
0x12: {  	s1 =	sld [smem:$0x3F99];
	s0 =	simm.s32 @p0 $0x1  }
0x13: {  	[smem:$0x3FB4] =	sst s0;
	s0 =	simm.s32 @!p1 $0x0  }
0x14: {  	s2 =	sld [smem:$0x3F98];
	s0 =	simm.s32 @p1 $0x1  }
0x15: {  	[smem:$0x3FB5] =	sst s0;
	s0 =	simm.s32 @!p2 $0x0  }
0x16: {  	s3 =	sld [smem:$0x3FDB];
	s0 =	simm.s32 @p2 $0x1  }
0x17: {  	s4 =	simm.s32 $0x1BF5;
	[smem:$0x3FB7] =	sst s0  }
0x18: {  	s0 =	sld [smem:$0x3F9A];
	_ =	swait.ge [sflag:s4], $0x0  }
0x19: {  	s7 =	sld [smem:$0x3F9B]  }
0x1a: {  	s8 =	sadd.s32 $0xFFFFE003, lr  }
0x1b: {  	s9 =	sadd.s32 $0xFFFFFEF7, lr;
	s5 =	simm.s32 $0xFFFFFFFF;
	p2 =	slt.u32 s8, $0xFFFFF086  }
0x1c: {  	p1 =	slt.u32 s9, $0xF7A;
	s5 =	simm.s32 @!p2 $0x0  }
0x1d: {  	s5 =	simm.s32 @p1 $0x1;
	p0 =	seq.s32 s7, s2  }
0x1e: {  	s7 =	smul.u32 @!p0 $0xF7A, s2;
	p2 =	seq.s32 @!p0 s5, $0x0  }
0x1f: {  	s9 =	smul.u32 $0xF7A, s1;
	s8 =	simm.s32 @!p0 $0x1BF5;
	p2 =	por !p2, p0  }
0x20: {  	[sflag:s8] =	ssyncset.s32 @!p0 $0xFFFFF086;
	s6 =	sadd.s32 @!p0 s3, s7;
	s7 =	simm.s32 @!p0 $0x108  }
0x21: {  	s3 =	sadd.s32 s3, s9;
	s6 =	sadd.s32 @!p0 $0x88, s6;
	s7 =	simm.s32 @p2 $0x1082  }
0x22: {  	[simem:s7], [sflag:s8] =	dma.local @!p0 [hbm:s6], $0xF7A  }
0x23: {  	s9 =	sor.u32 $0xD0000000, s2;
	s6 =	simm.s32 $0x108;
	_ =	swait.ge @!p0 [sflag:s8], $0x0  }
0x24: {  	s3 =	sadd.s32 $0x88, s3;
	s6 =	simm.s32 @!p1 $0x1082;
	[sflag:s4] =	ssyncset.s32 $0xFFFFF086  }
0x25: {  	[simem:s6], [sflag:s4] =	dma.local [hbm:s3], $0xF7A  }
0x26: {  	[smem:$0x3F9B] =	sst s1;
	(tag) =	ssettag s2;
	_ =	strace s9  }
0x27: {  	s1 =	sld [smem:$0x3FAB]  }
0x28: {  	s2 =	sld [smem:$0x3FAC]  }
0x29: {  	s4 =	sld [smem:$0x3FAE]  }
0x2a: {  	p0 =	seq.s32 s5, $0x0;
	s5 =	sld [smem:$0x3FAF]  }
0x2b: {  	s6 =	sld [smem:$0x3FB0]  }
0x2c: {  	s7 =	sld [smem:$0x3FB1]  }
0x2d: {  	s3 =	simm.s32 $0x108;
	s8 =	sld [smem:$0x3FB2]  }
0x2e: {  	s3 =	simm.s32 @!p0 $0x1082;
	s9 =	sld [smem:$0x3FB3]  }
0x2f: {  	lr =	sadd.s32 s0, s3;
	s0 =	sld [smem:$0x3FAA]  }
0x30: {  	s3 =	sld [smem:$0x3FAD]  }
0x31: {  	[smem:$0x3FB6] =	sst s10  }
0x32: {  	s10 =	sld [smem:$0x3FB4];
	_ =	sdelay $0x3  }
0x33: {  	p0 =	seq.s32 s10, $0x1;
	s10 =	sld [smem:$0x3FB6];
	_ =	sdelay $0x3  }
0x34: {  	[smem:$0x3FB6] =	sst s10  }
0x35: {  	s10 =	sld [smem:$0x3FB5];
	_ =	sdelay $0x3  }
0x36: {  	p1 =	seq.s32 s10, $0x1;
	s10 =	sld [smem:$0x3FB6];
	_ =	sdelay $0x3  }
0x37: {  	[smem:$0x3FB6] =	sst s10  }
0x38: {  	s10 =	sld [smem:$0x3FB7]  }
0x39: {  	_ = 	snop;
	(pc) =	sbr.ind lr, $3  }
0x3a: {  	_ = 	snop  }
0x3b: {  	_ = 	snop  }
0x3c: {  	p2 =	seq.s32 s10, $0x1;
	s10 =	sld [smem:$0x3FB6]  }
0x3d: {  	_ =	shalt  }
0x3e: {  	_ =	shalt  }
0x3f: {  	_ =	shalt  }
0x40: {  	_ =	shalt  }
0x41: {  	_ =	shalt  }
0x42: {  	_ =	shalt  }
0x43: {  	_ =	shalt  }
0x44: {  	_ =	shalt  }
0x45: {  	_ =	shalt  }
0x46: {  	_ =	shalt  }
0x47: {  	_ =	shalt  }
0x48: {  	_ =	shalt  }
0x49: {  	_ =	shalt  }
0x4a: {  	_ =	shalt  }
0x4b: {  	_ =	shalt  }
0x4c: {  	_ =	shalt  }
0x4d: {  	_ =	shalt  }
0x4e: {  	_ =	shalt  }
0x4f: {  	_ =	shalt  }
0x50: {  	_ =	shalt  }
0x51: {  	_ =	shalt  }
0x52: {  	_ =	shalt  }
0x53: {  	_ =	shalt  }
0x54: {  	_ =	shalt  }
0x55: {  	_ =	shalt  }
0x56: {  	_ =	shalt  }
0x57: {  	_ =	shalt  }
0x58: {  	_ =	shalt  }
0x59: {  	_ =	shalt  }
0x5a: {  	_ =	shalt  }
0x5b: {  	_ =	shalt  }
0x5c: {  	_ =	shalt  }
0x5d: {  	_ =	shalt  }
0x5e: {  	_ =	shalt  }
0x5f: {  	_ =	shalt  }
0x60: {  	_ =	shalt  }
0x61: {  	_ =	shalt  }
0x62: {  	_ =	shalt  }
0x63: {  	_ =	shalt  }
0x64: {  	_ =	shalt  }
0x65: {  	_ =	shalt  }
0x66: {  	_ =	shalt  }
0x67: {  	_ =	shalt  }
0x68: {  	_ =	shalt  }
0x69: {  	_ =	shalt  }
0x6a: {  	_ =	shalt  }
0x6b: {  	_ =	shalt  }
0x6c: {  	_ =	shalt  }
0x6d: {  	_ =	shalt  }
0x6e: {  	_ =	shalt  }
0x6f: {  	_ =	shalt  }
0x70: {  	_ =	shalt  }
0x71: {  	_ =	shalt  }
0x72: {  	_ =	shalt  }
0x73: {  	_ =	shalt  }
0x74: {  	_ =	shalt  }
0x75: {  	_ =	shalt  }
0x76: {  	_ =	shalt  }
0x77: {  	_ =	shalt  }
0x78: {  	_ =	shalt  }
0x79: {  	_ =	shalt  }
0x7a: {  	_ =	shalt  }
0x7b: {  	_ =	shalt  }
0x7c: {  	_ =	shalt  }
0x7d: {  	_ =	shalt  }
0x7e: {  	_ =	shalt  }
0x7f: {  	_ =	shalt  }
0x80: {  	_ =	shalt  }
0x81: {  	_ =	shalt  }
0x82: {  	_ =	shalt  }
0x83: {  	_ =	shalt  }
0x84: {  	_ =	shalt  }
0x85: {  	_ =	shalt  }
0x86: {  	_ =	shalt  }
0x87: {  	_ =	shalt  }
.Lfunc_end0:
.L_simem_size_0:
called_computation_lowered:
.L_overlay_start_0:
0x88: {  	s2 =	sld [smem:$0x3FD9]  }
0x89: {  	s3 =	sld [smem:$0x3FFE];
	_ =	sdelay $0x1  }
0x8a: {  	s1 =	srdreg.scid  }
0x8b: {  	s0 =	sand.u32 $0x1, s1  }
0x8c: {  	s17 =	sshll.u32 s0, $0xA;
	s2 =	sadd.s32 s3, s2  }
0x8d: {  	s2 =	sadd.s32 s2, s17  }
0x8e: {  	[smem:$0x3FC2] =	sst s2  }
0x8f: {  	_ = 	snop  }
0x90: {  	s2 =	sld [smem:$0x3FC9];
	(tm) =	ssettm $0x1  }
0x91: {  	s18 =	sld [smem:$0x3FFB];
	_ =	sdelay $0x3  }
0x92: {  	_ =	strace s18  }
0x93: {  	s3 =	sld [smem:$0x3FFC];
	_ =	sdelay $0x3  }
0x94: {  	_ =	strace s3  }
0x95: {  	s3 =	sld [smem:$0x3FFD];
	_ =	sdelay $0x3  }
0x96: {  	_ =	strace s3  }
0x97: {  	_ =	strace $0x8FFFFFFF  }
0x98: {  	s19 =	sld [smem:$0x3FDB];
	_ =	sdelay $0x1  }
0x99: {  	s4 =	simm.s32 $_scs_section_size  }
0x9a: {  	s5 =	simm.s32 $_size__tile_overlayer_lowered;
	s6 =	simm.s32 $_tile_overlayer_lowered  }
0x9b: {  	s22 =	simm.s32 $0x1BFF;
	s21 =	sshll.u32 s6, $0x1;
	s3 =	sadd.s32 s4, s19  }
0x9c: {  	s7 =	simm.s32 $0x0;
	s20 =	sshll.u32 s5, $0x1;
	s5 =	sadd.s32 s21, s3  }
0x9d: {  	[timem:s7], [sflag:s22] =	dma.local [hbm:s5], s20  }
0x9e: {  	_ =	swait.ge [sflag:s22], s20  }
0x9f: {  	s4 =	ssub.s32 $0x0, s20;
	[sflag:s22] =	ssyncset.done $0x0  }
0xa0: {  	[sflag:s22] =	ssyncadd.s32 s4;
	_ =	sdelay $0x1  }
0xa1: {  	s23 =	simm.s32 $0x1B8B  }
0xa2: {  	_ =	swait.ge [sflag:s23], $0x1  }
0xa3: {  	[sflag:s23] =	ssyncset.done $0x0  }
0xa4: {  	s25 =	simm.s32 $0x1B8E;
	s24 =	sld [smem:$0x3FFE];
	[sflag:s23] =	ssyncadd.s32 $0xFFFFFFFF  }
0xa5: {  	s26 =	simm.s32 $execute0_lowered;
	[smem:$0x3FD2] =	sst s25  }
0xa6: {  	s5 =	sshll.u32 s26, $0x1;
	_ =	strace $0x80000046;
	[dreg:$0x1] =	wrdreg $0xFFFFFFFF  }
0xa7: {  	s28 =	simm.s32 $_size_execute0_lowered;
	s3 =	sadd.s32 s3, s5;
	[dreg:$0x0] =	wrdreg $0x0  }
0xa8: {  	s5 =	sshll.u32 s28, $0x1;
	[dreg:$0x2] =	wrdreg s3  }
0xa9: {  	[dreg:$0x3] =	wrdreg s5  }
0xaa: {  	[dreg:$0x4] =	wrdreg $0xC0  }
0xab: {  	_ =	task [dreg:s7], $0x5FFFF  }
0xac: {  	[dreg:$0x1] =	wrdreg $0xFFFFFFFF  }
0xad: {  	[dreg:$0x0] =	wrdreg $0x60  }
0xae: {  	[dreg:$0x2] =	wrdreg s2  }
0xaf: {  	[dreg:$0x3] =	wrdreg s24  }
0xb0: {  	[dreg:$0x4] =	wrdreg $0x9  }
0xb1: {  	_ =	task.clear_ibuf [dreg:s7], $0x5FFFF;
	_ =	strace $0x90000046  }
0xb2: {  	s29 =	simm.s32 $0x9;
	_ =	strace $0x80000048  }
0xb3: {  	_ =	swait.ge [sflag:s29], $0x1  }
0xb4: {  	[sflag:s29] =	ssyncadd.s32 $0xFFFFFFFF  }
0xb5: {  	_ =	strace $0x90000048  }
0xb6: {  	_ =	sfence  }
0xb7: {  	s30 =	sld [smem:$0x0];
	_ =	sdelay $0x2  }
0xb8: {  	s31 =	sshll.u32 s1, $0xD;
	s1 =	sshrl.u32 s1, $0x2  }
0xb9: {  	s3 =	sand.u32 $0x4000, s31;
	s1 =	sadd.s32 s1, s30  }
0xba: {  	s0 =	sor.u32 s3, s0;
	s1 =	sshll.u32 s1, $0x11  }
0xbb: {  	s0 =	sor.u32 s1, s0  }
0xbc: {  	s0 =	sadd.s32 $0x8F2B, s0  }
0xbd: {  	[sflag:s0] =	ssyncadd.remote.s32 $0x1  }
0xbe: {  	_ =	sfence.sel $0xFFFF  }
0xbf: {  	[dreg:$0x0] =	wrdreg $0xFFFFFFFF;
	(pc) =	sbr.abs _section_cstart, $3  }
0xc0: {  	[dreg:$0x1] =	wrdreg $0xFFFFFFFF  }
0xc1: {  	_ =	task.clear_ibuf [dreg:s7], $0x2FFFF;
	_ =	strace $0x9FFFFFFF  }
0xc2: {  	(tm) =	ssettm $0x7FFFFFFF  }
0xc3: {  	_ =	shalt  }
tec
execute0_lowered:
.L_overlay_start_1:
0x0: {  	(tag) =	ssettag $0x1  }
0x1: {  	s0 =	srdreg.scid;
	s1 =	rddreg [dreg:$0x0]  }
0x2: {  	s2 =	stileid.u32;
	s6 =	rddreg [dreg:$0x1]  }
0x3: {  	s26 =	simm.s32 $0x80;
	s9 =	simm.s32 $0x1;
	s21 =	simm.s32 $0x2100  }
0x4: {  	s22 =	simm.s32 $0x2900;
	s23 =	simm.s32 $0x3100;
	s24 =	simm.s32 $0x3900  }
0x5: {  	s28 =	simm.s32 $0x5100;
	s29 =	simm.s32 $0x5900;
	s30 =	simm.s32 $0x6100  }
0x6: {  	s31 =	simm.s32 $0x6900;
	s10 =	simm.s32 $0x8100;
	s11 =	simm.s32 $0x8900  }
0x7: {  	s12 =	simm.s32 $0x9100;
	s13 =	simm.s32 $0x9900;
	s14 =	simm.s32 $0xA100  }
0x8: {  	s15 =	simm.s32 $0xA900;
	s16 =	simm.s32 $0xB100;
	s0 =	sand.u32 $0x1, s0  }
0x9: {  	s17 =	simm.s32 $0xB900;
	s2 =	sshll.u32 s2, $0x7;
	s3 =	sshll.u32 s0, $0x6  }
0xa: {  	s0 =	ssub.s32 $0x2, s0;
	s3 =	sor.u32 s3, s2;
	s2 =	simm.s32 $0x0  }
0xb: {  	s25 =	sshrl.u32 s0, $0x1;
	s4 =	sshrl.u32 s3, $0x3;
	[smem:$0x7FF] =	sst s2  }
0xc: {  	s3 =	sshll.u32 s3, $0x7;
	s0 =	ssub.s32 s0, s25;
	s4 =	sadd.s32 s4, s6  }
0xd: {  	_ =	strace $0x80000047;
	s1 =	sadd.s32 s1, s3;
	[dreg:$0x6] =	wrdreg s26  }
0xe: {  	s25 =	simm.s32 $0x4100;
	s5 =	sadd.s32 $0x2800, s4;
	[dreg:$0x5] =	wrdreg s1  }
0xf: {  	v2 =	vlaneseq.u32;
	s3 =	sadd.s32 $0x12C00, s6;
	s4 =	sadd.s32 $0x2A00, s4;
	[dreg:$0x3] =	wrdreg s5  }
0x10: {  	vm0 =	vmmov $0xffff;
	v1 =	vshrl.u32 v2, $0x3;
	s7 =	smax.u32 s0, $0x1;
	s26 =	simm.s32 $0x4900;
	[dreg:$0x4] =	wrdreg s4  }
0x11: {  	v0 =	vand.u32 $0x7, v2;
	v2 =	vor.u32 $0x8, v2;
	v1 =	vmul.u32 $0x8, v1;
	s4 =	sadd.s32 $0x12D00, s6;
	s5 =	sadd.s32 $0x12E00, s6;
	s6 =	sadd.s32 $0x12F00, s6  }
.LBB2_1:
0x12: {  	s18 =	rddreg [dreg:$0x3]  }
0x13: {  	s19 =	rddreg [dreg:$0x4]  }
0x14: {  	[tilespmem:s2], [sflag:$0x1] =	stream.linear.gather [hbm4b:s18+s2], $0x40, $0x38;
	[tilespmem:$0x10100] =	vst v63  }
0x15: {  	s20 =	rddreg [dreg:$0x6]  }
0x16: {  	[tilespmem:s20], [sflag:$0x1] =	stream.linear.gather [hbm4b:s19+s2], $0x40, $0x38;
	[tilespmem:$0x10100] =	vst v63  }
0x17: {  	s8 =	rddreg [dreg:$0x5];
	s0 =	simm.s32 $0x100  }
0x18: {  	[tilespmem:s0], [sflag:$0x1] =	stream.linear.gather [hbm4b:s8+s2], $0x10000, $0x38;
	[tilespmem:$0x10100] =	vst v63  }
0x19: {  	_ =	swait.ge [sflag:s9], $0x40  }
0x1a: {  	[sflag:s9] =	ssyncset.done $0x0  }
0x1b: {  	[sflag:s9] =	ssyncadd.s32 $0xFFFFFFC0  }
0x1c: {  	_ =	swait.ge [sflag:s9], $0x40  }
0x1d: {  	[sflag:s9] =	ssyncset.done $0x0  }
0x1e: {  	[sflag:s9] =	ssyncadd.s32 $0xFFFFFFC0  }
0x1f: {  	_ =	swait.ge [sflag:s9], $0x10000  }
0x20: {  	[sflag:s9] =	ssyncset.done $0x0  }
0x21: {  	[sflag:s9] =	ssyncadd.s32 $0xFFFF0000  }
0x22: {  	v3 =	vld [tilespmem:$0x0];
	_ =	sdelay $0x4  }
0x23: {  	v4 =	vshll.u32 v3, $0x3  }
0x24: {  	v3 =	vand.u32 $0x7, v3;
	v4 =	vand.u32 $0xFFFFFFC0, v4  }
0x25: {  	v3 =	vor.u32 v3, v4  }
0x26: {  	v4 =	vperm.xlane v3, v0;
	_ =	sdelay $0x1  }
0x27: {  	v4 =	vadd.s32 v1, v4;
	_ =	sdelay $0x4  }
0x28: {  	[hbm4b:s3+s2] =	stream.indirect_vreg.scatter [tilespmem:s0], [sflag:$0x1], $0x80, v4, vm0, $0xb8;
	[tilespmem:$0x10100] =	vst v63  }
0x29: {  	s18 =	simm.s32 $0x900;
	v3 =	vperm.xlane v3, v2  }
0x2a: {  	[hbm4b:s4+s2] =	stream.indirect_vreg.scatter [tilespmem:s18], [sflag:$0x1], $0x80, v4, vm0, $0xb8;
	[tilespmem:$0x10100] =	vst v63  }
0x2b: {  	s19 =	simm.s32 $0x1100;
	v3 =	vadd.s32 v1, v3  }
0x2c: {  	[hbm4b:s5+s2] =	stream.indirect_vreg.scatter [tilespmem:s19], [sflag:$0x1], $0x80, v4, vm0, $0xb8;
	[tilespmem:$0x10100] =	vst v63  }
0x2d: {  	s20 =	simm.s32 $0x1900  }
0x2e: {  	[hbm4b:s6+s2] =	stream.indirect_vreg.scatter [tilespmem:s20], [sflag:$0x1], $0x80, v4, vm0, $0xb8;
	[tilespmem:$0x10100] =	vst v63  }
0x2f: {  	_ = 	snop  }
0x30: {  	[hbm4b:s3+s2] =	stream.indirect_vreg.scatter [tilespmem:s21], [sflag:$0x1], $0x80, v3, vm0, $0xb8;
	[tilespmem:$0x10100] =	vst v63  }
0x31: {  	_ = 	snop  }
0x32: {  	[hbm4b:s4+s2] =	stream.indirect_vreg.scatter [tilespmem:s22], [sflag:$0x1], $0x80, v3, vm0, $0xb8;
	[tilespmem:$0x10100] =	vst v63  }
0x33: {  	_ = 	snop  }
0x34: {  	[hbm4b:s5+s2] =	stream.indirect_vreg.scatter [tilespmem:s23], [sflag:$0x1], $0x80, v3, vm0, $0xb8;
	[tilespmem:$0x10100] =	vst v63  }
0x35: {  	_ = 	snop  }
0x36: {  	[hbm4b:s6+s2] =	stream.indirect_vreg.scatter [tilespmem:s24], [sflag:$0x1], $0x80, v3, vm0, $0xb8;
	[tilespmem:$0x10100] =	vst v63  }
0x37: {  	v3 =	vld [tilespmem:$0x10];
	_ =	sdelay $0x4  }
0x38: {  	v57 =	vshll.u32 v3, $0x3  }
0x39: {  	v3 =	vand.u32 $0x7, v3;
	v4 =	vand.u32 $0xFFFFFFC0, v57  }
0x3a: {  	v3 =	vor.u32 v3, v4  }
0x3b: {  	v4 =	vperm.xlane v3, v0;
	_ =	sdelay $0x1  }
0x3c: {  	v4 =	vadd.s32 v1, v4;
	_ =	sdelay $0x4  }
0x3d: {  	[hbm4b:s3+s2] =	stream.indirect_vreg.scatter [tilespmem:s25], [sflag:$0x1], $0x80, v4, vm0, $0xb8;
	[tilespmem:$0x10100] =	vst v63  }
0x3e: {  	v3 =	vperm.xlane v3, v2  }
0x3f: {  	[hbm4b:s4+s2] =	stream.indirect_vreg.scatter [tilespmem:s26], [sflag:$0x1], $0x80, v4, vm0, $0xb8;
	[tilespmem:$0x10100] =	vst v63  }
0x40: {  	v3 =	vadd.s32 v1, v3  }
0x41: {  	[hbm4b:s5+s2] =	stream.indirect_vreg.scatter [tilespmem:s28], [sflag:$0x1], $0x80, v4, vm0, $0xb8;
	[tilespmem:$0x10100] =	vst v63  }
0x42: {  	_ = 	snop  }
0x43: {  	[hbm4b:s6+s2] =	stream.indirect_vreg.scatter [tilespmem:s29], [sflag:$0x1], $0x80, v4, vm0, $0xb8;
	[tilespmem:$0x10100] =	vst v63  }
0x44: {  	_ = 	snop  }
0x45: {  	[hbm4b:s3+s2] =	stream.indirect_vreg.scatter [tilespmem:s30], [sflag:$0x1], $0x80, v3, vm0, $0xb8;
	[tilespmem:$0x10100] =	vst v63  }
0x46: {  	_ = 	snop  }
0x47: {  	[hbm4b:s4+s2] =	stream.indirect_vreg.scatter [tilespmem:s31], [sflag:$0x1], $0x80, v3, vm0, $0xb8;
	[tilespmem:$0x10100] =	vst v63  }
0x48: {  	s1 =	simm.s32 $0x7100  }
0x49: {  	[hbm4b:s5+s2] =	stream.indirect_vreg.scatter [tilespmem:s1], [sflag:$0x1], $0x80, v3, vm0, $0xb8;
	[tilespmem:$0x10100] =	vst v63  }
0x4a: {  	s8 =	simm.s32 $0x7900  }
0x4b: {  	[hbm4b:s6+s2] =	stream.indirect_vreg.scatter [tilespmem:s8], [sflag:$0x1], $0x80, v3, vm0, $0xb8;
	[tilespmem:$0x10100] =	vst v63  }
0x4c: {  	v3 =	vld [tilespmem:$0x20];
	_ =	sdelay $0x4  }
0x4d: {  	v58 =	vshll.u32 v3, $0x3  }
0x4e: {  	v3 =	vand.u32 $0x7, v3;
	v4 =	vand.u32 $0xFFFFFFC0, v58  }
0x4f: {  	v3 =	vor.u32 v3, v4  }
0x50: {  	v4 =	vperm.xlane v3, v0;
	_ =	sdelay $0x1  }
0x51: {  	v4 =	vadd.s32 v1, v4;
	_ =	sdelay $0x4  }
0x52: {  	[hbm4b:s3+s2] =	stream.indirect_vreg.scatter [tilespmem:s10], [sflag:$0x1], $0x80, v4, vm0, $0xb8;
	[tilespmem:$0x10100] =	vst v63  }
0x53: {  	v3 =	vperm.xlane v3, v2  }
0x54: {  	[hbm4b:s4+s2] =	stream.indirect_vreg.scatter [tilespmem:s11], [sflag:$0x1], $0x80, v4, vm0, $0xb8;
	[tilespmem:$0x10100] =	vst v63  }
0x55: {  	v3 =	vadd.s32 v1, v3  }
0x56: {  	[hbm4b:s5+s2] =	stream.indirect_vreg.scatter [tilespmem:s12], [sflag:$0x1], $0x80, v4, vm0, $0xb8;
	[tilespmem:$0x10100] =	vst v63  }
0x57: {  	_ = 	snop  }
0x58: {  	[hbm4b:s6+s2] =	stream.indirect_vreg.scatter [tilespmem:s13], [sflag:$0x1], $0x80, v4, vm0, $0xb8;
	[tilespmem:$0x10100] =	vst v63  }
0x59: {  	_ = 	snop  }
0x5a: {  	[hbm4b:s3+s2] =	stream.indirect_vreg.scatter [tilespmem:s14], [sflag:$0x1], $0x80, v3, vm0, $0xb8;
	[tilespmem:$0x10100] =	vst v63  }
0x5b: {  	_ = 	snop  }
0x5c: {  	[hbm4b:s4+s2] =	stream.indirect_vreg.scatter [tilespmem:s15], [sflag:$0x1], $0x80, v3, vm0, $0xb8;
	[tilespmem:$0x10100] =	vst v63  }
0x5d: {  	_ = 	snop  }
0x5e: {  	[hbm4b:s5+s2] =	stream.indirect_vreg.scatter [tilespmem:s16], [sflag:$0x1], $0x80, v3, vm0, $0xb8;
	[tilespmem:$0x10100] =	vst v63  }
0x5f: {  	_ = 	snop  }
0x60: {  	[hbm4b:s6+s2] =	stream.indirect_vreg.scatter [tilespmem:s17], [sflag:$0x1], $0x80, v3, vm0, $0xb8;
	[tilespmem:$0x10100] =	vst v63  }
0x61: {  	v3 =	vld [tilespmem:$0x30];
	_ =	sdelay $0x4  }
0x62: {  	v59 =	vshll.u32 v3, $0x3  }
0x63: {  	v3 =	vand.u32 $0x7, v3;
	v4 =	vand.u32 $0xFFFFFFC0, v59  }
0x64: {  	v3 =	vor.u32 v3, v4  }
0x65: {  	v4 =	vperm.xlane v3, v0;
	_ =	sdelay $0x1  }
0x66: {  	v4 =	vadd.s32 v1, v4;
	_ =	sdelay $0x3  }
0x67: {  	s8 =	simm.s32 $0xC100  }
0x68: {  	[hbm4b:s3+s2] =	stream.indirect_vreg.scatter [tilespmem:s8], [sflag:$0x1], $0x80, v4, vm0, $0xb8;
	[tilespmem:$0x10100] =	vst v63  }
0x69: {  	s1 =	simm.s32 $0xC900;
	v3 =	vperm.xlane v3, v2  }
0x6a: {  	[hbm4b:s4+s2] =	stream.indirect_vreg.scatter [tilespmem:s1], [sflag:$0x1], $0x80, v4, vm0, $0xb8;
	[tilespmem:$0x10100] =	vst v63  }
0x6b: {  	v3 =	vadd.s32 v1, v3;
	s1 =	simm.s32 $0xD100  }
0x6c: {  	[hbm4b:s5+s2] =	stream.indirect_vreg.scatter [tilespmem:s1], [sflag:$0x1], $0x80, v4, vm0, $0xb8;
	[tilespmem:$0x10100] =	vst v63  }
0x6d: {  	s1 =	simm.s32 $0xD900  }
0x6e: {  	[hbm4b:s6+s2] =	stream.indirect_vreg.scatter [tilespmem:s1], [sflag:$0x1], $0x80, v4, vm0, $0xb8;
	[tilespmem:$0x10100] =	vst v63  }
0x6f: {  	s1 =	simm.s32 $0xE100  }
0x70: {  	[hbm4b:s3+s2] =	stream.indirect_vreg.scatter [tilespmem:s1], [sflag:$0x1], $0x80, v3, vm0, $0xb8;
	[tilespmem:$0x10100] =	vst v63  }
0x71: {  	s1 =	simm.s32 $0xE900  }
0x72: {  	[hbm4b:s4+s2] =	stream.indirect_vreg.scatter [tilespmem:s1], [sflag:$0x1], $0x80, v3, vm0, $0xb8;
	[tilespmem:$0x10100] =	vst v63  }
0x73: {  	s1 =	simm.s32 $0xF100  }
0x74: {  	[hbm4b:s5+s2] =	stream.indirect_vreg.scatter [tilespmem:s1], [sflag:$0x1], $0x80, v3, vm0, $0xb8;
	[tilespmem:$0x10100] =	vst v63  }
0x75: {  	s1 =	simm.s32 $0xF900  }
0x76: {  	[hbm4b:s6+s2] =	stream.indirect_vreg.scatter [tilespmem:s1], [sflag:$0x1], $0x80, v3, vm0, $0xb8;
	[tilespmem:$0x10100] =	vst v63  }
0x77: {  	v3 =	vld [tilespmem:$0x80];
	_ =	sdelay $0x4  }
0x78: {  	v60 =	vshll.u32 v3, $0x3  }
0x79: {  	v3 =	vand.u32 $0x7, v3;
	v4 =	vand.u32 $0xFFFFFFC0, v60  }
0x7a: {  	v3 =	vor.u32 v3, v4  }
0x7b: {  	v4 =	vperm.xlane v3, v0;
	_ =	sdelay $0x1  }
0x7c: {  	v4 =	vadd.s32 v1, v4;
	_ =	sdelay $0x4  }
0x7d: {  	[hbm4b:s3+s2] =	stream.indirect_vreg.scatter [tilespmem:s0], [sflag:$0x1], $0x80, v4, vm0, $0xb8;
	[tilespmem:$0x10100] =	vst v63  }
0x7e: {  	v3 =	vperm.xlane v3, v2  }
0x7f: {  	[hbm4b:s4+s2] =	stream.indirect_vreg.scatter [tilespmem:s18], [sflag:$0x1], $0x80, v4, vm0, $0xb8;
	[tilespmem:$0x10100] =	vst v63  }
0x80: {  	v3 =	vadd.s32 v1, v3  }
0x81: {  	[hbm4b:s5+s2] =	stream.indirect_vreg.scatter [tilespmem:s19], [sflag:$0x1], $0x80, v4, vm0, $0xb8;
	[tilespmem:$0x10100] =	vst v63  }
0x82: {  	_ = 	snop  }
0x83: {  	[hbm4b:s6+s2] =	stream.indirect_vreg.scatter [tilespmem:s20], [sflag:$0x1], $0x80, v4, vm0, $0xb8;
	[tilespmem:$0x10100] =	vst v63  }
0x84: {  	_ = 	snop  }
0x85: {  	[hbm4b:s3+s2] =	stream.indirect_vreg.scatter [tilespmem:s21], [sflag:$0x1], $0x80, v3, vm0, $0xb8;
	[tilespmem:$0x10100] =	vst v63  }
0x86: {  	_ = 	snop  }
0x87: {  	[hbm4b:s4+s2] =	stream.indirect_vreg.scatter [tilespmem:s22], [sflag:$0x1], $0x80, v3, vm0, $0xb8;
	[tilespmem:$0x10100] =	vst v63  }
0x88: {  	_ = 	snop  }
0x89: {  	[hbm4b:s5+s2] =	stream.indirect_vreg.scatter [tilespmem:s23], [sflag:$0x1], $0x80, v3, vm0, $0xb8;
	[tilespmem:$0x10100] =	vst v63  }
0x8a: {  	_ = 	snop  }
0x8b: {  	[hbm4b:s6+s2] =	stream.indirect_vreg.scatter [tilespmem:s24], [sflag:$0x1], $0x80, v3, vm0, $0xb8;
	[tilespmem:$0x10100] =	vst v63  }
0x8c: {  	v3 =	vld [tilespmem:$0x90];
	_ =	sdelay $0x4  }
0x8d: {  	v61 =	vshll.u32 v3, $0x3  }
0x8e: {  	v3 =	vand.u32 $0x7, v3;
	v4 =	vand.u32 $0xFFFFFFC0, v61  }
0x8f: {  	v3 =	vor.u32 v3, v4  }
0x90: {  	v4 =	vperm.xlane v3, v0;
	_ =	sdelay $0x1  }
0x91: {  	v4 =	vadd.s32 v1, v4;
	_ =	sdelay $0x4  }
0x92: {  	[hbm4b:s3+s2] =	stream.indirect_vreg.scatter [tilespmem:s25], [sflag:$0x1], $0x80, v4, vm0, $0xb8;
	[tilespmem:$0x10100] =	vst v63  }
0x93: {  	v3 =	vperm.xlane v3, v2  }
0x94: {  	[hbm4b:s4+s2] =	stream.indirect_vreg.scatter [tilespmem:s26], [sflag:$0x1], $0x80, v4, vm0, $0xb8;
	[tilespmem:$0x10100] =	vst v63  }
0x95: {  	v3 =	vadd.s32 v1, v3  }
0x96: {  	[hbm4b:s5+s2] =	stream.indirect_vreg.scatter [tilespmem:s28], [sflag:$0x1], $0x80, v4, vm0, $0xb8;
	[tilespmem:$0x10100] =	vst v63  }
0x97: {  	_ = 	snop  }
0x98: {  	[hbm4b:s6+s2] =	stream.indirect_vreg.scatter [tilespmem:s29], [sflag:$0x1], $0x80, v4, vm0, $0xb8;
	[tilespmem:$0x10100] =	vst v63  }
0x99: {  	_ = 	snop  }
0x9a: {  	[hbm4b:s3+s2] =	stream.indirect_vreg.scatter [tilespmem:s30], [sflag:$0x1], $0x80, v3, vm0, $0xb8;
	[tilespmem:$0x10100] =	vst v63  }
0x9b: {  	_ = 	snop  }
0x9c: {  	[hbm4b:s4+s2] =	stream.indirect_vreg.scatter [tilespmem:s31], [sflag:$0x1], $0x80, v3, vm0, $0xb8;
	[tilespmem:$0x10100] =	vst v63  }
0x9d: {  	s20 =	simm.s32 $0x7100  }
0x9e: {  	[hbm4b:s5+s2] =	stream.indirect_vreg.scatter [tilespmem:s20], [sflag:$0x1], $0x80, v3, vm0, $0xb8;
	[tilespmem:$0x10100] =	vst v63  }
0x9f: {  	s18 =	simm.s32 $0x7900  }
0xa0: {  	[hbm4b:s6+s2] =	stream.indirect_vreg.scatter [tilespmem:s18], [sflag:$0x1], $0x80, v3, vm0, $0xb8;
	[tilespmem:$0x10100] =	vst v63  }
0xa1: {  	v3 =	vld [tilespmem:$0xA0];
	_ =	sdelay $0x4  }
0xa2: {  	v62 =	vshll.u32 v3, $0x3  }
0xa3: {  	v3 =	vand.u32 $0x7, v3;
	v4 =	vand.u32 $0xFFFFFFC0, v62  }
0xa4: {  	v3 =	vor.u32 v3, v4  }
0xa5: {  	v4 =	vperm.xlane v3, v0;
	_ =	sdelay $0x1  }
0xa6: {  	v4 =	vadd.s32 v1, v4;
	_ =	sdelay $0x4  }
0xa7: {  	[hbm4b:s3+s2] =	stream.indirect_vreg.scatter [tilespmem:s10], [sflag:$0x1], $0x80, v4, vm0, $0xb8;
	[tilespmem:$0x10100] =	vst v63  }
0xa8: {  	v3 =	vperm.xlane v3, v2  }
0xa9: {  	[hbm4b:s4+s2] =	stream.indirect_vreg.scatter [tilespmem:s11], [sflag:$0x1], $0x80, v4, vm0, $0xb8;
	[tilespmem:$0x10100] =	vst v63  }
0xaa: {  	v3 =	vadd.s32 v1, v3  }
0xab: {  	[hbm4b:s5+s2] =	stream.indirect_vreg.scatter [tilespmem:s12], [sflag:$0x1], $0x80, v4, vm0, $0xb8;
	[tilespmem:$0x10100] =	vst v63  }
0xac: {  	_ = 	snop  }
0xad: {  	[hbm4b:s6+s2] =	stream.indirect_vreg.scatter [tilespmem:s13], [sflag:$0x1], $0x80, v4, vm0, $0xb8;
	[tilespmem:$0x10100] =	vst v63  }
0xae: {  	_ = 	snop  }
0xaf: {  	[hbm4b:s3+s2] =	stream.indirect_vreg.scatter [tilespmem:s14], [sflag:$0x1], $0x80, v3, vm0, $0xb8;
	[tilespmem:$0x10100] =	vst v63  }
0xb0: {  	_ = 	snop  }
0xb1: {  	[hbm4b:s4+s2] =	stream.indirect_vreg.scatter [tilespmem:s15], [sflag:$0x1], $0x80, v3, vm0, $0xb8;
	[tilespmem:$0x10100] =	vst v63  }
0xb2: {  	_ = 	snop  }
0xb3: {  	[hbm4b:s5+s2] =	stream.indirect_vreg.scatter [tilespmem:s16], [sflag:$0x1], $0x80, v3, vm0, $0xb8;
	[tilespmem:$0x10100] =	vst v63  }
0xb4: {  	_ = 	snop  }
0xb5: {  	[hbm4b:s6+s2] =	stream.indirect_vreg.scatter [tilespmem:s17], [sflag:$0x1], $0x80, v3, vm0, $0xb8;
	[tilespmem:$0x10100] =	vst v63  }
0xb6: {  	v3 =	vld [tilespmem:$0xB0];
	_ =	sdelay $0x4  }
0xb7: {  	v63 =	vshll.u32 v3, $0x3  }
0xb8: {  	v3 =	vand.u32 $0x7, v3;
	v4 =	vand.u32 $0xFFFFFFC0, v63  }
0xb9: {  	v3 =	vor.u32 v3, v4  }
0xba: {  	v4 =	vperm.xlane v3, v0;
	_ =	sdelay $0x1  }
0xbb: {  	v4 =	vadd.s32 v1, v4;
	_ =	sdelay $0x4  }
0xbc: {  	[hbm4b:s3+s2] =	stream.indirect_vreg.scatter [tilespmem:s8], [sflag:$0x1], $0x80, v4, vm0, $0xb8;
	[tilespmem:$0x10100] =	vst v63  }
0xbd: {  	s19 =	simm.s32 $0xC900;
	v3 =	vperm.xlane v3, v2  }
0xbe: {  	[hbm4b:s4+s2] =	stream.indirect_vreg.scatter [tilespmem:s19], [sflag:$0x1], $0x80, v4, vm0, $0xb8;
	[tilespmem:$0x10100] =	vst v63  }
0xbf: {  	s20 =	simm.s32 $0xD100;
	v3 =	vadd.s32 v1, v3  }
0xc0: {  	[hbm4b:s5+s2] =	stream.indirect_vreg.scatter [tilespmem:s20], [sflag:$0x1], $0x80, v4, vm0, $0xb8;
	[tilespmem:$0x10100] =	vst v63  }
0xc1: {  	s8 =	simm.s32 $0xD900  }
0xc2: {  	[hbm4b:s6+s2] =	stream.indirect_vreg.scatter [tilespmem:s8], [sflag:$0x1], $0x80, v4, vm0, $0xb8;
	[tilespmem:$0x10100] =	vst v63  }
0xc3: {  	s18 =	simm.s32 $0xE100  }
0xc4: {  	[hbm4b:s3+s2] =	stream.indirect_vreg.scatter [tilespmem:s18], [sflag:$0x1], $0x80, v3, vm0, $0xb8;
	[tilespmem:$0x10100] =	vst v63  }
0xc5: {  	s19 =	simm.s32 $0xE900  }
0xc6: {  	[hbm4b:s4+s2] =	stream.indirect_vreg.scatter [tilespmem:s19], [sflag:$0x1], $0x80, v3, vm0, $0xb8;
	[tilespmem:$0x10100] =	vst v63  }
0xc7: {  	s20 =	simm.s32 $0xF100  }
0xc8: {  	[hbm4b:s5+s2] =	stream.indirect_vreg.scatter [tilespmem:s20], [sflag:$0x1], $0x80, v3, vm0, $0xb8;
	[tilespmem:$0x10100] =	vst v63  }
0xc9: {  	s1 =	simm.s32 $0xF900  }
0xca: {  	[hbm4b:s6+s2] =	stream.indirect_vreg.scatter [tilespmem:s1], [sflag:$0x1], $0x80, v3, vm0, $0xb8;
	[tilespmem:$0x10100] =	vst v63  }
0xcb: {  	p0 =	sne.s32 s7, $0x1;
	_ =	swait.ge [sflag:s9], $0x10000  }
.Ltmp0:
0xcc: {  	[sflag:s9] =	ssyncset.done $0x0;
	(pc) =	sbr.rel @p0 .LBB2_1-.Ltmp0, $4  }
0xcd: {  	[sflag:s9] =	ssyncadd.s32 $0xFFFF0000  }
0xce: {  	_ =	swait.ge [sflag:s9], $0x10000  }
0xcf: {  	[sflag:s9] =	ssyncset.done $0x0  }
0xd0: {  	s7 =	sadd.s32 $0xFFFFFFFF, s7;
	[sflag:s9] =	ssyncadd.s32 $0xFFFF0000  }
0xd1: {  	_ =	sfence.sel $0x180000  }
0xd2: {  	[bflag:$0x0] =	sbarrier.arrive $0xFFFF  }
0xd3: {  	_ =	strace $0x90000047  }
0xd4: {  	s0 =	stileid.u32;
	[bflag:$0x2] =	sbarrier.arrive $0xFFFF  }
0xd5: {  	p0 =	sne.s32 s0, $0x0;
	s0 =	rddreg [dreg:$0x2]  }
0xd6: {  	s0 =	sadd.s32 @!p0 $0x100000, s0  }
0xd7: {  	[sflag:s0] =	ssyncadd.tile.s32 @!p0 $0x1;
	_ =	shalt  }
.Lfunc_end2:
_tile_overlayer_lowered:
.L_overlay_start_2:
0xd8: {  	(tag) =	ssettag $0x2  }
0xd9: {  	s0 =	rddreg [dreg:$0x0];
	s2 =	stileid.u32  }
0xda: {  	s1 =	rddreg [dreg:$0x1];
	p0 =	sne.s32 s2, $0x0  }
0xdb: {  	s3 =	rddreg [dreg:$0x2];
	[bflag:$0x3] =	sbarrier.arrive $0xFFFF;
	s2 =	simm.s32 @!p0 $0x1C02  }
0xdc: {  	[timem:s3], [sflag:s2] =	dma.local @!p0 [hbm:s0], s1  }
0xdd: {  	s0 =	simm.s32 @!p0 $0x2  }
0xde: {  	_ =	swait.ge @!p0 [sflag:s0], s1  }
0xdf: {  	s1 =	ssub.s32 @!p0 $0x0, s1;
	[sflag:s0] =	ssyncset.done @!p0 $0x0  }
0xe0: {  	[sflag:s0] =	ssyncadd.s32 @!p0 s1  }
0xe1: {  	[bflag:$0x3] =	sbarrier.arrive $0xFFFF  }
0xe2: {  	_ =	shalt  }

</sc_bundles>
